<compile_context>
chip_gen: v7x
topology: tpu7x:2x2x1
jax: 0.10.2.dev20260603
libtpu: 0.0.44.dev20260713+nightly
codegen_flags: <defaults>
</compile_context>

<pallas_src>
import functools

import jax
import jax.numpy as jnp
from jax import lax
from jax.experimental import pallas as pl
from jax.experimental.pallas import tpu as pltpu
from jax.experimental.pallas import tpu_sc as plsc

_BATCH = 16384
_RANK = 32
_NC = 2
_NS = 16
_NW = _NC * _NS
_BPW = _BATCH // _NW
_L = 16
_NG = _BPW // _L
_NSEM = 4


def _lfm_body(uid_hbm, iid_hbm, p_hbm, q_hbm, ub_hbm, ib_hbm, par_hbm,
              out_hbm, uidx_v, iidx_v, ring_u, ring_i, ubv, ibv, par_v,
              out_v, sems_u, sems_i, sem_ub, sem_ib):
    wid = lax.axis_index("s") * _NC + lax.axis_index("c")
    base = wid * _BPW

    pltpu.sync_copy(uid_hbm.at[pl.ds(base, _BPW)], uidx_v)
    pltpu.sync_copy(iid_hbm.at[pl.ds(base, _BPW)], iidx_v)
    pltpu.sync_copy(par_hbm, par_v)

    cp_ub = pltpu.async_copy(ub_hbm.at[uidx_v], ubv, sem_ub)
    cp_ib = pltpu.async_copy(ib_hbm.at[iidx_v], ibv, sem_ib)

    w0 = par_v[pl.ds(0, _L)]
    w1 = par_v[pl.ds(_L, _L)]
    tail = par_v[pl.ds(2 * _L, _L)]
    mu_b = tail[0] + tail[1]
    lane = lax.iota(jnp.int32, _L)

    def issue(g, buf):
        u16 = uidx_v[pl.ds(g * _L, _L)]
        i16 = iidx_v[pl.ds(g * _L, _L)]
        tu16 = lax.shift_right_logical(u16, 3)
        ti16 = lax.shift_right_logical(i16, 3)
        su16 = jnp.bitwise_and(u16, 7)
        si16 = jnp.bitwise_and(i16, 7)
        for k in range(_L):
            pltpu.async_copy(p_hbm.at[tu16[k], su16[k]], ring_u.at[buf, k],
                             sems_u.at[k % _NSEM])
            pltpu.async_copy(q_hbm.at[ti16[k], si16[k]], ring_i.at[buf, k],
                             sems_i.at[k % _NSEM])

    def drain(buf):
        for k in range(_L):
            pltpu.make_async_copy(p_hbm.at[0, 0], ring_u.at[buf, k],
                                  sems_u.at[k % _NSEM]).wait()
            pltpu.make_async_copy(q_hbm.at[0, 0], ring_i.at[buf, k],
                                  sems_i.at[k % _NSEM]).wait()

    issue(0, 0)

    def grp(g, _):
        buf = jnp.bitwise_and(g, 1)

        @pl.when(g + 1 < _NG)
        def _():
            issue(g + 1, 1 - buf)

        drain(buf)
        acc = jnp.zeros((_L,), jnp.float32)
        b16 = jnp.full((_L,), buf, jnp.int32)
        for j in range(_RANK):
            j16 = jnp.full((_L,), j, jnp.int32)
            up = plsc.load_gather(ring_u, [b16, lane, j16])
            it = plsc.load_gather(ring_i, [b16, lane, j16])
            x = up * it
            x = jnp.maximum(x, x * 0.3)
            wj = w0[j] if j < _L else w1[j - _L]
            acc = acc + x * wj
        out_v[pl.ds(g * _L, _L)] = acc
        return _

    lax.fori_loop(0, _NG, grp, None)

    cp_ub.wait()
    cp_ib.wait()

    def finish(g, _):
        sl = pl.ds(g * _L, _L)
        r = out_v[sl] + ubv[sl] + ibv[sl] + mu_b
        out_v[sl] = jnp.clip(r, 1.0, 5.0)
        return _

    lax.fori_loop(0, _NG, finish, None)

    pltpu.sync_copy(out_v, out_hbm.at[pl.ds(base, _BPW)])


@jax.jit
def _lfm(user_ids, item_ids, P3, Q3, user_bias, item_bias, params):
    mesh = plsc.VectorSubcoreMesh(core_axis_name="c", subcore_axis_name="s")
    return pl.kernel(
        _lfm_body,
        out_type=jax.ShapeDtypeStruct((_BATCH,), jnp.float32),
        mesh=mesh,
        compiler_params=pltpu.CompilerParams(needs_layout_passes=False),
        scratch_types=[
            pltpu.VMEM((_BPW,), jnp.int32),
            pltpu.VMEM((_BPW,), jnp.int32),
            pltpu.VMEM((2, _L, _RANK), jnp.float32),
            pltpu.VMEM((2, _L, _RANK), jnp.float32),
            pltpu.VMEM((_BPW,), jnp.float32),
            pltpu.VMEM((_BPW,), jnp.float32),
            pltpu.VMEM((3 * _L,), jnp.float32),
            pltpu.VMEM((_BPW,), jnp.float32),
            pltpu.SemaphoreType.DMA((_NSEM,)),
            pltpu.SemaphoreType.DMA((_NSEM,)),
            pltpu.SemaphoreType.DMA,
            pltpu.SemaphoreType.DMA,
        ],
    )(user_ids, item_ids, P3, Q3, user_bias, item_bias, params)


def kernel(user_ids, item_ids, P, Q, mu, user_bias, item_bias, W, b):
    params = jnp.concatenate(
        [W.reshape(-1), mu, b, jnp.zeros((3 * _L - _RANK - 2,), jnp.float32)]
    )
    P3 = P.reshape(P.shape[0] // 8, 8, _RANK)
    Q3 = Q.reshape(Q.shape[0] // 8, 8, _RANK)
    return _lfm(user_ids.astype(jnp.int32), item_ids.astype(jnp.int32),
                P3, Q3, user_bias, item_bias, params)

# --- scband reference (transcript-rebuilt; emitter-appended) ---
"""Pipeline reference for scband-lfm-71055938945267 (READ-ONLY COPY).

The authoritative reference and input builder live on the scoring server;
editing this copy changes nothing except your own understanding.
"""

import jax, jax.numpy as jnp
import numpy as np

N_USERS = 1000000
N_ITEMS = 1000000
N_RANK = 32
BATCH = 16384


def setup_inputs(seed: int = 0) -> dict:
    key = jax.random.key(seed)
    k1, k2, k3, k4, k5, k6 = jax.random.split(key, 6)
    user_ids = jax.random.randint(k1, (BATCH,), 0, N_USERS, dtype=jnp.int64) if jax.config.jax_enable_x64 else jax.random.randint(k1, (BATCH,), 0, N_USERS, dtype=jnp.int32)
    item_ids = jax.random.randint(k2, (BATCH,), 0, N_ITEMS, dtype=jnp.int32)
    # xavier_normal for P, Q: std = sqrt(2 / (fan_in + fan_out))
    std_p = float(np.sqrt(2.0 / (N_USERS + N_RANK)))
    std_q = float(np.sqrt(2.0 / (N_ITEMS + N_RANK)))
    P = jax.random.normal(k3, (N_USERS, N_RANK), dtype=jnp.float32) * std_p
    Q = jax.random.normal(k4, (N_ITEMS, N_RANK), dtype=jnp.float32) * std_q
    mu = jnp.zeros((1,), dtype=jnp.float32)
    user_bias = jnp.zeros((N_USERS,), dtype=jnp.float32)
    item_bias = jnp.zeros((N_ITEMS,), dtype=jnp.float32)
    # nn.Linear(n_rank, 1): W [1, n_rank], b [1], kaiming-uniform-ish init
    bound = float(1.0 / np.sqrt(N_RANK))
    W = jax.random.uniform(k5, (1, N_RANK), dtype=jnp.float32, minval=-bound, maxval=bound)
    b = jax.random.uniform(k6, (1,), dtype=jnp.float32, minval=-bound, maxval=bound)
    return {"user_ids": user_ids, "item_ids": item_ids, "P": P, "Q": Q, "mu": mu,
            "user_bias": user_bias, "item_bias": item_bias, "W": W, "b": b}


def reference(user_ids, item_ids, P, Q, mu, user_bias, item_bias, W, b):
    ub = jnp.take(user_bias, user_ids, axis=0)
    ib = jnp.take(item_bias, item_ids, axis=0)
    uf = jnp.take(P, user_ids, axis=0)
    itf = jnp.take(Q, item_ids, axis=0)
    interaction = uf * itf
    interaction = jnp.where(interaction >= 0.0, interaction, 0.3 * interaction)
    interaction = (interaction @ W.T + b).squeeze(-1)
    pred_raw = mu + ub + ib + interaction
    pred = jnp.clip(pred_raw, 1.0, 5.0)
    return pred

if __name__ == "__main__":
    import jax
    _d = setup_inputs()
    print(jax.jit(kernel)(*tuple(_d.values())))

</pallas_src>

<mosaic_0001>
#map = affine_map<(d0, d1) -> (0)>
#map1 = affine_map<(d0, d1) -> (0, 0, 0)>
module attributes {stable_mosaic.version = 14 : i64} {
  func.func @_lfm_body(%arg0: i32, %arg1: i32, %arg2: memref<16384xi32, #tpu.memory_space<hbm>>, %arg3: memref<16384xi32, #tpu.memory_space<hbm>>, %arg4: memref<125000x8x32xf32, #tpu.memory_space<hbm>>, %arg5: memref<125000x8x32xf32, #tpu.memory_space<hbm>>, %arg6: memref<1000000xf32, #tpu.memory_space<hbm>>, %arg7: memref<1000000xf32, #tpu.memory_space<hbm>>, %arg8: memref<48xf32, #tpu.memory_space<hbm>>, %arg9: memref<16384xf32, #tpu.memory_space<hbm>>, %arg10: memref<512xi32, #tpu.memory_space<vmem>>, %arg11: memref<512xi32, #tpu.memory_space<vmem>>, %arg12: memref<2x16x32xf32, #tpu.memory_space<vmem>>, %arg13: memref<2x16x32xf32, #tpu.memory_space<vmem>>, %arg14: memref<512xf32, #tpu.memory_space<vmem>>, %arg15: memref<512xf32, #tpu.memory_space<vmem>>, %arg16: memref<48xf32, #tpu.memory_space<vmem>>, %arg17: memref<512xf32, #tpu.memory_space<vmem>>, %arg18: memref<4x!tpu.dma_semaphore, #tpu.memory_space<semaphore_mem>>, %arg19: memref<4x!tpu.dma_semaphore, #tpu.memory_space<semaphore_mem>>, %arg20: memref<!tpu.dma_semaphore, #tpu.memory_space<semaphore_mem>>, %arg21: memref<!tpu.dma_semaphore, #tpu.memory_space<semaphore_mem>>) attributes {dimension_semantics = [#tpu.dimension_semantics<core_parallel>, #tpu.dimension_semantics<subcore_parallel>], iteration_bounds = array<i64: 2, 16>, scalar_prefetch = 0 : i64, scratch_operands = 12 : i64, tpu.core_type = #tpu.core_type<sc_vector_subcore>, window_params = [{transform_indices = #map}, {transform_indices = #map}, {transform_indices = #map1}, {transform_indices = #map1}, {transform_indices = #map}, {transform_indices = #map}, {transform_indices = #map}, {transform_indices = #map}]} {
    %mul3A = arith.constant 2 : i32
    %mul3A_0 = arith.muli %arg1, %mul3A : i32
    %add3A = arith.addi %mul3A_0, %arg0 : i32
    %mul3A_1 = arith.constant 512 : i32
    %mul3A_2 = arith.muli %add3A, %mul3A_1 : i32
    "tpu.region"() ({
      %run_scoped3A = tpu.sem_alloc : memref<!tpu.dma_semaphore, #tpu.memory_space<semaphore_mem>>
      %dma_start3A_712 = tpu.memref_slice %arg2[%mul3A_2] : memref<16384xi32, #tpu.memory_space<hbm>> -> memref<512xi32, #tpu.memory_space<hbm>>
      %dma_start3A_713 = tpu.memref_slice %arg2[%mul3A_2] : memref<16384xi32, #tpu.memory_space<hbm>> -> memref<512xi32, #tpu.memory_space<hbm>>
      tpu.enqueue_dma source(%dma_start3A_713 : memref<512xi32, #tpu.memory_space<hbm>>) target(%arg10 : memref<512xi32, #tpu.memory_space<vmem>>) target_semaphore(%run_scoped3A : memref<!tpu.dma_semaphore, #tpu.memory_space<semaphore_mem>>)
      %dma_wait3A_714 = tpu.memref_slice %arg2[%mul3A_2] : memref<16384xi32, #tpu.memory_space<hbm>> -> memref<512xi32, #tpu.memory_space<hbm>>
      %dma_wait3A_715 = tpu.memref_slice %arg2[%mul3A_2] : memref<16384xi32, #tpu.memory_space<hbm>> -> memref<512xi32, #tpu.memory_space<hbm>>
      tpu.wait_dma2 semaphore(%run_scoped3A : memref<!tpu.dma_semaphore, #tpu.memory_space<semaphore_mem>>) src(%dma_wait3A_715 : memref<512xi32, #tpu.memory_space<hbm>>) dst(%arg10 : memref<512xi32, #tpu.memory_space<vmem>>)
      tpu.yield
    }) : () -> ()
    "tpu.region"() ({
      %run_scoped3A = tpu.sem_alloc : memref<!tpu.dma_semaphore, #tpu.memory_space<semaphore_mem>>
      %dma_start3A_712 = tpu.memref_slice %arg3[%mul3A_2] : memref<16384xi32, #tpu.memory_space<hbm>> -> memref<512xi32, #tpu.memory_space<hbm>>
      %dma_start3A_713 = tpu.memref_slice %arg3[%mul3A_2] : memref<16384xi32, #tpu.memory_space<hbm>> -> memref<512xi32, #tpu.memory_space<hbm>>
      tpu.enqueue_dma source(%dma_start3A_713 : memref<512xi32, #tpu.memory_space<hbm>>) target(%arg11 : memref<512xi32, #tpu.memory_space<vmem>>) target_semaphore(%run_scoped3A : memref<!tpu.dma_semaphore, #tpu.memory_space<semaphore_mem>>)
      %dma_wait3A_714 = tpu.memref_slice %arg3[%mul3A_2] : memref<16384xi32, #tpu.memory_space<hbm>> -> memref<512xi32, #tpu.memory_space<hbm>>
      %dma_wait3A_715 = tpu.memref_slice %arg3[%mul3A_2] : memref<16384xi32, #tpu.memory_space<hbm>> -> memref<512xi32, #tpu.memory_space<hbm>>
      tpu.wait_dma2 semaphore(%run_scoped3A : memref<!tpu.dma_semaphore, #tpu.memory_space<semaphore_mem>>) src(%dma_wait3A_715 : memref<512xi32, #tpu.memory_space<hbm>>) dst(%arg11 : memref<512xi32, #tpu.memory_space<vmem>>)
      tpu.yield
    }) : () -> ()
    "tpu.region"() ({
      %run_scoped3A = tpu.sem_alloc : memref<!tpu.dma_semaphore, #tpu.memory_space<semaphore_mem>>
      tpu.enqueue_dma source(%arg8 : memref<48xf32, #tpu.memory_space<hbm>>) target(%arg16 : memref<48xf32, #tpu.memory_space<vmem>>) target_semaphore(%run_scoped3A : memref<!tpu.dma_semaphore, #tpu.memory_space<semaphore_mem>>)
      tpu.wait_dma2 semaphore(%run_scoped3A : memref<!tpu.dma_semaphore, #tpu.memory_space<semaphore_mem>>) src(%arg8 : memref<48xf32, #tpu.memory_space<hbm>>) dst(%arg16 : memref<48xf32, #tpu.memory_space<vmem>>)
      tpu.yield
    }) : () -> ()
    %dma_start3A = arith.constant 0 : i32
    %dma_start3A_3 = tpu.memref_slice %arg6[%dma_start3A] : memref<1000000xf32, #tpu.memory_space<hbm>> -> memref<1000000xf32, #tpu.memory_space<hbm>>
    tpu.enqueue_indirect_dma source(%dma_start3A_3 : memref<1000000xf32, #tpu.memory_space<hbm>>) target(%arg14 : memref<512xf32, #tpu.memory_space<vmem>>) offsets(%arg10 : memref<512xi32, #tpu.memory_space<vmem>>) semaphore(%arg20 : memref<!tpu.dma_semaphore, #tpu.memory_space<semaphore_mem>>)
    %dma_start3A_4 = arith.constant 0 : i32
    %dma_start3A_5 = tpu.memref_slice %arg7[%dma_start3A_4] : memref<1000000xf32, #tpu.memory_space<hbm>> -> memref<1000000xf32, #tpu.memory_space<hbm>>
    tpu.enqueue_indirect_dma source(%dma_start3A_5 : memref<1000000xf32, #tpu.memory_space<hbm>>) target(%arg15 : memref<512xf32, #tpu.memory_space<vmem>>) offsets(%arg11 : memref<512xi32, #tpu.memory_space<vmem>>) semaphore(%arg21 : memref<!tpu.dma_semaphore, #tpu.memory_space<semaphore_mem>>)
    %get3A = arith.constant 0 : index
    %get3A_6 = tpu.vector_load %arg16[%get3A] {strides = array<i32>} : memref<48xf32, #tpu.memory_space<vmem>>, vector<16xf32>,
    %get3A_7 = arith.constant 16 : index
    %get3A_8 = tpu.vector_load %arg16[%get3A_7] {strides = array<i32>} : memref<48xf32, #tpu.memory_space<vmem>>, vector<16xf32>,
    %get3A_9 = arith.constant 32 : index
    %get3A_10 = tpu.vector_load %arg16[%get3A_9] {strides = array<i32>} : memref<48xf32, #tpu.memory_space<vmem>>, vector<16xf32>,
    %slice3A = vector.extract_strided_slice %get3A_10 {offsets = [0], sizes = [1], strides = [1]} : vector<16xf32> to vector<1xf32>
    %squeeze3A = vector.extract %slice3A[0] : f32 from vector<1xf32>
    %slice3A_11 = vector.extract_strided_slice %get3A_10 {offsets = [1], sizes = [1], strides = [1]} : vector<16xf32> to vector<1xf32>
    %squeeze3A_12 = vector.extract %slice3A_11[0] : f32 from vector<1xf32>
    %add3A_13 = arith.addf %squeeze3A, %squeeze3A_12 : f32
    %iota3A = tpu.iota {dimensions = array<i32: 0>} : vector<16xi32>
    %get3A_14 = arith.constant 0 : index
    %get3A_15 = tpu.vector_load %arg10[%get3A_14] {strides = array<i32>} : memref<512xi32, #tpu.memory_space<vmem>>, vector<16xi32>,
    %get3A_16 = arith.constant 0 : index
    %get3A_17 = tpu.vector_load %arg11[%get3A_16] {strides = array<i32>} : memref<512xi32, #tpu.memory_space<vmem>>, vector<16xi32>,
    %shift_right_logical3A = arith.constant 3 : i32
    %shift_right_logical3A_18 = vector.broadcast %shift_right_logical3A : i32 to vector<16xi32>
    %shift_right_logical3A_19 = arith.shrui %get3A_15, %shift_right_logical3A_18 : vector<16xi32>
    %shift_right_logical3A_20 = arith.constant 3 : i32
    %shift_right_logical3A_21 = vector.broadcast %shift_right_logical3A_20 : i32 to vector<16xi32>
    %shift_right_logical3A_22 = arith.shrui %get3A_17, %shift_right_logical3A_21 : vector<16xi32>
    %and3A = arith.constant 7 : i32
    %and3A_23 = vector.broadcast %and3A : i32 to vector<16xi32>
    %and3A_24 = arith.andi %get3A_15, %and3A_23 : vector<16xi32>
    %and3A_25 = arith.constant 7 : i32
    %and3A_26 = vector.broadcast %and3A_25 : i32 to vector<16xi32>
    %and3A_27 = arith.andi %get3A_17, %and3A_26 : vector<16xi32>
    %slice3A_28 = vector.extract_strided_slice %shift_right_logical3A_19 {offsets = [0], sizes = [1], strides = [1]} : vector<16xi32> to vector<1xi32>
    %squeeze3A_29 = vector.extract %slice3A_28[0] : i32 from vector<1xi32>
    %slice3A_30 = vector.extract_strided_slice %and3A_24 {offsets = [0], sizes = [1], strides = [1]} : vector<16xi32> to vector<1xi32>
    %squeeze3A_31 = vector.extract %slice3A_30[0] : i32 from vector<1xi32>
    %dma_start3A_32 = arith.constant 0 : i32
    %dma_start3A_33 = arith.constant 0 : i32
    %dma_start3A_34 = arith.constant 0 : i32
    %dma_start3A_35 = arith.constant 0 : i32
    %dma_start3A_36 = tpu.memref_slice %arg12[%dma_start3A_32, %dma_start3A_33, %dma_start3A_35] : memref<2x16x32xf32, #tpu.memory_space<vmem>> -> memref<1x1x32xf32, #tpu.memory_space<vmem>>
    %dma_start3A_37 = tpu.memref_squeeze %dma_start3A_36 : memref<1x1x32xf32, #tpu.memory_space<vmem>> -> memref<32xf32, #tpu.memory_space<vmem>>
    %dma_start3A_38 = arith.constant 0 : i32
    %dma_start3A_39 = tpu.memref_slice %arg4[%squeeze3A_29, %squeeze3A_31, %dma_start3A_38] : memref<125000x8x32xf32, #tpu.memory_space<hbm>> -> memref<1x1x32xf32, #tpu.memory_space<hbm>>
    %dma_start3A_40 = tpu.memref_squeeze %dma_start3A_39 : memref<1x1x32xf32, #tpu.memory_space<hbm>> -> memref<32xf32, #tpu.memory_space<hbm>>
    %dma_start3A_41 = tpu.memref_slice %arg18[%dma_start3A_34] : memref<4x!tpu.dma_semaphore, #tpu.memory_space<semaphore_mem>> -> memref<1x!tpu.dma_semaphore, #tpu.memory_space<semaphore_mem>>
    %dma_start3A_42 = tpu.memref_squeeze %dma_start3A_41 : memref<1x!tpu.dma_semaphore, #tpu.memory_space<semaphore_mem>> -> memref<!tpu.dma_semaphore, #tpu.memory_space<semaphore_mem>>
    %dma_start3A_43 = arith.constant 0 : i32
    %dma_start3A_44 = tpu.memref_slice %arg12[%dma_start3A_32, %dma_start3A_33, %dma_start3A_43] : memref<2x16x32xf32, #tpu.memory_space<vmem>> -> memref<1x1x32xf32, #tpu.memory_space<vmem>>
    %dma_start3A_45 = tpu.memref_squeeze %dma_start3A_44 : memref<1x1x32xf32, #tpu.memory_space<vmem>> -> memref<32xf32, #tpu.memory_space<vmem>>
    %dma_start3A_46 = arith.constant 0 : i32
    %dma_start3A_47 = tpu.memref_slice %arg4[%squeeze3A_29, %squeeze3A_31, %dma_start3A_46] : memref<125000x8x32xf32, #tpu.memory_space<hbm>> -> memref<1x1x32xf32, #tpu.memory_space<hbm>>
    %dma_start3A_48 = tpu.memref_squeeze %dma_start3A_47 : memref<1x1x32xf32, #tpu.memory_space<hbm>> -> memref<32xf32, #tpu.memory_space<hbm>>
    tpu.enqueue_dma source(%dma_start3A_48 : memref<32xf32, #tpu.memory_space<hbm>>) target(%dma_start3A_45 : memref<32xf32, #tpu.memory_space<vmem>>) target_semaphore(%dma_start3A_42 : memref<!tpu.dma_semaphore, #tpu.memory_space<semaphore_mem>>)
    %slice3A_49 = vector.extract_strided_slice %shift_right_logical3A_22 {offsets = [0], sizes = [1], strides = [1]} : vector<16xi32> to vector<1xi32>
    %squeeze3A_50 = vector.extract %slice3A_49[0] : i32 from vector<1xi32>
    %slice3A_51 = vector.extract_strided_slice %and3A_27 {offsets = [0], sizes = [1], strides = [1]} : vector<16xi32> to vector<1xi32>
    %squeeze3A_52 = vector.extract %slice3A_51[0] : i32 from vector<1xi32>
    %dma_start3A_53 = arith.constant 0 : i32
    %dma_start3A_54 = arith.constant 0 : i32
    %dma_start3A_55 = arith.constant 0 : i32
    %dma_start3A_56 = arith.constant 0 : i32
    %dma_start3A_57 = tpu.memref_slice %arg13[%dma_start3A_53, %dma_start3A_54, %dma_start3A_56] : memref<2x16x32xf32, #tpu.memory_space<vmem>> -> memref<1x1x32xf32, #tpu.memory_space<vmem>>
    %dma_start3A_58 = tpu.memref_squeeze %dma_start3A_57 : memref<1x1x32xf32, #tpu.memory_space<vmem>> -> memref<32xf32, #tpu.memory_space<vmem>>
    %dma_start3A_59 = arith.constant 0 : i32
    %dma_start3A_60 = tpu.memref_slice %arg5[%squeeze3A_50, %squeeze3A_52, %dma_start3A_59] : memref<125000x8x32xf32, #tpu.memory_space<hbm>> -> memref<1x1x32xf32, #tpu.memory_space<hbm>>
    %dma_start3A_61 = tpu.memref_squeeze %dma_start3A_60 : memref<1x1x32xf32, #tpu.memory_space<hbm>> -> memref<32xf32, #tpu.memory_space<hbm>>
    %dma_start3A_62 = tpu.memref_slice %arg19[%dma_start3A_55] : memref<4x!tpu.dma_semaphore, #tpu.memory_space<semaphore_mem>> -> memref<1x!tpu.dma_semaphore, #tpu.memory_space<semaphore_mem>>
    %dma_start3A_63 = tpu.memref_squeeze %dma_start3A_62 : memref<1x!tpu.dma_semaphore, #tpu.memory_space<semaphore_mem>> -> memref<!tpu.dma_semaphore, #tpu.memory_space<semaphore_mem>>
    %dma_start3A_64 = arith.constant 0 : i32
    %dma_start3A_65 = tpu.memref_slice %arg13[%dma_start3A_53, %dma_start3A_54, %dma_start3A_64] : memref<2x16x32xf32, #tpu.memory_space<vmem>> -> memref<1x1x32xf32, #tpu.memory_space<vmem>>
    %dma_start3A_66 = tpu.memref_squeeze %dma_start3A_65 : memref<1x1x32xf32, #tpu.memory_space<vmem>> -> memref<32xf32, #tpu.memory_space<vmem>>
    %dma_start3A_67 = arith.constant 0 : i32
    %dma_start3A_68 = tpu.memref_slice %arg5[%squeeze3A_50, %squeeze3A_52, %dma_start3A_67] : memref<125000x8x32xf32, #tpu.memory_space<hbm>> -> memref<1x1x32xf32, #tpu.memory_space<hbm>>
    %dma_start3A_69 = tpu.memref_squeeze %dma_start3A_68 : memref<1x1x32xf32, #tpu.memory_space<hbm>> -> memref<32xf32, #tpu.memory_space<hbm>>
    tpu.enqueue_dma source(%dma_start3A_69 : memref<32xf32, #tpu.memory_space<hbm>>) target(%dma_start3A_66 : memref<32xf32, #tpu.memory_space<vmem>>) target_semaphore(%dma_start3A_63 : memref<!tpu.dma_semaphore, #tpu.memory_space<semaphore_mem>>)
    %slice3A_70 = vector.extract_strided_slice %shift_right_logical3A_19 {offsets = [1], sizes = [1], strides = [1]} : vector<16xi32> to vector<1xi32>
    %squeeze3A_71 = vector.extract %slice3A_70[0] : i32 from vector<1xi32>
    %slice3A_72 = vector.extract_strided_slice %and3A_24 {offsets = [1], sizes = [1], strides = [1]} : vector<16xi32> to vector<1xi32>
    %squeeze3A_73 = vector.extract %slice3A_72[0] : i32 from vector<1xi32>
    %dma_start3A_74 = arith.constant 0 : i32
    %dma_start3A_75 = arith.constant 1 : i32
    %dma_start3A_76 = arith.constant 1 : i32
    %dma_start3A_77 = arith.constant 0 : i32
    %dma_start3A_78 = tpu.memref_slice %arg12[%dma_start3A_74, %dma_start3A_75, %dma_start3A_77] : memref<2x16x32xf32, #tpu.memory_space<vmem>> -> memref<1x1x32xf32, #tpu.memory_space<vmem>>
    %dma_start3A_79 = tpu.memref_squeeze %dma_start3A_78 : memref<1x1x32xf32, #tpu.memory_space<vmem>> -> memref<32xf32, #tpu.memory_space<vmem>>
    %dma_start3A_80 = arith.constant 0 : i32
    %dma_start3A_81 = tpu.memref_slice %arg4[%squeeze3A_71, %squeeze3A_73, %dma_start3A_80] : memref<125000x8x32xf32, #tpu.memory_space<hbm>> -> memref<1x1x32xf32, #tpu.memory_space<hbm>>
    %dma_start3A_82 = tpu.memref_squeeze %dma_start3A_81 : memref<1x1x32xf32, #tpu.memory_space<hbm>> -> memref<32xf32, #tpu.memory_space<hbm>>
    %dma_start3A_83 = tpu.memref_slice %arg18[%dma_start3A_76] : memref<4x!tpu.dma_semaphore, #tpu.memory_space<semaphore_mem>> -> memref<1x!tpu.dma_semaphore, #tpu.memory_space<semaphore_mem>>
    %dma_start3A_84 = tpu.memref_squeeze %dma_start3A_83 : memref<1x!tpu.dma_semaphore, #tpu.memory_space<semaphore_mem>> -> memref<!tpu.dma_semaphore, #tpu.memory_space<semaphore_mem>>
    %dma_start3A_85 = arith.constant 0 : i32
    %dma_start3A_86 = tpu.memref_slice %arg12[%dma_start3A_74, %dma_start3A_75, %dma_start3A_85] : memref<2x16x32xf32, #tpu.memory_space<vmem>> -> memref<1x1x32xf32, #tpu.memory_space<vmem>>
    %dma_start3A_87 = tpu.memref_squeeze %dma_start3A_86 : memref<1x1x32xf32, #tpu.memory_space<vmem>> -> memref<32xf32, #tpu.memory_space<vmem>>
    %dma_start3A_88 = arith.constant 0 : i32
    %dma_start3A_89 = tpu.memref_slice %arg4[%squeeze3A_71, %squeeze3A_73, %dma_start3A_88] : memref<125000x8x32xf32, #tpu.memory_space<hbm>> -> memref<1x1x32xf32, #tpu.memory_space<hbm>>
    %dma_start3A_90 = tpu.memref_squeeze %dma_start3A_89 : memref<1x1x32xf32, #tpu.memory_space<hbm>> -> memref<32xf32, #tpu.memory_space<hbm>>
    tpu.enqueue_dma source(%dma_start3A_90 : memref<32xf32, #tpu.memory_space<hbm>>) target(%dma_start3A_87 : memref<32xf32, #tpu.memory_space<vmem>>) target_semaphore(%dma_start3A_84 : memref<!tpu.dma_semaphore, #tpu.memory_space<semaphore_mem>>)
    %slice3A_91 = vector.extract_strided_slice %shift_right_logical3A_22 {offsets = [1], sizes = [1], strides = [1]} : vector<16xi32> to vector<1xi32>
    %squeeze3A_92 = vector.extract %slice3A_91[0] : i32 from vector<1xi32>
    %slice3A_93 = vector.extract_strided_slice %and3A_27 {offsets = [1], sizes = [1], strides = [1]} : vector<16xi32> to vector<1xi32>
    %squeeze3A_94 = vector.extract %slice3A_93[0] : i32 from vector<1xi32>
    %dma_start3A_95 = arith.constant 0 : i32
    %dma_start3A_96 = arith.constant 1 : i32
    %dma_start3A_97 = arith.constant 1 : i32
    %dma_start3A_98 = arith.constant 0 : i32
    %dma_start3A_99 = tpu.memref_slice %arg13[%dma_start3A_95, %dma_start3A_96, %dma_start3A_98] : memref<2x16x32xf32, #tpu.memory_space<vmem>> -> memref<1x1x32xf32, #tpu.memory_space<vmem>>
    %dma_start3A_100 = tpu.memref_squeeze %dma_start3A_99 : memref<1x1x32xf32, #tpu.memory_space<vmem>> -> memref<32xf32, #tpu.memory_space<vmem>>
    %dma_start3A_101 = arith.constant 0 : i32
    %dma_start3A_102 = tpu.memref_slice %arg5[%squeeze3A_92, %squeeze3A_94, %dma_start3A_101] : memref<125000x8x32xf32, #tpu.memory_space<hbm>> -> memref<1x1x32xf32, #tpu.memory_space<hbm>>
    %dma_start3A_103 = tpu.memref_squeeze %dma_start3A_102 : memref<1x1x32xf32, #tpu.memory_space<hbm>> -> memref<32xf32, #tpu.memory_space<hbm>>
    %dma_start3A_104 = tpu.memref_slice %arg19[%dma_start3A_97] : memref<4x!tpu.dma_semaphore, #tpu.memory_space<semaphore_mem>> -> memref<1x!tpu.dma_semaphore, #tpu.memory_space<semaphore_mem>>
    %dma_start3A_105 = tpu.memref_squeeze %dma_start3A_104 : memref<1x!tpu.dma_semaphore, #tpu.memory_space<semaphore_mem>> -> memref<!tpu.dma_semaphore, #tpu.memory_space<semaphore_mem>>
    %dma_start3A_106 = arith.constant 0 : i32
    %dma_start3A_107 = tpu.memref_slice %arg13[%dma_start3A_95, %dma_start3A_96, %dma_start3A_106] : memref<2x16x32xf32, #tpu.memory_space<vmem>> -> memref<1x1x32xf32, #tpu.memory_space<vmem>>
    %dma_start3A_108 = tpu.memref_squeeze %dma_start3A_107 : memref<1x1x32xf32, #tpu.memory_space<vmem>> -> memref<32xf32, #tpu.memory_space<vmem>>
    %dma_start3A_109 = arith.constant 0 : i32
    %dma_start3A_110 = tpu.memref_slice %arg5[%squeeze3A_92, %squeeze3A_94, %dma_start3A_109] : memref<125000x8x32xf32, #tpu.memory_space<hbm>> -> memref<1x1x32xf32, #tpu.memory_space<hbm>>
    %dma_start3A_111 = tpu.memref_squeeze %dma_start3A_110 : memref<1x1x32xf32, #tpu.memory_space<hbm>> -> memref<32xf32, #tpu.memory_space<hbm>>
    tpu.enqueue_dma source(%dma_start3A_111 : memref<32xf32, #tpu.memory_space<hbm>>) target(%dma_start3A_108 : memref<32xf32, #tpu.memory_space<vmem>>) target_semaphore(%dma_start3A_105 : memref<!tpu.dma_semaphore, #tpu.memory_space<semaphore_mem>>)
    %slice3A_112 = vector.extract_strided_slice %shift_right_logical3A_19 {offsets = [2], sizes = [1], strides = [1]} : vector<16xi32> to vector<1xi32>
    %squeeze3A_113 = vector.extract %slice3A_112[0] : i32 from vector<1xi32>
    %slice3A_114 = vector.extract_strided_slice %and3A_24 {offsets = [2], sizes = [1], strides = [1]} : vector<16xi32> to vector<1xi32>
    %squeeze3A_115 = vector.extract %slice3A_114[0] : i32 from vector<1xi32>
    %dma_start3A_116 = arith.constant 0 : i32
    %dma_start3A_117 = arith.constant 2 : i32
    %dma_start3A_118 = arith.constant 2 : i32
    %dma_start3A_119 = arith.constant 0 : i32
    %dma_start3A_120 = tpu.memref_slice %arg12[%dma_start3A_116, %dma_start3A_117, %dma_start3A_119] : memref<2x16x32xf32, #tpu.memory_space<vmem>> -> memref<1x1x32xf32, #tpu.memory_space<vmem>>
    %dma_start3A_121 = tpu.memref_squeeze %dma_start3A_120 : memref<1x1x32xf32, #tpu.memory_space<vmem>> -> memref<32xf32, #tpu.memory_space<vmem>>
    %dma_start3A_122 = arith.constant 0 : i32
    %dma_start3A_123 = tpu.memref_slice %arg4[%squeeze3A_113, %squeeze3A_115, %dma_start3A_122] : memref<125000x8x32xf32, #tpu.memory_space<hbm>> -> memref<1x1x32xf32, #tpu.memory_space<hbm>>
    %dma_start3A_124 = tpu.memref_squeeze %dma_start3A_123 : memref<1x1x32xf32, #tpu.memory_space<hbm>> -> memref<32xf32, #tpu.memory_space<hbm>>
    %dma_start3A_125 = tpu.memref_slice %arg18[%dma_start3A_118] : memref<4x!tpu.dma_semaphore, #tpu.memory_space<semaphore_mem>> -> memref<1x!tpu.dma_semaphore, #tpu.memory_space<semaphore_mem>>
    %dma_start3A_126 = tpu.memref_squeeze %dma_start3A_125 : memref<1x!tpu.dma_semaphore, #tpu.memory_space<semaphore_mem>> -> memref<!tpu.dma_semaphore, #tpu.memory_space<semaphore_mem>>
    %dma_start3A_127 = arith.constant 0 : i32
    %dma_start3A_128 = tpu.memref_slice %arg12[%dma_start3A_116, %dma_start3A_117, %dma_start3A_127] : memref<2x16x32xf32, #tpu.memory_space<vmem>> -> memref<1x1x32xf32, #tpu.memory_space<vmem>>
    %dma_start3A_129 = tpu.memref_squeeze %dma_start3A_128 : memref<1x1x32xf32, #tpu.memory_space<vmem>> -> memref<32xf32, #tpu.memory_space<vmem>>
    %dma_start3A_130 = arith.constant 0 : i32
    %dma_start3A_131 = tpu.memref_slice %arg4[%squeeze3A_113, %squeeze3A_115, %dma_start3A_130] : memref<125000x8x32xf32, #tpu.memory_space<hbm>> -> memref<1x1x32xf32, #tpu.memory_space<hbm>>
    %dma_start3A_132 = tpu.memref_squeeze %dma_start3A_131 : memref<1x1x32xf32, #tpu.memory_space<hbm>> -> memref<32xf32, #tpu.memory_space<hbm>>
    tpu.enqueue_dma source(%dma_start3A_132 : memref<32xf32, #tpu.memory_space<hbm>>) target(%dma_start3A_129 : memref<32xf32, #tpu.memory_space<vmem>>) target_semaphore(%dma_start3A_126 : memref<!tpu.dma_semaphore, #tpu.memory_space<semaphore_mem>>)
    %slice3A_133 = vector.extract_strided_slice %shift_right_logical3A_22 {offsets = [2], sizes = [1], strides = [1]} : vector<16xi32> to vector<1xi32>
    %squeeze3A_134 = vector.extract %slice3A_133[0] : i32 from vector<1xi32>
    %slice3A_135 = vector.extract_strided_slice %and3A_27 {offsets = [2], sizes = [1], strides = [1]} : vector<16xi32> to vector<1xi32>
    %squeeze3A_136 = vector.extract %slice3A_135[0] : i32 from vector<1xi32>
    %dma_start3A_137 = arith.constant 0 : i32
    %dma_start3A_138 = arith.constant 2 : i32
    %dma_start3A_139 = arith.constant 2 : i32
    %dma_start3A_140 = arith.constant 0 : i32
    %dma_start3A_141 = tpu.memref_slice %arg13[%dma_start3A_137, %dma_start3A_138, %dma_start3A_140] : memref<2x16x32xf32, #tpu.memory_space<vmem>> -> memref<1x1x32xf32, #tpu.memory_space<vmem>>
    %dma_start3A_142 = tpu.memref_squeeze %dma_start3A_141 : memref<1x1x32xf32, #tpu.memory_space<vmem>> -> memref<32xf32, #tpu.memory_space<vmem>>
    %dma_start3A_143 = arith.constant 0 : i32
    %dma_start3A_144 = tpu.memref_slice %arg5[%squeeze3A_134, %squeeze3A_136, %dma_start3A_143] : memref<125000x8x32xf32, #tpu.memory_space<hbm>> -> memref<1x1x32xf32, #tpu.memory_space<hbm>>
    %dma_start3A_145 = tpu.memref_squeeze %dma_start3A_144 : memref<1x1x32xf32, #tpu.memory_space<hbm>> -> memref<32xf32, #tpu.memory_space<hbm>>
    %dma_start3A_146 = tpu.memref_slice %arg19[%dma_start3A_139] : memref<4x!tpu.dma_semaphore, #tpu.memory_space<semaphore_mem>> -> memref<1x!tpu.dma_semaphore, #tpu.memory_space<semaphore_mem>>
    %dma_start3A_147 = tpu.memref_squeeze %dma_start3A_146 : memref<1x!tpu.dma_semaphore, #tpu.memory_space<semaphore_mem>> -> memref<!tpu.dma_semaphore, #tpu.memory_space<semaphore_mem>>
    %dma_start3A_148 = arith.constant 0 : i32
    %dma_start3A_149 = tpu.memref_slice %arg13[%dma_start3A_137, %dma_start3A_138, %dma_start3A_148] : memref<2x16x32xf32, #tpu.memory_space<vmem>> -> memref<1x1x32xf32, #tpu.memory_space<vmem>>
    %dma_start3A_150 = tpu.memref_squeeze %dma_start3A_149 : memref<1x1x32xf32, #tpu.memory_space<vmem>> -> memref<32xf32, #tpu.memory_space<vmem>>
    %dma_start3A_151 = arith.constant 0 : i32
    %dma_start3A_152 = tpu.memref_slice %arg5[%squeeze3A_134, %squeeze3A_136, %dma_start3A_151] : memref<125000x8x32xf32, #tpu.memory_space<hbm>> -> memref<1x1x32xf32, #tpu.memory_space<hbm>>
    %dma_start3A_153 = tpu.memref_squeeze %dma_start3A_152 : memref<1x1x32xf32, #tpu.memory_space<hbm>> -> memref<32xf32, #tpu.memory_space<hbm>>
    tpu.enqueue_dma source(%dma_start3A_153 : memref<32xf32, #tpu.memory_space<hbm>>) target(%dma_start3A_150 : memref<32xf32, #tpu.memory_space<vmem>>) target_semaphore(%dma_start3A_147 : memref<!tpu.dma_semaphore, #tpu.memory_space<semaphore_mem>>)
    %slice3A_154 = vector.extract_strided_slice %shift_right_logical3A_19 {offsets = [3], sizes = [1], strides = [1]} : vector<16xi32> to vector<1xi32>
    %squeeze3A_155 = vector.extract %slice3A_154[0] : i32 from vector<1xi32>
    %slice3A_156 = vector.extract_strided_slice %and3A_24 {offsets = [3], sizes = [1], strides = [1]} : vector<16xi32> to vector<1xi32>
    %squeeze3A_157 = vector.extract %slice3A_156[0] : i32 from vector<1xi32>
    %dma_start3A_158 = arith.constant 0 : i32
    %dma_start3A_159 = arith.constant 3 : i32
    %dma_start3A_160 = arith.constant 3 : i32
    %dma_start3A_161 = arith.constant 0 : i32
    %dma_start3A_162 = tpu.memref_slice %arg12[%dma_start3A_158, %dma_start3A_159, %dma_start3A_161] : memref<2x16x32xf32, #tpu.memory_space<vmem>> -> memref<1x1x32xf32, #tpu.memory_space<vmem>>
    %dma_start3A_163 = tpu.memref_squeeze %dma_start3A_162 : memref<1x1x32xf32, #tpu.memory_space<vmem>> -> memref<32xf32, #tpu.memory_space<vmem>>
    %dma_start3A_164 = arith.constant 0 : i32
    %dma_start3A_165 = tpu.memref_slice %arg4[%squeeze3A_155, %squeeze3A_157, %dma_start3A_164] : memref<125000x8x32xf32, #tpu.memory_space<hbm>> -> memref<1x1x32xf32, #tpu.memory_space<hbm>>
    %dma_start3A_166 = tpu.memref_squeeze %dma_start3A_165 : memref<1x1x32xf32, #tpu.memory_space<hbm>> -> memref<32xf32, #tpu.memory_space<hbm>>
    %dma_start3A_167 = tpu.memref_slice %arg18[%dma_start3A_160] : memref<4x!tpu.dma_semaphore, #tpu.memory_space<semaphore_mem>> -> memref<1x!tpu.dma_semaphore, #tpu.memory_space<semaphore_mem>>
    %dma_start3A_168 = tpu.memref_squeeze %dma_start3A_167 : memref<1x!tpu.dma_semaphore, #tpu.memory_space<semaphore_mem>> -> memref<!tpu.dma_semaphore, #tpu.memory_space<semaphore_mem>>
    %dma_start3A_169 = arith.constant 0 : i32
    %dma_start3A_170 = tpu.memref_slice %arg12[%dma_start3A_158, %dma_start3A_159, %dma_start3A_169] : memref<2x16x32xf32, #tpu.memory_space<vmem>> -> memref<1x1x32xf32, #tpu.memory_space<vmem>>
    %dma_start3A_171 = tpu.memref_squeeze %dma_start3A_170 : memref<1x1x32xf32, #tpu.memory_space<vmem>> -> memref<32xf32, #tpu.memory_space<vmem>>
    %dma_start3A_172 = arith.constant 0 : i32
    %dma_start3A_173 = tpu.memref_slice %arg4[%squeeze3A_155, %squeeze3A_157, %dma_start3A_172] : memref<125000x8x32xf32, #tpu.memory_space<hbm>> -> memref<1x1x32xf32, #tpu.memory_space<hbm>>
    %dma_start3A_174 = tpu.memref_squeeze %dma_start3A_173 : memref<1x1x32xf32, #tpu.memory_space<hbm>> -> memref<32xf32, #tpu.memory_space<hbm>>
    tpu.enqueue_dma source(%dma_start3A_174 : memref<32xf32, #tpu.memory_space<hbm>>) target(%dma_start3A_171 : memref<32xf32, #tpu.memory_space<vmem>>) target_semaphore(%dma_start3A_168 : memref<!tpu.dma_semaphore, #tpu.memory_space<semaphore_mem>>)
    %slice3A_175 = vector.extract_strided_slice %shift_right_logical3A_22 {offsets = [3], sizes = [1], strides = [1]} : vector<16xi32> to vector<1xi32>
    %squeeze3A_176 = vector.extract %slice3A_175[0] : i32 from vector<1xi32>
    %slice3A_177 = vector.extract_strided_slice %and3A_27 {offsets = [3], sizes = [1], strides = [1]} : vector<16xi32> to vector<1xi32>
    %squeeze3A_178 = vector.extract %slice3A_177[0] : i32 from vector<1xi32>
    %dma_start3A_179 = arith.constant 0 : i32
    %dma_start3A_180 = arith.constant 3 : i32
    %dma_start3A_181 = arith.constant 3 : i32
    %dma_start3A_182 = arith.constant 0 : i32
    %dma_start3A_183 = tpu.memref_slice %arg13[%dma_start3A_179, %dma_start3A_180, %dma_start3A_182] : memref<2x16x32xf32, #tpu.memory_space<vmem>> -> memref<1x1x32xf32, #tpu.memory_space<vmem>>
    %dma_start3A_184 = tpu.memref_squeeze %dma_start3A_183 : memref<1x1x32xf32, #tpu.memory_space<vmem>> -> memref<32xf32, #tpu.memory_space<vmem>>
    %dma_start3A_185 = arith.constant 0 : i32
    %dma_start3A_186 = tpu.memref_slice %arg5[%squeeze3A_176, %squeeze3A_178, %dma_start3A_185] : memref<125000x8x32xf32, #tpu.memory_space<hbm>> -> memref<1x1x32xf32, #tpu.memory_space<hbm>>
    %dma_start3A_187 = tpu.memref_squeeze %dma_start3A_186 : memref<1x1x32xf32, #tpu.memory_space<hbm>> -> memref<32xf32, #tpu.memory_space<hbm>>
    %dma_start3A_188 = tpu.memref_slice %arg19[%dma_start3A_181] : memref<4x!tpu.dma_semaphore, #tpu.memory_space<semaphore_mem>> -> memref<1x!tpu.dma_semaphore, #tpu.memory_space<semaphore_mem>>
    %dma_start3A_189 = tpu.memref_squeeze %dma_start3A_188 : memref<1x!tpu.dma_semaphore, #tpu.memory_space<semaphore_mem>> -> memref<!tpu.dma_semaphore, #tpu.memory_space<semaphore_mem>>
    %dma_start3A_190 = arith.constant 0 : i32
    %dma_start3A_191 = tpu.memref_slice %arg13[%dma_start3A_179, %dma_start3A_180, %dma_start3A_190] : memref<2x16x32xf32, #tpu.memory_space<vmem>> -> memref<1x1x32xf32, #tpu.memory_space<vmem>>
    %dma_start3A_192 = tpu.memref_squeeze %dma_start3A_191 : memref<1x1x32xf32, #tpu.memory_space<vmem>> -> memref<32xf32, #tpu.memory_space<vmem>>
    %dma_start3A_193 = arith.constant 0 : i32
    %dma_start3A_194 = tpu.memref_slice %arg5[%squeeze3A_176, %squeeze3A_178, %dma_start3A_193] : memref<125000x8x32xf32, #tpu.memory_space<hbm>> -> memref<1x1x32xf32, #tpu.memory_space<hbm>>
    %dma_start3A_195 = tpu.memref_squeeze %dma_start3A_194 : memref<1x1x32xf32, #tpu.memory_space<hbm>> -> memref<32xf32, #tpu.memory_space<hbm>>
    tpu.enqueue_dma source(%dma_start3A_195 : memref<32xf32, #tpu.memory_space<hbm>>) target(%dma_start3A_192 : memref<32xf32, #tpu.memory_space<vmem>>) target_semaphore(%dma_start3A_189 : memref<!tpu.dma_semaphore, #tpu.memory_space<semaphore_mem>>)
    %slice3A_196 = vector.extract_strided_slice %shift_right_logical3A_19 {offsets = [4], sizes = [1], strides = [1]} : vector<16xi32> to vector<1xi32>
    %squeeze3A_197 = vector.extract %slice3A_196[0] : i32 from vector<1xi32>
    %slice3A_198 = vector.extract_strided_slice %and3A_24 {offsets = [4], sizes = [1], strides = [1]} : vector<16xi32> to vector<1xi32>
    %squeeze3A_199 = vector.extract %slice3A_198[0] : i32 from vector<1xi32>
    %dma_start3A_200 = arith.constant 0 : i32
    %dma_start3A_201 = arith.constant 4 : i32
    %dma_start3A_202 = arith.constant 0 : i32
    %dma_start3A_203 = arith.constant 0 : i32
    %dma_start3A_204 = tpu.memref_slice %arg12[%dma_start3A_200, %dma_start3A_201, %dma_start3A_203] : memref<2x16x32xf32, #tpu.memory_space<vmem>> -> memref<1x1x32xf32, #tpu.memory_space<vmem>>
    %dma_start3A_205 = tpu.memref_squeeze %dma_start3A_204 : memref<1x1x32xf32, #tpu.memory_space<vmem>> -> memref<32xf32, #tpu.memory_space<vmem>>
    %dma_start3A_206 = arith.constant 0 : i32
    %dma_start3A_207 = tpu.memref_slice %arg4[%squeeze3A_197, %squeeze3A_199, %dma_start3A_206] : memref<125000x8x32xf32, #tpu.memory_space<hbm>> -> memref<1x1x32xf32, #tpu.memory_space<hbm>>
    %dma_start3A_208 = tpu.memref_squeeze %dma_start3A_207 : memref<1x1x32xf32, #tpu.memory_space<hbm>> -> memref<32xf32, #tpu.memory_space<hbm>>
    %dma_start3A_209 = tpu.memref_slice %arg18[%dma_start3A_202] : memref<4x!tpu.dma_semaphore, #tpu.memory_space<semaphore_mem>> -> memref<1x!tpu.dma_semaphore, #tpu.memory_space<semaphore_mem>>
    %dma_start3A_210 = tpu.memref_squeeze %dma_start3A_209 : memref<1x!tpu.dma_semaphore, #tpu.memory_space<semaphore_mem>> -> memref<!tpu.dma_semaphore, #tpu.memory_space<semaphore_mem>>
    %dma_start3A_211 = arith.constant 0 : i32
    %dma_start3A_212 = tpu.memref_slice %arg12[%dma_start3A_200, %dma_start3A_201, %dma_start3A_211] : memref<2x16x32xf32, #tpu.memory_space<vmem>> -> memref<1x1x32xf32, #tpu.memory_space<vmem>>
    %dma_start3A_213 = tpu.memref_squeeze %dma_start3A_212 : memref<1x1x32xf32, #tpu.memory_space<vmem>> -> memref<32xf32, #tpu.memory_space<vmem>>
    %dma_start3A_214 = arith.constant 0 : i32
    %dma_start3A_215 = tpu.memref_slice %arg4[%squeeze3A_197, %squeeze3A_199, %dma_start3A_214] : memref<125000x8x32xf32, #tpu.memory_space<hbm>> -> memref<1x1x32xf32, #tpu.memory_space<hbm>>
    %dma_start3A_216 = tpu.memref_squeeze %dma_start3A_215 : memref<1x1x32xf32, #tpu.memory_space<hbm>> -> memref<32xf32, #tpu.memory_space<hbm>>
    tpu.enqueue_dma source(%dma_start3A_216 : memref<32xf32, #tpu.memory_space<hbm>>) target(%dma_start3A_213 : memref<32xf32, #tpu.memory_space<vmem>>) target_semaphore(%dma_start3A_210 : memref<!tpu.dma_semaphore, #tpu.memory_space<semaphore_mem>>)
    %slice3A_217 = vector.extract_strided_slice %shift_right_logical3A_22 {offsets = [4], sizes = [1], strides = [1]} : vector<16xi32> to vector<1xi32>
    %squeeze3A_218 = vector.extract %slice3A_217[0] : i32 from vector<1xi32>
    %slice3A_219 = vector.extract_strided_slice %and3A_27 {offsets = [4], sizes = [1], strides = [1]} : vector<16xi32> to vector<1xi32>
    %squeeze3A_220 = vector.extract %slice3A_219[0] : i32 from vector<1xi32>
    %dma_start3A_221 = arith.constant 0 : i32
    %dma_start3A_222 = arith.constant 4 : i32
    %dma_start3A_223 = arith.constant 0 : i32
    %dma_start3A_224 = arith.constant 0 : i32
    %dma_start3A_225 = tpu.memref_slice %arg13[%dma_start3A_221, %dma_start3A_222, %dma_start3A_224] : memref<2x16x32xf32, #tpu.memory_space<vmem>> -> memref<1x1x32xf32, #tpu.memory_space<vmem>>
    %dma_start3A_226 = tpu.memref_squeeze %dma_start3A_225 : memref<1x1x32xf32, #tpu.memory_space<vmem>> -> memref<32xf32, #tpu.memory_space<vmem>>
    %dma_start3A_227 = arith.constant 0 : i32
    %dma_start3A_228 = tpu.memref_slice %arg5[%squeeze3A_218, %squeeze3A_220, %dma_start3A_227] : memref<125000x8x32xf32, #tpu.memory_space<hbm>> -> memref<1x1x32xf32, #tpu.memory_space<hbm>>
    %dma_start3A_229 = tpu.memref_squeeze %dma_start3A_228 : memref<1x1x32xf32, #tpu.memory_space<hbm>> -> memref<32xf32, #tpu.memory_space<hbm>>
    %dma_start3A_230 = tpu.memref_slice %arg19[%dma_start3A_223] : memref<4x!tpu.dma_semaphore, #tpu.memory_space<semaphore_mem>> -> memref<1x!tpu.dma_semaphore, #tpu.memory_space<semaphore_mem>>
    %dma_start3A_231 = tpu.memref_squeeze %dma_start3A_230 : memref<1x!tpu.dma_semaphore, #tpu.memory_space<semaphore_mem>> -> memref<!tpu.dma_semaphore, #tpu.memory_space<semaphore_mem>>
    %dma_start3A_232 = arith.constant 0 : i32
    %dma_start3A_233 = tpu.memref_slice %arg13[%dma_start3A_221, %dma_start3A_222, %dma_start3A_232] : memref<2x16x32xf32, #tpu.memory_space<vmem>> -> memref<1x1x32xf32, #tpu.memory_space<vmem>>
    %dma_start3A_234 = tpu.memref_squeeze %dma_start3A_233 : memref<1x1x32xf32, #tpu.memory_space<vmem>> -> memref<32xf32, #tpu.memory_space<vmem>>
    %dma_start3A_235 = arith.constant 0 : i32
    %dma_start3A_236 = tpu.memref_slice %arg5[%squeeze3A_218, %squeeze3A_220, %dma_start3A_235] : memref<125000x8x32xf32, #tpu.memory_space<hbm>> -> memref<1x1x32xf32, #tpu.memory_space<hbm>>
    %dma_start3A_237 = tpu.memref_squeeze %dma_start3A_236 : memref<1x1x32xf32, #tpu.memory_space<hbm>> -> memref<32xf32, #tpu.memory_space<hbm>>
    tpu.enqueue_dma source(%dma_start3A_237 : memref<32xf32, #tpu.memory_space<hbm>>) target(%dma_start3A_234 : memref<32xf32, #tpu.memory_space<vmem>>) target_semaphore(%dma_start3A_231 : memref<!tpu.dma_semaphore, #tpu.memory_space<semaphore_mem>>)
    %slice3A_238 = vector.extract_strided_slice %shift_right_logical3A_19 {offsets = [5], sizes = [1], strides = [1]} : vector<16xi32> to vector<1xi32>
    %squeeze3A_239 = vector.extract %slice3A_238[0] : i32 from vector<1xi32>
    %slice3A_240 = vector.extract_strided_slice %and3A_24 {offsets = [5], sizes = [1], strides = [1]} : vector<16xi32> to vector<1xi32>
    %squeeze3A_241 = vector.extract %slice3A_240[0] : i32 from vector<1xi32>
    %dma_start3A_242 = arith.constant 0 : i32
    %dma_start3A_243 = arith.constant 5 : i32
    %dma_start3A_244 = arith.constant 1 : i32
    %dma_start3A_245 = arith.constant 0 : i32
    %dma_start3A_246 = tpu.memref_slice %arg12[%dma_start3A_242, %dma_start3A_243, %dma_start3A_245] : memref<2x16x32xf32, #tpu.memory_space<vmem>> -> memref<1x1x32xf32, #tpu.memory_space<vmem>>
    %dma_start3A_247 = tpu.memref_squeeze %dma_start3A_246 : memref<1x1x32xf32, #tpu.memory_space<vmem>> -> memref<32xf32, #tpu.memory_space<vmem>>
    %dma_start3A_248 = arith.constant 0 : i32
    %dma_start3A_249 = tpu.memref_slice %arg4[%squeeze3A_239, %squeeze3A_241, %dma_start3A_248] : memref<125000x8x32xf32, #tpu.memory_space<hbm>> -> memref<1x1x32xf32, #tpu.memory_space<hbm>>
    %dma_start3A_250 = tpu.memref_squeeze %dma_start3A_249 : memref<1x1x32xf32, #tpu.memory_space<hbm>> -> memref<32xf32, #tpu.memory_space<hbm>>
    %dma_start3A_251 = tpu.memref_slice %arg18[%dma_start3A_244] : memref<4x!tpu.dma_semaphore, #tpu.memory_space<semaphore_mem>> -> memref<1x!tpu.dma_semaphore, #tpu.memory_space<semaphore_mem>>
    %dma_start3A_252 = tpu.memref_squeeze %dma_start3A_251 : memref<1x!tpu.dma_semaphore, #tpu.memory_space<semaphore_mem>> -> memref<!tpu.dma_semaphore, #tpu.memory_space<semaphore_mem>>
    %dma_start3A_253 = arith.constant 0 : i32
    %dma_start3A_254 = tpu.memref_slice %arg12[%dma_start3A_242, %dma_start3A_243, %dma_start3A_253] : memref<2x16x32xf32, #tpu.memory_space<vmem>> -> memref<1x1x32xf32, #tpu.memory_space<vmem>>
    %dma_start3A_255 = tpu.memref_squeeze %dma_start3A_254 : memref<1x1x32xf32, #tpu.memory_space<vmem>> -> memref<32xf32, #tpu.memory_space<vmem>>
    %dma_start3A_256 = arith.constant 0 : i32
    %dma_start3A_257 = tpu.memref_slice %arg4[%squeeze3A_239, %squeeze3A_241, %dma_start3A_256] : memref<125000x8x32xf32, #tpu.memory_space<hbm>> -> memref<1x1x32xf32, #tpu.memory_space<hbm>>
    %dma_start3A_258 = tpu.memref_squeeze %dma_start3A_257 : memref<1x1x32xf32, #tpu.memory_space<hbm>> -> memref<32xf32, #tpu.memory_space<hbm>>
    tpu.enqueue_dma source(%dma_start3A_258 : memref<32xf32, #tpu.memory_space<hbm>>) target(%dma_start3A_255 : memref<32xf32, #tpu.memory_space<vmem>>) target_semaphore(%dma_start3A_252 : memref<!tpu.dma_semaphore, #tpu.memory_space<semaphore_mem>>)
    %slice3A_259 = vector.extract_strided_slice %shift_right_logical3A_22 {offsets = [5], sizes = [1], strides = [1]} : vector<16xi32> to vector<1xi32>
    %squeeze3A_260 = vector.extract %slice3A_259[0] : i32 from vector<1xi32>
    %slice3A_261 = vector.extract_strided_slice %and3A_27 {offsets = [5], sizes = [1], strides = [1]} : vector<16xi32> to vector<1xi32>
    %squeeze3A_262 = vector.extract %slice3A_261[0] : i32 from vector<1xi32>
    %dma_start3A_263 = arith.constant 0 : i32
    %dma_start3A_264 = arith.constant 5 : i32
    %dma_start3A_265 = arith.constant 1 : i32
    %dma_start3A_266 = arith.constant 0 : i32
    %dma_start3A_267 = tpu.memref_slice %arg13[%dma_start3A_263, %dma_start3A_264, %dma_start3A_266] : memref<2x16x32xf32, #tpu.memory_space<vmem>> -> memref<1x1x32xf32, #tpu.memory_space<vmem>>
    %dma_start3A_268 = tpu.memref_squeeze %dma_start3A_267 : memref<1x1x32xf32, #tpu.memory_space<vmem>> -> memref<32xf32, #tpu.memory_space<vmem>>
    %dma_start3A_269 = arith.constant 0 : i32
    %dma_start3A_270 = tpu.memref_slice %arg5[%squeeze3A_260, %squeeze3A_262, %dma_start3A_269] : memref<125000x8x32xf32, #tpu.memory_space<hbm>> -> memref<1x1x32xf32, #tpu.memory_space<hbm>>
    %dma_start3A_271 = tpu.memref_squeeze %dma_start3A_270 : memref<1x1x32xf32, #tpu.memory_space<hbm>> -> memref<32xf32, #tpu.memory_space<hbm>>
    %dma_start3A_272 = tpu.memref_slice %arg19[%dma_start3A_265] : memref<4x!tpu.dma_semaphore, #tpu.memory_space<semaphore_mem>> -> memref<1x!tpu.dma_semaphore, #tpu.memory_space<semaphore_mem>>
    %dma_start3A_273 = tpu.memref_squeeze %dma_start3A_272 : memref<1x!tpu.dma_semaphore, #tpu.memory_space<semaphore_mem>> -> memref<!tpu.dma_semaphore, #tpu.memory_space<semaphore_mem>>
    %dma_start3A_274 = arith.constant 0 : i32
    %dma_start3A_275 = tpu.memref_slice %arg13[%dma_start3A_263, %dma_start3A_264, %dma_start3A_274] : memref<2x16x32xf32, #tpu.memory_space<vmem>> -> memref<1x1x32xf32, #tpu.memory_space<vmem>>
    %dma_start3A_276 = tpu.memref_squeeze %dma_start3A_275 : memref<1x1x32xf32, #tpu.memory_space<vmem>> -> memref<32xf32, #tpu.memory_space<vmem>>
    %dma_start3A_277 = arith.constant 0 : i32
    %dma_start3A_278 = tpu.memref_slice %arg5[%squeeze3A_260, %squeeze3A_262, %dma_start3A_277] : memref<125000x8x32xf32, #tpu.memory_space<hbm>> -> memref<1x1x32xf32, #tpu.memory_space<hbm>>
    %dma_start3A_279 = tpu.memref_squeeze %dma_start3A_278 : memref<1x1x32xf32, #tpu.memory_space<hbm>> -> memref<32xf32, #tpu.memory_space<hbm>>
    tpu.enqueue_dma source(%dma_start3A_279 : memref<32xf32, #tpu.memory_space<hbm>>) target(%dma_start3A_276 : memref<32xf32, #tpu.memory_space<vmem>>) target_semaphore(%dma_start3A_273 : memref<!tpu.dma_semaphore, #tpu.memory_space<semaphore_mem>>)
    %slice3A_280 = vector.extract_strided_slice %shift_right_logical3A_19 {offsets = [6], sizes = [1], strides = [1]} : vector<16xi32> to vector<1xi32>
    %squeeze3A_281 = vector.extract %slice3A_280[0] : i32 from vector<1xi32>
    %slice3A_282 = vector.extract_strided_slice %and3A_24 {offsets = [6], sizes = [1], strides = [1]} : vector<16xi32> to vector<1xi32>
    %squeeze3A_283 = vector.extract %slice3A_282[0] : i32 from vector<1xi32>
    %dma_start3A_284 = arith.constant 0 : i32
    %dma_start3A_285 = arith.constant 6 : i32
    %dma_start3A_286 = arith.constant 2 : i32
    %dma_start3A_287 = arith.constant 0 : i32
    %dma_start3A_288 = tpu.memref_slice %arg12[%dma_start3A_284, %dma_start3A_285, %dma_start3A_287] : memref<2x16x32xf32, #tpu.memory_space<vmem>> -> memref<1x1x32xf32, #tpu.memory_space<vmem>>
    %dma_start3A_289 = tpu.memref_squeeze %dma_start3A_288 : memref<1x1x32xf32, #tpu.memory_space<vmem>> -> memref<32xf32, #tpu.memory_space<vmem>>
    %dma_start3A_290 = arith.constant 0 : i32
    %dma_start3A_291 = tpu.memref_slice %arg4[%squeeze3A_281, %squeeze3A_283, %dma_start3A_290] : memref<125000x8x32xf32, #tpu.memory_space<hbm>> -> memref<1x1x32xf32, #tpu.memory_space<hbm>>
    %dma_start3A_292 = tpu.memref_squeeze %dma_start3A_291 : memref<1x1x32xf32, #tpu.memory_space<hbm>> -> memref<32xf32, #tpu.memory_space<hbm>>
    %dma_start3A_293 = tpu.memref_slice %arg18[%dma_start3A_286] : memref<4x!tpu.dma_semaphore, #tpu.memory_space<semaphore_mem>> -> memref<1x!tpu.dma_semaphore, #tpu.memory_space<semaphore_mem>>
    %dma_start3A_294 = tpu.memref_squeeze %dma_start3A_293 : memref<1x!tpu.dma_semaphore, #tpu.memory_space<semaphore_mem>> -> memref<!tpu.dma_semaphore, #tpu.memory_space<semaphore_mem>>
    %dma_start3A_295 = arith.constant 0 : i32
    %dma_start3A_296 = tpu.memref_slice %arg12[%dma_start3A_284, %dma_start3A_285, %dma_start3A_295] : memref<2x16x32xf32, #tpu.memory_space<vmem>> -> memref<1x1x32xf32, #tpu.memory_space<vmem>>
    %dma_start3A_297 = tpu.memref_squeeze %dma_start3A_296 : memref<1x1x32xf32, #tpu.memory_space<vmem>> -> memref<32xf32, #tpu.memory_space<vmem>>
    %dma_start3A_298 = arith.constant 0 : i32
    %dma_start3A_299 = tpu.memref_slice %arg4[%squeeze3A_281, %squeeze3A_283, %dma_start3A_298] : memref<125000x8x32xf32, #tpu.memory_space<hbm>> -> memref<1x1x32xf32, #tpu.memory_space<hbm>>
    %dma_start3A_300 = tpu.memref_squeeze %dma_start3A_299 : memref<1x1x32xf32, #tpu.memory_space<hbm>> -> memref<32xf32, #tpu.memory_space<hbm>>
    tpu.enqueue_dma source(%dma_start3A_300 : memref<32xf32, #tpu.memory_space<hbm>>) target(%dma_start3A_297 : memref<32xf32, #tpu.memory_space<vmem>>) target_semaphore(%dma_start3A_294 : memref<!tpu.dma_semaphore, #tpu.memory_space<semaphore_mem>>)
    %slice3A_301 = vector.extract_strided_slice %shift_right_logical3A_22 {offsets = [6], sizes = [1], strides = [1]} : vector<16xi32> to vector<1xi32>
    %squeeze3A_302 = vector.extract %slice3A_301[0] : i32 from vector<1xi32>
    %slice3A_303 = vector.extract_strided_slice %and3A_27 {offsets = [6], sizes = [1], strides = [1]} : vector<16xi32> to vector<1xi32>
    %squeeze3A_304 = vector.extract %slice3A_303[0] : i32 from vector<1xi32>
    %dma_start3A_305 = arith.constant 0 : i32
    %dma_start3A_306 = arith.constant 6 : i32
    %dma_start3A_307 = arith.constant 2 : i32
    %dma_start3A_308 = arith.constant 0 : i32
    %dma_start3A_309 = tpu.memref_slice %arg13[%dma_start3A_305, %dma_start3A_306, %dma_start3A_308] : memref<2x16x32xf32, #tpu.memory_space<vmem>> -> memref<1x1x32xf32, #tpu.memory_space<vmem>>
    %dma_start3A_310 = tpu.memref_squeeze %dma_start3A_309 : memref<1x1x32xf32, #tpu.memory_space<vmem>> -> memref<32xf32, #tpu.memory_space<vmem>>
    %dma_start3A_311 = arith.constant 0 : i32
    %dma_start3A_312 = tpu.memref_slice %arg5[%squeeze3A_302, %squeeze3A_304, %dma_start3A_311] : memref<125000x8x32xf32, #tpu.memory_space<hbm>> -> memref<1x1x32xf32, #tpu.memory_space<hbm>>
    %dma_start3A_313 = tpu.memref_squeeze %dma_start3A_312 : memref<1x1x32xf32, #tpu.memory_space<hbm>> -> memref<32xf32, #tpu.memory_space<hbm>>
    %dma_start3A_314 = tpu.memref_slice %arg19[%dma_start3A_307] : memref<4x!tpu.dma_semaphore, #tpu.memory_space<semaphore_mem>> -> memref<1x!tpu.dma_semaphore, #tpu.memory_space<semaphore_mem>>
    %dma_start3A_315 = tpu.memref_squeeze %dma_start3A_314 : memref<1x!tpu.dma_semaphore, #tpu.memory_space<semaphore_mem>> -> memref<!tpu.dma_semaphore, #tpu.memory_space<semaphore_mem>>
    %dma_start3A_316 = arith.constant 0 : i32
    %dma_start3A_317 = tpu.memref_slice %arg13[%dma_start3A_305, %dma_start3A_306, %dma_start3A_316] : memref<2x16x32xf32, #tpu.memory_space<vmem>> -> memref<1x1x32xf32, #tpu.memory_space<vmem>>
    %dma_start3A_318 = tpu.memref_squeeze %dma_start3A_317 : memref<1x1x32xf32, #tpu.memory_space<vmem>> -> memref<32xf32, #tpu.memory_space<vmem>>
    %dma_start3A_319 = arith.constant 0 : i32
    %dma_start3A_320 = tpu.memref_slice %arg5[%squeeze3A_302, %squeeze3A_304, %dma_start3A_319] : memref<125000x8x32xf32, #tpu.memory_space<hbm>> -> memref<1x1x32xf32, #tpu.memory_space<hbm>>
    %dma_start3A_321 = tpu.memref_squeeze %dma_start3A_320 : memref<1x1x32xf32, #tpu.memory_space<hbm>> -> memref<32xf32, #tpu.memory_space<hbm>>
    tpu.enqueue_dma source(%dma_start3A_321 : memref<32xf32, #tpu.memory_space<hbm>>) target(%dma_start3A_318 : memref<32xf32, #tpu.memory_space<vmem>>) target_semaphore(%dma_start3A_315 : memref<!tpu.dma_semaphore, #tpu.memory_space<semaphore_mem>>)
    %slice3A_322 = vector.extract_strided_slice %shift_right_logical3A_19 {offsets = [7], sizes = [1], strides = [1]} : vector<16xi32> to vector<1xi32>
    %squeeze3A_323 = vector.extract %slice3A_322[0] : i32 from vector<1xi32>
    %slice3A_324 = vector.extract_strided_slice %and3A_24 {offsets = [7], sizes = [1], strides = [1]} : vector<16xi32> to vector<1xi32>
    %squeeze3A_325 = vector.extract %slice3A_324[0] : i32 from vector<1xi32>
    %dma_start3A_326 = arith.constant 0 : i32
    %dma_start3A_327 = arith.constant 7 : i32
    %dma_start3A_328 = arith.constant 3 : i32
    %dma_start3A_329 = arith.constant 0 : i32
    %dma_start3A_330 = tpu.memref_slice %arg12[%dma_start3A_326, %dma_start3A_327, %dma_start3A_329] : memref<2x16x32xf32, #tpu.memory_space<vmem>> -> memref<1x1x32xf32, #tpu.memory_space<vmem>>
    %dma_start3A_331 = tpu.memref_squeeze %dma_start3A_330 : memref<1x1x32xf32, #tpu.memory_space<vmem>> -> memref<32xf32, #tpu.memory_space<vmem>>
    %dma_start3A_332 = arith.constant 0 : i32
    %dma_start3A_333 = tpu.memref_slice %arg4[%squeeze3A_323, %squeeze3A_325, %dma_start3A_332] : memref<125000x8x32xf32, #tpu.memory_space<hbm>> -> memref<1x1x32xf32, #tpu.memory_space<hbm>>
    %dma_start3A_334 = tpu.memref_squeeze %dma_start3A_333 : memref<1x1x32xf32, #tpu.memory_space<hbm>> -> memref<32xf32, #tpu.memory_space<hbm>>
    %dma_start3A_335 = tpu.memref_slice %arg18[%dma_start3A_328] : memref<4x!tpu.dma_semaphore, #tpu.memory_space<semaphore_mem>> -> memref<1x!tpu.dma_semaphore, #tpu.memory_space<semaphore_mem>>
    %dma_start3A_336 = tpu.memref_squeeze %dma_start3A_335 : memref<1x!tpu.dma_semaphore, #tpu.memory_space<semaphore_mem>> -> memref<!tpu.dma_semaphore, #tpu.memory_space<semaphore_mem>>
    %dma_start3A_337 = arith.constant 0 : i32
    %dma_start3A_338 = tpu.memref_slice %arg12[%dma_start3A_326, %dma_start3A_327, %dma_start3A_337] : memref<2x16x32xf32, #tpu.memory_space<vmem>> -> memref<1x1x32xf32, #tpu.memory_space<vmem>>
    %dma_start3A_339 = tpu.memref_squeeze %dma_start3A_338 : memref<1x1x32xf32, #tpu.memory_space<vmem>> -> memref<32xf32, #tpu.memory_space<vmem>>
    %dma_start3A_340 = arith.constant 0 : i32
    %dma_start3A_341 = tpu.memref_slice %arg4[%squeeze3A_323, %squeeze3A_325, %dma_start3A_340] : memref<125000x8x32xf32, #tpu.memory_space<hbm>> -> memref<1x1x32xf32, #tpu.memory_space<hbm>>
    %dma_start3A_342 = tpu.memref_squeeze %dma_start3A_341 : memref<1x1x32xf32, #tpu.memory_space<hbm>> -> memref<32xf32, #tpu.memory_space<hbm>>
    tpu.enqueue_dma source(%dma_start3A_342 : memref<32xf32, #tpu.memory_space<hbm>>) target(%dma_start3A_339 : memref<32xf32, #tpu.memory_space<vmem>>) target_semaphore(%dma_start3A_336 : memref<!tpu.dma_semaphore, #tpu.memory_space<semaphore_mem>>)
    %slice3A_343 = vector.extract_strided_slice %shift_right_logical3A_22 {offsets = [7], sizes = [1], strides = [1]} : vector<16xi32> to vector<1xi32>
    %squeeze3A_344 = vector.extract %slice3A_343[0] : i32 from vector<1xi32>
    %slice3A_345 = vector.extract_strided_slice %and3A_27 {offsets = [7], sizes = [1], strides = [1]} : vector<16xi32> to vector<1xi32>
    %squeeze3A_346 = vector.extract %slice3A_345[0] : i32 from vector<1xi32>
    %dma_start3A_347 = arith.constant 0 : i32
    %dma_start3A_348 = arith.constant 7 : i32
    %dma_start3A_349 = arith.constant 3 : i32
    %dma_start3A_350 = arith.constant 0 : i32
    %dma_start3A_351 = tpu.memref_slice %arg13[%dma_start3A_347, %dma_start3A_348, %dma_start3A_350] : memref<2x16x32xf32, #tpu.memory_space<vmem>> -> memref<1x1x32xf32, #tpu.memory_space<vmem>>
    %dma_start3A_352 = tpu.memref_squeeze %dma_start3A_351 : memref<1x1x32xf32, #tpu.memory_space<vmem>> -> memref<32xf32, #tpu.memory_space<vmem>>
    %dma_start3A_353 = arith.constant 0 : i32
    %dma_start3A_354 = tpu.memref_slice %arg5[%squeeze3A_344, %squeeze3A_346, %dma_start3A_353] : memref<125000x8x32xf32, #tpu.memory_space<hbm>> -> memref<1x1x32xf32, #tpu.memory_space<hbm>>
    %dma_start3A_355 = tpu.memref_squeeze %dma_start3A_354 : memref<1x1x32xf32, #tpu.memory_space<hbm>> -> memref<32xf32, #tpu.memory_space<hbm>>
    %dma_start3A_356 = tpu.memref_slice %arg19[%dma_start3A_349] : memref<4x!tpu.dma_semaphore, #tpu.memory_space<semaphore_mem>> -> memref<1x!tpu.dma_semaphore, #tpu.memory_space<semaphore_mem>>
    %dma_start3A_357 = tpu.memref_squeeze %dma_start3A_356 : memref<1x!tpu.dma_semaphore, #tpu.memory_space<semaphore_mem>> -> memref<!tpu.dma_semaphore, #tpu.memory_space<semaphore_mem>>
    %dma_start3A_358 = arith.constant 0 : i32
    %dma_start3A_359 = tpu.memref_slice %arg13[%dma_start3A_347, %dma_start3A_348, %dma_start3A_358] : memref<2x16x32xf32, #tpu.memory_space<vmem>> -> memref<1x1x32xf32, #tpu.memory_space<vmem>>
    %dma_start3A_360 = tpu.memref_squeeze %dma_start3A_359 : memref<1x1x32xf32, #tpu.memory_space<vmem>> -> memref<32xf32, #tpu.memory_space<vmem>>
    %dma_start3A_361 = arith.constant 0 : i32
    %dma_start3A_362 = tpu.memref_slice %arg5[%squeeze3A_344, %squeeze3A_346, %dma_start3A_361] : memref<125000x8x32xf32, #tpu.memory_space<hbm>> -> memref<1x1x32xf32, #tpu.memory_space<hbm>>
    %dma_start3A_363 = tpu.memref_squeeze %dma_start3A_362 : memref<1x1x32xf32, #tpu.memory_space<hbm>> -> memref<32xf32, #tpu.memory_space<hbm>>
    tpu.enqueue_dma source(%dma_start3A_363 : memref<32xf32, #tpu.memory_space<hbm>>) target(%dma_start3A_360 : memref<32xf32, #tpu.memory_space<vmem>>) target_semaphore(%dma_start3A_357 : memref<!tpu.dma_semaphore, #tpu.memory_space<semaphore_mem>>)
    %slice3A_364 = vector.extract_strided_slice %shift_right_logical3A_19 {offsets = [8], sizes = [1], strides = [1]} : vector<16xi32> to vector<1xi32>
    %squeeze3A_365 = vector.extract %slice3A_364[0] : i32 from vector<1xi32>
    %slice3A_366 = vector.extract_strided_slice %and3A_24 {offsets = [8], sizes = [1], strides = [1]} : vector<16xi32> to vector<1xi32>
    %squeeze3A_367 = vector.extract %slice3A_366[0] : i32 from vector<1xi32>
    %dma_start3A_368 = arith.constant 0 : i32
    %dma_start3A_369 = arith.constant 8 : i32
    %dma_start3A_370 = arith.constant 0 : i32
    %dma_start3A_371 = arith.constant 0 : i32
    %dma_start3A_372 = tpu.memref_slice %arg12[%dma_start3A_368, %dma_start3A_369, %dma_start3A_371] : memref<2x16x32xf32, #tpu.memory_space<vmem>> -> memref<1x1x32xf32, #tpu.memory_space<vmem>>
    %dma_start3A_373 = tpu.memref_squeeze %dma_start3A_372 : memref<1x1x32xf32, #tpu.memory_space<vmem>> -> memref<32xf32, #tpu.memory_space<vmem>>
    %dma_start3A_374 = arith.constant 0 : i32
    %dma_start3A_375 = tpu.memref_slice %arg4[%squeeze3A_365, %squeeze3A_367, %dma_start3A_374] : memref<125000x8x32xf32, #tpu.memory_space<hbm>> -> memref<1x1x32xf32, #tpu.memory_space<hbm>>
    %dma_start3A_376 = tpu.memref_squeeze %dma_start3A_375 : memref<1x1x32xf32, #tpu.memory_space<hbm>> -> memref<32xf32, #tpu.memory_space<hbm>>
    %dma_start3A_377 = tpu.memref_slice %arg18[%dma_start3A_370] : memref<4x!tpu.dma_semaphore, #tpu.memory_space<semaphore_mem>> -> memref<1x!tpu.dma_semaphore, #tpu.memory_space<semaphore_mem>>
    %dma_start3A_378 = tpu.memref_squeeze %dma_start3A_377 : memref<1x!tpu.dma_semaphore, #tpu.memory_space<semaphore_mem>> -> memref<!tpu.dma_semaphore, #tpu.memory_space<semaphore_mem>>
    %dma_start3A_379 = arith.constant 0 : i32
    %dma_start3A_380 = tpu.memref_slice %arg12[%dma_start3A_368, %dma_start3A_369, %dma_start3A_379] : memref<2x16x32xf32, #tpu.memory_space<vmem>> -> memref<1x1x32xf32, #tpu.memory_space<vmem>>
    %dma_start3A_381 = tpu.memref_squeeze %dma_start3A_380 : memref<1x1x32xf32, #tpu.memory_space<vmem>> -> memref<32xf32, #tpu.memory_space<vmem>>
    %dma_start3A_382 = arith.constant 0 : i32
    %dma_start3A_383 = tpu.memref_slice %arg4[%squeeze3A_365, %squeeze3A_367, %dma_start3A_382] : memref<125000x8x32xf32, #tpu.memory_space<hbm>> -> memref<1x1x32xf32, #tpu.memory_space<hbm>>
    %dma_start3A_384 = tpu.memref_squeeze %dma_start3A_383 : memref<1x1x32xf32, #tpu.memory_space<hbm>> -> memref<32xf32, #tpu.memory_space<hbm>>
    tpu.enqueue_dma source(%dma_start3A_384 : memref<32xf32, #tpu.memory_space<hbm>>) target(%dma_start3A_381 : memref<32xf32, #tpu.memory_space<vmem>>) target_semaphore(%dma_start3A_378 : memref<!tpu.dma_semaphore, #tpu.memory_space<semaphore_mem>>)
    %slice3A_385 = vector.extract_strided_slice %shift_right_logical3A_22 {offsets = [8], sizes = [1], strides = [1]} : vector<16xi32> to vector<1xi32>
    %squeeze3A_386 = vector.extract %slice3A_385[0] : i32 from vector<1xi32>
    %slice3A_387 = vector.extract_strided_slice %and3A_27 {offsets = [8], sizes = [1], strides = [1]} : vector<16xi32> to vector<1xi32>
    %squeeze3A_388 = vector.extract %slice3A_387[0] : i32 from vector<1xi32>
    %dma_start3A_389 = arith.constant 0 : i32
    %dma_start3A_390 = arith.constant 8 : i32
    %dma_start3A_391 = arith.constant 0 : i32
    %dma_start3A_392 = arith.constant 0 : i32
    %dma_start3A_393 = tpu.memref_slice %arg13[%dma_start3A_389, %dma_start3A_390, %dma_start3A_392] : memref<2x16x32xf32, #tpu.memory_space<vmem>> -> memref<1x1x32xf32, #tpu.memory_space<vmem>>
    %dma_start3A_394 = tpu.memref_squeeze %dma_start3A_393 : memref<1x1x32xf32, #tpu.memory_space<vmem>> -> memref<32xf32, #tpu.memory_space<vmem>>
    %dma_start3A_395 = arith.constant 0 : i32
    %dma_start3A_396 = tpu.memref_slice %arg5[%squeeze3A_386, %squeeze3A_388, %dma_start3A_395] : memref<125000x8x32xf32, #tpu.memory_space<hbm>> -> memref<1x1x32xf32, #tpu.memory_space<hbm>>
    %dma_start3A_397 = tpu.memref_squeeze %dma_start3A_396 : memref<1x1x32xf32, #tpu.memory_space<hbm>> -> memref<32xf32, #tpu.memory_space<hbm>>
    %dma_start3A_398 = tpu.memref_slice %arg19[%dma_start3A_391] : memref<4x!tpu.dma_semaphore, #tpu.memory_space<semaphore_mem>> -> memref<1x!tpu.dma_semaphore, #tpu.memory_space<semaphore_mem>>
    %dma_start3A_399 = tpu.memref_squeeze %dma_start3A_398 : memref<1x!tpu.dma_semaphore, #tpu.memory_space<semaphore_mem>> -> memref<!tpu.dma_semaphore, #tpu.memory_space<semaphore_mem>>
    %dma_start3A_400 = arith.constant 0 : i32
    %dma_start3A_401 = tpu.memref_slice %arg13[%dma_start3A_389, %dma_start3A_390, %dma_start3A_400] : memref<2x16x32xf32, #tpu.memory_space<vmem>> -> memref<1x1x32xf32, #tpu.memory_space<vmem>>
    %dma_start3A_402 = tpu.memref_squeeze %dma_start3A_401 : memref<1x1x32xf32, #tpu.memory_space<vmem>> -> memref<32xf32, #tpu.memory_space<vmem>>
    %dma_start3A_403 = arith.constant 0 : i32
    %dma_start3A_404 = tpu.memref_slice %arg5[%squeeze3A_386, %squeeze3A_388, %dma_start3A_403] : memref<125000x8x32xf32, #tpu.memory_space<hbm>> -> memref<1x1x32xf32, #tpu.memory_space<hbm>>
    %dma_start3A_405 = tpu.memref_squeeze %dma_start3A_404 : memref<1x1x32xf32, #tpu.memory_space<hbm>> -> memref<32xf32, #tpu.memory_space<hbm>>
    tpu.enqueue_dma source(%dma_start3A_405 : memref<32xf32, #tpu.memory_space<hbm>>) target(%dma_start3A_402 : memref<32xf32, #tpu.memory_space<vmem>>) target_semaphore(%dma_start3A_399 : memref<!tpu.dma_semaphore, #tpu.memory_space<semaphore_mem>>)
    %slice3A_406 = vector.extract_strided_slice %shift_right_logical3A_19 {offsets = [9], sizes = [1], strides = [1]} : vector<16xi32> to vector<1xi32>
    %squeeze3A_407 = vector.extract %slice3A_406[0] : i32 from vector<1xi32>
    %slice3A_408 = vector.extract_strided_slice %and3A_24 {offsets = [9], sizes = [1], strides = [1]} : vector<16xi32> to vector<1xi32>
    %squeeze3A_409 = vector.extract %slice3A_408[0] : i32 from vector<1xi32>
    %dma_start3A_410 = arith.constant 0 : i32
    %dma_start3A_411 = arith.constant 9 : i32
    %dma_start3A_412 = arith.constant 1 : i32
    %dma_start3A_413 = arith.constant 0 : i32
    %dma_start3A_414 = tpu.memref_slice %arg12[%dma_start3A_410, %dma_start3A_411, %dma_start3A_413] : memref<2x16x32xf32, #tpu.memory_space<vmem>> -> memref<1x1x32xf32, #tpu.memory_space<vmem>>
    %dma_start3A_415 = tpu.memref_squeeze %dma_start3A_414 : memref<1x1x32xf32, #tpu.memory_space<vmem>> -> memref<32xf32, #tpu.memory_space<vmem>>
    %dma_start3A_416 = arith.constant 0 : i32
    %dma_start3A_417 = tpu.memref_slice %arg4[%squeeze3A_407, %squeeze3A_409, %dma_start3A_416] : memref<125000x8x32xf32, #tpu.memory_space<hbm>> -> memref<1x1x32xf32, #tpu.memory_space<hbm>>
    %dma_start3A_418 = tpu.memref_squeeze %dma_start3A_417 : memref<1x1x32xf32, #tpu.memory_space<hbm>> -> memref<32xf32, #tpu.memory_space<hbm>>
    %dma_start3A_419 = tpu.memref_slice %arg18[%dma_start3A_412] : memref<4x!tpu.dma_semaphore, #tpu.memory_space<semaphore_mem>> -> memref<1x!tpu.dma_semaphore, #tpu.memory_space<semaphore_mem>>
    %dma_start3A_420 = tpu.memref_squeeze %dma_start3A_419 : memref<1x!tpu.dma_semaphore, #tpu.memory_space<semaphore_mem>> -> memref<!tpu.dma_semaphore, #tpu.memory_space<semaphore_mem>>
    %dma_start3A_421 = arith.constant 0 : i32
    %dma_start3A_422 = tpu.memref_slice %arg12[%dma_start3A_410, %dma_start3A_411, %dma_start3A_421] : memref<2x16x32xf32, #tpu.memory_space<vmem>> -> memref<1x1x32xf32, #tpu.memory_space<vmem>>
    %dma_start3A_423 = tpu.memref_squeeze %dma_start3A_422 : memref<1x1x32xf32, #tpu.memory_space<vmem>> -> memref<32xf32, #tpu.memory_space<vmem>>
    %dma_start3A_424 = arith.constant 0 : i32
    %dma_start3A_425 = tpu.memref_slice %arg4[%squeeze3A_407, %squeeze3A_409, %dma_start3A_424] : memref<125000x8x32xf32, #tpu.memory_space<hbm>> -> memref<1x1x32xf32, #tpu.memory_space<hbm>>
    %dma_start3A_426 = tpu.memref_squeeze %dma_start3A_425 : memref<1x1x32xf32, #tpu.memory_space<hbm>> -> memref<32xf32, #tpu.memory_space<hbm>>
    tpu.enqueue_dma source(%dma_start3A_426 : memref<32xf32, #tpu.memory_space<hbm>>) target(%dma_start3A_423 : memref<32xf32, #tpu.memory_space<vmem>>) target_semaphore(%dma_start3A_420 : memref<!tpu.dma_semaphore, #tpu.memory_space<semaphore_mem>>)
    %slice3A_427 = vector.extract_strided_slice %shift_right_logical3A_22 {offsets = [9], sizes = [1], strides = [1]} : vector<16xi32> to vector<1xi32>
    %squeeze3A_428 = vector.extract %slice3A_427[0] : i32 from vector<1xi32>
    %slice3A_429 = vector.extract_strided_slice %and3A_27 {offsets = [9], sizes = [1], strides = [1]} : vector<16xi32> to vector<1xi32>
    %squeeze3A_430 = vector.extract %slice3A_429[0] : i32 from vector<1xi32>
    %dma_start3A_431 = arith.constant 0 : i32
    %dma_start3A_432 = arith.constant 9 : i32
    %dma_start3A_433 = arith.constant 1 : i32
    %dma_start3A_434 = arith.constant 0 : i32
    %dma_start3A_435 = tpu.memref_slice %arg13[%dma_start3A_431, %dma_start3A_432, %dma_start3A_434] : memref<2x16x32xf32, #tpu.memory_space<vmem>> -> memref<1x1x32xf32, #tpu.memory_space<vmem>>
    %dma_start3A_436 = tpu.memref_squeeze %dma_start3A_435 : memref<1x1x32xf32, #tpu.memory_space<vmem>> -> memref<32xf32, #tpu.memory_space<vmem>>
    %dma_start3A_437 = arith.constant 0 : i32
    %dma_start3A_438 = tpu.memref_slice %arg5[%squeeze3A_428, %squeeze3A_430, %dma_start3A_437] : memref<125000x8x32xf32, #tpu.memory_space<hbm>> -> memref<1x1x32xf32, #tpu.memory_space<hbm>>
    %dma_start3A_439 = tpu.memref_squeeze %dma_start3A_438 : memref<1x1x32xf32, #tpu.memory_space<hbm>> -> memref<32xf32, #tpu.memory_space<hbm>>
    %dma_start3A_440 = tpu.memref_slice %arg19[%dma_start3A_433] : memref<4x!tpu.dma_semaphore, #tpu.memory_space<semaphore_mem>> -> memref<1x!tpu.dma_semaphore, #tpu.memory_space<semaphore_mem>>
    %dma_start3A_441 = tpu.memref_squeeze %dma_start3A_440 : memref<1x!tpu.dma_semaphore, #tpu.memory_space<semaphore_mem>> -> memref<!tpu.dma_semaphore, #tpu.memory_space<semaphore_mem>>
    %dma_start3A_442 = arith.constant 0 : i32
    %dma_start3A_443 = tpu.memref_slice %arg13[%dma_start3A_431, %dma_start3A_432, %dma_start3A_442] : memref<2x16x32xf32, #tpu.memory_space<vmem>> -> memref<1x1x32xf32, #tpu.memory_space<vmem>>
    %dma_start3A_444 = tpu.memref_squeeze %dma_start3A_443 : memref<1x1x32xf32, #tpu.memory_space<vmem>> -> memref<32xf32, #tpu.memory_space<vmem>>
    %dma_start3A_445 = arith.constant 0 : i32
    %dma_start3A_446 = tpu.memref_slice %arg5[%squeeze3A_428, %squeeze3A_430, %dma_start3A_445] : memref<125000x8x32xf32, #tpu.memory_space<hbm>> -> memref<1x1x32xf32, #tpu.memory_space<hbm>>
    %dma_start3A_447 = tpu.memref_squeeze %dma_start3A_446 : memref<1x1x32xf32, #tpu.memory_space<hbm>> -> memref<32xf32, #tpu.memory_space<hbm>>
    tpu.enqueue_dma source(%dma_start3A_447 : memref<32xf32, #tpu.memory_space<hbm>>) target(%dma_start3A_444 : memref<32xf32, #tpu.memory_space<vmem>>) target_semaphore(%dma_start3A_441 : memref<!tpu.dma_semaphore, #tpu.memory_space<semaphore_mem>>)
    %slice3A_448 = vector.extract_strided_slice %shift_right_logical3A_19 {offsets = [10], sizes = [1], strides = [1]} : vector<16xi32> to vector<1xi32>
    %squeeze3A_449 = vector.extract %slice3A_448[0] : i32 from vector<1xi32>
    %slice3A_450 = vector.extract_strided_slice %and3A_24 {offsets = [10], sizes = [1], strides = [1]} : vector<16xi32> to vector<1xi32>
    %squeeze3A_451 = vector.extract %slice3A_450[0] : i32 from vector<1xi32>
    %dma_start3A_452 = arith.constant 0 : i32
    %dma_start3A_453 = arith.constant 10 : i32
    %dma_start3A_454 = arith.constant 2 : i32
    %dma_start3A_455 = arith.constant 0 : i32
    %dma_start3A_456 = tpu.memref_slice %arg12[%dma_start3A_452, %dma_start3A_453, %dma_start3A_455] : memref<2x16x32xf32, #tpu.memory_space<vmem>> -> memref<1x1x32xf32, #tpu.memory_space<vmem>>
    %dma_start3A_457 = tpu.memref_squeeze %dma_start3A_456 : memref<1x1x32xf32, #tpu.memory_space<vmem>> -> memref<32xf32, #tpu.memory_space<vmem>>
    %dma_start3A_458 = arith.constant 0 : i32
    %dma_start3A_459 = tpu.memref_slice %arg4[%squeeze3A_449, %squeeze3A_451, %dma_start3A_458] : memref<125000x8x32xf32, #tpu.memory_space<hbm>> -> memref<1x1x32xf32, #tpu.memory_space<hbm>>
    %dma_start3A_460 = tpu.memref_squeeze %dma_start3A_459 : memref<1x1x32xf32, #tpu.memory_space<hbm>> -> memref<32xf32, #tpu.memory_space<hbm>>
    %dma_start3A_461 = tpu.memref_slice %arg18[%dma_start3A_454] : memref<4x!tpu.dma_semaphore, #tpu.memory_space<semaphore_mem>> -> memref<1x!tpu.dma_semaphore, #tpu.memory_space<semaphore_mem>>
    %dma_start3A_462 = tpu.memref_squeeze %dma_start3A_461 : memref<1x!tpu.dma_semaphore, #tpu.memory_space<semaphore_mem>> -> memref<!tpu.dma_semaphore, #tpu.memory_space<semaphore_mem>>
    %dma_start3A_463 = arith.constant 0 : i32
    %dma_start3A_464 = tpu.memref_slice %arg12[%dma_start3A_452, %dma_start3A_453, %dma_start3A_463] : memref<2x16x32xf32, #tpu.memory_space<vmem>> -> memref<1x1x32xf32, #tpu.memory_space<vmem>>
    %dma_start3A_465 = tpu.memref_squeeze %dma_start3A_464 : memref<1x1x32xf32, #tpu.memory_space<vmem>> -> memref<32xf32, #tpu.memory_space<vmem>>
    %dma_start3A_466 = arith.constant 0 : i32
    %dma_start3A_467 = tpu.memref_slice %arg4[%squeeze3A_449, %squeeze3A_451, %dma_start3A_466] : memref<125000x8x32xf32, #tpu.memory_space<hbm>> -> memref<1x1x32xf32, #tpu.memory_space<hbm>>
    %dma_start3A_468 = tpu.memref_squeeze %dma_start3A_467 : memref<1x1x32xf32, #tpu.memory_space<hbm>> -> memref<32xf32, #tpu.memory_space<hbm>>
    tpu.enqueue_dma source(%dma_start3A_468 : memref<32xf32, #tpu.memory_space<hbm>>) target(%dma_start3A_465 : memref<32xf32, #tpu.memory_space<vmem>>) target_semaphore(%dma_start3A_462 : memref<!tpu.dma_semaphore, #tpu.memory_space<semaphore_mem>>)
    %slice3A_469 = vector.extract_strided_slice %shift_right_logical3A_22 {offsets = [10], sizes = [1], strides = [1]} : vector<16xi32> to vector<1xi32>
    %squeeze3A_470 = vector.extract %slice3A_469[0] : i32 from vector<1xi32>
    %slice3A_471 = vector.extract_strided_slice %and3A_27 {offsets = [10], sizes = [1], strides = [1]} : vector<16xi32> to vector<1xi32>
    %squeeze3A_472 = vector.extract %slice3A_471[0] : i32 from vector<1xi32>
    %dma_start3A_473 = arith.constant 0 : i32
    %dma_start3A_474 = arith.constant 10 : i32
    %dma_start3A_475 = arith.constant 2 : i32
    %dma_start3A_476 = arith.constant 0 : i32
    %dma_start3A_477 = tpu.memref_slice %arg13[%dma_start3A_473, %dma_start3A_474, %dma_start3A_476] : memref<2x16x32xf32, #tpu.memory_space<vmem>> -> memref<1x1x32xf32, #tpu.memory_space<vmem>>
    %dma_start3A_478 = tpu.memref_squeeze %dma_start3A_477 : memref<1x1x32xf32, #tpu.memory_space<vmem>> -> memref<32xf32, #tpu.memory_space<vmem>>
    %dma_start3A_479 = arith.constant 0 : i32
    %dma_start3A_480 = tpu.memref_slice %arg5[%squeeze3A_470, %squeeze3A_472, %dma_start3A_479] : memref<125000x8x32xf32, #tpu.memory_space<hbm>> -> memref<1x1x32xf32, #tpu.memory_space<hbm>>
    %dma_start3A_481 = tpu.memref_squeeze %dma_start3A_480 : memref<1x1x32xf32, #tpu.memory_space<hbm>> -> memref<32xf32, #tpu.memory_space<hbm>>
    %dma_start3A_482 = tpu.memref_slice %arg19[%dma_start3A_475] : memref<4x!tpu.dma_semaphore, #tpu.memory_space<semaphore_mem>> -> memref<1x!tpu.dma_semaphore, #tpu.memory_space<semaphore_mem>>
    %dma_start3A_483 = tpu.memref_squeeze %dma_start3A_482 : memref<1x!tpu.dma_semaphore, #tpu.memory_space<semaphore_mem>> -> memref<!tpu.dma_semaphore, #tpu.memory_space<semaphore_mem>>
    %dma_start3A_484 = arith.constant 0 : i32
    %dma_start3A_485 = tpu.memref_slice %arg13[%dma_start3A_473, %dma_start3A_474, %dma_start3A_484] : memref<2x16x32xf32, #tpu.memory_space<vmem>> -> memref<1x1x32xf32, #tpu.memory_space<vmem>>
    %dma_start3A_486 = tpu.memref_squeeze %dma_start3A_485 : memref<1x1x32xf32, #tpu.memory_space<vmem>> -> memref<32xf32, #tpu.memory_space<vmem>>
    %dma_start3A_487 = arith.constant 0 : i32
    %dma_start3A_488 = tpu.memref_slice %arg5[%squeeze3A_470, %squeeze3A_472, %dma_start3A_487] : memref<125000x8x32xf32, #tpu.memory_space<hbm>> -> memref<1x1x32xf32, #tpu.memory_space<hbm>>
    %dma_start3A_489 = tpu.memref_squeeze %dma_start3A_488 : memref<1x1x32xf32, #tpu.memory_space<hbm>> -> memref<32xf32, #tpu.memory_space<hbm>>
    tpu.enqueue_dma source(%dma_start3A_489 : memref<32xf32, #tpu.memory_space<hbm>>) target(%dma_start3A_486 : memref<32xf32, #tpu.memory_space<vmem>>) target_semaphore(%dma_start3A_483 : memref<!tpu.dma_semaphore, #tpu.memory_space<semaphore_mem>>)
    %slice3A_490 = vector.extract_strided_slice %shift_right_logical3A_19 {offsets = [11], sizes = [1], strides = [1]} : vector<16xi32> to vector<1xi32>
    %squeeze3A_491 = vector.extract %slice3A_490[0] : i32 from vector<1xi32>
    %slice3A_492 = vector.extract_strided_slice %and3A_24 {offsets = [11], sizes = [1], strides = [1]} : vector<16xi32> to vector<1xi32>
    %squeeze3A_493 = vector.extract %slice3A_492[0] : i32 from vector<1xi32>
    %dma_start3A_494 = arith.constant 0 : i32
    %dma_start3A_495 = arith.constant 11 : i32
    %dma_start3A_496 = arith.constant 3 : i32
    %dma_start3A_497 = arith.constant 0 : i32
    %dma_start3A_498 = tpu.memref_slice %arg12[%dma_start3A_494, %dma_start3A_495, %dma_start3A_497] : memref<2x16x32xf32, #tpu.memory_space<vmem>> -> memref<1x1x32xf32, #tpu.memory_space<vmem>>
    %dma_start3A_499 = tpu.memref_squeeze %dma_start3A_498 : memref<1x1x32xf32, #tpu.memory_space<vmem>> -> memref<32xf32, #tpu.memory_space<vmem>>
    %dma_start3A_500 = arith.constant 0 : i32
    %dma_start3A_501 = tpu.memref_slice %arg4[%squeeze3A_491, %squeeze3A_493, %dma_start3A_500] : memref<125000x8x32xf32, #tpu.memory_space<hbm>> -> memref<1x1x32xf32, #tpu.memory_space<hbm>>
    %dma_start3A_502 = tpu.memref_squeeze %dma_start3A_501 : memref<1x1x32xf32, #tpu.memory_space<hbm>> -> memref<32xf32, #tpu.memory_space<hbm>>
    %dma_start3A_503 = tpu.memref_slice %arg18[%dma_start3A_496] : memref<4x!tpu.dma_semaphore, #tpu.memory_space<semaphore_mem>> -> memref<1x!tpu.dma_semaphore, #tpu.memory_space<semaphore_mem>>
    %dma_start3A_504 = tpu.memref_squeeze %dma_start3A_503 : memref<1x!tpu.dma_semaphore, #tpu.memory_space<semaphore_mem>> -> memref<!tpu.dma_semaphore, #tpu.memory_space<semaphore_mem>>
    %dma_start3A_505 = arith.constant 0 : i32
    %dma_start3A_506 = tpu.memref_slice %arg12[%dma_start3A_494, %dma_start3A_495, %dma_start3A_505] : memref<2x16x32xf32, #tpu.memory_space<vmem>> -> memref<1x1x32xf32, #tpu.memory_space<vmem>>
    %dma_start3A_507 = tpu.memref_squeeze %dma_start3A_506 : memref<1x1x32xf32, #tpu.memory_space<vmem>> -> memref<32xf32, #tpu.memory_space<vmem>>
    %dma_start3A_508 = arith.constant 0 : i32
    %dma_start3A_509 = tpu.memref_slice %arg4[%squeeze3A_491, %squeeze3A_493, %dma_start3A_508] : memref<125000x8x32xf32, #tpu.memory_space<hbm>> -> memref<1x1x32xf32, #tpu.memory_space<hbm>>
    %dma_start3A_510 = tpu.memref_squeeze %dma_start3A_509 : memref<1x1x32xf32, #tpu.memory_space<hbm>> -> memref<32xf32, #tpu.memory_space<hbm>>
    tpu.enqueue_dma source(%dma_start3A_510 : memref<32xf32, #tpu.memory_space<hbm>>) target(%dma_start3A_507 : memref<32xf32, #tpu.memory_space<vmem>>) target_semaphore(%dma_start3A_504 : memref<!tpu.dma_semaphore, #tpu.memory_space<semaphore_mem>>)
    %slice3A_511 = vector.extract_strided_slice %shift_right_logical3A_22 {offsets = [11], sizes = [1], strides = [1]} : vector<16xi32> to vector<1xi32>
    %squeeze3A_512 = vector.extract %slice3A_511[0] : i32 from vector<1xi32>
    %slice3A_513 = vector.extract_strided_slice %and3A_27 {offsets = [11], sizes = [1], strides = [1]} : vector<16xi32> to vector<1xi32>
    %squeeze3A_514 = vector.extract %slice3A_513[0] : i32 from vector<1xi32>
    %dma_start3A_515 = arith.constant 0 : i32
    %dma_start3A_516 = arith.constant 11 : i32
    %dma_start3A_517 = arith.constant 3 : i32
    %dma_start3A_518 = arith.constant 0 : i32
    %dma_start3A_519 = tpu.memref_slice %arg13[%dma_start3A_515, %dma_start3A_516, %dma_start3A_518] : memref<2x16x32xf32, #tpu.memory_space<vmem>> -> memref<1x1x32xf32, #tpu.memory_space<vmem>>
    %dma_start3A_520 = tpu.memref_squeeze %dma_start3A_519 : memref<1x1x32xf32, #tpu.memory_space<vmem>> -> memref<32xf32, #tpu.memory_space<vmem>>
    %dma_start3A_521 = arith.constant 0 : i32
    %dma_start3A_522 = tpu.memref_slice %arg5[%squeeze3A_512, %squeeze3A_514, %dma_start3A_521] : memref<125000x8x32xf32, #tpu.memory_space<hbm>> -> memref<1x1x32xf32, #tpu.memory_space<hbm>>
    %dma_start3A_523 = tpu.memref_squeeze %dma_start3A_522 : memref<1x1x32xf32, #tpu.memory_space<hbm>> -> memref<32xf32, #tpu.memory_space<hbm>>
    %dma_start3A_524 = tpu.memref_slice %arg19[%dma_start3A_517] : memref<4x!tpu.dma_semaphore, #tpu.memory_space<semaphore_mem>> -> memref<1x!tpu.dma_semaphore, #tpu.memory_space<semaphore_mem>>
    %dma_start3A_525 = tpu.memref_squeeze %dma_start3A_524 : memref<1x!tpu.dma_semaphore, #tpu.memory_space<semaphore_mem>> -> memref<!tpu.dma_semaphore, #tpu.memory_space<semaphore_mem>>
    %dma_start3A_526 = arith.constant 0 : i32
    %dma_start3A_527 = tpu.memref_slice %arg13[%dma_start3A_515, %dma_start3A_516, %dma_start3A_526] : memref<2x16x32xf32, #tpu.memory_space<vmem>> -> memref<1x1x32xf32, #tpu.memory_space<vmem>>
    %dma_start3A_528 = tpu.memref_squeeze %dma_start3A_527 : memref<1x1x32xf32, #tpu.memory_space<vmem>> -> memref<32xf32, #tpu.memory_space<vmem>>
    %dma_start3A_529 = arith.constant 0 : i32
    %dma_start3A_530 = tpu.memref_slice %arg5[%squeeze3A_512, %squeeze3A_514, %dma_start3A_529] : memref<125000x8x32xf32, #tpu.memory_space<hbm>> -> memref<1x1x32xf32, #tpu.memory_space<hbm>>
    %dma_start3A_531 = tpu.memref_squeeze %dma_start3A_530 : memref<1x1x32xf32, #tpu.memory_space<hbm>> -> memref<32xf32, #tpu.memory_space<hbm>>
    tpu.enqueue_dma source(%dma_start3A_531 : memref<32xf32, #tpu.memory_space<hbm>>) target(%dma_start3A_528 : memref<32xf32, #tpu.memory_space<vmem>>) target_semaphore(%dma_start3A_525 : memref<!tpu.dma_semaphore, #tpu.memory_space<semaphore_mem>>)
    %slice3A_532 = vector.extract_strided_slice %shift_right_logical3A_19 {offsets = [12], sizes = [1], strides = [1]} : vector<16xi32> to vector<1xi32>
    %squeeze3A_533 = vector.extract %slice3A_532[0] : i32 from vector<1xi32>
    %slice3A_534 = vector.extract_strided_slice %and3A_24 {offsets = [12], sizes = [1], strides = [1]} : vector<16xi32> to vector<1xi32>
    %squeeze3A_535 = vector.extract %slice3A_534[0] : i32 from vector<1xi32>
    %dma_start3A_536 = arith.constant 0 : i32
    %dma_start3A_537 = arith.constant 12 : i32
    %dma_start3A_538 = arith.constant 0 : i32
    %dma_start3A_539 = arith.constant 0 : i32
    %dma_start3A_540 = tpu.memref_slice %arg12[%dma_start3A_536, %dma_start3A_537, %dma_start3A_539] : memref<2x16x32xf32, #tpu.memory_space<vmem>> -> memref<1x1x32xf32, #tpu.memory_space<vmem>>
    %dma_start3A_541 = tpu.memref_squeeze %dma_start3A_540 : memref<1x1x32xf32, #tpu.memory_space<vmem>> -> memref<32xf32, #tpu.memory_space<vmem>>
    %dma_start3A_542 = arith.constant 0 : i32
    %dma_start3A_543 = tpu.memref_slice %arg4[%squeeze3A_533, %squeeze3A_535, %dma_start3A_542] : memref<125000x8x32xf32, #tpu.memory_space<hbm>> -> memref<1x1x32xf32, #tpu.memory_space<hbm>>
    %dma_start3A_544 = tpu.memref_squeeze %dma_start3A_543 : memref<1x1x32xf32, #tpu.memory_space<hbm>> -> memref<32xf32, #tpu.memory_space<hbm>>
    %dma_start3A_545 = tpu.memref_slice %arg18[%dma_start3A_538] : memref<4x!tpu.dma_semaphore, #tpu.memory_space<semaphore_mem>> -> memref<1x!tpu.dma_semaphore, #tpu.memory_space<semaphore_mem>>
    %dma_start3A_546 = tpu.memref_squeeze %dma_start3A_545 : memref<1x!tpu.dma_semaphore, #tpu.memory_space<semaphore_mem>> -> memref<!tpu.dma_semaphore, #tpu.memory_space<semaphore_mem>>
    %dma_start3A_547 = arith.constant 0 : i32
    %dma_start3A_548 = tpu.memref_slice %arg12[%dma_start3A_536, %dma_start3A_537, %dma_start3A_547] : memref<2x16x32xf32, #tpu.memory_space<vmem>> -> memref<1x1x32xf32, #tpu.memory_space<vmem>>
    %dma_start3A_549 = tpu.memref_squeeze %dma_start3A_548 : memref<1x1x32xf32, #tpu.memory_space<vmem>> -> memref<32xf32, #tpu.memory_space<vmem>>
    %dma_start3A_550 = arith.constant 0 : i32
    %dma_start3A_551 = tpu.memref_slice %arg4[%squeeze3A_533, %squeeze3A_535, %dma_start3A_550] : memref<125000x8x32xf32, #tpu.memory_space<hbm>> -> memref<1x1x32xf32, #tpu.memory_space<hbm>>
    %dma_start3A_552 = tpu.memref_squeeze %dma_start3A_551 : memref<1x1x32xf32, #tpu.memory_space<hbm>> -> memref<32xf32, #tpu.memory_space<hbm>>
    tpu.enqueue_dma source(%dma_start3A_552 : memref<32xf32, #tpu.memory_space<hbm>>) target(%dma_start3A_549 : memref<32xf32, #tpu.memory_space<vmem>>) target_semaphore(%dma_start3A_546 : memref<!tpu.dma_semaphore, #tpu.memory_space<semaphore_mem>>)
    %slice3A_553 = vector.extract_strided_slice %shift_right_logical3A_22 {offsets = [12], sizes = [1], strides = [1]} : vector<16xi32> to vector<1xi32>
    %squeeze3A_554 = vector.extract %slice3A_553[0] : i32 from vector<1xi32>
    %slice3A_555 = vector.extract_strided_slice %and3A_27 {offsets = [12], sizes = [1], strides = [1]} : vector<16xi32> to vector<1xi32>
    %squeeze3A_556 = vector.extract %slice3A_555[0] : i32 from vector<1xi32>
    %dma_start3A_557 = arith.constant 0 : i32
    %dma_start3A_558 = arith.constant 12 : i32
    %dma_start3A_559 = arith.constant 0 : i32
    %dma_start3A_560 = arith.constant 0 : i32
    %dma_start3A_561 = tpu.memref_slice %arg13[%dma_start3A_557, %dma_start3A_558, %dma_start3A_560] : memref<2x16x32xf32, #tpu.memory_space<vmem>> -> memref<1x1x32xf32, #tpu.memory_space<vmem>>
    %dma_start3A_562 = tpu.memref_squeeze %dma_start3A_561 : memref<1x1x32xf32, #tpu.memory_space<vmem>> -> memref<32xf32, #tpu.memory_space<vmem>>
    %dma_start3A_563 = arith.constant 0 : i32
    %dma_start3A_564 = tpu.memref_slice %arg5[%squeeze3A_554, %squeeze3A_556, %dma_start3A_563] : memref<125000x8x32xf32, #tpu.memory_space<hbm>> -> memref<1x1x32xf32, #tpu.memory_space<hbm>>
    %dma_start3A_565 = tpu.memref_squeeze %dma_start3A_564 : memref<1x1x32xf32, #tpu.memory_space<hbm>> -> memref<32xf32, #tpu.memory_space<hbm>>
    %dma_start3A_566 = tpu.memref_slice %arg19[%dma_start3A_559] : memref<4x!tpu.dma_semaphore, #tpu.memory_space<semaphore_mem>> -> memref<1x!tpu.dma_semaphore, #tpu.memory_space<semaphore_mem>>
    %dma_start3A_567 = tpu.memref_squeeze %dma_start3A_566 : memref<1x!tpu.dma_semaphore, #tpu.memory_space<semaphore_mem>> -> memref<!tpu.dma_semaphore, #tpu.memory_space<semaphore_mem>>
    %dma_start3A_568 = arith.constant 0 : i32
    %dma_start3A_569 = tpu.memref_slice %arg13[%dma_start3A_557, %dma_start3A_558, %dma_start3A_568] : memref<2x16x32xf32, #tpu.memory_space<vmem>> -> memref<1x1x32xf32, #tpu.memory_space<vmem>>
    %dma_start3A_570 = tpu.memref_squeeze %dma_start3A_569 : memref<1x1x32xf32, #tpu.memory_space<vmem>> -> memref<32xf32, #tpu.memory_space<vmem>>
    %dma_start3A_571 = arith.constant 0 : i32
    %dma_start3A_572 = tpu.memref_slice %arg5[%squeeze3A_554, %squeeze3A_556, %dma_start3A_571] : memref<125000x8x32xf32, #tpu.memory_space<hbm>> -> memref<1x1x32xf32, #tpu.memory_space<hbm>>
    %dma_start3A_573 = tpu.memref_squeeze %dma_start3A_572 : memref<1x1x32xf32, #tpu.memory_space<hbm>> -> memref<32xf32, #tpu.memory_space<hbm>>
    tpu.enqueue_dma source(%dma_start3A_573 : memref<32xf32, #tpu.memory_space<hbm>>) target(%dma_start3A_570 : memref<32xf32, #tpu.memory_space<vmem>>) target_semaphore(%dma_start3A_567 : memref<!tpu.dma_semaphore, #tpu.memory_space<semaphore_mem>>)
    %slice3A_574 = vector.extract_strided_slice %shift_right_logical3A_19 {offsets = [13], sizes = [1], strides = [1]} : vector<16xi32> to vector<1xi32>
    %squeeze3A_575 = vector.extract %slice3A_574[0] : i32 from vector<1xi32>
    %slice3A_576 = vector.extract_strided_slice %and3A_24 {offsets = [13], sizes = [1], strides = [1]} : vector<16xi32> to vector<1xi32>
    %squeeze3A_577 = vector.extract %slice3A_576[0] : i32 from vector<1xi32>
    %dma_start3A_578 = arith.constant 0 : i32
    %dma_start3A_579 = arith.constant 13 : i32
    %dma_start3A_580 = arith.constant 1 : i32
    %dma_start3A_581 = arith.constant 0 : i32
    %dma_start3A_582 = tpu.memref_slice %arg12[%dma_start3A_578, %dma_start3A_579, %dma_start3A_581] : memref<2x16x32xf32, #tpu.memory_space<vmem>> -> memref<1x1x32xf32, #tpu.memory_space<vmem>>
    %dma_start3A_583 = tpu.memref_squeeze %dma_start3A_582 : memref<1x1x32xf32, #tpu.memory_space<vmem>> -> memref<32xf32, #tpu.memory_space<vmem>>
    %dma_start3A_584 = arith.constant 0 : i32
    %dma_start3A_585 = tpu.memref_slice %arg4[%squeeze3A_575, %squeeze3A_577, %dma_start3A_584] : memref<125000x8x32xf32, #tpu.memory_space<hbm>> -> memref<1x1x32xf32, #tpu.memory_space<hbm>>
    %dma_start3A_586 = tpu.memref_squeeze %dma_start3A_585 : memref<1x1x32xf32, #tpu.memory_space<hbm>> -> memref<32xf32, #tpu.memory_space<hbm>>
    %dma_start3A_587 = tpu.memref_slice %arg18[%dma_start3A_580] : memref<4x!tpu.dma_semaphore, #tpu.memory_space<semaphore_mem>> -> memref<1x!tpu.dma_semaphore, #tpu.memory_space<semaphore_mem>>
    %dma_start3A_588 = tpu.memref_squeeze %dma_start3A_587 : memref<1x!tpu.dma_semaphore, #tpu.memory_space<semaphore_mem>> -> memref<!tpu.dma_semaphore, #tpu.memory_space<semaphore_mem>>
    %dma_start3A_589 = arith.constant 0 : i32
    %dma_start3A_590 = tpu.memref_slice %arg12[%dma_start3A_578, %dma_start3A_579, %dma_start3A_589] : memref<2x16x32xf32, #tpu.memory_space<vmem>> -> memref<1x1x32xf32, #tpu.memory_space<vmem>>
    %dma_start3A_591 = tpu.memref_squeeze %dma_start3A_590 : memref<1x1x32xf32, #tpu.memory_space<vmem>> -> memref<32xf32, #tpu.memory_space<vmem>>
    %dma_start3A_592 = arith.constant 0 : i32
    %dma_start3A_593 = tpu.memref_slice %arg4[%squeeze3A_575, %squeeze3A_577, %dma_start3A_592] : memref<125000x8x32xf32, #tpu.memory_space<hbm>> -> memref<1x1x32xf32, #tpu.memory_space<hbm>>
    %dma_start3A_594 = tpu.memref_squeeze %dma_start3A_593 : memref<1x1x32xf32, #tpu.memory_space<hbm>> -> memref<32xf32, #tpu.memory_space<hbm>>
    tpu.enqueue_dma source(%dma_start3A_594 : memref<32xf32, #tpu.memory_space<hbm>>) target(%dma_start3A_591 : memref<32xf32, #tpu.memory_space<vmem>>) target_semaphore(%dma_start3A_588 : memref<!tpu.dma_semaphore, #tpu.memory_space<semaphore_mem>>)
    %slice3A_595 = vector.extract_strided_slice %shift_right_logical3A_22 {offsets = [13], sizes = [1], strides = [1]} : vector<16xi32> to vector<1xi32>
    %squeeze3A_596 = vector.extract %slice3A_595[0] : i32 from vector<1xi32>
    %slice3A_597 = vector.extract_strided_slice %and3A_27 {offsets = [13], sizes = [1], strides = [1]} : vector<16xi32> to vector<1xi32>
    %squeeze3A_598 = vector.extract %slice3A_597[0] : i32 from vector<1xi32>
    %dma_start3A_599 = arith.constant 0 : i32
    %dma_start3A_600 = arith.constant 13 : i32
    %dma_start3A_601 = arith.constant 1 : i32
    %dma_start3A_602 = arith.constant 0 : i32
    %dma_start3A_603 = tpu.memref_slice %arg13[%dma_start3A_599, %dma_start3A_600, %dma_start3A_602] : memref<2x16x32xf32, #tpu.memory_space<vmem>> -> memref<1x1x32xf32, #tpu.memory_space<vmem>>
    %dma_start3A_604 = tpu.memref_squeeze %dma_start3A_603 : memref<1x1x32xf32, #tpu.memory_space<vmem>> -> memref<32xf32, #tpu.memory_space<vmem>>
    %dma_start3A_605 = arith.constant 0 : i32
    %dma_start3A_606 = tpu.memref_slice %arg5[%squeeze3A_596, %squeeze3A_598, %dma_start3A_605] : memref<125000x8x32xf32, #tpu.memory_space<hbm>> -> memref<1x1x32xf32, #tpu.memory_space<hbm>>
    %dma_start3A_607 = tpu.memref_squeeze %dma_start3A_606 : memref<1x1x32xf32, #tpu.memory_space<hbm>> -> memref<32xf32, #tpu.memory_space<hbm>>
    %dma_start3A_608 = tpu.memref_slice %arg19[%dma_start3A_601] : memref<4x!tpu.dma_semaphore, #tpu.memory_space<semaphore_mem>> -> memref<1x!tpu.dma_semaphore, #tpu.memory_space<semaphore_mem>>
    %dma_start3A_609 = tpu.memref_squeeze %dma_start3A_608 : memref<1x!tpu.dma_semaphore, #tpu.memory_space<semaphore_mem>> -> memref<!tpu.dma_semaphore, #tpu.memory_space<semaphore_mem>>
    %dma_start3A_610 = arith.constant 0 : i32
    %dma_start3A_611 = tpu.memref_slice %arg13[%dma_start3A_599, %dma_start3A_600, %dma_start3A_610] : memref<2x16x32xf32, #tpu.memory_space<vmem>> -> memref<1x1x32xf32, #tpu.memory_space<vmem>>
    %dma_start3A_612 = tpu.memref_squeeze %dma_start3A_611 : memref<1x1x32xf32, #tpu.memory_space<vmem>> -> memref<32xf32, #tpu.memory_space<vmem>>
    %dma_start3A_613 = arith.constant 0 : i32
    %dma_start3A_614 = tpu.memref_slice %arg5[%squeeze3A_596, %squeeze3A_598, %dma_start3A_613] : memref<125000x8x32xf32, #tpu.memory_space<hbm>> -> memref<1x1x32xf32, #tpu.memory_space<hbm>>
    %dma_start3A_615 = tpu.memref_squeeze %dma_start3A_614 : memref<1x1x32xf32, #tpu.memory_space<hbm>> -> memref<32xf32, #tpu.memory_space<hbm>>
    tpu.enqueue_dma source(%dma_start3A_615 : memref<32xf32, #tpu.memory_space<hbm>>) target(%dma_start3A_612 : memref<32xf32, #tpu.memory_space<vmem>>) target_semaphore(%dma_start3A_609 : memref<!tpu.dma_semaphore, #tpu.memory_space<semaphore_mem>>)
    %slice3A_616 = vector.extract_strided_slice %shift_right_logical3A_19 {offsets = [14], sizes = [1], strides = [1]} : vector<16xi32> to vector<1xi32>
    %squeeze3A_617 = vector.extract %slice3A_616[0] : i32 from vector<1xi32>
    %slice3A_618 = vector.extract_strided_slice %and3A_24 {offsets = [14], sizes = [1], strides = [1]} : vector<16xi32> to vector<1xi32>
    %squeeze3A_619 = vector.extract %slice3A_618[0] : i32 from vector<1xi32>
    %dma_start3A_620 = arith.constant 0 : i32
    %dma_start3A_621 = arith.constant 14 : i32
    %dma_start3A_622 = arith.constant 2 : i32
    %dma_start3A_623 = arith.constant 0 : i32
    %dma_start3A_624 = tpu.memref_slice %arg12[%dma_start3A_620, %dma_start3A_621, %dma_start3A_623] : memref<2x16x32xf32, #tpu.memory_space<vmem>> -> memref<1x1x32xf32, #tpu.memory_space<vmem>>
    %dma_start3A_625 = tpu.memref_squeeze %dma_start3A_624 : memref<1x1x32xf32, #tpu.memory_space<vmem>> -> memref<32xf32, #tpu.memory_space<vmem>>
    %dma_start3A_626 = arith.constant 0 : i32
    %dma_start3A_627 = tpu.memref_slice %arg4[%squeeze3A_617, %squeeze3A_619, %dma_start3A_626] : memref<125000x8x32xf32, #tpu.memory_space<hbm>> -> memref<1x1x32xf32, #tpu.memory_space<hbm>>
    %dma_start3A_628 = tpu.memref_squeeze %dma_start3A_627 : memref<1x1x32xf32, #tpu.memory_space<hbm>> -> memref<32xf32, #tpu.memory_space<hbm>>
    %dma_start3A_629 = tpu.memref_slice %arg18[%dma_start3A_622] : memref<4x!tpu.dma_semaphore, #tpu.memory_space<semaphore_mem>> -> memref<1x!tpu.dma_semaphore, #tpu.memory_space<semaphore_mem>>
    %dma_start3A_630 = tpu.memref_squeeze %dma_start3A_629 : memref<1x!tpu.dma_semaphore, #tpu.memory_space<semaphore_mem>> -> memref<!tpu.dma_semaphore, #tpu.memory_space<semaphore_mem>>
    %dma_start3A_631 = arith.constant 0 : i32
    %dma_start3A_632 = tpu.memref_slice %arg12[%dma_start3A_620, %dma_start3A_621, %dma_start3A_631] : memref<2x16x32xf32, #tpu.memory_space<vmem>> -> memref<1x1x32xf32, #tpu.memory_space<vmem>>
    %dma_start3A_633 = tpu.memref_squeeze %dma_start3A_632 : memref<1x1x32xf32, #tpu.memory_space<vmem>> -> memref<32xf32, #tpu.memory_space<vmem>>
    %dma_start3A_634 = arith.constant 0 : i32
    %dma_start3A_635 = tpu.memref_slice %arg4[%squeeze3A_617, %squeeze3A_619, %dma_start3A_634] : memref<125000x8x32xf32, #tpu.memory_space<hbm>> -> memref<1x1x32xf32, #tpu.memory_space<hbm>>
    %dma_start3A_636 = tpu.memref_squeeze %dma_start3A_635 : memref<1x1x32xf32, #tpu.memory_space<hbm>> -> memref<32xf32, #tpu.memory_space<hbm>>
    tpu.enqueue_dma source(%dma_start3A_636 : memref<32xf32, #tpu.memory_space<hbm>>) target(%dma_start3A_633 : memref<32xf32, #tpu.memory_space<vmem>>) target_semaphore(%dma_start3A_630 : memref<!tpu.dma_semaphore, #tpu.memory_space<semaphore_mem>>)
    %slice3A_637 = vector.extract_strided_slice %shift_right_logical3A_22 {offsets = [14], sizes = [1], strides = [1]} : vector<16xi32> to vector<1xi32>
    %squeeze3A_638 = vector.extract %slice3A_637[0] : i32 from vector<1xi32>
    %slice3A_639 = vector.extract_strided_slice %and3A_27 {offsets = [14], sizes = [1], strides = [1]} : vector<16xi32> to vector<1xi32>
    %squeeze3A_640 = vector.extract %slice3A_639[0] : i32 from vector<1xi32>
    %dma_start3A_641 = arith.constant 0 : i32
    %dma_start3A_642 = arith.constant 14 : i32
    %dma_start3A_643 = arith.constant 2 : i32
    %dma_start3A_644 = arith.constant 0 : i32
    %dma_start3A_645 = tpu.memref_slice %arg13[%dma_start3A_641, %dma_start3A_642, %dma_start3A_644] : memref<2x16x32xf32, #tpu.memory_space<vmem>> -> memref<1x1x32xf32, #tpu.memory_space<vmem>>
    %dma_start3A_646 = tpu.memref_squeeze %dma_start3A_645 : memref<1x1x32xf32, #tpu.memory_space<vmem>> -> memref<32xf32, #tpu.memory_space<vmem>>
    %dma_start3A_647 = arith.constant 0 : i32
    %dma_start3A_648 = tpu.memref_slice %arg5[%squeeze3A_638, %squeeze3A_640, %dma_start3A_647] : memref<125000x8x32xf32, #tpu.memory_space<hbm>> -> memref<1x1x32xf32, #tpu.memory_space<hbm>>
    %dma_start3A_649 = tpu.memref_squeeze %dma_start3A_648 : memref<1x1x32xf32, #tpu.memory_space<hbm>> -> memref<32xf32, #tpu.memory_space<hbm>>
    %dma_start3A_650 = tpu.memref_slice %arg19[%dma_start3A_643] : memref<4x!tpu.dma_semaphore, #tpu.memory_space<semaphore_mem>> -> memref<1x!tpu.dma_semaphore, #tpu.memory_space<semaphore_mem>>
    %dma_start3A_651 = tpu.memref_squeeze %dma_start3A_650 : memref<1x!tpu.dma_semaphore, #tpu.memory_space<semaphore_mem>> -> memref<!tpu.dma_semaphore, #tpu.memory_space<semaphore_mem>>
    %dma_start3A_652 = arith.constant 0 : i32
    %dma_start3A_653 = tpu.memref_slice %arg13[%dma_start3A_641, %dma_start3A_642, %dma_start3A_652] : memref<2x16x32xf32, #tpu.memory_space<vmem>> -> memref<1x1x32xf32, #tpu.memory_space<vmem>>
    %dma_start3A_654 = tpu.memref_squeeze %dma_start3A_653 : memref<1x1x32xf32, #tpu.memory_space<vmem>> -> memref<32xf32, #tpu.memory_space<vmem>>
    %dma_start3A_655 = arith.constant 0 : i32
    %dma_start3A_656 = tpu.memref_slice %arg5[%squeeze3A_638, %squeeze3A_640, %dma_start3A_655] : memref<125000x8x32xf32, #tpu.memory_space<hbm>> -> memref<1x1x32xf32, #tpu.memory_space<hbm>>
    %dma_start3A_657 = tpu.memref_squeeze %dma_start3A_656 : memref<1x1x32xf32, #tpu.memory_space<hbm>> -> memref<32xf32, #tpu.memory_space<hbm>>
    tpu.enqueue_dma source(%dma_start3A_657 : memref<32xf32, #tpu.memory_space<hbm>>) target(%dma_start3A_654 : memref<32xf32, #tpu.memory_space<vmem>>) target_semaphore(%dma_start3A_651 : memref<!tpu.dma_semaphore, #tpu.memory_space<semaphore_mem>>)
    %slice3A_658 = vector.extract_strided_slice %shift_right_logical3A_19 {offsets = [15], sizes = [1], strides = [1]} : vector<16xi32> to vector<1xi32>
    %squeeze3A_659 = vector.extract %slice3A_658[0] : i32 from vector<1xi32>
    %slice3A_660 = vector.extract_strided_slice %and3A_24 {offsets = [15], sizes = [1], strides = [1]} : vector<16xi32> to vector<1xi32>
    %squeeze3A_661 = vector.extract %slice3A_660[0] : i32 from vector<1xi32>
    %dma_start3A_662 = arith.constant 0 : i32
    %dma_start3A_663 = arith.constant 15 : i32
    %dma_start3A_664 = arith.constant 3 : i32
    %dma_start3A_665 = arith.constant 0 : i32
    %dma_start3A_666 = tpu.memref_slice %arg12[%dma_start3A_662, %dma_start3A_663, %dma_start3A_665] : memref<2x16x32xf32, #tpu.memory_space<vmem>> -> memref<1x1x32xf32, #tpu.memory_space<vmem>>
    %dma_start3A_667 = tpu.memref_squeeze %dma_start3A_666 : memref<1x1x32xf32, #tpu.memory_space<vmem>> -> memref<32xf32, #tpu.memory_space<vmem>>
    %dma_start3A_668 = arith.constant 0 : i32
    %dma_start3A_669 = tpu.memref_slice %arg4[%squeeze3A_659, %squeeze3A_661, %dma_start3A_668] : memref<125000x8x32xf32, #tpu.memory_space<hbm>> -> memref<1x1x32xf32, #tpu.memory_space<hbm>>
    %dma_start3A_670 = tpu.memref_squeeze %dma_start3A_669 : memref<1x1x32xf32, #tpu.memory_space<hbm>> -> memref<32xf32, #tpu.memory_space<hbm>>
    %dma_start3A_671 = tpu.memref_slice %arg18[%dma_start3A_664] : memref<4x!tpu.dma_semaphore, #tpu.memory_space<semaphore_mem>> -> memref<1x!tpu.dma_semaphore, #tpu.memory_space<semaphore_mem>>
    %dma_start3A_672 = tpu.memref_squeeze %dma_start3A_671 : memref<1x!tpu.dma_semaphore, #tpu.memory_space<semaphore_mem>> -> memref<!tpu.dma_semaphore, #tpu.memory_space<semaphore_mem>>
    %dma_start3A_673 = arith.constant 0 : i32
    %dma_start3A_674 = tpu.memref_slice %arg12[%dma_start3A_662, %dma_start3A_663, %dma_start3A_673] : memref<2x16x32xf32, #tpu.memory_space<vmem>> -> memref<1x1x32xf32, #tpu.memory_space<vmem>>
    %dma_start3A_675 = tpu.memref_squeeze %dma_start3A_674 : memref<1x1x32xf32, #tpu.memory_space<vmem>> -> memref<32xf32, #tpu.memory_space<vmem>>
    %dma_start3A_676 = arith.constant 0 : i32
    %dma_start3A_677 = tpu.memref_slice %arg4[%squeeze3A_659, %squeeze3A_661, %dma_start3A_676] : memref<125000x8x32xf32, #tpu.memory_space<hbm>> -> memref<1x1x32xf32, #tpu.memory_space<hbm>>
    %dma_start3A_678 = tpu.memref_squeeze %dma_start3A_677 : memref<1x1x32xf32, #tpu.memory_space<hbm>> -> memref<32xf32, #tpu.memory_space<hbm>>
    tpu.enqueue_dma source(%dma_start3A_678 : memref<32xf32, #tpu.memory_space<hbm>>) target(%dma_start3A_675 : memref<32xf32, #tpu.memory_space<vmem>>) target_semaphore(%dma_start3A_672 : memref<!tpu.dma_semaphore, #tpu.memory_space<semaphore_mem>>)
    %slice3A_679 = vector.extract_strided_slice %shift_right_logical3A_22 {offsets = [15], sizes = [1], strides = [1]} : vector<16xi32> to vector<1xi32>
    %squeeze3A_680 = vector.extract %slice3A_679[0] : i32 from vector<1xi32>
    %slice3A_681 = vector.extract_strided_slice %and3A_27 {offsets = [15], sizes = [1], strides = [1]} : vector<16xi32> to vector<1xi32>
    %squeeze3A_682 = vector.extract %slice3A_681[0] : i32 from vector<1xi32>
    %dma_start3A_683 = arith.constant 0 : i32
    %dma_start3A_684 = arith.constant 15 : i32
    %dma_start3A_685 = arith.constant 3 : i32
    %dma_start3A_686 = arith.constant 0 : i32
    %dma_start3A_687 = tpu.memref_slice %arg13[%dma_start3A_683, %dma_start3A_684, %dma_start3A_686] : memref<2x16x32xf32, #tpu.memory_space<vmem>> -> memref<1x1x32xf32, #tpu.memory_space<vmem>>
    %dma_start3A_688 = tpu.memref_squeeze %dma_start3A_687 : memref<1x1x32xf32, #tpu.memory_space<vmem>> -> memref<32xf32, #tpu.memory_space<vmem>>
    %dma_start3A_689 = arith.constant 0 : i32
    %dma_start3A_690 = tpu.memref_slice %arg5[%squeeze3A_680, %squeeze3A_682, %dma_start3A_689] : memref<125000x8x32xf32, #tpu.memory_space<hbm>> -> memref<1x1x32xf32, #tpu.memory_space<hbm>>
    %dma_start3A_691 = tpu.memref_squeeze %dma_start3A_690 : memref<1x1x32xf32, #tpu.memory_space<hbm>> -> memref<32xf32, #tpu.memory_space<hbm>>
    %dma_start3A_692 = tpu.memref_slice %arg19[%dma_start3A_685] : memref<4x!tpu.dma_semaphore, #tpu.memory_space<semaphore_mem>> -> memref<1x!tpu.dma_semaphore, #tpu.memory_space<semaphore_mem>>
    %dma_start3A_693 = tpu.memref_squeeze %dma_start3A_692 : memref<1x!tpu.dma_semaphore, #tpu.memory_space<semaphore_mem>> -> memref<!tpu.dma_semaphore, #tpu.memory_space<semaphore_mem>>
    %dma_start3A_694 = arith.constant 0 : i32
    %dma_start3A_695 = tpu.memref_slice %arg13[%dma_start3A_683, %dma_start3A_684, %dma_start3A_694] : memref<2x16x32xf32, #tpu.memory_space<vmem>> -> memref<1x1x32xf32, #tpu.memory_space<vmem>>
    %dma_start3A_696 = tpu.memref_squeeze %dma_start3A_695 : memref<1x1x32xf32, #tpu.memory_space<vmem>> -> memref<32xf32, #tpu.memory_space<vmem>>
    %dma_start3A_697 = arith.constant 0 : i32
    %dma_start3A_698 = tpu.memref_slice %arg5[%squeeze3A_680, %squeeze3A_682, %dma_start3A_697] : memref<125000x8x32xf32, #tpu.memory_space<hbm>> -> memref<1x1x32xf32, #tpu.memory_space<hbm>>
    %dma_start3A_699 = tpu.memref_squeeze %dma_start3A_698 : memref<1x1x32xf32, #tpu.memory_space<hbm>> -> memref<32xf32, #tpu.memory_space<hbm>>
    tpu.enqueue_dma source(%dma_start3A_699 : memref<32xf32, #tpu.memory_space<hbm>>) target(%dma_start3A_696 : memref<32xf32, #tpu.memory_space<vmem>>) target_semaphore(%dma_start3A_693 : memref<!tpu.dma_semaphore, #tpu.memory_space<semaphore_mem>>)
    %scan3A = arith.constant 0 : i32
    %scan3A_700 = arith.constant 32 : i32
    %scan3A_701 = arith.addi %scan3A, %scan3A_700 : i32
    %scan3A_702 = arith.constant 1 : i32
    scf.for %scan3A_712 = %scan3A to %scan3A_701 step %scan3A_702  : i32 {
      %and3A_713 = arith.constant 1 : i32
      %and3A_714 = arith.andi %scan3A_712, %and3A_713 : i32
      %add3A_715 = arith.constant 1 : i32
      %add3A_716 = arith.addi %scan3A_712, %add3A_715 : i32
      %lt3A = arith.constant 32 : i32
      %lt3A_717 = arith.cmpi slt, %add3A_716, %lt3A : i32
      %convert_element_type3A = arith.extui %lt3A_717 : i1 to i32
      %cond3A = arith.constant 0 : i32
      %cond3A_718 = arith.cmpi ne, %convert_element_type3A, %cond3A : i32
      scf.if %cond3A_718 {
        %add3A_1746 = arith.constant 1 : i32
        %add3A_1747 = arith.addi %scan3A_712, %add3A_1746 : i32
        %sub3A = arith.constant 1 : i32
        %sub3A_1748 = arith.subi %sub3A, %and3A_714 : i32
        %mul3A_1749 = arith.constant 16 : i32
        %mul3A_1750 = arith.muli %add3A_1747, %mul3A_1749 : i32
        %get3A_1751 = arith.index_cast %mul3A_1750 : i32 to index
        %get3A_1752 = tpu.vector_load %arg10[%get3A_1751] {strides = array<i32>} : memref<512xi32, #tpu.memory_space<vmem>>, vector<16xi32>,
        %mul3A_1753 = arith.constant 16 : i32
        %mul3A_1754 = arith.muli %add3A_1747, %mul3A_1753 : i32
        %get3A_1755 = arith.index_cast %mul3A_1754 : i32 to index
        %get3A_1756 = tpu.vector_load %arg11[%get3A_1755] {strides = array<i32>} : memref<512xi32, #tpu.memory_space<vmem>>, vector<16xi32>,
        %shift_right_logical3A_1757 = arith.constant 3 : i32
        %shift_right_logical3A_1758 = vector.broadcast %shift_right_logical3A_1757 : i32 to vector<16xi32>
        %shift_right_logical3A_1759 = arith.shrui %get3A_1752, %shift_right_logical3A_1758 : vector<16xi32>
        %shift_right_logical3A_1760 = arith.constant 3 : i32
        %shift_right_logical3A_1761 = vector.broadcast %shift_right_logical3A_1760 : i32 to vector<16xi32>
        %shift_right_logical3A_1762 = arith.shrui %get3A_1756, %shift_right_logical3A_1761 : vector<16xi32>
        %and3A_1763 = arith.constant 7 : i32
        %and3A_1764 = vector.broadcast %and3A_1763 : i32 to vector<16xi32>
        %and3A_1765 = arith.andi %get3A_1752, %and3A_1764 : vector<16xi32>
        %and3A_1766 = arith.constant 7 : i32
        %and3A_1767 = vector.broadcast %and3A_1766 : i32 to vector<16xi32>
        %and3A_1768 = arith.andi %get3A_1756, %and3A_1767 : vector<16xi32>
        %slice3A_1769 = vector.extract_strided_slice %shift_right_logical3A_1759 {offsets = [0], sizes = [1], strides = [1]} : vector<16xi32> to vector<1xi32>
        %squeeze3A_1770 = vector.extract %slice3A_1769[0] : i32 from vector<1xi32>
        %slice3A_1771 = vector.extract_strided_slice %and3A_1765 {offsets = [0], sizes = [1], strides = [1]} : vector<16xi32> to vector<1xi32>
        %squeeze3A_1772 = vector.extract %slice3A_1771[0] : i32 from vector<1xi32>
        %dma_start3A_1773 = arith.constant 0 : i32
        %dma_start3A_1774 = arith.constant 0 : i32
        %dma_start3A_1775 = arith.constant 0 : i32
        %dma_start3A_1776 = tpu.memref_slice %arg12[%sub3A_1748, %dma_start3A_1773, %dma_start3A_1775] : memref<2x16x32xf32, #tpu.memory_space<vmem>> -> memref<1x1x32xf32, #tpu.memory_space<vmem>>
        %dma_start3A_1777 = tpu.memref_squeeze %dma_start3A_1776 : memref<1x1x32xf32, #tpu.memory_space<vmem>> -> memref<32xf32, #tpu.memory_space<vmem>>
        %dma_start3A_1778 = arith.constant 0 : i32
        %dma_start3A_1779 = tpu.memref_slice %arg4[%squeeze3A_1770, %squeeze3A_1772, %dma_start3A_1778] : memref<125000x8x32xf32, #tpu.memory_space<hbm>> -> memref<1x1x32xf32, #tpu.memory_space<hbm>>
        %dma_start3A_1780 = tpu.memref_squeeze %dma_start3A_1779 : memref<1x1x32xf32, #tpu.memory_space<hbm>> -> memref<32xf32, #tpu.memory_space<hbm>>
        %dma_start3A_1781 = tpu.memref_slice %arg18[%dma_start3A_1774] : memref<4x!tpu.dma_semaphore, #tpu.memory_space<semaphore_mem>> -> memref<1x!tpu.dma_semaphore, #tpu.memory_space<semaphore_mem>>
        %dma_start3A_1782 = tpu.memref_squeeze %dma_start3A_1781 : memref<1x!tpu.dma_semaphore, #tpu.memory_space<semaphore_mem>> -> memref<!tpu.dma_semaphore, #tpu.memory_space<semaphore_mem>>
        %dma_start3A_1783 = arith.constant 0 : i32
        %dma_start3A_1784 = tpu.memref_slice %arg12[%sub3A_1748, %dma_start3A_1773, %dma_start3A_1783] : memref<2x16x32xf32, #tpu.memory_space<vmem>> -> memref<1x1x32xf32, #tpu.memory_space<vmem>>
        %dma_start3A_1785 = tpu.memref_squeeze %dma_start3A_1784 : memref<1x1x32xf32, #tpu.memory_space<vmem>> -> memref<32xf32, #tpu.memory_space<vmem>>
        %dma_start3A_1786 = arith.constant 0 : i32
        %dma_start3A_1787 = tpu.memref_slice %arg4[%squeeze3A_1770, %squeeze3A_1772, %dma_start3A_1786] : memref<125000x8x32xf32, #tpu.memory_space<hbm>> -> memref<1x1x32xf32, #tpu.memory_space<hbm>>
        %dma_start3A_1788 = tpu.memref_squeeze %dma_start3A_1787 : memref<1x1x32xf32, #tpu.memory_space<hbm>> -> memref<32xf32, #tpu.memory_space<hbm>>
        tpu.enqueue_dma source(%dma_start3A_1788 : memref<32xf32, #tpu.memory_space<hbm>>) target(%dma_start3A_1785 : memref<32xf32, #tpu.memory_space<vmem>>) target_semaphore(%dma_start3A_1782 : memref<!tpu.dma_semaphore, #tpu.memory_space<semaphore_mem>>)
        %slice3A_1789 = vector.extract_strided_slice %shift_right_logical3A_1762 {offsets = [0], sizes = [1], strides = [1]} : vector<16xi32> to vector<1xi32>
        %squeeze3A_1790 = vector.extract %slice3A_1789[0] : i32 from vector<1xi32>
        %slice3A_1791 = vector.extract_strided_slice %and3A_1768 {offsets = [0], sizes = [1], strides = [1]} : vector<16xi32> to vector<1xi32>
        %squeeze3A_1792 = vector.extract %slice3A_1791[0] : i32 from vector<1xi32>
        %dma_start3A_1793 = arith.constant 0 : i32
        %dma_start3A_1794 = arith.constant 0 : i32
        %dma_start3A_1795 = arith.constant 0 : i32
        %dma_start3A_1796 = tpu.memref_slice %arg13[%sub3A_1748, %dma_start3A_1793, %dma_start3A_1795] : memref<2x16x32xf32, #tpu.memory_space<vmem>> -> memref<1x1x32xf32, #tpu.memory_space<vmem>>
        %dma_start3A_1797 = tpu.memref_squeeze %dma_start3A_1796 : memref<1x1x32xf32, #tpu.memory_space<vmem>> -> memref<32xf32, #tpu.memory_space<vmem>>
        %dma_start3A_1798 = arith.constant 0 : i32
        %dma_start3A_1799 = tpu.memref_slice %arg5[%squeeze3A_1790, %squeeze3A_1792, %dma_start3A_1798] : memref<125000x8x32xf32, #tpu.memory_space<hbm>> -> memref<1x1x32xf32, #tpu.memory_space<hbm>>
        %dma_start3A_1800 = tpu.memref_squeeze %dma_start3A_1799 : memref<1x1x32xf32, #tpu.memory_space<hbm>> -> memref<32xf32, #tpu.memory_space<hbm>>
        %dma_start3A_1801 = tpu.memref_slice %arg19[%dma_start3A_1794] : memref<4x!tpu.dma_semaphore, #tpu.memory_space<semaphore_mem>> -> memref<1x!tpu.dma_semaphore, #tpu.memory_space<semaphore_mem>>
        %dma_start3A_1802 = tpu.memref_squeeze %dma_start3A_1801 : memref<1x!tpu.dma_semaphore, #tpu.memory_space<semaphore_mem>> -> memref<!tpu.dma_semaphore, #tpu.memory_space<semaphore_mem>>
        %dma_start3A_1803 = arith.constant 0 : i32
        %dma_start3A_1804 = tpu.memref_slice %arg13[%sub3A_1748, %dma_start3A_1793, %dma_start3A_1803] : memref<2x16x32xf32, #tpu.memory_space<vmem>> -> memref<1x1x32xf32, #tpu.memory_space<vmem>>
        %dma_start3A_1805 = tpu.memref_squeeze %dma_start3A_1804 : memref<1x1x32xf32, #tpu.memory_space<vmem>> -> memref<32xf32, #tpu.memory_space<vmem>>
        %dma_start3A_1806 = arith.constant 0 : i32
        %dma_start3A_1807 = tpu.memref_slice %arg5[%squeeze3A_1790, %squeeze3A_1792, %dma_start3A_1806] : memref<125000x8x32xf32, #tpu.memory_space<hbm>> -> memref<1x1x32xf32, #tpu.memory_space<hbm>>
        %dma_start3A_1808 = tpu.memref_squeeze %dma_start3A_1807 : memref<1x1x32xf32, #tpu.memory_space<hbm>> -> memref<32xf32, #tpu.memory_space<hbm>>
        tpu.enqueue_dma source(%dma_start3A_1808 : memref<32xf32, #tpu.memory_space<hbm>>) target(%dma_start3A_1805 : memref<32xf32, #tpu.memory_space<vmem>>) target_semaphore(%dma_start3A_1802 : memref<!tpu.dma_semaphore, #tpu.memory_space<semaphore_mem>>)
        %slice3A_1809 = vector.extract_strided_slice %shift_right_logical3A_1759 {offsets = [1], sizes = [1], strides = [1]} : vector<16xi32> to vector<1xi32>
        %squeeze3A_1810 = vector.extract %slice3A_1809[0] : i32 from vector<1xi32>
        %slice3A_1811 = vector.extract_strided_slice %and3A_1765 {offsets = [1], sizes = [1], strides = [1]} : vector<16xi32> to vector<1xi32>
        %squeeze3A_1812 = vector.extract %slice3A_1811[0] : i32 from vector<1xi32>
        %dma_start3A_1813 = arith.constant 1 : i32
        %dma_start3A_1814 = arith.constant 1 : i32
        %dma_start3A_1815 = arith.constant 0 : i32
        %dma_start3A_1816 = tpu.memref_slice %arg12[%sub3A_1748, %dma_start3A_1813, %dma_start3A_1815] : memref<2x16x32xf32, #tpu.memory_space<vmem>> -> memref<1x1x32xf32, #tpu.memory_space<vmem>>
        %dma_start3A_1817 = tpu.memref_squeeze %dma_start3A_1816 : memref<1x1x32xf32, #tpu.memory_space<vmem>> -> memref<32xf32, #tpu.memory_space<vmem>>
        %dma_start3A_1818 = arith.constant 0 : i32
        %dma_start3A_1819 = tpu.memref_slice %arg4[%squeeze3A_1810, %squeeze3A_1812, %dma_start3A_1818] : memref<125000x8x32xf32, #tpu.memory_space<hbm>> -> memref<1x1x32xf32, #tpu.memory_space<hbm>>
        %dma_start3A_1820 = tpu.memref_squeeze %dma_start3A_1819 : memref<1x1x32xf32, #tpu.memory_space<hbm>> -> memref<32xf32, #tpu.memory_space<hbm>>
        %dma_start3A_1821 = tpu.memref_slice %arg18[%dma_start3A_1814] : memref<4x!tpu.dma_semaphore, #tpu.memory_space<semaphore_mem>> -> memref<1x!tpu.dma_semaphore, #tpu.memory_space<semaphore_mem>>
        %dma_start3A_1822 = tpu.memref_squeeze %dma_start3A_1821 : memref<1x!tpu.dma_semaphore, #tpu.memory_space<semaphore_mem>> -> memref<!tpu.dma_semaphore, #tpu.memory_space<semaphore_mem>>
        %dma_start3A_1823 = arith.constant 0 : i32
        %dma_start3A_1824 = tpu.memref_slice %arg12[%sub3A_1748, %dma_start3A_1813, %dma_start3A_1823] : memref<2x16x32xf32, #tpu.memory_space<vmem>> -> memref<1x1x32xf32, #tpu.memory_space<vmem>>
        %dma_start3A_1825 = tpu.memref_squeeze %dma_start3A_1824 : memref<1x1x32xf32, #tpu.memory_space<vmem>> -> memref<32xf32, #tpu.memory_space<vmem>>
        %dma_start3A_1826 = arith.constant 0 : i32
        %dma_start3A_1827 = tpu.memref_slice %arg4[%squeeze3A_1810, %squeeze3A_1812, %dma_start3A_1826] : memref<125000x8x32xf32, #tpu.memory_space<hbm>> -> memref<1x1x32xf32, #tpu.memory_space<hbm>>
        %dma_start3A_1828 = tpu.memref_squeeze %dma_start3A_1827 : memref<1x1x32xf32, #tpu.memory_space<hbm>> -> memref<32xf32, #tpu.memory_space<hbm>>
        tpu.enqueue_dma source(%dma_start3A_1828 : memref<32xf32, #tpu.memory_space<hbm>>) target(%dma_start3A_1825 : memref<32xf32, #tpu.memory_space<vmem>>) target_semaphore(%dma_start3A_1822 : memref<!tpu.dma_semaphore, #tpu.memory_space<semaphore_mem>>)
        %slice3A_1829 = vector.extract_strided_slice %shift_right_logical3A_1762 {offsets = [1], sizes = [1], strides = [1]} : vector<16xi32> to vector<1xi32>
        %squeeze3A_1830 = vector.extract %slice3A_1829[0] : i32 from vector<1xi32>
        %slice3A_1831 = vector.extract_strided_slice %and3A_1768 {offsets = [1], sizes = [1], strides = [1]} : vector<16xi32> to vector<1xi32>
        %squeeze3A_1832 = vector.extract %slice3A_1831[0] : i32 from vector<1xi32>
        %dma_start3A_1833 = arith.constant 1 : i32
        %dma_start3A_1834 = arith.constant 1 : i32
        %dma_start3A_1835 = arith.constant 0 : i32
        %dma_start3A_1836 = tpu.memref_slice %arg13[%sub3A_1748, %dma_start3A_1833, %dma_start3A_1835] : memref<2x16x32xf32, #tpu.memory_space<vmem>> -> memref<1x1x32xf32, #tpu.memory_space<vmem>>
        %dma_start3A_1837 = tpu.memref_squeeze %dma_start3A_1836 : memref<1x1x32xf32, #tpu.memory_space<vmem>> -> memref<32xf32, #tpu.memory_space<vmem>>
        %dma_start3A_1838 = arith.constant 0 : i32
        %dma_start3A_1839 = tpu.memref_slice %arg5[%squeeze3A_1830, %squeeze3A_1832, %dma_start3A_1838] : memref<125000x8x32xf32, #tpu.memory_space<hbm>> -> memref<1x1x32xf32, #tpu.memory_space<hbm>>
        %dma_start3A_1840 = tpu.memref_squeeze %dma_start3A_1839 : memref<1x1x32xf32, #tpu.memory_space<hbm>> -> memref<32xf32, #tpu.memory_space<hbm>>
        %dma_start3A_1841 = tpu.memref_slice %arg19[%dma_start3A_1834] : memref<4x!tpu.dma_semaphore, #tpu.memory_space<semaphore_mem>> -> memref<1x!tpu.dma_semaphore, #tpu.memory_space<semaphore_mem>>
        %dma_start3A_1842 = tpu.memref_squeeze %dma_start3A_1841 : memref<1x!tpu.dma_semaphore, #tpu.memory_space<semaphore_mem>> -> memref<!tpu.dma_semaphore, #tpu.memory_space<semaphore_mem>>
        %dma_start3A_1843 = arith.constant 0 : i32
        %dma_start3A_1844 = tpu.memref_slice %arg13[%sub3A_1748, %dma_start3A_1833, %dma_start3A_1843] : memref<2x16x32xf32, #tpu.memory_space<vmem>> -> memref<1x1x32xf32, #tpu.memory_space<vmem>>
        %dma_start3A_1845 = tpu.memref_squeeze %dma_start3A_1844 : memref<1x1x32xf32, #tpu.memory_space<vmem>> -> memref<32xf32, #tpu.memory_space<vmem>>
        %dma_start3A_1846 = arith.constant 0 : i32
        %dma_start3A_1847 = tpu.memref_slice %arg5[%squeeze3A_1830, %squeeze3A_1832, %dma_start3A_1846] : memref<125000x8x32xf32, #tpu.memory_space<hbm>> -> memref<1x1x32xf32, #tpu.memory_space<hbm>>
        %dma_start3A_1848 = tpu.memref_squeeze %dma_start3A_1847 : memref<1x1x32xf32, #tpu.memory_space<hbm>> -> memref<32xf32, #tpu.memory_space<hbm>>
        tpu.enqueue_dma source(%dma_start3A_1848 : memref<32xf32, #tpu.memory_space<hbm>>) target(%dma_start3A_1845 : memref<32xf32, #tpu.memory_space<vmem>>) target_semaphore(%dma_start3A_1842 : memref<!tpu.dma_semaphore, #tpu.memory_space<semaphore_mem>>)
        %slice3A_1849 = vector.extract_strided_slice %shift_right_logical3A_1759 {offsets = [2], sizes = [1], strides = [1]} : vector<16xi32> to vector<1xi32>
        %squeeze3A_1850 = vector.extract %slice3A_1849[0] : i32 from vector<1xi32>
        %slice3A_1851 = vector.extract_strided_slice %and3A_1765 {offsets = [2], sizes = [1], strides = [1]} : vector<16xi32> to vector<1xi32>
        %squeeze3A_1852 = vector.extract %slice3A_1851[0] : i32 from vector<1xi32>
        %dma_start3A_1853 = arith.constant 2 : i32
        %dma_start3A_1854 = arith.constant 2 : i32
        %dma_start3A_1855 = arith.constant 0 : i32
        %dma_start3A_1856 = tpu.memref_slice %arg12[%sub3A_1748, %dma_start3A_1853, %dma_start3A_1855] : memref<2x16x32xf32, #tpu.memory_space<vmem>> -> memref<1x1x32xf32, #tpu.memory_space<vmem>>
        %dma_start3A_1857 = tpu.memref_squeeze %dma_start3A_1856 : memref<1x1x32xf32, #tpu.memory_space<vmem>> -> memref<32xf32, #tpu.memory_space<vmem>>
        %dma_start3A_1858 = arith.constant 0 : i32
        %dma_start3A_1859 = tpu.memref_slice %arg4[%squeeze3A_1850, %squeeze3A_1852, %dma_start3A_1858] : memref<125000x8x32xf32, #tpu.memory_space<hbm>> -> memref<1x1x32xf32, #tpu.memory_space<hbm>>
        %dma_start3A_1860 = tpu.memref_squeeze %dma_start3A_1859 : memref<1x1x32xf32, #tpu.memory_space<hbm>> -> memref<32xf32, #tpu.memory_space<hbm>>
        %dma_start3A_1861 = tpu.memref_slice %arg18[%dma_start3A_1854] : memref<4x!tpu.dma_semaphore, #tpu.memory_space<semaphore_mem>> -> memref<1x!tpu.dma_semaphore, #tpu.memory_space<semaphore_mem>>
        %dma_start3A_1862 = tpu.memref_squeeze %dma_start3A_1861 : memref<1x!tpu.dma_semaphore, #tpu.memory_space<semaphore_mem>> -> memref<!tpu.dma_semaphore, #tpu.memory_space<semaphore_mem>>
        %dma_start3A_1863 = arith.constant 0 : i32
        %dma_start3A_1864 = tpu.memref_slice %arg12[%sub3A_1748, %dma_start3A_1853, %dma_start3A_1863] : memref<2x16x32xf32, #tpu.memory_space<vmem>> -> memref<1x1x32xf32, #tpu.memory_space<vmem>>
        %dma_start3A_1865 = tpu.memref_squeeze %dma_start3A_1864 : memref<1x1x32xf32, #tpu.memory_space<vmem>> -> memref<32xf32, #tpu.memory_space<vmem>>
        %dma_start3A_1866 = arith.constant 0 : i32
        %dma_start3A_1867 = tpu.memref_slice %arg4[%squeeze3A_1850, %squeeze3A_1852, %dma_start3A_1866] : memref<125000x8x32xf32, #tpu.memory_space<hbm>> -> memref<1x1x32xf32, #tpu.memory_space<hbm>>
        %dma_start3A_1868 = tpu.memref_squeeze %dma_start3A_1867 : memref<1x1x32xf32, #tpu.memory_space<hbm>> -> memref<32xf32, #tpu.memory_space<hbm>>
        tpu.enqueue_dma source(%dma_start3A_1868 : memref<32xf32, #tpu.memory_space<hbm>>) target(%dma_start3A_1865 : memref<32xf32, #tpu.memory_space<vmem>>) target_semaphore(%dma_start3A_1862 : memref<!tpu.dma_semaphore, #tpu.memory_space<semaphore_mem>>)
        %slice3A_1869 = vector.extract_strided_slice %shift_right_logical3A_1762 {offsets = [2], sizes = [1], strides = [1]} : vector<16xi32> to vector<1xi32>
        %squeeze3A_1870 = vector.extract %slice3A_1869[0] : i32 from vector<1xi32>
        %slice3A_1871 = vector.extract_strided_slice %and3A_1768 {offsets = [2], sizes = [1], strides = [1]} : vector<16xi32> to vector<1xi32>
        %squeeze3A_1872 = vector.extract %slice3A_1871[0] : i32 from vector<1xi32>
        %dma_start3A_1873 = arith.constant 2 : i32
        %dma_start3A_1874 = arith.constant 2 : i32
        %dma_start3A_1875 = arith.constant 0 : i32
        %dma_start3A_1876 = tpu.memref_slice %arg13[%sub3A_1748, %dma_start3A_1873, %dma_start3A_1875] : memref<2x16x32xf32, #tpu.memory_space<vmem>> -> memref<1x1x32xf32, #tpu.memory_space<vmem>>
        %dma_start3A_1877 = tpu.memref_squeeze %dma_start3A_1876 : memref<1x1x32xf32, #tpu.memory_space<vmem>> -> memref<32xf32, #tpu.memory_space<vmem>>
        %dma_start3A_1878 = arith.constant 0 : i32
        %dma_start3A_1879 = tpu.memref_slice %arg5[%squeeze3A_1870, %squeeze3A_1872, %dma_start3A_1878] : memref<125000x8x32xf32, #tpu.memory_space<hbm>> -> memref<1x1x32xf32, #tpu.memory_space<hbm>>
        %dma_start3A_1880 = tpu.memref_squeeze %dma_start3A_1879 : memref<1x1x32xf32, #tpu.memory_space<hbm>> -> memref<32xf32, #tpu.memory_space<hbm>>
        %dma_start3A_1881 = tpu.memref_slice %arg19[%dma_start3A_1874] : memref<4x!tpu.dma_semaphore, #tpu.memory_space<semaphore_mem>> -> memref<1x!tpu.dma_semaphore, #tpu.memory_space<semaphore_mem>>
        %dma_start3A_1882 = tpu.memref_squeeze %dma_start3A_1881 : memref<1x!tpu.dma_semaphore, #tpu.memory_space<semaphore_mem>> -> memref<!tpu.dma_semaphore, #tpu.memory_space<semaphore_mem>>
        %dma_start3A_1883 = arith.constant 0 : i32
        %dma_start3A_1884 = tpu.memref_slice %arg13[%sub3A_1748, %dma_start3A_1873, %dma_start3A_1883] : memref<2x16x32xf32, #tpu.memory_space<vmem>> -> memref<1x1x32xf32, #tpu.memory_space<vmem>>
        %dma_start3A_1885 = tpu.memref_squeeze %dma_start3A_1884 : memref<1x1x32xf32, #tpu.memory_space<vmem>> -> memref<32xf32, #tpu.memory_space<vmem>>
        %dma_start3A_1886 = arith.constant 0 : i32
        %dma_start3A_1887 = tpu.memref_slice %arg5[%squeeze3A_1870, %squeeze3A_1872, %dma_start3A_1886] : memref<125000x8x32xf32, #tpu.memory_space<hbm>> -> memref<1x1x32xf32, #tpu.memory_space<hbm>>
        %dma_start3A_1888 = tpu.memref_squeeze %dma_start3A_1887 : memref<1x1x32xf32, #tpu.memory_space<hbm>> -> memref<32xf32, #tpu.memory_space<hbm>>
        tpu.enqueue_dma source(%dma_start3A_1888 : memref<32xf32, #tpu.memory_space<hbm>>) target(%dma_start3A_1885 : memref<32xf32, #tpu.memory_space<vmem>>) target_semaphore(%dma_start3A_1882 : memref<!tpu.dma_semaphore, #tpu.memory_space<semaphore_mem>>)
        %slice3A_1889 = vector.extract_strided_slice %shift_right_logical3A_1759 {offsets = [3], sizes = [1], strides = [1]} : vector<16xi32> to vector<1xi32>
        %squeeze3A_1890 = vector.extract %slice3A_1889[0] : i32 from vector<1xi32>
        %slice3A_1891 = vector.extract_strided_slice %and3A_1765 {offsets = [3], sizes = [1], strides = [1]} : vector<16xi32> to vector<1xi32>
        %squeeze3A_1892 = vector.extract %slice3A_1891[0] : i32 from vector<1xi32>
        %dma_start3A_1893 = arith.constant 3 : i32
        %dma_start3A_1894 = arith.constant 3 : i32
        %dma_start3A_1895 = arith.constant 0 : i32
        %dma_start3A_1896 = tpu.memref_slice %arg12[%sub3A_1748, %dma_start3A_1893, %dma_start3A_1895] : memref<2x16x32xf32, #tpu.memory_space<vmem>> -> memref<1x1x32xf32, #tpu.memory_space<vmem>>
        %dma_start3A_1897 = tpu.memref_squeeze %dma_start3A_1896 : memref<1x1x32xf32, #tpu.memory_space<vmem>> -> memref<32xf32, #tpu.memory_space<vmem>>
        %dma_start3A_1898 = arith.constant 0 : i32
        %dma_start3A_1899 = tpu.memref_slice %arg4[%squeeze3A_1890, %squeeze3A_1892, %dma_start3A_1898] : memref<125000x8x32xf32, #tpu.memory_space<hbm>> -> memref<1x1x32xf32, #tpu.memory_space<hbm>>
        %dma_start3A_1900 = tpu.memref_squeeze %dma_start3A_1899 : memref<1x1x32xf32, #tpu.memory_space<hbm>> -> memref<32xf32, #tpu.memory_space<hbm>>
        %dma_start3A_1901 = tpu.memref_slice %arg18[%dma_start3A_1894] : memref<4x!tpu.dma_semaphore, #tpu.memory_space<semaphore_mem>> -> memref<1x!tpu.dma_semaphore, #tpu.memory_space<semaphore_mem>>
        %dma_start3A_1902 = tpu.memref_squeeze %dma_start3A_1901 : memref<1x!tpu.dma_semaphore, #tpu.memory_space<semaphore_mem>> -> memref<!tpu.dma_semaphore, #tpu.memory_space<semaphore_mem>>
        %dma_start3A_1903 = arith.constant 0 : i32
        %dma_start3A_1904 = tpu.memref_slice %arg12[%sub3A_1748, %dma_start3A_1893, %dma_start3A_1903] : memref<2x16x32xf32, #tpu.memory_space<vmem>> -> memref<1x1x32xf32, #tpu.memory_space<vmem>>
        %dma_start3A_1905 = tpu.memref_squeeze %dma_start3A_1904 : memref<1x1x32xf32, #tpu.memory_space<vmem>> -> memref<32xf32, #tpu.memory_space<vmem>>
        %dma_start3A_1906 = arith.constant 0 : i32
        %dma_start3A_1907 = tpu.memref_slice %arg4[%squeeze3A_1890, %squeeze3A_1892, %dma_start3A_1906] : memref<125000x8x32xf32, #tpu.memory_space<hbm>> -> memref<1x1x32xf32, #tpu.memory_space<hbm>>
        %dma_start3A_1908 = tpu.memref_squeeze %dma_start3A_1907 : memref<1x1x32xf32, #tpu.memory_space<hbm>> -> memref<32xf32, #tpu.memory_space<hbm>>
        tpu.enqueue_dma source(%dma_start3A_1908 : memref<32xf32, #tpu.memory_space<hbm>>) target(%dma_start3A_1905 : memref<32xf32, #tpu.memory_space<vmem>>) target_semaphore(%dma_start3A_1902 : memref<!tpu.dma_semaphore, #tpu.memory_space<semaphore_mem>>)
        %slice3A_1909 = vector.extract_strided_slice %shift_right_logical3A_1762 {offsets = [3], sizes = [1], strides = [1]} : vector<16xi32> to vector<1xi32>
        %squeeze3A_1910 = vector.extract %slice3A_1909[0] : i32 from vector<1xi32>
        %slice3A_1911 = vector.extract_strided_slice %and3A_1768 {offsets = [3], sizes = [1], strides = [1]} : vector<16xi32> to vector<1xi32>
        %squeeze3A_1912 = vector.extract %slice3A_1911[0] : i32 from vector<1xi32>
        %dma_start3A_1913 = arith.constant 3 : i32
        %dma_start3A_1914 = arith.constant 3 : i32
        %dma_start3A_1915 = arith.constant 0 : i32
        %dma_start3A_1916 = tpu.memref_slice %arg13[%sub3A_1748, %dma_start3A_1913, %dma_start3A_1915] : memref<2x16x32xf32, #tpu.memory_space<vmem>> -> memref<1x1x32xf32, #tpu.memory_space<vmem>>
        %dma_start3A_1917 = tpu.memref_squeeze %dma_start3A_1916 : memref<1x1x32xf32, #tpu.memory_space<vmem>> -> memref<32xf32, #tpu.memory_space<vmem>>
        %dma_start3A_1918 = arith.constant 0 : i32
        %dma_start3A_1919 = tpu.memref_slice %arg5[%squeeze3A_1910, %squeeze3A_1912, %dma_start3A_1918] : memref<125000x8x32xf32, #tpu.memory_space<hbm>> -> memref<1x1x32xf32, #tpu.memory_space<hbm>>
        %dma_start3A_1920 = tpu.memref_squeeze %dma_start3A_1919 : memref<1x1x32xf32, #tpu.memory_space<hbm>> -> memref<32xf32, #tpu.memory_space<hbm>>
        %dma_start3A_1921 = tpu.memref_slice %arg19[%dma_start3A_1914] : memref<4x!tpu.dma_semaphore, #tpu.memory_space<semaphore_mem>> -> memref<1x!tpu.dma_semaphore, #tpu.memory_space<semaphore_mem>>
        %dma_start3A_1922 = tpu.memref_squeeze %dma_start3A_1921 : memref<1x!tpu.dma_semaphore, #tpu.memory_space<semaphore_mem>> -> memref<!tpu.dma_semaphore, #tpu.memory_space<semaphore_mem>>
        %dma_start3A_1923 = arith.constant 0 : i32
        %dma_start3A_1924 = tpu.memref_slice %arg13[%sub3A_1748, %dma_start3A_1913, %dma_start3A_1923] : memref<2x16x32xf32, #tpu.memory_space<vmem>> -> memref<1x1x32xf32, #tpu.memory_space<vmem>>
        %dma_start3A_1925 = tpu.memref_squeeze %dma_start3A_1924 : memref<1x1x32xf32, #tpu.memory_space<vmem>> -> memref<32xf32, #tpu.memory_space<vmem>>
        %dma_start3A_1926 = arith.constant 0 : i32
        %dma_start3A_1927 = tpu.memref_slice %arg5[%squeeze3A_1910, %squeeze3A_1912, %dma_start3A_1926] : memref<125000x8x32xf32, #tpu.memory_space<hbm>> -> memref<1x1x32xf32, #tpu.memory_space<hbm>>
        %dma_start3A_1928 = tpu.memref_squeeze %dma_start3A_1927 : memref<1x1x32xf32, #tpu.memory_space<hbm>> -> memref<32xf32, #tpu.memory_space<hbm>>
        tpu.enqueue_dma source(%dma_start3A_1928 : memref<32xf32, #tpu.memory_space<hbm>>) target(%dma_start3A_1925 : memref<32xf32, #tpu.memory_space<vmem>>) target_semaphore(%dma_start3A_1922 : memref<!tpu.dma_semaphore, #tpu.memory_space<semaphore_mem>>)
        %slice3A_1929 = vector.extract_strided_slice %shift_right_logical3A_1759 {offsets = [4], sizes = [1], strides = [1]} : vector<16xi32> to vector<1xi32>
        %squeeze3A_1930 = vector.extract %slice3A_1929[0] : i32 from vector<1xi32>
        %slice3A_1931 = vector.extract_strided_slice %and3A_1765 {offsets = [4], sizes = [1], strides = [1]} : vector<16xi32> to vector<1xi32>
        %squeeze3A_1932 = vector.extract %slice3A_1931[0] : i32 from vector<1xi32>
        %dma_start3A_1933 = arith.constant 4 : i32
        %dma_start3A_1934 = arith.constant 0 : i32
        %dma_start3A_1935 = arith.constant 0 : i32
        %dma_start3A_1936 = tpu.memref_slice %arg12[%sub3A_1748, %dma_start3A_1933, %dma_start3A_1935] : memref<2x16x32xf32, #tpu.memory_space<vmem>> -> memref<1x1x32xf32, #tpu.memory_space<vmem>>
        %dma_start3A_1937 = tpu.memref_squeeze %dma_start3A_1936 : memref<1x1x32xf32, #tpu.memory_space<vmem>> -> memref<32xf32, #tpu.memory_space<vmem>>
        %dma_start3A_1938 = arith.constant 0 : i32
        %dma_start3A_1939 = tpu.memref_slice %arg4[%squeeze3A_1930, %squeeze3A_1932, %dma_start3A_1938] : memref<125000x8x32xf32, #tpu.memory_space<hbm>> -> memref<1x1x32xf32, #tpu.memory_space<hbm>>
        %dma_start3A_1940 = tpu.memref_squeeze %dma_start3A_1939 : memref<1x1x32xf32, #tpu.memory_space<hbm>> -> memref<32xf32, #tpu.memory_space<hbm>>
        %dma_start3A_1941 = tpu.memref_slice %arg18[%dma_start3A_1934] : memref<4x!tpu.dma_semaphore, #tpu.memory_space<semaphore_mem>> -> memref<1x!tpu.dma_semaphore, #tpu.memory_space<semaphore_mem>>
        %dma_start3A_1942 = tpu.memref_squeeze %dma_start3A_1941 : memref<1x!tpu.dma_semaphore, #tpu.memory_space<semaphore_mem>> -> memref<!tpu.dma_semaphore, #tpu.memory_space<semaphore_mem>>
        %dma_start3A_1943 = arith.constant 0 : i32
        %dma_start3A_1944 = tpu.memref_slice %arg12[%sub3A_1748, %dma_start3A_1933, %dma_start3A_1943] : memref<2x16x32xf32, #tpu.memory_space<vmem>> -> memref<1x1x32xf32, #tpu.memory_space<vmem>>
        %dma_start3A_1945 = tpu.memref_squeeze %dma_start3A_1944 : memref<1x1x32xf32, #tpu.memory_space<vmem>> -> memref<32xf32, #tpu.memory_space<vmem>>
        %dma_start3A_1946 = arith.constant 0 : i32
        %dma_start3A_1947 = tpu.memref_slice %arg4[%squeeze3A_1930, %squeeze3A_1932, %dma_start3A_1946] : memref<125000x8x32xf32, #tpu.memory_space<hbm>> -> memref<1x1x32xf32, #tpu.memory_space<hbm>>
        %dma_start3A_1948 = tpu.memref_squeeze %dma_start3A_1947 : memref<1x1x32xf32, #tpu.memory_space<hbm>> -> memref<32xf32, #tpu.memory_space<hbm>>
        tpu.enqueue_dma source(%dma_start3A_1948 : memref<32xf32, #tpu.memory_space<hbm>>) target(%dma_start3A_1945 : memref<32xf32, #tpu.memory_space<vmem>>) target_semaphore(%dma_start3A_1942 : memref<!tpu.dma_semaphore, #tpu.memory_space<semaphore_mem>>)
        %slice3A_1949 = vector.extract_strided_slice %shift_right_logical3A_1762 {offsets = [4], sizes = [1], strides = [1]} : vector<16xi32> to vector<1xi32>
        %squeeze3A_1950 = vector.extract %slice3A_1949[0] : i32 from vector<1xi32>
        %slice3A_1951 = vector.extract_strided_slice %and3A_1768 {offsets = [4], sizes = [1], strides = [1]} : vector<16xi32> to vector<1xi32>
        %squeeze3A_1952 = vector.extract %slice3A_1951[0] : i32 from vector<1xi32>
        %dma_start3A_1953 = arith.constant 4 : i32
        %dma_start3A_1954 = arith.constant 0 : i32
        %dma_start3A_1955 = arith.constant 0 : i32
        %dma_start3A_1956 = tpu.memref_slice %arg13[%sub3A_1748, %dma_start3A_1953, %dma_start3A_1955] : memref<2x16x32xf32, #tpu.memory_space<vmem>> -> memref<1x1x32xf32, #tpu.memory_space<vmem>>
        %dma_start3A_1957 = tpu.memref_squeeze %dma_start3A_1956 : memref<1x1x32xf32, #tpu.memory_space<vmem>> -> memref<32xf32, #tpu.memory_space<vmem>>
        %dma_start3A_1958 = arith.constant 0 : i32
        %dma_start3A_1959 = tpu.memref_slice %arg5[%squeeze3A_1950, %squeeze3A_1952, %dma_start3A_1958] : memref<125000x8x32xf32, #tpu.memory_space<hbm>> -> memref<1x1x32xf32, #tpu.memory_space<hbm>>
        %dma_start3A_1960 = tpu.memref_squeeze %dma_start3A_1959 : memref<1x1x32xf32, #tpu.memory_space<hbm>> -> memref<32xf32, #tpu.memory_space<hbm>>
        %dma_start3A_1961 = tpu.memref_slice %arg19[%dma_start3A_1954] : memref<4x!tpu.dma_semaphore, #tpu.memory_space<semaphore_mem>> -> memref<1x!tpu.dma_semaphore, #tpu.memory_space<semaphore_mem>>
        %dma_start3A_1962 = tpu.memref_squeeze %dma_start3A_1961 : memref<1x!tpu.dma_semaphore, #tpu.memory_space<semaphore_mem>> -> memref<!tpu.dma_semaphore, #tpu.memory_space<semaphore_mem>>
        %dma_start3A_1963 = arith.constant 0 : i32
        %dma_start3A_1964 = tpu.memref_slice %arg13[%sub3A_1748, %dma_start3A_1953, %dma_start3A_1963] : memref<2x16x32xf32, #tpu.memory_space<vmem>> -> memref<1x1x32xf32, #tpu.memory_space<vmem>>
        %dma_start3A_1965 = tpu.memref_squeeze %dma_start3A_1964 : memref<1x1x32xf32, #tpu.memory_space<vmem>> -> memref<32xf32, #tpu.memory_space<vmem>>
        %dma_start3A_1966 = arith.constant 0 : i32
        %dma_start3A_1967 = tpu.memref_slice %arg5[%squeeze3A_1950, %squeeze3A_1952, %dma_start3A_1966] : memref<125000x8x32xf32, #tpu.memory_space<hbm>> -> memref<1x1x32xf32, #tpu.memory_space<hbm>>
        %dma_start3A_1968 = tpu.memref_squeeze %dma_start3A_1967 : memref<1x1x32xf32, #tpu.memory_space<hbm>> -> memref<32xf32, #tpu.memory_space<hbm>>
        tpu.enqueue_dma source(%dma_start3A_1968 : memref<32xf32, #tpu.memory_space<hbm>>) target(%dma_start3A_1965 : memref<32xf32, #tpu.memory_space<vmem>>) target_semaphore(%dma_start3A_1962 : memref<!tpu.dma_semaphore, #tpu.memory_space<semaphore_mem>>)
        %slice3A_1969 = vector.extract_strided_slice %shift_right_logical3A_1759 {offsets = [5], sizes = [1], strides = [1]} : vector<16xi32> to vector<1xi32>
        %squeeze3A_1970 = vector.extract %slice3A_1969[0] : i32 from vector<1xi32>
        %slice3A_1971 = vector.extract_strided_slice %and3A_1765 {offsets = [5], sizes = [1], strides = [1]} : vector<16xi32> to vector<1xi32>
        %squeeze3A_1972 = vector.extract %slice3A_1971[0] : i32 from vector<1xi32>
        %dma_start3A_1973 = arith.constant 5 : i32
        %dma_start3A_1974 = arith.constant 1 : i32
        %dma_start3A_1975 = arith.constant 0 : i32
        %dma_start3A_1976 = tpu.memref_slice %arg12[%sub3A_1748, %dma_start3A_1973, %dma_start3A_1975] : memref<2x16x32xf32, #tpu.memory_space<vmem>> -> memref<1x1x32xf32, #tpu.memory_space<vmem>>
        %dma_start3A_1977 = tpu.memref_squeeze %dma_start3A_1976 : memref<1x1x32xf32, #tpu.memory_space<vmem>> -> memref<32xf32, #tpu.memory_space<vmem>>
        %dma_start3A_1978 = arith.constant 0 : i32
        %dma_start3A_1979 = tpu.memref_slice %arg4[%squeeze3A_1970, %squeeze3A_1972, %dma_start3A_1978] : memref<125000x8x32xf32, #tpu.memory_space<hbm>> -> memref<1x1x32xf32, #tpu.memory_space<hbm>>
        %dma_start3A_1980 = tpu.memref_squeeze %dma_start3A_1979 : memref<1x1x32xf32, #tpu.memory_space<hbm>> -> memref<32xf32, #tpu.memory_space<hbm>>
        %dma_start3A_1981 = tpu.memref_slice %arg18[%dma_start3A_1974] : memref<4x!tpu.dma_semaphore, #tpu.memory_space<semaphore_mem>> -> memref<1x!tpu.dma_semaphore, #tpu.memory_space<semaphore_mem>>
        %dma_start3A_1982 = tpu.memref_squeeze %dma_start3A_1981 : memref<1x!tpu.dma_semaphore, #tpu.memory_space<semaphore_mem>> -> memref<!tpu.dma_semaphore, #tpu.memory_space<semaphore_mem>>
        %dma_start3A_1983 = arith.constant 0 : i32
        %dma_start3A_1984 = tpu.memref_slice %arg12[%sub3A_1748, %dma_start3A_1973, %dma_start3A_1983] : memref<2x16x32xf32, #tpu.memory_space<vmem>> -> memref<1x1x32xf32, #tpu.memory_space<vmem>>
        %dma_start3A_1985 = tpu.memref_squeeze %dma_start3A_1984 : memref<1x1x32xf32, #tpu.memory_space<vmem>> -> memref<32xf32, #tpu.memory_space<vmem>>
        %dma_start3A_1986 = arith.constant 0 : i32
        %dma_start3A_1987 = tpu.memref_slice %arg4[%squeeze3A_1970, %squeeze3A_1972, %dma_start3A_1986] : memref<125000x8x32xf32, #tpu.memory_space<hbm>> -> memref<1x1x32xf32, #tpu.memory_space<hbm>>
        %dma_start3A_1988 = tpu.memref_squeeze %dma_start3A_1987 : memref<1x1x32xf32, #tpu.memory_space<hbm>> -> memref<32xf32, #tpu.memory_space<hbm>>
        tpu.enqueue_dma source(%dma_start3A_1988 : memref<32xf32, #tpu.memory_space<hbm>>) target(%dma_start3A_1985 : memref<32xf32, #tpu.memory_space<vmem>>) target_semaphore(%dma_start3A_1982 : memref<!tpu.dma_semaphore, #tpu.memory_space<semaphore_mem>>)
        %slice3A_1989 = vector.extract_strided_slice %shift_right_logical3A_1762 {offsets = [5], sizes = [1], strides = [1]} : vector<16xi32> to vector<1xi32>
        %squeeze3A_1990 = vector.extract %slice3A_1989[0] : i32 from vector<1xi32>
        %slice3A_1991 = vector.extract_strided_slice %and3A_1768 {offsets = [5], sizes = [1], strides = [1]} : vector<16xi32> to vector<1xi32>
        %squeeze3A_1992 = vector.extract %slice3A_1991[0] : i32 from vector<1xi32>
        %dma_start3A_1993 = arith.constant 5 : i32
        %dma_start3A_1994 = arith.constant 1 : i32
        %dma_start3A_1995 = arith.constant 0 : i32
        %dma_start3A_1996 = tpu.memref_slice %arg13[%sub3A_1748, %dma_start3A_1993, %dma_start3A_1995] : memref<2x16x32xf32, #tpu.memory_space<vmem>> -> memref<1x1x32xf32, #tpu.memory_space<vmem>>
        %dma_start3A_1997 = tpu.memref_squeeze %dma_start3A_1996 : memref<1x1x32xf32, #tpu.memory_space<vmem>> -> memref<32xf32, #tpu.memory_space<vmem>>
        %dma_start3A_1998 = arith.constant 0 : i32
        %dma_start3A_1999 = tpu.memref_slice %arg5[%squeeze3A_1990, %squeeze3A_1992, %dma_start3A_1998] : memref<125000x8x32xf32, #tpu.memory_space<hbm>> -> memref<1x1x32xf32, #tpu.memory_space<hbm>>
        %dma_start3A_2000 = tpu.memref_squeeze %dma_start3A_1999 : memref<1x1x32xf32, #tpu.memory_space<hbm>> -> memref<32xf32, #tpu.memory_space<hbm>>
        %dma_start3A_2001 = tpu.memref_slice %arg19[%dma_start3A_1994] : memref<4x!tpu.dma_semaphore, #tpu.memory_space<semaphore_mem>> -> memref<1x!tpu.dma_semaphore, #tpu.memory_space<semaphore_mem>>
        %dma_start3A_2002 = tpu.memref_squeeze %dma_start3A_2001 : memref<1x!tpu.dma_semaphore, #tpu.memory_space<semaphore_mem>> -> memref<!tpu.dma_semaphore, #tpu.memory_space<semaphore_mem>>
        %dma_start3A_2003 = arith.constant 0 : i32
        %dma_start3A_2004 = tpu.memref_slice %arg13[%sub3A_1748, %dma_start3A_1993, %dma_start3A_2003] : memref<2x16x32xf32, #tpu.memory_space<vmem>> -> memref<1x1x32xf32, #tpu.memory_space<vmem>>
        %dma_start3A_2005 = tpu.memref_squeeze %dma_start3A_2004 : memref<1x1x32xf32, #tpu.memory_space<vmem>> -> memref<32xf32, #tpu.memory_space<vmem>>
        %dma_start3A_2006 = arith.constant 0 : i32
        %dma_start3A_2007 = tpu.memref_slice %arg5[%squeeze3A_1990, %squeeze3A_1992, %dma_start3A_2006] : memref<125000x8x32xf32, #tpu.memory_space<hbm>> -> memref<1x1x32xf32, #tpu.memory_space<hbm>>
        %dma_start3A_2008 = tpu.memref_squeeze %dma_start3A_2007 : memref<1x1x32xf32, #tpu.memory_space<hbm>> -> memref<32xf32, #tpu.memory_space<hbm>>
        tpu.enqueue_dma source(%dma_start3A_2008 : memref<32xf32, #tpu.memory_space<hbm>>) target(%dma_start3A_2005 : memref<32xf32, #tpu.memory_space<vmem>>) target_semaphore(%dma_start3A_2002 : memref<!tpu.dma_semaphore, #tpu.memory_space<semaphore_mem>>)
        %slice3A_2009 = vector.extract_strided_slice %shift_right_logical3A_1759 {offsets = [6], sizes = [1], strides = [1]} : vector<16xi32> to vector<1xi32>
        %squeeze3A_2010 = vector.extract %slice3A_2009[0] : i32 from vector<1xi32>
        %slice3A_2011 = vector.extract_strided_slice %and3A_1765 {offsets = [6], sizes = [1], strides = [1]} : vector<16xi32> to vector<1xi32>
        %squeeze3A_2012 = vector.extract %slice3A_2011[0] : i32 from vector<1xi32>
        %dma_start3A_2013 = arith.constant 6 : i32
        %dma_start3A_2014 = arith.constant 2 : i32
        %dma_start3A_2015 = arith.constant 0 : i32
        %dma_start3A_2016 = tpu.memref_slice %arg12[%sub3A_1748, %dma_start3A_2013, %dma_start3A_2015] : memref<2x16x32xf32, #tpu.memory_space<vmem>> -> memref<1x1x32xf32, #tpu.memory_space<vmem>>
        %dma_start3A_2017 = tpu.memref_squeeze %dma_start3A_2016 : memref<1x1x32xf32, #tpu.memory_space<vmem>> -> memref<32xf32, #tpu.memory_space<vmem>>
        %dma_start3A_2018 = arith.constant 0 : i32
        %dma_start3A_2019 = tpu.memref_slice %arg4[%squeeze3A_2010, %squeeze3A_2012, %dma_start3A_2018] : memref<125000x8x32xf32, #tpu.memory_space<hbm>> -> memref<1x1x32xf32, #tpu.memory_space<hbm>>
        %dma_start3A_2020 = tpu.memref_squeeze %dma_start3A_2019 : memref<1x1x32xf32, #tpu.memory_space<hbm>> -> memref<32xf32, #tpu.memory_space<hbm>>
        %dma_start3A_2021 = tpu.memref_slice %arg18[%dma_start3A_2014] : memref<4x!tpu.dma_semaphore, #tpu.memory_space<semaphore_mem>> -> memref<1x!tpu.dma_semaphore, #tpu.memory_space<semaphore_mem>>
        %dma_start3A_2022 = tpu.memref_squeeze %dma_start3A_2021 : memref<1x!tpu.dma_semaphore, #tpu.memory_space<semaphore_mem>> -> memref<!tpu.dma_semaphore, #tpu.memory_space<semaphore_mem>>
        %dma_start3A_2023 = arith.constant 0 : i32
        %dma_start3A_2024 = tpu.memref_slice %arg12[%sub3A_1748, %dma_start3A_2013, %dma_start3A_2023] : memref<2x16x32xf32, #tpu.memory_space<vmem>> -> memref<1x1x32xf32, #tpu.memory_space<vmem>>
        %dma_start3A_2025 = tpu.memref_squeeze %dma_start3A_2024 : memref<1x1x32xf32, #tpu.memory_space<vmem>> -> memref<32xf32, #tpu.memory_space<vmem>>
        %dma_start3A_2026 = arith.constant 0 : i32
        %dma_start3A_2027 = tpu.memref_slice %arg4[%squeeze3A_2010, %squeeze3A_2012, %dma_start3A_2026] : memref<125000x8x32xf32, #tpu.memory_space<hbm>> -> memref<1x1x32xf32, #tpu.memory_space<hbm>>
        %dma_start3A_2028 = tpu.memref_squeeze %dma_start3A_2027 : memref<1x1x32xf32, #tpu.memory_space<hbm>> -> memref<32xf32, #tpu.memory_space<hbm>>
        tpu.enqueue_dma source(%dma_start3A_2028 : memref<32xf32, #tpu.memory_space<hbm>>) target(%dma_start3A_2025 : memref<32xf32, #tpu.memory_space<vmem>>) target_semaphore(%dma_start3A_2022 : memref<!tpu.dma_semaphore, #tpu.memory_space<semaphore_mem>>)
        %slice3A_2029 = vector.extract_strided_slice %shift_right_logical3A_1762 {offsets = [6], sizes = [1], strides = [1]} : vector<16xi32> to vector<1xi32>
        %squeeze3A_2030 = vector.extract %slice3A_2029[0] : i32 from vector<1xi32>
        %slice3A_2031 = vector.extract_strided_slice %and3A_1768 {offsets = [6], sizes = [1], strides = [1]} : vector<16xi32> to vector<1xi32>
        %squeeze3A_2032 = vector.extract %slice3A_2031[0] : i32 from vector<1xi32>
        %dma_start3A_2033 = arith.constant 6 : i32
        %dma_start3A_2034 = arith.constant 2 : i32
        %dma_start3A_2035 = arith.constant 0 : i32
        %dma_start3A_2036 = tpu.memref_slice %arg13[%sub3A_1748, %dma_start3A_2033, %dma_start3A_2035] : memref<2x16x32xf32, #tpu.memory_space<vmem>> -> memref<1x1x32xf32, #tpu.memory_space<vmem>>
        %dma_start3A_2037 = tpu.memref_squeeze %dma_start3A_2036 : memref<1x1x32xf32, #tpu.memory_space<vmem>> -> memref<32xf32, #tpu.memory_space<vmem>>
        %dma_start3A_2038 = arith.constant 0 : i32
        %dma_start3A_2039 = tpu.memref_slice %arg5[%squeeze3A_2030, %squeeze3A_2032, %dma_start3A_2038] : memref<125000x8x32xf32, #tpu.memory_space<hbm>> -> memref<1x1x32xf32, #tpu.memory_space<hbm>>
        %dma_start3A_2040 = tpu.memref_squeeze %dma_start3A_2039 : memref<1x1x32xf32, #tpu.memory_space<hbm>> -> memref<32xf32, #tpu.memory_space<hbm>>
        %dma_start3A_2041 = tpu.memref_slice %arg19[%dma_start3A_2034] : memref<4x!tpu.dma_semaphore, #tpu.memory_space<semaphore_mem>> -> memref<1x!tpu.dma_semaphore, #tpu.memory_space<semaphore_mem>>
        %dma_start3A_2042 = tpu.memref_squeeze %dma_start3A_2041 : memref<1x!tpu.dma_semaphore, #tpu.memory_space<semaphore_mem>> -> memref<!tpu.dma_semaphore, #tpu.memory_space<semaphore_mem>>
        %dma_start3A_2043 = arith.constant 0 : i32
        %dma_start3A_2044 = tpu.memref_slice %arg13[%sub3A_1748, %dma_start3A_2033, %dma_start3A_2043] : memref<2x16x32xf32, #tpu.memory_space<vmem>> -> memref<1x1x32xf32, #tpu.memory_space<vmem>>
        %dma_start3A_2045 = tpu.memref_squeeze %dma_start3A_2044 : memref<1x1x32xf32, #tpu.memory_space<vmem>> -> memref<32xf32, #tpu.memory_space<vmem>>
        %dma_start3A_2046 = arith.constant 0 : i32
        %dma_start3A_2047 = tpu.memref_slice %arg5[%squeeze3A_2030, %squeeze3A_2032, %dma_start3A_2046] : memref<125000x8x32xf32, #tpu.memory_space<hbm>> -> memref<1x1x32xf32, #tpu.memory_space<hbm>>
        %dma_start3A_2048 = tpu.memref_squeeze %dma_start3A_2047 : memref<1x1x32xf32, #tpu.memory_space<hbm>> -> memref<32xf32, #tpu.memory_space<hbm>>
        tpu.enqueue_dma source(%dma_start3A_2048 : memref<32xf32, #tpu.memory_space<hbm>>) target(%dma_start3A_2045 : memref<32xf32, #tpu.memory_space<vmem>>) target_semaphore(%dma_start3A_2042 : memref<!tpu.dma_semaphore, #tpu.memory_space<semaphore_mem>>)
        %slice3A_2049 = vector.extract_strided_slice %shift_right_logical3A_1759 {offsets = [7], sizes = [1], strides = [1]} : vector<16xi32> to vector<1xi32>
        %squeeze3A_2050 = vector.extract %slice3A_2049[0] : i32 from vector<1xi32>
        %slice3A_2051 = vector.extract_strided_slice %and3A_1765 {offsets = [7], sizes = [1], strides = [1]} : vector<16xi32> to vector<1xi32>
        %squeeze3A_2052 = vector.extract %slice3A_2051[0] : i32 from vector<1xi32>
        %dma_start3A_2053 = arith.constant 7 : i32
        %dma_start3A_2054 = arith.constant 3 : i32
        %dma_start3A_2055 = arith.constant 0 : i32
        %dma_start3A_2056 = tpu.memref_slice %arg12[%sub3A_1748, %dma_start3A_2053, %dma_start3A_2055] : memref<2x16x32xf32, #tpu.memory_space<vmem>> -> memref<1x1x32xf32, #tpu.memory_space<vmem>>
        %dma_start3A_2057 = tpu.memref_squeeze %dma_start3A_2056 : memref<1x1x32xf32, #tpu.memory_space<vmem>> -> memref<32xf32, #tpu.memory_space<vmem>>
        %dma_start3A_2058 = arith.constant 0 : i32
        %dma_start3A_2059 = tpu.memref_slice %arg4[%squeeze3A_2050, %squeeze3A_2052, %dma_start3A_2058] : memref<125000x8x32xf32, #tpu.memory_space<hbm>> -> memref<1x1x32xf32, #tpu.memory_space<hbm>>
        %dma_start3A_2060 = tpu.memref_squeeze %dma_start3A_2059 : memref<1x1x32xf32, #tpu.memory_space<hbm>> -> memref<32xf32, #tpu.memory_space<hbm>>
        %dma_start3A_2061 = tpu.memref_slice %arg18[%dma_start3A_2054] : memref<4x!tpu.dma_semaphore, #tpu.memory_space<semaphore_mem>> -> memref<1x!tpu.dma_semaphore, #tpu.memory_space<semaphore_mem>>
        %dma_start3A_2062 = tpu.memref_squeeze %dma_start3A_2061 : memref<1x!tpu.dma_semaphore, #tpu.memory_space<semaphore_mem>> -> memref<!tpu.dma_semaphore, #tpu.memory_space<semaphore_mem>>
        %dma_start3A_2063 = arith.constant 0 : i32
        %dma_start3A_2064 = tpu.memref_slice %arg12[%sub3A_1748, %dma_start3A_2053, %dma_start3A_2063] : memref<2x16x32xf32, #tpu.memory_space<vmem>> -> memref<1x1x32xf32, #tpu.memory_space<vmem>>
        %dma_start3A_2065 = tpu.memref_squeeze %dma_start3A_2064 : memref<1x1x32xf32, #tpu.memory_space<vmem>> -> memref<32xf32, #tpu.memory_space<vmem>>
        %dma_start3A_2066 = arith.constant 0 : i32
        %dma_start3A_2067 = tpu.memref_slice %arg4[%squeeze3A_2050, %squeeze3A_2052, %dma_start3A_2066] : memref<125000x8x32xf32, #tpu.memory_space<hbm>> -> memref<1x1x32xf32, #tpu.memory_space<hbm>>
        %dma_start3A_2068 = tpu.memref_squeeze %dma_start3A_2067 : memref<1x1x32xf32, #tpu.memory_space<hbm>> -> memref<32xf32, #tpu.memory_space<hbm>>
        tpu.enqueue_dma source(%dma_start3A_2068 : memref<32xf32, #tpu.memory_space<hbm>>) target(%dma_start3A_2065 : memref<32xf32, #tpu.memory_space<vmem>>) target_semaphore(%dma_start3A_2062 : memref<!tpu.dma_semaphore, #tpu.memory_space<semaphore_mem>>)
        %slice3A_2069 = vector.extract_strided_slice %shift_right_logical3A_1762 {offsets = [7], sizes = [1], strides = [1]} : vector<16xi32> to vector<1xi32>
        %squeeze3A_2070 = vector.extract %slice3A_2069[0] : i32 from vector<1xi32>
        %slice3A_2071 = vector.extract_strided_slice %and3A_1768 {offsets = [7], sizes = [1], strides = [1]} : vector<16xi32> to vector<1xi32>
        %squeeze3A_2072 = vector.extract %slice3A_2071[0] : i32 from vector<1xi32>
        %dma_start3A_2073 = arith.constant 7 : i32
        %dma_start3A_2074 = arith.constant 3 : i32
        %dma_start3A_2075 = arith.constant 0 : i32
        %dma_start3A_2076 = tpu.memref_slice %arg13[%sub3A_1748, %dma_start3A_2073, %dma_start3A_2075] : memref<2x16x32xf32, #tpu.memory_space<vmem>> -> memref<1x1x32xf32, #tpu.memory_space<vmem>>
        %dma_start3A_2077 = tpu.memref_squeeze %dma_start3A_2076 : memref<1x1x32xf32, #tpu.memory_space<vmem>> -> memref<32xf32, #tpu.memory_space<vmem>>
        %dma_start3A_2078 = arith.constant 0 : i32
        %dma_start3A_2079 = tpu.memref_slice %arg5[%squeeze3A_2070, %squeeze3A_2072, %dma_start3A_2078] : memref<125000x8x32xf32, #tpu.memory_space<hbm>> -> memref<1x1x32xf32, #tpu.memory_space<hbm>>
        %dma_start3A_2080 = tpu.memref_squeeze %dma_start3A_2079 : memref<1x1x32xf32, #tpu.memory_space<hbm>> -> memref<32xf32, #tpu.memory_space<hbm>>
        %dma_start3A_2081 = tpu.memref_slice %arg19[%dma_start3A_2074] : memref<4x!tpu.dma_semaphore, #tpu.memory_space<semaphore_mem>> -> memref<1x!tpu.dma_semaphore, #tpu.memory_space<semaphore_mem>>
        %dma_start3A_2082 = tpu.memref_squeeze %dma_start3A_2081 : memref<1x!tpu.dma_semaphore, #tpu.memory_space<semaphore_mem>> -> memref<!tpu.dma_semaphore, #tpu.memory_space<semaphore_mem>>
        %dma_start3A_2083 = arith.constant 0 : i32
        %dma_start3A_2084 = tpu.memref_slice %arg13[%sub3A_1748, %dma_start3A_2073, %dma_start3A_2083] : memref<2x16x32xf32, #tpu.memory_space<vmem>> -> memref<1x1x32xf32, #tpu.memory_space<vmem>>
        %dma_start3A_2085 = tpu.memref_squeeze %dma_start3A_2084 : memref<1x1x32xf32, #tpu.memory_space<vmem>> -> memref<32xf32, #tpu.memory_space<vmem>>
        %dma_start3A_2086 = arith.constant 0 : i32
        %dma_start3A_2087 = tpu.memref_slice %arg5[%squeeze3A_2070, %squeeze3A_2072, %dma_start3A_2086] : memref<125000x8x32xf32, #tpu.memory_space<hbm>> -> memref<1x1x32xf32, #tpu.memory_space<hbm>>
        %dma_start3A_2088 = tpu.memref_squeeze %dma_start3A_2087 : memref<1x1x32xf32, #tpu.memory_space<hbm>> -> memref<32xf32, #tpu.memory_space<hbm>>
        tpu.enqueue_dma source(%dma_start3A_2088 : memref<32xf32, #tpu.memory_space<hbm>>) target(%dma_start3A_2085 : memref<32xf32, #tpu.memory_space<vmem>>) target_semaphore(%dma_start3A_2082 : memref<!tpu.dma_semaphore, #tpu.memory_space<semaphore_mem>>)
        %slice3A_2089 = vector.extract_strided_slice %shift_right_logical3A_1759 {offsets = [8], sizes = [1], strides = [1]} : vector<16xi32> to vector<1xi32>
        %squeeze3A_2090 = vector.extract %slice3A_2089[0] : i32 from vector<1xi32>
        %slice3A_2091 = vector.extract_strided_slice %and3A_1765 {offsets = [8], sizes = [1], strides = [1]} : vector<16xi32> to vector<1xi32>
        %squeeze3A_2092 = vector.extract %slice3A_2091[0] : i32 from vector<1xi32>
        %dma_start3A_2093 = arith.constant 8 : i32
        %dma_start3A_2094 = arith.constant 0 : i32
        %dma_start3A_2095 = arith.constant 0 : i32
        %dma_start3A_2096 = tpu.memref_slice %arg12[%sub3A_1748, %dma_start3A_2093, %dma_start3A_2095] : memref<2x16x32xf32, #tpu.memory_space<vmem>> -> memref<1x1x32xf32, #tpu.memory_space<vmem>>
        %dma_start3A_2097 = tpu.memref_squeeze %dma_start3A_2096 : memref<1x1x32xf32, #tpu.memory_space<vmem>> -> memref<32xf32, #tpu.memory_space<vmem>>
        %dma_start3A_2098 = arith.constant 0 : i32
        %dma_start3A_2099 = tpu.memref_slice %arg4[%squeeze3A_2090, %squeeze3A_2092, %dma_start3A_2098] : memref<125000x8x32xf32, #tpu.memory_space<hbm>> -> memref<1x1x32xf32, #tpu.memory_space<hbm>>
        %dma_start3A_2100 = tpu.memref_squeeze %dma_start3A_2099 : memref<1x1x32xf32, #tpu.memory_space<hbm>> -> memref<32xf32, #tpu.memory_space<hbm>>
        %dma_start3A_2101 = tpu.memref_slice %arg18[%dma_start3A_2094] : memref<4x!tpu.dma_semaphore, #tpu.memory_space<semaphore_mem>> -> memref<1x!tpu.dma_semaphore, #tpu.memory_space<semaphore_mem>>
        %dma_start3A_2102 = tpu.memref_squeeze %dma_start3A_2101 : memref<1x!tpu.dma_semaphore, #tpu.memory_space<semaphore_mem>> -> memref<!tpu.dma_semaphore, #tpu.memory_space<semaphore_mem>>
        %dma_start3A_2103 = arith.constant 0 : i32
        %dma_start3A_2104 = tpu.memref_slice %arg12[%sub3A_1748, %dma_start3A_2093, %dma_start3A_2103] : memref<2x16x32xf32, #tpu.memory_space<vmem>> -> memref<1x1x32xf32, #tpu.memory_space<vmem>>
        %dma_start3A_2105 = tpu.memref_squeeze %dma_start3A_2104 : memref<1x1x32xf32, #tpu.memory_space<vmem>> -> memref<32xf32, #tpu.memory_space<vmem>>
        %dma_start3A_2106 = arith.constant 0 : i32
        %dma_start3A_2107 = tpu.memref_slice %arg4[%squeeze3A_2090, %squeeze3A_2092, %dma_start3A_2106] : memref<125000x8x32xf32, #tpu.memory_space<hbm>> -> memref<1x1x32xf32, #tpu.memory_space<hbm>>
        %dma_start3A_2108 = tpu.memref_squeeze %dma_start3A_2107 : memref<1x1x32xf32, #tpu.memory_space<hbm>> -> memref<32xf32, #tpu.memory_space<hbm>>
        tpu.enqueue_dma source(%dma_start3A_2108 : memref<32xf32, #tpu.memory_space<hbm>>) target(%dma_start3A_2105 : memref<32xf32, #tpu.memory_space<vmem>>) target_semaphore(%dma_start3A_2102 : memref<!tpu.dma_semaphore, #tpu.memory_space<semaphore_mem>>)
        %slice3A_2109 = vector.extract_strided_slice %shift_right_logical3A_1762 {offsets = [8], sizes = [1], strides = [1]} : vector<16xi32> to vector<1xi32>
        %squeeze3A_2110 = vector.extract %slice3A_2109[0] : i32 from vector<1xi32>
        %slice3A_2111 = vector.extract_strided_slice %and3A_1768 {offsets = [8], sizes = [1], strides = [1]} : vector<16xi32> to vector<1xi32>
        %squeeze3A_2112 = vector.extract %slice3A_2111[0] : i32 from vector<1xi32>
        %dma_start3A_2113 = arith.constant 8 : i32
        %dma_start3A_2114 = arith.constant 0 : i32
        %dma_start3A_2115 = arith.constant 0 : i32
        %dma_start3A_2116 = tpu.memref_slice %arg13[%sub3A_1748, %dma_start3A_2113, %dma_start3A_2115] : memref<2x16x32xf32, #tpu.memory_space<vmem>> -> memref<1x1x32xf32, #tpu.memory_space<vmem>>
        %dma_start3A_2117 = tpu.memref_squeeze %dma_start3A_2116 : memref<1x1x32xf32, #tpu.memory_space<vmem>> -> memref<32xf32, #tpu.memory_space<vmem>>
        %dma_start3A_2118 = arith.constant 0 : i32
        %dma_start3A_2119 = tpu.memref_slice %arg5[%squeeze3A_2110, %squeeze3A_2112, %dma_start3A_2118] : memref<125000x8x32xf32, #tpu.memory_space<hbm>> -> memref<1x1x32xf32, #tpu.memory_space<hbm>>
        %dma_start3A_2120 = tpu.memref_squeeze %dma_start3A_2119 : memref<1x1x32xf32, #tpu.memory_space<hbm>> -> memref<32xf32, #tpu.memory_space<hbm>>
        %dma_start3A_2121 = tpu.memref_slice %arg19[%dma_start3A_2114] : memref<4x!tpu.dma_semaphore, #tpu.memory_space<semaphore_mem>> -> memref<1x!tpu.dma_semaphore, #tpu.memory_space<semaphore_mem>>
        %dma_start3A_2122 = tpu.memref_squeeze %dma_start3A_2121 : memref<1x!tpu.dma_semaphore, #tpu.memory_space<semaphore_mem>> -> memref<!tpu.dma_semaphore, #tpu.memory_space<semaphore_mem>>
        %dma_start3A_2123 = arith.constant 0 : i32
        %dma_start3A_2124 = tpu.memref_slice %arg13[%sub3A_1748, %dma_start3A_2113, %dma_start3A_2123] : memref<2x16x32xf32, #tpu.memory_space<vmem>> -> memref<1x1x32xf32, #tpu.memory_space<vmem>>
        %dma_start3A_2125 = tpu.memref_squeeze %dma_start3A_2124 : memref<1x1x32xf32, #tpu.memory_space<vmem>> -> memref<32xf32, #tpu.memory_space<vmem>>
        %dma_start3A_2126 = arith.constant 0 : i32
        %dma_start3A_2127 = tpu.memref_slice %arg5[%squeeze3A_2110, %squeeze3A_2112, %dma_start3A_2126] : memref<125000x8x32xf32, #tpu.memory_space<hbm>> -> memref<1x1x32xf32, #tpu.memory_space<hbm>>
        %dma_start3A_2128 = tpu.memref_squeeze %dma_start3A_2127 : memref<1x1x32xf32, #tpu.memory_space<hbm>> -> memref<32xf32, #tpu.memory_space<hbm>>
        tpu.enqueue_dma source(%dma_start3A_2128 : memref<32xf32, #tpu.memory_space<hbm>>) target(%dma_start3A_2125 : memref<32xf32, #tpu.memory_space<vmem>>) target_semaphore(%dma_start3A_2122 : memref<!tpu.dma_semaphore, #tpu.memory_space<semaphore_mem>>)
        %slice3A_2129 = vector.extract_strided_slice %shift_right_logical3A_1759 {offsets = [9], sizes = [1], strides = [1]} : vector<16xi32> to vector<1xi32>
        %squeeze3A_2130 = vector.extract %slice3A_2129[0] : i32 from vector<1xi32>
        %slice3A_2131 = vector.extract_strided_slice %and3A_1765 {offsets = [9], sizes = [1], strides = [1]} : vector<16xi32> to vector<1xi32>
        %squeeze3A_2132 = vector.extract %slice3A_2131[0] : i32 from vector<1xi32>
        %dma_start3A_2133 = arith.constant 9 : i32
        %dma_start3A_2134 = arith.constant 1 : i32
        %dma_start3A_2135 = arith.constant 0 : i32
        %dma_start3A_2136 = tpu.memref_slice %arg12[%sub3A_1748, %dma_start3A_2133, %dma_start3A_2135] : memref<2x16x32xf32, #tpu.memory_space<vmem>> -> memref<1x1x32xf32, #tpu.memory_space<vmem>>
        %dma_start3A_2137 = tpu.memref_squeeze %dma_start3A_2136 : memref<1x1x32xf32, #tpu.memory_space<vmem>> -> memref<32xf32, #tpu.memory_space<vmem>>
        %dma_start3A_2138 = arith.constant 0 : i32
        %dma_start3A_2139 = tpu.memref_slice %arg4[%squeeze3A_2130, %squeeze3A_2132, %dma_start3A_2138] : memref<125000x8x32xf32, #tpu.memory_space<hbm>> -> memref<1x1x32xf32, #tpu.memory_space<hbm>>
        %dma_start3A_2140 = tpu.memref_squeeze %dma_start3A_2139 : memref<1x1x32xf32, #tpu.memory_space<hbm>> -> memref<32xf32, #tpu.memory_space<hbm>>
        %dma_start3A_2141 = tpu.memref_slice %arg18[%dma_start3A_2134] : memref<4x!tpu.dma_semaphore, #tpu.memory_space<semaphore_mem>> -> memref<1x!tpu.dma_semaphore, #tpu.memory_space<semaphore_mem>>
        %dma_start3A_2142 = tpu.memref_squeeze %dma_start3A_2141 : memref<1x!tpu.dma_semaphore, #tpu.memory_space<semaphore_mem>> -> memref<!tpu.dma_semaphore, #tpu.memory_space<semaphore_mem>>
        %dma_start3A_2143 = arith.constant 0 : i32
        %dma_start3A_2144 = tpu.memref_slice %arg12[%sub3A_1748, %dma_start3A_2133, %dma_start3A_2143] : memref<2x16x32xf32, #tpu.memory_space<vmem>> -> memref<1x1x32xf32, #tpu.memory_space<vmem>>
        %dma_start3A_2145 = tpu.memref_squeeze %dma_start3A_2144 : memref<1x1x32xf32, #tpu.memory_space<vmem>> -> memref<32xf32, #tpu.memory_space<vmem>>
        %dma_start3A_2146 = arith.constant 0 : i32
        %dma_start3A_2147 = tpu.memref_slice %arg4[%squeeze3A_2130, %squeeze3A_2132, %dma_start3A_2146] : memref<125000x8x32xf32, #tpu.memory_space<hbm>> -> memref<1x1x32xf32, #tpu.memory_space<hbm>>
        %dma_start3A_2148 = tpu.memref_squeeze %dma_start3A_2147 : memref<1x1x32xf32, #tpu.memory_space<hbm>> -> memref<32xf32, #tpu.memory_space<hbm>>
        tpu.enqueue_dma source(%dma_start3A_2148 : memref<32xf32, #tpu.memory_space<hbm>>) target(%dma_start3A_2145 : memref<32xf32, #tpu.memory_space<vmem>>) target_semaphore(%dma_start3A_2142 : memref<!tpu.dma_semaphore, #tpu.memory_space<semaphore_mem>>)
        %slice3A_2149 = vector.extract_strided_slice %shift_right_logical3A_1762 {offsets = [9], sizes = [1], strides = [1]} : vector<16xi32> to vector<1xi32>
        %squeeze3A_2150 = vector.extract %slice3A_2149[0] : i32 from vector<1xi32>
        %slice3A_2151 = vector.extract_strided_slice %and3A_1768 {offsets = [9], sizes = [1], strides = [1]} : vector<16xi32> to vector<1xi32>
        %squeeze3A_2152 = vector.extract %slice3A_2151[0] : i32 from vector<1xi32>
        %dma_start3A_2153 = arith.constant 9 : i32
        %dma_start3A_2154 = arith.constant 1 : i32
        %dma_start3A_2155 = arith.constant 0 : i32
        %dma_start3A_2156 = tpu.memref_slice %arg13[%sub3A_1748, %dma_start3A_2153, %dma_start3A_2155] : memref<2x16x32xf32, #tpu.memory_space<vmem>> -> memref<1x1x32xf32, #tpu.memory_space<vmem>>
        %dma_start3A_2157 = tpu.memref_squeeze %dma_start3A_2156 : memref<1x1x32xf32, #tpu.memory_space<vmem>> -> memref<32xf32, #tpu.memory_space<vmem>>
        %dma_start3A_2158 = arith.constant 0 : i32
        %dma_start3A_2159 = tpu.memref_slice %arg5[%squeeze3A_2150, %squeeze3A_2152, %dma_start3A_2158] : memref<125000x8x32xf32, #tpu.memory_space<hbm>> -> memref<1x1x32xf32, #tpu.memory_space<hbm>>
        %dma_start3A_2160 = tpu.memref_squeeze %dma_start3A_2159 : memref<1x1x32xf32, #tpu.memory_space<hbm>> -> memref<32xf32, #tpu.memory_space<hbm>>
        %dma_start3A_2161 = tpu.memref_slice %arg19[%dma_start3A_2154] : memref<4x!tpu.dma_semaphore, #tpu.memory_space<semaphore_mem>> -> memref<1x!tpu.dma_semaphore, #tpu.memory_space<semaphore_mem>>
        %dma_start3A_2162 = tpu.memref_squeeze %dma_start3A_2161 : memref<1x!tpu.dma_semaphore, #tpu.memory_space<semaphore_mem>> -> memref<!tpu.dma_semaphore, #tpu.memory_space<semaphore_mem>>
        %dma_start3A_2163 = arith.constant 0 : i32
        %dma_start3A_2164 = tpu.memref_slice %arg13[%sub3A_1748, %dma_start3A_2153, %dma_start3A_2163] : memref<2x16x32xf32, #tpu.memory_space<vmem>> -> memref<1x1x32xf32, #tpu.memory_space<vmem>>
        %dma_start3A_2165 = tpu.memref_squeeze %dma_start3A_2164 : memref<1x1x32xf32, #tpu.memory_space<vmem>> -> memref<32xf32, #tpu.memory_space<vmem>>
        %dma_start3A_2166 = arith.constant 0 : i32
        %dma_start3A_2167 = tpu.memref_slice %arg5[%squeeze3A_2150, %squeeze3A_2152, %dma_start3A_2166] : memref<125000x8x32xf32, #tpu.memory_space<hbm>> -> memref<1x1x32xf32, #tpu.memory_space<hbm>>
        %dma_start3A_2168 = tpu.memref_squeeze %dma_start3A_2167 : memref<1x1x32xf32, #tpu.memory_space<hbm>> -> memref<32xf32, #tpu.memory_space<hbm>>
        tpu.enqueue_dma source(%dma_start3A_2168 : memref<32xf32, #tpu.memory_space<hbm>>) target(%dma_start3A_2165 : memref<32xf32, #tpu.memory_space<vmem>>) target_semaphore(%dma_start3A_2162 : memref<!tpu.dma_semaphore, #tpu.memory_space<semaphore_mem>>)
        %slice3A_2169 = vector.extract_strided_slice %shift_right_logical3A_1759 {offsets = [10], sizes = [1], strides = [1]} : vector<16xi32> to vector<1xi32>
        %squeeze3A_2170 = vector.extract %slice3A_2169[0] : i32 from vector<1xi32>
        %slice3A_2171 = vector.extract_strided_slice %and3A_1765 {offsets = [10], sizes = [1], strides = [1]} : vector<16xi32> to vector<1xi32>
        %squeeze3A_2172 = vector.extract %slice3A_2171[0] : i32 from vector<1xi32>
        %dma_start3A_2173 = arith.constant 10 : i32
        %dma_start3A_2174 = arith.constant 2 : i32
        %dma_start3A_2175 = arith.constant 0 : i32
        %dma_start3A_2176 = tpu.memref_slice %arg12[%sub3A_1748, %dma_start3A_2173, %dma_start3A_2175] : memref<2x16x32xf32, #tpu.memory_space<vmem>> -> memref<1x1x32xf32, #tpu.memory_space<vmem>>
        %dma_start3A_2177 = tpu.memref_squeeze %dma_start3A_2176 : memref<1x1x32xf32, #tpu.memory_space<vmem>> -> memref<32xf32, #tpu.memory_space<vmem>>
        %dma_start3A_2178 = arith.constant 0 : i32
        %dma_start3A_2179 = tpu.memref_slice %arg4[%squeeze3A_2170, %squeeze3A_2172, %dma_start3A_2178] : memref<125000x8x32xf32, #tpu.memory_space<hbm>> -> memref<1x1x32xf32, #tpu.memory_space<hbm>>
        %dma_start3A_2180 = tpu.memref_squeeze %dma_start3A_2179 : memref<1x1x32xf32, #tpu.memory_space<hbm>> -> memref<32xf32, #tpu.memory_space<hbm>>
        %dma_start3A_2181 = tpu.memref_slice %arg18[%dma_start3A_2174] : memref<4x!tpu.dma_semaphore, #tpu.memory_space<semaphore_mem>> -> memref<1x!tpu.dma_semaphore, #tpu.memory_space<semaphore_mem>>
        %dma_start3A_2182 = tpu.memref_squeeze %dma_start3A_2181 : memref<1x!tpu.dma_semaphore, #tpu.memory_space<semaphore_mem>> -> memref<!tpu.dma_semaphore, #tpu.memory_space<semaphore_mem>>
        %dma_start3A_2183 = arith.constant 0 : i32
        %dma_start3A_2184 = tpu.memref_slice %arg12[%sub3A_1748, %dma_start3A_2173, %dma_start3A_2183] : memref<2x16x32xf32, #tpu.memory_space<vmem>> -> memref<1x1x32xf32, #tpu.memory_space<vmem>>
        %dma_start3A_2185 = tpu.memref_squeeze %dma_start3A_2184 : memref<1x1x32xf32, #tpu.memory_space<vmem>> -> memref<32xf32, #tpu.memory_space<vmem>>
        %dma_start3A_2186 = arith.constant 0 : i32
        %dma_start3A_2187 = tpu.memref_slice %arg4[%squeeze3A_2170, %squeeze3A_2172, %dma_start3A_2186] : memref<125000x8x32xf32, #tpu.memory_space<hbm>> -> memref<1x1x32xf32, #tpu.memory_space<hbm>>
        %dma_start3A_2188 = tpu.memref_squeeze %dma_start3A_2187 : memref<1x1x32xf32, #tpu.memory_space<hbm>> -> memref<32xf32, #tpu.memory_space<hbm>>
        tpu.enqueue_dma source(%dma_start3A_2188 : memref<32xf32, #tpu.memory_space<hbm>>) target(%dma_start3A_2185 : memref<32xf32, #tpu.memory_space<vmem>>) target_semaphore(%dma_start3A_2182 : memref<!tpu.dma_semaphore, #tpu.memory_space<semaphore_mem>>)
        %slice3A_2189 = vector.extract_strided_slice %shift_right_logical3A_1762 {offsets = [10], sizes = [1], strides = [1]} : vector<16xi32> to vector<1xi32>
        %squeeze3A_2190 = vector.extract %slice3A_2189[0] : i32 from vector<1xi32>
        %slice3A_2191 = vector.extract_strided_slice %and3A_1768 {offsets = [10], sizes = [1], strides = [1]} : vector<16xi32> to vector<1xi32>
        %squeeze3A_2192 = vector.extract %slice3A_2191[0] : i32 from vector<1xi32>
        %dma_start3A_2193 = arith.constant 10 : i32
        %dma_start3A_2194 = arith.constant 2 : i32
        %dma_start3A_2195 = arith.constant 0 : i32
        %dma_start3A_2196 = tpu.memref_slice %arg13[%sub3A_1748, %dma_start3A_2193, %dma_start3A_2195] : memref<2x16x32xf32, #tpu.memory_space<vmem>> -> memref<1x1x32xf32, #tpu.memory_space<vmem>>
        %dma_start3A_2197 = tpu.memref_squeeze %dma_start3A_2196 : memref<1x1x32xf32, #tpu.memory_space<vmem>> -> memref<32xf32, #tpu.memory_space<vmem>>
        %dma_start3A_2198 = arith.constant 0 : i32
        %dma_start3A_2199 = tpu.memref_slice %arg5[%squeeze3A_2190, %squeeze3A_2192, %dma_start3A_2198] : memref<125000x8x32xf32, #tpu.memory_space<hbm>> -> memref<1x1x32xf32, #tpu.memory_space<hbm>>
        %dma_start3A_2200 = tpu.memref_squeeze %dma_start3A_2199 : memref<1x1x32xf32, #tpu.memory_space<hbm>> -> memref<32xf32, #tpu.memory_space<hbm>>
        %dma_start3A_2201 = tpu.memref_slice %arg19[%dma_start3A_2194] : memref<4x!tpu.dma_semaphore, #tpu.memory_space<semaphore_mem>> -> memref<1x!tpu.dma_semaphore, #tpu.memory_space<semaphore_mem>>
        %dma_start3A_2202 = tpu.memref_squeeze %dma_start3A_2201 : memref<1x!tpu.dma_semaphore, #tpu.memory_space<semaphore_mem>> -> memref<!tpu.dma_semaphore, #tpu.memory_space<semaphore_mem>>
        %dma_start3A_2203 = arith.constant 0 : i32
        %dma_start3A_2204 = tpu.memref_slice %arg13[%sub3A_1748, %dma_start3A_2193, %dma_start3A_2203] : memref<2x16x32xf32, #tpu.memory_space<vmem>> -> memref<1x1x32xf32, #tpu.memory_space<vmem>>
        %dma_start3A_2205 = tpu.memref_squeeze %dma_start3A_2204 : memref<1x1x32xf32, #tpu.memory_space<vmem>> -> memref<32xf32, #tpu.memory_space<vmem>>
        %dma_start3A_2206 = arith.constant 0 : i32
        %dma_start3A_2207 = tpu.memref_slice %arg5[%squeeze3A_2190, %squeeze3A_2192, %dma_start3A_2206] : memref<125000x8x32xf32, #tpu.memory_space<hbm>> -> memref<1x1x32xf32, #tpu.memory_space<hbm>>
        %dma_start3A_2208 = tpu.memref_squeeze %dma_start3A_2207 : memref<1x1x32xf32, #tpu.memory_space<hbm>> -> memref<32xf32, #tpu.memory_space<hbm>>
        tpu.enqueue_dma source(%dma_start3A_2208 : memref<32xf32, #tpu.memory_space<hbm>>) target(%dma_start3A_2205 : memref<32xf32, #tpu.memory_space<vmem>>) target_semaphore(%dma_start3A_2202 : memref<!tpu.dma_semaphore, #tpu.memory_space<semaphore_mem>>)
        %slice3A_2209 = vector.extract_strided_slice %shift_right_logical3A_1759 {offsets = [11], sizes = [1], strides = [1]} : vector<16xi32> to vector<1xi32>
        %squeeze3A_2210 = vector.extract %slice3A_2209[0] : i32 from vector<1xi32>
        %slice3A_2211 = vector.extract_strided_slice %and3A_1765 {offsets = [11], sizes = [1], strides = [1]} : vector<16xi32> to vector<1xi32>
        %squeeze3A_2212 = vector.extract %slice3A_2211[0] : i32 from vector<1xi32>
        %dma_start3A_2213 = arith.constant 11 : i32
        %dma_start3A_2214 = arith.constant 3 : i32
        %dma_start3A_2215 = arith.constant 0 : i32
        %dma_start3A_2216 = tpu.memref_slice %arg12[%sub3A_1748, %dma_start3A_2213, %dma_start3A_2215] : memref<2x16x32xf32, #tpu.memory_space<vmem>> -> memref<1x1x32xf32, #tpu.memory_space<vmem>>
        %dma_start3A_2217 = tpu.memref_squeeze %dma_start3A_2216 : memref<1x1x32xf32, #tpu.memory_space<vmem>> -> memref<32xf32, #tpu.memory_space<vmem>>
        %dma_start3A_2218 = arith.constant 0 : i32
        %dma_start3A_2219 = tpu.memref_slice %arg4[%squeeze3A_2210, %squeeze3A_2212, %dma_start3A_2218] : memref<125000x8x32xf32, #tpu.memory_space<hbm>> -> memref<1x1x32xf32, #tpu.memory_space<hbm>>
        %dma_start3A_2220 = tpu.memref_squeeze %dma_start3A_2219 : memref<1x1x32xf32, #tpu.memory_space<hbm>> -> memref<32xf32, #tpu.memory_space<hbm>>
        %dma_start3A_2221 = tpu.memref_slice %arg18[%dma_start3A_2214] : memref<4x!tpu.dma_semaphore, #tpu.memory_space<semaphore_mem>> -> memref<1x!tpu.dma_semaphore, #tpu.memory_space<semaphore_mem>>
        %dma_start3A_2222 = tpu.memref_squeeze %dma_start3A_2221 : memref<1x!tpu.dma_semaphore, #tpu.memory_space<semaphore_mem>> -> memref<!tpu.dma_semaphore, #tpu.memory_space<semaphore_mem>>
        %dma_start3A_2223 = arith.constant 0 : i32
        %dma_start3A_2224 = tpu.memref_slice %arg12[%sub3A_1748, %dma_start3A_2213, %dma_start3A_2223] : memref<2x16x32xf32, #tpu.memory_space<vmem>> -> memref<1x1x32xf32, #tpu.memory_space<vmem>>
        %dma_start3A_2225 = tpu.memref_squeeze %dma_start3A_2224 : memref<1x1x32xf32, #tpu.memory_space<vmem>> -> memref<32xf32, #tpu.memory_space<vmem>>
        %dma_start3A_2226 = arith.constant 0 : i32
        %dma_start3A_2227 = tpu.memref_slice %arg4[%squeeze3A_2210, %squeeze3A_2212, %dma_start3A_2226] : memref<125000x8x32xf32, #tpu.memory_space<hbm>> -> memref<1x1x32xf32, #tpu.memory_space<hbm>>
        %dma_start3A_2228 = tpu.memref_squeeze %dma_start3A_2227 : memref<1x1x32xf32, #tpu.memory_space<hbm>> -> memref<32xf32, #tpu.memory_space<hbm>>
        tpu.enqueue_dma source(%dma_start3A_2228 : memref<32xf32, #tpu.memory_space<hbm>>) target(%dma_start3A_2225 : memref<32xf32, #tpu.memory_space<vmem>>) target_semaphore(%dma_start3A_2222 : memref<!tpu.dma_semaphore, #tpu.memory_space<semaphore_mem>>)
        %slice3A_2229 = vector.extract_strided_slice %shift_right_logical3A_1762 {offsets = [11], sizes = [1], strides = [1]} : vector<16xi32> to vector<1xi32>
        %squeeze3A_2230 = vector.extract %slice3A_2229[0] : i32 from vector<1xi32>
        %slice3A_2231 = vector.extract_strided_slice %and3A_1768 {offsets = [11], sizes = [1], strides = [1]} : vector<16xi32> to vector<1xi32>
        %squeeze3A_2232 = vector.extract %slice3A_2231[0] : i32 from vector<1xi32>
        %dma_start3A_2233 = arith.constant 11 : i32
        %dma_start3A_2234 = arith.constant 3 : i32
        %dma_start3A_2235 = arith.constant 0 : i32
        %dma_start3A_2236 = tpu.memref_slice %arg13[%sub3A_1748, %dma_start3A_2233, %dma_start3A_2235] : memref<2x16x32xf32, #tpu.memory_space<vmem>> -> memref<1x1x32xf32, #tpu.memory_space<vmem>>
        %dma_start3A_2237 = tpu.memref_squeeze %dma_start3A_2236 : memref<1x1x32xf32, #tpu.memory_space<vmem>> -> memref<32xf32, #tpu.memory_space<vmem>>
        %dma_start3A_2238 = arith.constant 0 : i32
        %dma_start3A_2239 = tpu.memref_slice %arg5[%squeeze3A_2230, %squeeze3A_2232, %dma_start3A_2238] : memref<125000x8x32xf32, #tpu.memory_space<hbm>> -> memref<1x1x32xf32, #tpu.memory_space<hbm>>
        %dma_start3A_2240 = tpu.memref_squeeze %dma_start3A_2239 : memref<1x1x32xf32, #tpu.memory_space<hbm>> -> memref<32xf32, #tpu.memory_space<hbm>>
        %dma_start3A_2241 = tpu.memref_slice %arg19[%dma_start3A_2234] : memref<4x!tpu.dma_semaphore, #tpu.memory_space<semaphore_mem>> -> memref<1x!tpu.dma_semaphore, #tpu.memory_space<semaphore_mem>>
        %dma_start3A_2242 = tpu.memref_squeeze %dma_start3A_2241 : memref<1x!tpu.dma_semaphore, #tpu.memory_space<semaphore_mem>> -> memref<!tpu.dma_semaphore, #tpu.memory_space<semaphore_mem>>
        %dma_start3A_2243 = arith.constant 0 : i32
        %dma_start3A_2244 = tpu.memref_slice %arg13[%sub3A_1748, %dma_start3A_2233, %dma_start3A_2243] : memref<2x16x32xf32, #tpu.memory_space<vmem>> -> memref<1x1x32xf32, #tpu.memory_space<vmem>>
        %dma_start3A_2245 = tpu.memref_squeeze %dma_start3A_2244 : memref<1x1x32xf32, #tpu.memory_space<vmem>> -> memref<32xf32, #tpu.memory_space<vmem>>
        %dma_start3A_2246 = arith.constant 0 : i32
        %dma_start3A_2247 = tpu.memref_slice %arg5[%squeeze3A_2230, %squeeze3A_2232, %dma_start3A_2246] : memref<125000x8x32xf32, #tpu.memory_space<hbm>> -> memref<1x1x32xf32, #tpu.memory_space<hbm>>
        %dma_start3A_2248 = tpu.memref_squeeze %dma_start3A_2247 : memref<1x1x32xf32, #tpu.memory_space<hbm>> -> memref<32xf32, #tpu.memory_space<hbm>>
        tpu.enqueue_dma source(%dma_start3A_2248 : memref<32xf32, #tpu.memory_space<hbm>>) target(%dma_start3A_2245 : memref<32xf32, #tpu.memory_space<vmem>>) target_semaphore(%dma_start3A_2242 : memref<!tpu.dma_semaphore, #tpu.memory_space<semaphore_mem>>)
        %slice3A_2249 = vector.extract_strided_slice %shift_right_logical3A_1759 {offsets = [12], sizes = [1], strides = [1]} : vector<16xi32> to vector<1xi32>
        %squeeze3A_2250 = vector.extract %slice3A_2249[0] : i32 from vector<1xi32>
        %slice3A_2251 = vector.extract_strided_slice %and3A_1765 {offsets = [12], sizes = [1], strides = [1]} : vector<16xi32> to vector<1xi32>
        %squeeze3A_2252 = vector.extract %slice3A_2251[0] : i32 from vector<1xi32>
        %dma_start3A_2253 = arith.constant 12 : i32
        %dma_start3A_2254 = arith.constant 0 : i32
        %dma_start3A_2255 = arith.constant 0 : i32
        %dma_start3A_2256 = tpu.memref_slice %arg12[%sub3A_1748, %dma_start3A_2253, %dma_start3A_2255] : memref<2x16x32xf32, #tpu.memory_space<vmem>> -> memref<1x1x32xf32, #tpu.memory_space<vmem>>
        %dma_start3A_2257 = tpu.memref_squeeze %dma_start3A_2256 : memref<1x1x32xf32, #tpu.memory_space<vmem>> -> memref<32xf32, #tpu.memory_space<vmem>>
        %dma_start3A_2258 = arith.constant 0 : i32
        %dma_start3A_2259 = tpu.memref_slice %arg4[%squeeze3A_2250, %squeeze3A_2252, %dma_start3A_2258] : memref<125000x8x32xf32, #tpu.memory_space<hbm>> -> memref<1x1x32xf32, #tpu.memory_space<hbm>>
        %dma_start3A_2260 = tpu.memref_squeeze %dma_start3A_2259 : memref<1x1x32xf32, #tpu.memory_space<hbm>> -> memref<32xf32, #tpu.memory_space<hbm>>
        %dma_start3A_2261 = tpu.memref_slice %arg18[%dma_start3A_2254] : memref<4x!tpu.dma_semaphore, #tpu.memory_space<semaphore_mem>> -> memref<1x!tpu.dma_semaphore, #tpu.memory_space<semaphore_mem>>
        %dma_start3A_2262 = tpu.memref_squeeze %dma_start3A_2261 : memref<1x!tpu.dma_semaphore, #tpu.memory_space<semaphore_mem>> -> memref<!tpu.dma_semaphore, #tpu.memory_space<semaphore_mem>>
        %dma_start3A_2263 = arith.constant 0 : i32
        %dma_start3A_2264 = tpu.memref_slice %arg12[%sub3A_1748, %dma_start3A_2253, %dma_start3A_2263] : memref<2x16x32xf32, #tpu.memory_space<vmem>> -> memref<1x1x32xf32, #tpu.memory_space<vmem>>
        %dma_start3A_2265 = tpu.memref_squeeze %dma_start3A_2264 : memref<1x1x32xf32, #tpu.memory_space<vmem>> -> memref<32xf32, #tpu.memory_space<vmem>>
        %dma_start3A_2266 = arith.constant 0 : i32
        %dma_start3A_2267 = tpu.memref_slice %arg4[%squeeze3A_2250, %squeeze3A_2252, %dma_start3A_2266] : memref<125000x8x32xf32, #tpu.memory_space<hbm>> -> memref<1x1x32xf32, #tpu.memory_space<hbm>>
        %dma_start3A_2268 = tpu.memref_squeeze %dma_start3A_2267 : memref<1x1x32xf32, #tpu.memory_space<hbm>> -> memref<32xf32, #tpu.memory_space<hbm>>
        tpu.enqueue_dma source(%dma_start3A_2268 : memref<32xf32, #tpu.memory_space<hbm>>) target(%dma_start3A_2265 : memref<32xf32, #tpu.memory_space<vmem>>) target_semaphore(%dma_start3A_2262 : memref<!tpu.dma_semaphore, #tpu.memory_space<semaphore_mem>>)
        %slice3A_2269 = vector.extract_strided_slice %shift_right_logical3A_1762 {offsets = [12], sizes = [1], strides = [1]} : vector<16xi32> to vector<1xi32>
        %squeeze3A_2270 = vector.extract %slice3A_2269[0] : i32 from vector<1xi32>
        %slice3A_2271 = vector.extract_strided_slice %and3A_1768 {offsets = [12], sizes = [1], strides = [1]} : vector<16xi32> to vector<1xi32>
        %squeeze3A_2272 = vector.extract %slice3A_2271[0] : i32 from vector<1xi32>
        %dma_start3A_2273 = arith.constant 12 : i32
        %dma_start3A_2274 = arith.constant 0 : i32
        %dma_start3A_2275 = arith.constant 0 : i32
        %dma_start3A_2276 = tpu.memref_slice %arg13[%sub3A_1748, %dma_start3A_2273, %dma_start3A_2275] : memref<2x16x32xf32, #tpu.memory_space<vmem>> -> memref<1x1x32xf32, #tpu.memory_space<vmem>>
        %dma_start3A_2277 = tpu.memref_squeeze %dma_start3A_2276 : memref<1x1x32xf32, #tpu.memory_space<vmem>> -> memref<32xf32, #tpu.memory_space<vmem>>
        %dma_start3A_2278 = arith.constant 0 : i32
        %dma_start3A_2279 = tpu.memref_slice %arg5[%squeeze3A_2270, %squeeze3A_2272, %dma_start3A_2278] : memref<125000x8x32xf32, #tpu.memory_space<hbm>> -> memref<1x1x32xf32, #tpu.memory_space<hbm>>
        %dma_start3A_2280 = tpu.memref_squeeze %dma_start3A_2279 : memref<1x1x32xf32, #tpu.memory_space<hbm>> -> memref<32xf32, #tpu.memory_space<hbm>>
        %dma_start3A_2281 = tpu.memref_slice %arg19[%dma_start3A_2274] : memref<4x!tpu.dma_semaphore, #tpu.memory_space<semaphore_mem>> -> memref<1x!tpu.dma_semaphore, #tpu.memory_space<semaphore_mem>>
        %dma_start3A_2282 = tpu.memref_squeeze %dma_start3A_2281 : memref<1x!tpu.dma_semaphore, #tpu.memory_space<semaphore_mem>> -> memref<!tpu.dma_semaphore, #tpu.memory_space<semaphore_mem>>
        %dma_start3A_2283 = arith.constant 0 : i32
        %dma_start3A_2284 = tpu.memref_slice %arg13[%sub3A_1748, %dma_start3A_2273, %dma_start3A_2283] : memref<2x16x32xf32, #tpu.memory_space<vmem>> -> memref<1x1x32xf32, #tpu.memory_space<vmem>>
        %dma_start3A_2285 = tpu.memref_squeeze %dma_start3A_2284 : memref<1x1x32xf32, #tpu.memory_space<vmem>> -> memref<32xf32, #tpu.memory_space<vmem>>
        %dma_start3A_2286 = arith.constant 0 : i32
        %dma_start3A_2287 = tpu.memref_slice %arg5[%squeeze3A_2270, %squeeze3A_2272, %dma_start3A_2286] : memref<125000x8x32xf32, #tpu.memory_space<hbm>> -> memref<1x1x32xf32, #tpu.memory_space<hbm>>
        %dma_start3A_2288 = tpu.memref_squeeze %dma_start3A_2287 : memref<1x1x32xf32, #tpu.memory_space<hbm>> -> memref<32xf32, #tpu.memory_space<hbm>>
        tpu.enqueue_dma source(%dma_start3A_2288 : memref<32xf32, #tpu.memory_space<hbm>>) target(%dma_start3A_2285 : memref<32xf32, #tpu.memory_space<vmem>>) target_semaphore(%dma_start3A_2282 : memref<!tpu.dma_semaphore, #tpu.memory_space<semaphore_mem>>)
        %slice3A_2289 = vector.extract_strided_slice %shift_right_logical3A_1759 {offsets = [13], sizes = [1], strides = [1]} : vector<16xi32> to vector<1xi32>
        %squeeze3A_2290 = vector.extract %slice3A_2289[0] : i32 from vector<1xi32>
        %slice3A_2291 = vector.extract_strided_slice %and3A_1765 {offsets = [13], sizes = [1], strides = [1]} : vector<16xi32> to vector<1xi32>
        %squeeze3A_2292 = vector.extract %slice3A_2291[0] : i32 from vector<1xi32>
        %dma_start3A_2293 = arith.constant 13 : i32
        %dma_start3A_2294 = arith.constant 1 : i32
        %dma_start3A_2295 = arith.constant 0 : i32
        %dma_start3A_2296 = tpu.memref_slice %arg12[%sub3A_1748, %dma_start3A_2293, %dma_start3A_2295] : memref<2x16x32xf32, #tpu.memory_space<vmem>> -> memref<1x1x32xf32, #tpu.memory_space<vmem>>
        %dma_start3A_2297 = tpu.memref_squeeze %dma_start3A_2296 : memref<1x1x32xf32, #tpu.memory_space<vmem>> -> memref<32xf32, #tpu.memory_space<vmem>>
        %dma_start3A_2298 = arith.constant 0 : i32
        %dma_start3A_2299 = tpu.memref_slice %arg4[%squeeze3A_2290, %squeeze3A_2292, %dma_start3A_2298] : memref<125000x8x32xf32, #tpu.memory_space<hbm>> -> memref<1x1x32xf32, #tpu.memory_space<hbm>>
        %dma_start3A_2300 = tpu.memref_squeeze %dma_start3A_2299 : memref<1x1x32xf32, #tpu.memory_space<hbm>> -> memref<32xf32, #tpu.memory_space<hbm>>
        %dma_start3A_2301 = tpu.memref_slice %arg18[%dma_start3A_2294] : memref<4x!tpu.dma_semaphore, #tpu.memory_space<semaphore_mem>> -> memref<1x!tpu.dma_semaphore, #tpu.memory_space<semaphore_mem>>
        %dma_start3A_2302 = tpu.memref_squeeze %dma_start3A_2301 : memref<1x!tpu.dma_semaphore, #tpu.memory_space<semaphore_mem>> -> memref<!tpu.dma_semaphore, #tpu.memory_space<semaphore_mem>>
        %dma_start3A_2303 = arith.constant 0 : i32
        %dma_start3A_2304 = tpu.memref_slice %arg12[%sub3A_1748, %dma_start3A_2293, %dma_start3A_2303] : memref<2x16x32xf32, #tpu.memory_space<vmem>> -> memref<1x1x32xf32, #tpu.memory_space<vmem>>
        %dma_start3A_2305 = tpu.memref_squeeze %dma_start3A_2304 : memref<1x1x32xf32, #tpu.memory_space<vmem>> -> memref<32xf32, #tpu.memory_space<vmem>>
        %dma_start3A_2306 = arith.constant 0 : i32
        %dma_start3A_2307 = tpu.memref_slice %arg4[%squeeze3A_2290, %squeeze3A_2292, %dma_start3A_2306] : memref<125000x8x32xf32, #tpu.memory_space<hbm>> -> memref<1x1x32xf32, #tpu.memory_space<hbm>>
        %dma_start3A_2308 = tpu.memref_squeeze %dma_start3A_2307 : memref<1x1x32xf32, #tpu.memory_space<hbm>> -> memref<32xf32, #tpu.memory_space<hbm>>
        tpu.enqueue_dma source(%dma_start3A_2308 : memref<32xf32, #tpu.memory_space<hbm>>) target(%dma_start3A_2305 : memref<32xf32, #tpu.memory_space<vmem>>) target_semaphore(%dma_start3A_2302 : memref<!tpu.dma_semaphore, #tpu.memory_space<semaphore_mem>>)
        %slice3A_2309 = vector.extract_strided_slice %shift_right_logical3A_1762 {offsets = [13], sizes = [1], strides = [1]} : vector<16xi32> to vector<1xi32>
        %squeeze3A_2310 = vector.extract %slice3A_2309[0] : i32 from vector<1xi32>
        %slice3A_2311 = vector.extract_strided_slice %and3A_1768 {offsets = [13], sizes = [1], strides = [1]} : vector<16xi32> to vector<1xi32>
        %squeeze3A_2312 = vector.extract %slice3A_2311[0] : i32 from vector<1xi32>
        %dma_start3A_2313 = arith.constant 13 : i32
        %dma_start3A_2314 = arith.constant 1 : i32
        %dma_start3A_2315 = arith.constant 0 : i32
        %dma_start3A_2316 = tpu.memref_slice %arg13[%sub3A_1748, %dma_start3A_2313, %dma_start3A_2315] : memref<2x16x32xf32, #tpu.memory_space<vmem>> -> memref<1x1x32xf32, #tpu.memory_space<vmem>>
        %dma_start3A_2317 = tpu.memref_squeeze %dma_start3A_2316 : memref<1x1x32xf32, #tpu.memory_space<vmem>> -> memref<32xf32, #tpu.memory_space<vmem>>
        %dma_start3A_2318 = arith.constant 0 : i32
        %dma_start3A_2319 = tpu.memref_slice %arg5[%squeeze3A_2310, %squeeze3A_2312, %dma_start3A_2318] : memref<125000x8x32xf32, #tpu.memory_space<hbm>> -> memref<1x1x32xf32, #tpu.memory_space<hbm>>
        %dma_start3A_2320 = tpu.memref_squeeze %dma_start3A_2319 : memref<1x1x32xf32, #tpu.memory_space<hbm>> -> memref<32xf32, #tpu.memory_space<hbm>>
        %dma_start3A_2321 = tpu.memref_slice %arg19[%dma_start3A_2314] : memref<4x!tpu.dma_semaphore, #tpu.memory_space<semaphore_mem>> -> memref<1x!tpu.dma_semaphore, #tpu.memory_space<semaphore_mem>>
        %dma_start3A_2322 = tpu.memref_squeeze %dma_start3A_2321 : memref<1x!tpu.dma_semaphore, #tpu.memory_space<semaphore_mem>> -> memref<!tpu.dma_semaphore, #tpu.memory_space<semaphore_mem>>
        %dma_start3A_2323 = arith.constant 0 : i32
        %dma_start3A_2324 = tpu.memref_slice %arg13[%sub3A_1748, %dma_start3A_2313, %dma_start3A_2323] : memref<2x16x32xf32, #tpu.memory_space<vmem>> -> memref<1x1x32xf32, #tpu.memory_space<vmem>>
        %dma_start3A_2325 = tpu.memref_squeeze %dma_start3A_2324 : memref<1x1x32xf32, #tpu.memory_space<vmem>> -> memref<32xf32, #tpu.memory_space<vmem>>
        %dma_start3A_2326 = arith.constant 0 : i32
        %dma_start3A_2327 = tpu.memref_slice %arg5[%squeeze3A_2310, %squeeze3A_2312, %dma_start3A_2326] : memref<125000x8x32xf32, #tpu.memory_space<hbm>> -> memref<1x1x32xf32, #tpu.memory_space<hbm>>
        %dma_start3A_2328 = tpu.memref_squeeze %dma_start3A_2327 : memref<1x1x32xf32, #tpu.memory_space<hbm>> -> memref<32xf32, #tpu.memory_space<hbm>>
        tpu.enqueue_dma source(%dma_start3A_2328 : memref<32xf32, #tpu.memory_space<hbm>>) target(%dma_start3A_2325 : memref<32xf32, #tpu.memory_space<vmem>>) target_semaphore(%dma_start3A_2322 : memref<!tpu.dma_semaphore, #tpu.memory_space<semaphore_mem>>)
        %slice3A_2329 = vector.extract_strided_slice %shift_right_logical3A_1759 {offsets = [14], sizes = [1], strides = [1]} : vector<16xi32> to vector<1xi32>
        %squeeze3A_2330 = vector.extract %slice3A_2329[0] : i32 from vector<1xi32>
        %slice3A_2331 = vector.extract_strided_slice %and3A_1765 {offsets = [14], sizes = [1], strides = [1]} : vector<16xi32> to vector<1xi32>
        %squeeze3A_2332 = vector.extract %slice3A_2331[0] : i32 from vector<1xi32>
        %dma_start3A_2333 = arith.constant 14 : i32
        %dma_start3A_2334 = arith.constant 2 : i32
        %dma_start3A_2335 = arith.constant 0 : i32
        %dma_start3A_2336 = tpu.memref_slice %arg12[%sub3A_1748, %dma_start3A_2333, %dma_start3A_2335] : memref<2x16x32xf32, #tpu.memory_space<vmem>> -> memref<1x1x32xf32, #tpu.memory_space<vmem>>
        %dma_start3A_2337 = tpu.memref_squeeze %dma_start3A_2336 : memref<1x1x32xf32, #tpu.memory_space<vmem>> -> memref<32xf32, #tpu.memory_space<vmem>>
        %dma_start3A_2338 = arith.constant 0 : i32
        %dma_start3A_2339 = tpu.memref_slice %arg4[%squeeze3A_2330, %squeeze3A_2332, %dma_start3A_2338] : memref<125000x8x32xf32, #tpu.memory_space<hbm>> -> memref<1x1x32xf32, #tpu.memory_space<hbm>>
        %dma_start3A_2340 = tpu.memref_squeeze %dma_start3A_2339 : memref<1x1x32xf32, #tpu.memory_space<hbm>> -> memref<32xf32, #tpu.memory_space<hbm>>
        %dma_start3A_2341 = tpu.memref_slice %arg18[%dma_start3A_2334] : memref<4x!tpu.dma_semaphore, #tpu.memory_space<semaphore_mem>> -> memref<1x!tpu.dma_semaphore, #tpu.memory_space<semaphore_mem>>
        %dma_start3A_2342 = tpu.memref_squeeze %dma_start3A_2341 : memref<1x!tpu.dma_semaphore, #tpu.memory_space<semaphore_mem>> -> memref<!tpu.dma_semaphore, #tpu.memory_space<semaphore_mem>>
        %dma_start3A_2343 = arith.constant 0 : i32
        %dma_start3A_2344 = tpu.memref_slice %arg12[%sub3A_1748, %dma_start3A_2333, %dma_start3A_2343] : memref<2x16x32xf32, #tpu.memory_space<vmem>> -> memref<1x1x32xf32, #tpu.memory_space<vmem>>
        %dma_start3A_2345 = tpu.memref_squeeze %dma_start3A_2344 : memref<1x1x32xf32, #tpu.memory_space<vmem>> -> memref<32xf32, #tpu.memory_space<vmem>>
        %dma_start3A_2346 = arith.constant 0 : i32
        %dma_start3A_2347 = tpu.memref_slice %arg4[%squeeze3A_2330, %squeeze3A_2332, %dma_start3A_2346] : memref<125000x8x32xf32, #tpu.memory_space<hbm>> -> memref<1x1x32xf32, #tpu.memory_space<hbm>>
        %dma_start3A_2348 = tpu.memref_squeeze %dma_start3A_2347 : memref<1x1x32xf32, #tpu.memory_space<hbm>> -> memref<32xf32, #tpu.memory_space<hbm>>
        tpu.enqueue_dma source(%dma_start3A_2348 : memref<32xf32, #tpu.memory_space<hbm>>) target(%dma_start3A_2345 : memref<32xf32, #tpu.memory_space<vmem>>) target_semaphore(%dma_start3A_2342 : memref<!tpu.dma_semaphore, #tpu.memory_space<semaphore_mem>>)
        %slice3A_2349 = vector.extract_strided_slice %shift_right_logical3A_1762 {offsets = [14], sizes = [1], strides = [1]} : vector<16xi32> to vector<1xi32>
        %squeeze3A_2350 = vector.extract %slice3A_2349[0] : i32 from vector<1xi32>
        %slice3A_2351 = vector.extract_strided_slice %and3A_1768 {offsets = [14], sizes = [1], strides = [1]} : vector<16xi32> to vector<1xi32>
        %squeeze3A_2352 = vector.extract %slice3A_2351[0] : i32 from vector<1xi32>
        %dma_start3A_2353 = arith.constant 14 : i32
        %dma_start3A_2354 = arith.constant 2 : i32
        %dma_start3A_2355 = arith.constant 0 : i32
        %dma_start3A_2356 = tpu.memref_slice %arg13[%sub3A_1748, %dma_start3A_2353, %dma_start3A_2355] : memref<2x16x32xf32, #tpu.memory_space<vmem>> -> memref<1x1x32xf32, #tpu.memory_space<vmem>>
        %dma_start3A_2357 = tpu.memref_squeeze %dma_start3A_2356 : memref<1x1x32xf32, #tpu.memory_space<vmem>> -> memref<32xf32, #tpu.memory_space<vmem>>
        %dma_start3A_2358 = arith.constant 0 : i32
        %dma_start3A_2359 = tpu.memref_slice %arg5[%squeeze3A_2350, %squeeze3A_2352, %dma_start3A_2358] : memref<125000x8x32xf32, #tpu.memory_space<hbm>> -> memref<1x1x32xf32, #tpu.memory_space<hbm>>
        %dma_start3A_2360 = tpu.memref_squeeze %dma_start3A_2359 : memref<1x1x32xf32, #tpu.memory_space<hbm>> -> memref<32xf32, #tpu.memory_space<hbm>>
        %dma_start3A_2361 = tpu.memref_slice %arg19[%dma_start3A_2354] : memref<4x!tpu.dma_semaphore, #tpu.memory_space<semaphore_mem>> -> memref<1x!tpu.dma_semaphore, #tpu.memory_space<semaphore_mem>>
        %dma_start3A_2362 = tpu.memref_squeeze %dma_start3A_2361 : memref<1x!tpu.dma_semaphore, #tpu.memory_space<semaphore_mem>> -> memref<!tpu.dma_semaphore, #tpu.memory_space<semaphore_mem>>
        %dma_start3A_2363 = arith.constant 0 : i32
        %dma_start3A_2364 = tpu.memref_slice %arg13[%sub3A_1748, %dma_start3A_2353, %dma_start3A_2363] : memref<2x16x32xf32, #tpu.memory_space<vmem>> -> memref<1x1x32xf32, #tpu.memory_space<vmem>>
        %dma_start3A_2365 = tpu.memref_squeeze %dma_start3A_2364 : memref<1x1x32xf32, #tpu.memory_space<vmem>> -> memref<32xf32, #tpu.memory_space<vmem>>
        %dma_start3A_2366 = arith.constant 0 : i32
        %dma_start3A_2367 = tpu.memref_slice %arg5[%squeeze3A_2350, %squeeze3A_2352, %dma_start3A_2366] : memref<125000x8x32xf32, #tpu.memory_space<hbm>> -> memref<1x1x32xf32, #tpu.memory_space<hbm>>
        %dma_start3A_2368 = tpu.memref_squeeze %dma_start3A_2367 : memref<1x1x32xf32, #tpu.memory_space<hbm>> -> memref<32xf32, #tpu.memory_space<hbm>>
        tpu.enqueue_dma source(%dma_start3A_2368 : memref<32xf32, #tpu.memory_space<hbm>>) target(%dma_start3A_2365 : memref<32xf32, #tpu.memory_space<vmem>>) target_semaphore(%dma_start3A_2362 : memref<!tpu.dma_semaphore, #tpu.memory_space<semaphore_mem>>)
        %slice3A_2369 = vector.extract_strided_slice %shift_right_logical3A_1759 {offsets = [15], sizes = [1], strides = [1]} : vector<16xi32> to vector<1xi32>
        %squeeze3A_2370 = vector.extract %slice3A_2369[0] : i32 from vector<1xi32>
        %slice3A_2371 = vector.extract_strided_slice %and3A_1765 {offsets = [15], sizes = [1], strides = [1]} : vector<16xi32> to vector<1xi32>
        %squeeze3A_2372 = vector.extract %slice3A_2371[0] : i32 from vector<1xi32>
        %dma_start3A_2373 = arith.constant 15 : i32
        %dma_start3A_2374 = arith.constant 3 : i32
        %dma_start3A_2375 = arith.constant 0 : i32
        %dma_start3A_2376 = tpu.memref_slice %arg12[%sub3A_1748, %dma_start3A_2373, %dma_start3A_2375] : memref<2x16x32xf32, #tpu.memory_space<vmem>> -> memref<1x1x32xf32, #tpu.memory_space<vmem>>
        %dma_start3A_2377 = tpu.memref_squeeze %dma_start3A_2376 : memref<1x1x32xf32, #tpu.memory_space<vmem>> -> memref<32xf32, #tpu.memory_space<vmem>>
        %dma_start3A_2378 = arith.constant 0 : i32
        %dma_start3A_2379 = tpu.memref_slice %arg4[%squeeze3A_2370, %squeeze3A_2372, %dma_start3A_2378] : memref<125000x8x32xf32, #tpu.memory_space<hbm>> -> memref<1x1x32xf32, #tpu.memory_space<hbm>>
        %dma_start3A_2380 = tpu.memref_squeeze %dma_start3A_2379 : memref<1x1x32xf32, #tpu.memory_space<hbm>> -> memref<32xf32, #tpu.memory_space<hbm>>
        %dma_start3A_2381 = tpu.memref_slice %arg18[%dma_start3A_2374] : memref<4x!tpu.dma_semaphore, #tpu.memory_space<semaphore_mem>> -> memref<1x!tpu.dma_semaphore, #tpu.memory_space<semaphore_mem>>
        %dma_start3A_2382 = tpu.memref_squeeze %dma_start3A_2381 : memref<1x!tpu.dma_semaphore, #tpu.memory_space<semaphore_mem>> -> memref<!tpu.dma_semaphore, #tpu.memory_space<semaphore_mem>>
        %dma_start3A_2383 = arith.constant 0 : i32
        %dma_start3A_2384 = tpu.memref_slice %arg12[%sub3A_1748, %dma_start3A_2373, %dma_start3A_2383] : memref<2x16x32xf32, #tpu.memory_space<vmem>> -> memref<1x1x32xf32, #tpu.memory_space<vmem>>
        %dma_start3A_2385 = tpu.memref_squeeze %dma_start3A_2384 : memref<1x1x32xf32, #tpu.memory_space<vmem>> -> memref<32xf32, #tpu.memory_space<vmem>>
        %dma_start3A_2386 = arith.constant 0 : i32
        %dma_start3A_2387 = tpu.memref_slice %arg4[%squeeze3A_2370, %squeeze3A_2372, %dma_start3A_2386] : memref<125000x8x32xf32, #tpu.memory_space<hbm>> -> memref<1x1x32xf32, #tpu.memory_space<hbm>>
        %dma_start3A_2388 = tpu.memref_squeeze %dma_start3A_2387 : memref<1x1x32xf32, #tpu.memory_space<hbm>> -> memref<32xf32, #tpu.memory_space<hbm>>
        tpu.enqueue_dma source(%dma_start3A_2388 : memref<32xf32, #tpu.memory_space<hbm>>) target(%dma_start3A_2385 : memref<32xf32, #tpu.memory_space<vmem>>) target_semaphore(%dma_start3A_2382 : memref<!tpu.dma_semaphore, #tpu.memory_space<semaphore_mem>>)
        %slice3A_2389 = vector.extract_strided_slice %shift_right_logical3A_1762 {offsets = [15], sizes = [1], strides = [1]} : vector<16xi32> to vector<1xi32>
        %squeeze3A_2390 = vector.extract %slice3A_2389[0] : i32 from vector<1xi32>
        %slice3A_2391 = vector.extract_strided_slice %and3A_1768 {offsets = [15], sizes = [1], strides = [1]} : vector<16xi32> to vector<1xi32>
        %squeeze3A_2392 = vector.extract %slice3A_2391[0] : i32 from vector<1xi32>
        %dma_start3A_2393 = arith.constant 15 : i32
        %dma_start3A_2394 = arith.constant 3 : i32
        %dma_start3A_2395 = arith.constant 0 : i32
        %dma_start3A_2396 = tpu.memref_slice %arg13[%sub3A_1748, %dma_start3A_2393, %dma_start3A_2395] : memref<2x16x32xf32, #tpu.memory_space<vmem>> -> memref<1x1x32xf32, #tpu.memory_space<vmem>>
        %dma_start3A_2397 = tpu.memref_squeeze %dma_start3A_2396 : memref<1x1x32xf32, #tpu.memory_space<vmem>> -> memref<32xf32, #tpu.memory_space<vmem>>
        %dma_start3A_2398 = arith.constant 0 : i32
        %dma_start3A_2399 = tpu.memref_slice %arg5[%squeeze3A_2390, %squeeze3A_2392, %dma_start3A_2398] : memref<125000x8x32xf32, #tpu.memory_space<hbm>> -> memref<1x1x32xf32, #tpu.memory_space<hbm>>
        %dma_start3A_2400 = tpu.memref_squeeze %dma_start3A_2399 : memref<1x1x32xf32, #tpu.memory_space<hbm>> -> memref<32xf32, #tpu.memory_space<hbm>>
        %dma_start3A_2401 = tpu.memref_slice %arg19[%dma_start3A_2394] : memref<4x!tpu.dma_semaphore, #tpu.memory_space<semaphore_mem>> -> memref<1x!tpu.dma_semaphore, #tpu.memory_space<semaphore_mem>>
        %dma_start3A_2402 = tpu.memref_squeeze %dma_start3A_2401 : memref<1x!tpu.dma_semaphore, #tpu.memory_space<semaphore_mem>> -> memref<!tpu.dma_semaphore, #tpu.memory_space<semaphore_mem>>
        %dma_start3A_2403 = arith.constant 0 : i32
        %dma_start3A_2404 = tpu.memref_slice %arg13[%sub3A_1748, %dma_start3A_2393, %dma_start3A_2403] : memref<2x16x32xf32, #tpu.memory_space<vmem>> -> memref<1x1x32xf32, #tpu.memory_space<vmem>>
        %dma_start3A_2405 = tpu.memref_squeeze %dma_start3A_2404 : memref<1x1x32xf32, #tpu.memory_space<vmem>> -> memref<32xf32, #tpu.memory_space<vmem>>
        %dma_start3A_2406 = arith.constant 0 : i32
        %dma_start3A_2407 = tpu.memref_slice %arg5[%squeeze3A_2390, %squeeze3A_2392, %dma_start3A_2406] : memref<125000x8x32xf32, #tpu.memory_space<hbm>> -> memref<1x1x32xf32, #tpu.memory_space<hbm>>
        %dma_start3A_2408 = tpu.memref_squeeze %dma_start3A_2407 : memref<1x1x32xf32, #tpu.memory_space<hbm>> -> memref<32xf32, #tpu.memory_space<hbm>>
        tpu.enqueue_dma source(%dma_start3A_2408 : memref<32xf32, #tpu.memory_space<hbm>>) target(%dma_start3A_2405 : memref<32xf32, #tpu.memory_space<vmem>>) target_semaphore(%dma_start3A_2402 : memref<!tpu.dma_semaphore, #tpu.memory_space<semaphore_mem>>)
      } else {
      }
      %dma_wait3A_719 = arith.constant 0 : i32
      %dma_wait3A_720 = arith.constant 0 : i32
      %dma_wait3A_721 = arith.constant 0 : i32
      %dma_wait3A_722 = arith.constant 0 : i32
      %dma_wait3A_723 = arith.constant 0 : i32
      %dma_wait3A_724 = tpu.memref_slice %arg12[%and3A_714, %dma_wait3A_721, %dma_wait3A_723] : memref<2x16x32xf32, #tpu.memory_space<vmem>> -> memref<1x1x32xf32, #tpu.memory_space<vmem>>
      %dma_wait3A_725 = tpu.memref_squeeze %dma_wait3A_724 : memref<1x1x32xf32, #tpu.memory_space<vmem>> -> memref<32xf32, #tpu.memory_space<vmem>>
      %dma_wait3A_726 = arith.constant 0 : i32
      %dma_wait3A_727 = tpu.memref_slice %arg4[%dma_wait3A_719, %dma_wait3A_720, %dma_wait3A_726] : memref<125000x8x32xf32, #tpu.memory_space<hbm>> -> memref<1x1x32xf32, #tpu.memory_space<hbm>>
      %dma_wait3A_728 = tpu.memref_squeeze %dma_wait3A_727 : memref<1x1x32xf32, #tpu.memory_space<hbm>> -> memref<32xf32, #tpu.memory_space<hbm>>
      %dma_wait3A_729 = tpu.memref_slice %arg18[%dma_wait3A_722] : memref<4x!tpu.dma_semaphore, #tpu.memory_space<semaphore_mem>> -> memref<1x!tpu.dma_semaphore, #tpu.memory_space<semaphore_mem>>
      %dma_wait3A_730 = tpu.memref_squeeze %dma_wait3A_729 : memref<1x!tpu.dma_semaphore, #tpu.memory_space<semaphore_mem>> -> memref<!tpu.dma_semaphore, #tpu.memory_space<semaphore_mem>>
      %dma_wait3A_731 = arith.constant 0 : i32
      %dma_wait3A_732 = tpu.memref_slice %arg12[%and3A_714, %dma_wait3A_721, %dma_wait3A_731] : memref<2x16x32xf32, #tpu.memory_space<vmem>> -> memref<1x1x32xf32, #tpu.memory_space<vmem>>
      %dma_wait3A_733 = tpu.memref_squeeze %dma_wait3A_732 : memref<1x1x32xf32, #tpu.memory_space<vmem>> -> memref<32xf32, #tpu.memory_space<vmem>>
      %dma_wait3A_734 = arith.constant 0 : i32
      %dma_wait3A_735 = tpu.memref_slice %arg4[%dma_wait3A_719, %dma_wait3A_720, %dma_wait3A_734] : memref<125000x8x32xf32, #tpu.memory_space<hbm>> -> memref<1x1x32xf32, #tpu.memory_space<hbm>>
      %dma_wait3A_736 = tpu.memref_squeeze %dma_wait3A_735 : memref<1x1x32xf32, #tpu.memory_space<hbm>> -> memref<32xf32, #tpu.memory_space<hbm>>
      tpu.wait_dma2 semaphore(%dma_wait3A_730 : memref<!tpu.dma_semaphore, #tpu.memory_space<semaphore_mem>>) src(%dma_wait3A_736 : memref<32xf32, #tpu.memory_space<hbm>>) dst(%dma_wait3A_733 : memref<32xf32, #tpu.memory_space<vmem>>)
      %dma_wait3A_737 = arith.constant 0 : i32
      %dma_wait3A_738 = arith.constant 0 : i32
      %dma_wait3A_739 = arith.constant 0 : i32
      %dma_wait3A_740 = arith.constant 0 : i32
      %dma_wait3A_741 = arith.constant 0 : i32
      %dma_wait3A_742 = tpu.memref_slice %arg13[%and3A_714, %dma_wait3A_739, %dma_wait3A_741] : memref<2x16x32xf32, #tpu.memory_space<vmem>> -> memref<1x1x32xf32, #tpu.memory_space<vmem>>
      %dma_wait3A_743 = tpu.memref_squeeze %dma_wait3A_742 : memref<1x1x32xf32, #tpu.memory_space<vmem>> -> memref<32xf32, #tpu.memory_space<vmem>>
      %dma_wait3A_744 = arith.constant 0 : i32
      %dma_wait3A_745 = tpu.memref_slice %arg5[%dma_wait3A_737, %dma_wait3A_738, %dma_wait3A_744] : memref<125000x8x32xf32, #tpu.memory_space<hbm>> -> memref<1x1x32xf32, #tpu.memory_space<hbm>>
      %dma_wait3A_746 = tpu.memref_squeeze %dma_wait3A_745 : memref<1x1x32xf32, #tpu.memory_space<hbm>> -> memref<32xf32, #tpu.memory_space<hbm>>
      %dma_wait3A_747 = tpu.memref_slice %arg19[%dma_wait3A_740] : memref<4x!tpu.dma_semaphore, #tpu.memory_space<semaphore_mem>> -> memref<1x!tpu.dma_semaphore, #tpu.memory_space<semaphore_mem>>
      %dma_wait3A_748 = tpu.memref_squeeze %dma_wait3A_747 : memref<1x!tpu.dma_semaphore, #tpu.memory_space<semaphore_mem>> -> memref<!tpu.dma_semaphore, #tpu.memory_space<semaphore_mem>>
      %dma_wait3A_749 = arith.constant 0 : i32
      %dma_wait3A_750 = tpu.memref_slice %arg13[%and3A_714, %dma_wait3A_739, %dma_wait3A_749] : memref<2x16x32xf32, #tpu.memory_space<vmem>> -> memref<1x1x32xf32, #tpu.memory_space<vmem>>
      %dma_wait3A_751 = tpu.memref_squeeze %dma_wait3A_750 : memref<1x1x32xf32, #tpu.memory_space<vmem>> -> memref<32xf32, #tpu.memory_space<vmem>>
      %dma_wait3A_752 = arith.constant 0 : i32
      %dma_wait3A_753 = tpu.memref_slice %arg5[%dma_wait3A_737, %dma_wait3A_738, %dma_wait3A_752] : memref<125000x8x32xf32, #tpu.memory_space<hbm>> -> memref<1x1x32xf32, #tpu.memory_space<hbm>>
      %dma_wait3A_754 = tpu.memref_squeeze %dma_wait3A_753 : memref<1x1x32xf32, #tpu.memory_space<hbm>> -> memref<32xf32, #tpu.memory_space<hbm>>
      tpu.wait_dma2 semaphore(%dma_wait3A_748 : memref<!tpu.dma_semaphore, #tpu.memory_space<semaphore_mem>>) src(%dma_wait3A_754 : memref<32xf32, #tpu.memory_space<hbm>>) dst(%dma_wait3A_751 : memref<32xf32, #tpu.memory_space<vmem>>)
      %dma_wait3A_755 = arith.constant 0 : i32
      %dma_wait3A_756 = arith.constant 0 : i32
      %dma_wait3A_757 = arith.constant 1 : i32
      %dma_wait3A_758 = arith.constant 1 : i32
      %dma_wait3A_759 = arith.constant 0 : i32
      %dma_wait3A_760 = tpu.memref_slice %arg12[%and3A_714, %dma_wait3A_757, %dma_wait3A_759] : memref<2x16x32xf32, #tpu.memory_space<vmem>> -> memref<1x1x32xf32, #tpu.memory_space<vmem>>
      %dma_wait3A_761 = tpu.memref_squeeze %dma_wait3A_760 : memref<1x1x32xf32, #tpu.memory_space<vmem>> -> memref<32xf32, #tpu.memory_space<vmem>>
      %dma_wait3A_762 = arith.constant 0 : i32
      %dma_wait3A_763 = tpu.memref_slice %arg4[%dma_wait3A_755, %dma_wait3A_756, %dma_wait3A_762] : memref<125000x8x32xf32, #tpu.memory_space<hbm>> -> memref<1x1x32xf32, #tpu.memory_space<hbm>>
      %dma_wait3A_764 = tpu.memref_squeeze %dma_wait3A_763 : memref<1x1x32xf32, #tpu.memory_space<hbm>> -> memref<32xf32, #tpu.memory_space<hbm>>
      %dma_wait3A_765 = tpu.memref_slice %arg18[%dma_wait3A_758] : memref<4x!tpu.dma_semaphore, #tpu.memory_space<semaphore_mem>> -> memref<1x!tpu.dma_semaphore, #tpu.memory_space<semaphore_mem>>
      %dma_wait3A_766 = tpu.memref_squeeze %dma_wait3A_765 : memref<1x!tpu.dma_semaphore, #tpu.memory_space<semaphore_mem>> -> memref<!tpu.dma_semaphore, #tpu.memory_space<semaphore_mem>>
      %dma_wait3A_767 = arith.constant 0 : i32
      %dma_wait3A_768 = tpu.memref_slice %arg12[%and3A_714, %dma_wait3A_757, %dma_wait3A_767] : memref<2x16x32xf32, #tpu.memory_space<vmem>> -> memref<1x1x32xf32, #tpu.memory_space<vmem>>
      %dma_wait3A_769 = tpu.memref_squeeze %dma_wait3A_768 : memref<1x1x32xf32, #tpu.memory_space<vmem>> -> memref<32xf32, #tpu.memory_space<vmem>>
      %dma_wait3A_770 = arith.constant 0 : i32
      %dma_wait3A_771 = tpu.memref_slice %arg4[%dma_wait3A_755, %dma_wait3A_756, %dma_wait3A_770] : memref<125000x8x32xf32, #tpu.memory_space<hbm>> -> memref<1x1x32xf32, #tpu.memory_space<hbm>>
      %dma_wait3A_772 = tpu.memref_squeeze %dma_wait3A_771 : memref<1x1x32xf32, #tpu.memory_space<hbm>> -> memref<32xf32, #tpu.memory_space<hbm>>
      tpu.wait_dma2 semaphore(%dma_wait3A_766 : memref<!tpu.dma_semaphore, #tpu.memory_space<semaphore_mem>>) src(%dma_wait3A_772 : memref<32xf32, #tpu.memory_space<hbm>>) dst(%dma_wait3A_769 : memref<32xf32, #tpu.memory_space<vmem>>)
      %dma_wait3A_773 = arith.constant 0 : i32
      %dma_wait3A_774 = arith.constant 0 : i32
      %dma_wait3A_775 = arith.constant 1 : i32
      %dma_wait3A_776 = arith.constant 1 : i32
      %dma_wait3A_777 = arith.constant 0 : i32
      %dma_wait3A_778 = tpu.memref_slice %arg13[%and3A_714, %dma_wait3A_775, %dma_wait3A_777] : memref<2x16x32xf32, #tpu.memory_space<vmem>> -> memref<1x1x32xf32, #tpu.memory_space<vmem>>
      %dma_wait3A_779 = tpu.memref_squeeze %dma_wait3A_778 : memref<1x1x32xf32, #tpu.memory_space<vmem>> -> memref<32xf32, #tpu.memory_space<vmem>>
      %dma_wait3A_780 = arith.constant 0 : i32
      %dma_wait3A_781 = tpu.memref_slice %arg5[%dma_wait3A_773, %dma_wait3A_774, %dma_wait3A_780] : memref<125000x8x32xf32, #tpu.memory_space<hbm>> -> memref<1x1x32xf32, #tpu.memory_space<hbm>>
      %dma_wait3A_782 = tpu.memref_squeeze %dma_wait3A_781 : memref<1x1x32xf32, #tpu.memory_space<hbm>> -> memref<32xf32, #tpu.memory_space<hbm>>
      %dma_wait3A_783 = tpu.memref_slice %arg19[%dma_wait3A_776] : memref<4x!tpu.dma_semaphore, #tpu.memory_space<semaphore_mem>> -> memref<1x!tpu.dma_semaphore, #tpu.memory_space<semaphore_mem>>
      %dma_wait3A_784 = tpu.memref_squeeze %dma_wait3A_783 : memref<1x!tpu.dma_semaphore, #tpu.memory_space<semaphore_mem>> -> memref<!tpu.dma_semaphore, #tpu.memory_space<semaphore_mem>>
      %dma_wait3A_785 = arith.constant 0 : i32
      %dma_wait3A_786 = tpu.memref_slice %arg13[%and3A_714, %dma_wait3A_775, %dma_wait3A_785] : memref<2x16x32xf32, #tpu.memory_space<vmem>> -> memref<1x1x32xf32, #tpu.memory_space<vmem>>
      %dma_wait3A_787 = tpu.memref_squeeze %dma_wait3A_786 : memref<1x1x32xf32, #tpu.memory_space<vmem>> -> memref<32xf32, #tpu.memory_space<vmem>>
      %dma_wait3A_788 = arith.constant 0 : i32
      %dma_wait3A_789 = tpu.memref_slice %arg5[%dma_wait3A_773, %dma_wait3A_774, %dma_wait3A_788] : memref<125000x8x32xf32, #tpu.memory_space<hbm>> -> memref<1x1x32xf32, #tpu.memory_space<hbm>>
      %dma_wait3A_790 = tpu.memref_squeeze %dma_wait3A_789 : memref<1x1x32xf32, #tpu.memory_space<hbm>> -> memref<32xf32, #tpu.memory_space<hbm>>
      tpu.wait_dma2 semaphore(%dma_wait3A_784 : memref<!tpu.dma_semaphore, #tpu.memory_space<semaphore_mem>>) src(%dma_wait3A_790 : memref<32xf32, #tpu.memory_space<hbm>>) dst(%dma_wait3A_787 : memref<32xf32, #tpu.memory_space<vmem>>)
      %dma_wait3A_791 = arith.constant 0 : i32
      %dma_wait3A_792 = arith.constant 0 : i32
      %dma_wait3A_793 = arith.constant 2 : i32
      %dma_wait3A_794 = arith.constant 2 : i32
      %dma_wait3A_795 = arith.constant 0 : i32
      %dma_wait3A_796 = tpu.memref_slice %arg12[%and3A_714, %dma_wait3A_793, %dma_wait3A_795] : memref<2x16x32xf32, #tpu.memory_space<vmem>> -> memref<1x1x32xf32, #tpu.memory_space<vmem>>
      %dma_wait3A_797 = tpu.memref_squeeze %dma_wait3A_796 : memref<1x1x32xf32, #tpu.memory_space<vmem>> -> memref<32xf32, #tpu.memory_space<vmem>>
      %dma_wait3A_798 = arith.constant 0 : i32
      %dma_wait3A_799 = tpu.memref_slice %arg4[%dma_wait3A_791, %dma_wait3A_792, %dma_wait3A_798] : memref<125000x8x32xf32, #tpu.memory_space<hbm>> -> memref<1x1x32xf32, #tpu.memory_space<hbm>>
      %dma_wait3A_800 = tpu.memref_squeeze %dma_wait3A_799 : memref<1x1x32xf32, #tpu.memory_space<hbm>> -> memref<32xf32, #tpu.memory_space<hbm>>
      %dma_wait3A_801 = tpu.memref_slice %arg18[%dma_wait3A_794] : memref<4x!tpu.dma_semaphore, #tpu.memory_space<semaphore_mem>> -> memref<1x!tpu.dma_semaphore, #tpu.memory_space<semaphore_mem>>
      %dma_wait3A_802 = tpu.memref_squeeze %dma_wait3A_801 : memref<1x!tpu.dma_semaphore, #tpu.memory_space<semaphore_mem>> -> memref<!tpu.dma_semaphore, #tpu.memory_space<semaphore_mem>>
      %dma_wait3A_803 = arith.constant 0 : i32
      %dma_wait3A_804 = tpu.memref_slice %arg12[%and3A_714, %dma_wait3A_793, %dma_wait3A_803] : memref<2x16x32xf32, #tpu.memory_space<vmem>> -> memref<1x1x32xf32, #tpu.memory_space<vmem>>
      %dma_wait3A_805 = tpu.memref_squeeze %dma_wait3A_804 : memref<1x1x32xf32, #tpu.memory_space<vmem>> -> memref<32xf32, #tpu.memory_space<vmem>>
      %dma_wait3A_806 = arith.constant 0 : i32
      %dma_wait3A_807 = tpu.memref_slice %arg4[%dma_wait3A_791, %dma_wait3A_792, %dma_wait3A_806] : memref<125000x8x32xf32, #tpu.memory_space<hbm>> -> memref<1x1x32xf32, #tpu.memory_space<hbm>>
      %dma_wait3A_808 = tpu.memref_squeeze %dma_wait3A_807 : memref<1x1x32xf32, #tpu.memory_space<hbm>> -> memref<32xf32, #tpu.memory_space<hbm>>
      tpu.wait_dma2 semaphore(%dma_wait3A_802 : memref<!tpu.dma_semaphore, #tpu.memory_space<semaphore_mem>>) src(%dma_wait3A_808 : memref<32xf32, #tpu.memory_space<hbm>>) dst(%dma_wait3A_805 : memref<32xf32, #tpu.memory_space<vmem>>)
      %dma_wait3A_809 = arith.constant 0 : i32
      %dma_wait3A_810 = arith.constant 0 : i32
      %dma_wait3A_811 = arith.constant 2 : i32
      %dma_wait3A_812 = arith.constant 2 : i32
      %dma_wait3A_813 = arith.constant 0 : i32
      %dma_wait3A_814 = tpu.memref_slice %arg13[%and3A_714, %dma_wait3A_811, %dma_wait3A_813] : memref<2x16x32xf32, #tpu.memory_space<vmem>> -> memref<1x1x32xf32, #tpu.memory_space<vmem>>
      %dma_wait3A_815 = tpu.memref_squeeze %dma_wait3A_814 : memref<1x1x32xf32, #tpu.memory_space<vmem>> -> memref<32xf32, #tpu.memory_space<vmem>>
      %dma_wait3A_816 = arith.constant 0 : i32
      %dma_wait3A_817 = tpu.memref_slice %arg5[%dma_wait3A_809, %dma_wait3A_810, %dma_wait3A_816] : memref<125000x8x32xf32, #tpu.memory_space<hbm>> -> memref<1x1x32xf32, #tpu.memory_space<hbm>>
      %dma_wait3A_818 = tpu.memref_squeeze %dma_wait3A_817 : memref<1x1x32xf32, #tpu.memory_space<hbm>> -> memref<32xf32, #tpu.memory_space<hbm>>
      %dma_wait3A_819 = tpu.memref_slice %arg19[%dma_wait3A_812] : memref<4x!tpu.dma_semaphore, #tpu.memory_space<semaphore_mem>> -> memref<1x!tpu.dma_semaphore, #tpu.memory_space<semaphore_mem>>
      %dma_wait3A_820 = tpu.memref_squeeze %dma_wait3A_819 : memref<1x!tpu.dma_semaphore, #tpu.memory_space<semaphore_mem>> -> memref<!tpu.dma_semaphore, #tpu.memory_space<semaphore_mem>>
      %dma_wait3A_821 = arith.constant 0 : i32
      %dma_wait3A_822 = tpu.memref_slice %arg13[%and3A_714, %dma_wait3A_811, %dma_wait3A_821] : memref<2x16x32xf32, #tpu.memory_space<vmem>> -> memref<1x1x32xf32, #tpu.memory_space<vmem>>
      %dma_wait3A_823 = tpu.memref_squeeze %dma_wait3A_822 : memref<1x1x32xf32, #tpu.memory_space<vmem>> -> memref<32xf32, #tpu.memory_space<vmem>>
      %dma_wait3A_824 = arith.constant 0 : i32
      %dma_wait3A_825 = tpu.memref_slice %arg5[%dma_wait3A_809, %dma_wait3A_810, %dma_wait3A_824] : memref<125000x8x32xf32, #tpu.memory_space<hbm>> -> memref<1x1x32xf32, #tpu.memory_space<hbm>>
      %dma_wait3A_826 = tpu.memref_squeeze %dma_wait3A_825 : memref<1x1x32xf32, #tpu.memory_space<hbm>> -> memref<32xf32, #tpu.memory_space<hbm>>
      tpu.wait_dma2 semaphore(%dma_wait3A_820 : memref<!tpu.dma_semaphore, #tpu.memory_space<semaphore_mem>>) src(%dma_wait3A_826 : memref<32xf32, #tpu.memory_space<hbm>>) dst(%dma_wait3A_823 : memref<32xf32, #tpu.memory_space<vmem>>)
      %dma_wait3A_827 = arith.constant 0 : i32
      %dma_wait3A_828 = arith.constant 0 : i32
      %dma_wait3A_829 = arith.constant 3 : i32
      %dma_wait3A_830 = arith.constant 3 : i32
      %dma_wait3A_831 = arith.constant 0 : i32
      %dma_wait3A_832 = tpu.memref_slice %arg12[%and3A_714, %dma_wait3A_829, %dma_wait3A_831] : memref<2x16x32xf32, #tpu.memory_space<vmem>> -> memref<1x1x32xf32, #tpu.memory_space<vmem>>
      %dma_wait3A_833 = tpu.memref_squeeze %dma_wait3A_832 : memref<1x1x32xf32, #tpu.memory_space<vmem>> -> memref<32xf32, #tpu.memory_space<vmem>>
      %dma_wait3A_834 = arith.constant 0 : i32
      %dma_wait3A_835 = tpu.memref_slice %arg4[%dma_wait3A_827, %dma_wait3A_828, %dma_wait3A_834] : memref<125000x8x32xf32, #tpu.memory_space<hbm>> -> memref<1x1x32xf32, #tpu.memory_space<hbm>>
      %dma_wait3A_836 = tpu.memref_squeeze %dma_wait3A_835 : memref<1x1x32xf32, #tpu.memory_space<hbm>> -> memref<32xf32, #tpu.memory_space<hbm>>
      %dma_wait3A_837 = tpu.memref_slice %arg18[%dma_wait3A_830] : memref<4x!tpu.dma_semaphore, #tpu.memory_space<semaphore_mem>> -> memref<1x!tpu.dma_semaphore, #tpu.memory_space<semaphore_mem>>
      %dma_wait3A_838 = tpu.memref_squeeze %dma_wait3A_837 : memref<1x!tpu.dma_semaphore, #tpu.memory_space<semaphore_mem>> -> memref<!tpu.dma_semaphore, #tpu.memory_space<semaphore_mem>>
      %dma_wait3A_839 = arith.constant 0 : i32
      %dma_wait3A_840 = tpu.memref_slice %arg12[%and3A_714, %dma_wait3A_829, %dma_wait3A_839] : memref<2x16x32xf32, #tpu.memory_space<vmem>> -> memref<1x1x32xf32, #tpu.memory_space<vmem>>
      %dma_wait3A_841 = tpu.memref_squeeze %dma_wait3A_840 : memref<1x1x32xf32, #tpu.memory_space<vmem>> -> memref<32xf32, #tpu.memory_space<vmem>>
      %dma_wait3A_842 = arith.constant 0 : i32
      %dma_wait3A_843 = tpu.memref_slice %arg4[%dma_wait3A_827, %dma_wait3A_828, %dma_wait3A_842] : memref<125000x8x32xf32, #tpu.memory_space<hbm>> -> memref<1x1x32xf32, #tpu.memory_space<hbm>>
      %dma_wait3A_844 = tpu.memref_squeeze %dma_wait3A_843 : memref<1x1x32xf32, #tpu.memory_space<hbm>> -> memref<32xf32, #tpu.memory_space<hbm>>
      tpu.wait_dma2 semaphore(%dma_wait3A_838 : memref<!tpu.dma_semaphore, #tpu.memory_space<semaphore_mem>>) src(%dma_wait3A_844 : memref<32xf32, #tpu.memory_space<hbm>>) dst(%dma_wait3A_841 : memref<32xf32, #tpu.memory_space<vmem>>)
      %dma_wait3A_845 = arith.constant 0 : i32
      %dma_wait3A_846 = arith.constant 0 : i32
      %dma_wait3A_847 = arith.constant 3 : i32
      %dma_wait3A_848 = arith.constant 3 : i32
      %dma_wait3A_849 = arith.constant 0 : i32
      %dma_wait3A_850 = tpu.memref_slice %arg13[%and3A_714, %dma_wait3A_847, %dma_wait3A_849] : memref<2x16x32xf32, #tpu.memory_space<vmem>> -> memref<1x1x32xf32, #tpu.memory_space<vmem>>
      %dma_wait3A_851 = tpu.memref_squeeze %dma_wait3A_850 : memref<1x1x32xf32, #tpu.memory_space<vmem>> -> memref<32xf32, #tpu.memory_space<vmem>>
      %dma_wait3A_852 = arith.constant 0 : i32
      %dma_wait3A_853 = tpu.memref_slice %arg5[%dma_wait3A_845, %dma_wait3A_846, %dma_wait3A_852] : memref<125000x8x32xf32, #tpu.memory_space<hbm>> -> memref<1x1x32xf32, #tpu.memory_space<hbm>>
      %dma_wait3A_854 = tpu.memref_squeeze %dma_wait3A_853 : memref<1x1x32xf32, #tpu.memory_space<hbm>> -> memref<32xf32, #tpu.memory_space<hbm>>
      %dma_wait3A_855 = tpu.memref_slice %arg19[%dma_wait3A_848] : memref<4x!tpu.dma_semaphore, #tpu.memory_space<semaphore_mem>> -> memref<1x!tpu.dma_semaphore, #tpu.memory_space<semaphore_mem>>
      %dma_wait3A_856 = tpu.memref_squeeze %dma_wait3A_855 : memref<1x!tpu.dma_semaphore, #tpu.memory_space<semaphore_mem>> -> memref<!tpu.dma_semaphore, #tpu.memory_space<semaphore_mem>>
      %dma_wait3A_857 = arith.constant 0 : i32
      %dma_wait3A_858 = tpu.memref_slice %arg13[%and3A_714, %dma_wait3A_847, %dma_wait3A_857] : memref<2x16x32xf32, #tpu.memory_space<vmem>> -> memref<1x1x32xf32, #tpu.memory_space<vmem>>
      %dma_wait3A_859 = tpu.memref_squeeze %dma_wait3A_858 : memref<1x1x32xf32, #tpu.memory_space<vmem>> -> memref<32xf32, #tpu.memory_space<vmem>>
      %dma_wait3A_860 = arith.constant 0 : i32
      %dma_wait3A_861 = tpu.memref_slice %arg5[%dma_wait3A_845, %dma_wait3A_846, %dma_wait3A_860] : memref<125000x8x32xf32, #tpu.memory_space<hbm>> -> memref<1x1x32xf32, #tpu.memory_space<hbm>>
      %dma_wait3A_862 = tpu.memref_squeeze %dma_wait3A_861 : memref<1x1x32xf32, #tpu.memory_space<hbm>> -> memref<32xf32, #tpu.memory_space<hbm>>
      tpu.wait_dma2 semaphore(%dma_wait3A_856 : memref<!tpu.dma_semaphore, #tpu.memory_space<semaphore_mem>>) src(%dma_wait3A_862 : memref<32xf32, #tpu.memory_space<hbm>>) dst(%dma_wait3A_859 : memref<32xf32, #tpu.memory_space<vmem>>)
      %dma_wait3A_863 = arith.constant 0 : i32
      %dma_wait3A_864 = arith.constant 0 : i32
      %dma_wait3A_865 = arith.constant 4 : i32
      %dma_wait3A_866 = arith.constant 0 : i32
      %dma_wait3A_867 = arith.constant 0 : i32
      %dma_wait3A_868 = tpu.memref_slice %arg12[%and3A_714, %dma_wait3A_865, %dma_wait3A_867] : memref<2x16x32xf32, #tpu.memory_space<vmem>> -> memref<1x1x32xf32, #tpu.memory_space<vmem>>
      %dma_wait3A_869 = tpu.memref_squeeze %dma_wait3A_868 : memref<1x1x32xf32, #tpu.memory_space<vmem>> -> memref<32xf32, #tpu.memory_space<vmem>>
      %dma_wait3A_870 = arith.constant 0 : i32
      %dma_wait3A_871 = tpu.memref_slice %arg4[%dma_wait3A_863, %dma_wait3A_864, %dma_wait3A_870] : memref<125000x8x32xf32, #tpu.memory_space<hbm>> -> memref<1x1x32xf32, #tpu.memory_space<hbm>>
      %dma_wait3A_872 = tpu.memref_squeeze %dma_wait3A_871 : memref<1x1x32xf32, #tpu.memory_space<hbm>> -> memref<32xf32, #tpu.memory_space<hbm>>
      %dma_wait3A_873 = tpu.memref_slice %arg18[%dma_wait3A_866] : memref<4x!tpu.dma_semaphore, #tpu.memory_space<semaphore_mem>> -> memref<1x!tpu.dma_semaphore, #tpu.memory_space<semaphore_mem>>
      %dma_wait3A_874 = tpu.memref_squeeze %dma_wait3A_873 : memref<1x!tpu.dma_semaphore, #tpu.memory_space<semaphore_mem>> -> memref<!tpu.dma_semaphore, #tpu.memory_space<semaphore_mem>>
      %dma_wait3A_875 = arith.constant 0 : i32
      %dma_wait3A_876 = tpu.memref_slice %arg12[%and3A_714, %dma_wait3A_865, %dma_wait3A_875] : memref<2x16x32xf32, #tpu.memory_space<vmem>> -> memref<1x1x32xf32, #tpu.memory_space<vmem>>
      %dma_wait3A_877 = tpu.memref_squeeze %dma_wait3A_876 : memref<1x1x32xf32, #tpu.memory_space<vmem>> -> memref<32xf32, #tpu.memory_space<vmem>>
      %dma_wait3A_878 = arith.constant 0 : i32
      %dma_wait3A_879 = tpu.memref_slice %arg4[%dma_wait3A_863, %dma_wait3A_864, %dma_wait3A_878] : memref<125000x8x32xf32, #tpu.memory_space<hbm>> -> memref<1x1x32xf32, #tpu.memory_space<hbm>>
      %dma_wait3A_880 = tpu.memref_squeeze %dma_wait3A_879 : memref<1x1x32xf32, #tpu.memory_space<hbm>> -> memref<32xf32, #tpu.memory_space<hbm>>
      tpu.wait_dma2 semaphore(%dma_wait3A_874 : memref<!tpu.dma_semaphore, #tpu.memory_space<semaphore_mem>>) src(%dma_wait3A_880 : memref<32xf32, #tpu.memory_space<hbm>>) dst(%dma_wait3A_877 : memref<32xf32, #tpu.memory_space<vmem>>)
      %dma_wait3A_881 = arith.constant 0 : i32
      %dma_wait3A_882 = arith.constant 0 : i32
      %dma_wait3A_883 = arith.constant 4 : i32
      %dma_wait3A_884 = arith.constant 0 : i32
      %dma_wait3A_885 = arith.constant 0 : i32
      %dma_wait3A_886 = tpu.memref_slice %arg13[%and3A_714, %dma_wait3A_883, %dma_wait3A_885] : memref<2x16x32xf32, #tpu.memory_space<vmem>> -> memref<1x1x32xf32, #tpu.memory_space<vmem>>
      %dma_wait3A_887 = tpu.memref_squeeze %dma_wait3A_886 : memref<1x1x32xf32, #tpu.memory_space<vmem>> -> memref<32xf32, #tpu.memory_space<vmem>>
      %dma_wait3A_888 = arith.constant 0 : i32
      %dma_wait3A_889 = tpu.memref_slice %arg5[%dma_wait3A_881, %dma_wait3A_882, %dma_wait3A_888] : memref<125000x8x32xf32, #tpu.memory_space<hbm>> -> memref<1x1x32xf32, #tpu.memory_space<hbm>>
      %dma_wait3A_890 = tpu.memref_squeeze %dma_wait3A_889 : memref<1x1x32xf32, #tpu.memory_space<hbm>> -> memref<32xf32, #tpu.memory_space<hbm>>
      %dma_wait3A_891 = tpu.memref_slice %arg19[%dma_wait3A_884] : memref<4x!tpu.dma_semaphore, #tpu.memory_space<semaphore_mem>> -> memref<1x!tpu.dma_semaphore, #tpu.memory_space<semaphore_mem>>
      %dma_wait3A_892 = tpu.memref_squeeze %dma_wait3A_891 : memref<1x!tpu.dma_semaphore, #tpu.memory_space<semaphore_mem>> -> memref<!tpu.dma_semaphore, #tpu.memory_space<semaphore_mem>>
      %dma_wait3A_893 = arith.constant 0 : i32
      %dma_wait3A_894 = tpu.memref_slice %arg13[%and3A_714, %dma_wait3A_883, %dma_wait3A_893] : memref<2x16x32xf32, #tpu.memory_space<vmem>> -> memref<1x1x32xf32, #tpu.memory_space<vmem>>
      %dma_wait3A_895 = tpu.memref_squeeze %dma_wait3A_894 : memref<1x1x32xf32, #tpu.memory_space<vmem>> -> memref<32xf32, #tpu.memory_space<vmem>>
      %dma_wait3A_896 = arith.constant 0 : i32
      %dma_wait3A_897 = tpu.memref_slice %arg5[%dma_wait3A_881, %dma_wait3A_882, %dma_wait3A_896] : memref<125000x8x32xf32, #tpu.memory_space<hbm>> -> memref<1x1x32xf32, #tpu.memory_space<hbm>>
      %dma_wait3A_898 = tpu.memref_squeeze %dma_wait3A_897 : memref<1x1x32xf32, #tpu.memory_space<hbm>> -> memref<32xf32, #tpu.memory_space<hbm>>
      tpu.wait_dma2 semaphore(%dma_wait3A_892 : memref<!tpu.dma_semaphore, #tpu.memory_space<semaphore_mem>>) src(%dma_wait3A_898 : memref<32xf32, #tpu.memory_space<hbm>>) dst(%dma_wait3A_895 : memref<32xf32, #tpu.memory_space<vmem>>)
      %dma_wait3A_899 = arith.constant 0 : i32
      %dma_wait3A_900 = arith.constant 0 : i32
      %dma_wait3A_901 = arith.constant 5 : i32
      %dma_wait3A_902 = arith.constant 1 : i32
      %dma_wait3A_903 = arith.constant 0 : i32
      %dma_wait3A_904 = tpu.memref_slice %arg12[%and3A_714, %dma_wait3A_901, %dma_wait3A_903] : memref<2x16x32xf32, #tpu.memory_space<vmem>> -> memref<1x1x32xf32, #tpu.memory_space<vmem>>
      %dma_wait3A_905 = tpu.memref_squeeze %dma_wait3A_904 : memref<1x1x32xf32, #tpu.memory_space<vmem>> -> memref<32xf32, #tpu.memory_space<vmem>>
      %dma_wait3A_906 = arith.constant 0 : i32
      %dma_wait3A_907 = tpu.memref_slice %arg4[%dma_wait3A_899, %dma_wait3A_900, %dma_wait3A_906] : memref<125000x8x32xf32, #tpu.memory_space<hbm>> -> memref<1x1x32xf32, #tpu.memory_space<hbm>>
      %dma_wait3A_908 = tpu.memref_squeeze %dma_wait3A_907 : memref<1x1x32xf32, #tpu.memory_space<hbm>> -> memref<32xf32, #tpu.memory_space<hbm>>
      %dma_wait3A_909 = tpu.memref_slice %arg18[%dma_wait3A_902] : memref<4x!tpu.dma_semaphore, #tpu.memory_space<semaphore_mem>> -> memref<1x!tpu.dma_semaphore, #tpu.memory_space<semaphore_mem>>
      %dma_wait3A_910 = tpu.memref_squeeze %dma_wait3A_909 : memref<1x!tpu.dma_semaphore, #tpu.memory_space<semaphore_mem>> -> memref<!tpu.dma_semaphore, #tpu.memory_space<semaphore_mem>>
      %dma_wait3A_911 = arith.constant 0 : i32
      %dma_wait3A_912 = tpu.memref_slice %arg12[%and3A_714, %dma_wait3A_901, %dma_wait3A_911] : memref<2x16x32xf32, #tpu.memory_space<vmem>> -> memref<1x1x32xf32, #tpu.memory_space<vmem>>
      %dma_wait3A_913 = tpu.memref_squeeze %dma_wait3A_912 : memref<1x1x32xf32, #tpu.memory_space<vmem>> -> memref<32xf32, #tpu.memory_space<vmem>>
      %dma_wait3A_914 = arith.constant 0 : i32
      %dma_wait3A_915 = tpu.memref_slice %arg4[%dma_wait3A_899, %dma_wait3A_900, %dma_wait3A_914] : memref<125000x8x32xf32, #tpu.memory_space<hbm>> -> memref<1x1x32xf32, #tpu.memory_space<hbm>>
      %dma_wait3A_916 = tpu.memref_squeeze %dma_wait3A_915 : memref<1x1x32xf32, #tpu.memory_space<hbm>> -> memref<32xf32, #tpu.memory_space<hbm>>
      tpu.wait_dma2 semaphore(%dma_wait3A_910 : memref<!tpu.dma_semaphore, #tpu.memory_space<semaphore_mem>>) src(%dma_wait3A_916 : memref<32xf32, #tpu.memory_space<hbm>>) dst(%dma_wait3A_913 : memref<32xf32, #tpu.memory_space<vmem>>)
      %dma_wait3A_917 = arith.constant 0 : i32
      %dma_wait3A_918 = arith.constant 0 : i32
      %dma_wait3A_919 = arith.constant 5 : i32
      %dma_wait3A_920 = arith.constant 1 : i32
      %dma_wait3A_921 = arith.constant 0 : i32
      %dma_wait3A_922 = tpu.memref_slice %arg13[%and3A_714, %dma_wait3A_919, %dma_wait3A_921] : memref<2x16x32xf32, #tpu.memory_space<vmem>> -> memref<1x1x32xf32, #tpu.memory_space<vmem>>
      %dma_wait3A_923 = tpu.memref_squeeze %dma_wait3A_922 : memref<1x1x32xf32, #tpu.memory_space<vmem>> -> memref<32xf32, #tpu.memory_space<vmem>>
      %dma_wait3A_924 = arith.constant 0 : i32
      %dma_wait3A_925 = tpu.memref_slice %arg5[%dma_wait3A_917, %dma_wait3A_918, %dma_wait3A_924] : memref<125000x8x32xf32, #tpu.memory_space<hbm>> -> memref<1x1x32xf32, #tpu.memory_space<hbm>>
      %dma_wait3A_926 = tpu.memref_squeeze %dma_wait3A_925 : memref<1x1x32xf32, #tpu.memory_space<hbm>> -> memref<32xf32, #tpu.memory_space<hbm>>
      %dma_wait3A_927 = tpu.memref_slice %arg19[%dma_wait3A_920] : memref<4x!tpu.dma_semaphore, #tpu.memory_space<semaphore_mem>> -> memref<1x!tpu.dma_semaphore, #tpu.memory_space<semaphore_mem>>
      %dma_wait3A_928 = tpu.memref_squeeze %dma_wait3A_927 : memref<1x!tpu.dma_semaphore, #tpu.memory_space<semaphore_mem>> -> memref<!tpu.dma_semaphore, #tpu.memory_space<semaphore_mem>>
      %dma_wait3A_929 = arith.constant 0 : i32
      %dma_wait3A_930 = tpu.memref_slice %arg13[%and3A_714, %dma_wait3A_919, %dma_wait3A_929] : memref<2x16x32xf32, #tpu.memory_space<vmem>> -> memref<1x1x32xf32, #tpu.memory_space<vmem>>
      %dma_wait3A_931 = tpu.memref_squeeze %dma_wait3A_930 : memref<1x1x32xf32, #tpu.memory_space<vmem>> -> memref<32xf32, #tpu.memory_space<vmem>>
      %dma_wait3A_932 = arith.constant 0 : i32
      %dma_wait3A_933 = tpu.memref_slice %arg5[%dma_wait3A_917, %dma_wait3A_918, %dma_wait3A_932] : memref<125000x8x32xf32, #tpu.memory_space<hbm>> -> memref<1x1x32xf32, #tpu.memory_space<hbm>>
      %dma_wait3A_934 = tpu.memref_squeeze %dma_wait3A_933 : memref<1x1x32xf32, #tpu.memory_space<hbm>> -> memref<32xf32, #tpu.memory_space<hbm>>
      tpu.wait_dma2 semaphore(%dma_wait3A_928 : memref<!tpu.dma_semaphore, #tpu.memory_space<semaphore_mem>>) src(%dma_wait3A_934 : memref<32xf32, #tpu.memory_space<hbm>>) dst(%dma_wait3A_931 : memref<32xf32, #tpu.memory_space<vmem>>)
      %dma_wait3A_935 = arith.constant 0 : i32
      %dma_wait3A_936 = arith.constant 0 : i32
      %dma_wait3A_937 = arith.constant 6 : i32
      %dma_wait3A_938 = arith.constant 2 : i32
      %dma_wait3A_939 = arith.constant 0 : i32
      %dma_wait3A_940 = tpu.memref_slice %arg12[%and3A_714, %dma_wait3A_937, %dma_wait3A_939] : memref<2x16x32xf32, #tpu.memory_space<vmem>> -> memref<1x1x32xf32, #tpu.memory_space<vmem>>
      %dma_wait3A_941 = tpu.memref_squeeze %dma_wait3A_940 : memref<1x1x32xf32, #tpu.memory_space<vmem>> -> memref<32xf32, #tpu.memory_space<vmem>>
      %dma_wait3A_942 = arith.constant 0 : i32
      %dma_wait3A_943 = tpu.memref_slice %arg4[%dma_wait3A_935, %dma_wait3A_936, %dma_wait3A_942] : memref<125000x8x32xf32, #tpu.memory_space<hbm>> -> memref<1x1x32xf32, #tpu.memory_space<hbm>>
      %dma_wait3A_944 = tpu.memref_squeeze %dma_wait3A_943 : memref<1x1x32xf32, #tpu.memory_space<hbm>> -> memref<32xf32, #tpu.memory_space<hbm>>
      %dma_wait3A_945 = tpu.memref_slice %arg18[%dma_wait3A_938] : memref<4x!tpu.dma_semaphore, #tpu.memory_space<semaphore_mem>> -> memref<1x!tpu.dma_semaphore, #tpu.memory_space<semaphore_mem>>
      %dma_wait3A_946 = tpu.memref_squeeze %dma_wait3A_945 : memref<1x!tpu.dma_semaphore, #tpu.memory_space<semaphore_mem>> -> memref<!tpu.dma_semaphore, #tpu.memory_space<semaphore_mem>>
      %dma_wait3A_947 = arith.constant 0 : i32
      %dma_wait3A_948 = tpu.memref_slice %arg12[%and3A_714, %dma_wait3A_937, %dma_wait3A_947] : memref<2x16x32xf32, #tpu.memory_space<vmem>> -> memref<1x1x32xf32, #tpu.memory_space<vmem>>
      %dma_wait3A_949 = tpu.memref_squeeze %dma_wait3A_948 : memref<1x1x32xf32, #tpu.memory_space<vmem>> -> memref<32xf32, #tpu.memory_space<vmem>>
      %dma_wait3A_950 = arith.constant 0 : i32
      %dma_wait3A_951 = tpu.memref_slice %arg4[%dma_wait3A_935, %dma_wait3A_936, %dma_wait3A_950] : memref<125000x8x32xf32, #tpu.memory_space<hbm>> -> memref<1x1x32xf32, #tpu.memory_space<hbm>>
      %dma_wait3A_952 = tpu.memref_squeeze %dma_wait3A_951 : memref<1x1x32xf32, #tpu.memory_space<hbm>> -> memref<32xf32, #tpu.memory_space<hbm>>
      tpu.wait_dma2 semaphore(%dma_wait3A_946 : memref<!tpu.dma_semaphore, #tpu.memory_space<semaphore_mem>>) src(%dma_wait3A_952 : memref<32xf32, #tpu.memory_space<hbm>>) dst(%dma_wait3A_949 : memref<32xf32, #tpu.memory_space<vmem>>)
      %dma_wait3A_953 = arith.constant 0 : i32
      %dma_wait3A_954 = arith.constant 0 : i32
      %dma_wait3A_955 = arith.constant 6 : i32
      %dma_wait3A_956 = arith.constant 2 : i32
      %dma_wait3A_957 = arith.constant 0 : i32
      %dma_wait3A_958 = tpu.memref_slice %arg13[%and3A_714, %dma_wait3A_955, %dma_wait3A_957] : memref<2x16x32xf32, #tpu.memory_space<vmem>> -> memref<1x1x32xf32, #tpu.memory_space<vmem>>
      %dma_wait3A_959 = tpu.memref_squeeze %dma_wait3A_958 : memref<1x1x32xf32, #tpu.memory_space<vmem>> -> memref<32xf32, #tpu.memory_space<vmem>>
      %dma_wait3A_960 = arith.constant 0 : i32
      %dma_wait3A_961 = tpu.memref_slice %arg5[%dma_wait3A_953, %dma_wait3A_954, %dma_wait3A_960] : memref<125000x8x32xf32, #tpu.memory_space<hbm>> -> memref<1x1x32xf32, #tpu.memory_space<hbm>>
      %dma_wait3A_962 = tpu.memref_squeeze %dma_wait3A_961 : memref<1x1x32xf32, #tpu.memory_space<hbm>> -> memref<32xf32, #tpu.memory_space<hbm>>
      %dma_wait3A_963 = tpu.memref_slice %arg19[%dma_wait3A_956] : memref<4x!tpu.dma_semaphore, #tpu.memory_space<semaphore_mem>> -> memref<1x!tpu.dma_semaphore, #tpu.memory_space<semaphore_mem>>
      %dma_wait3A_964 = tpu.memref_squeeze %dma_wait3A_963 : memref<1x!tpu.dma_semaphore, #tpu.memory_space<semaphore_mem>> -> memref<!tpu.dma_semaphore, #tpu.memory_space<semaphore_mem>>
      %dma_wait3A_965 = arith.constant 0 : i32
      %dma_wait3A_966 = tpu.memref_slice %arg13[%and3A_714, %dma_wait3A_955, %dma_wait3A_965] : memref<2x16x32xf32, #tpu.memory_space<vmem>> -> memref<1x1x32xf32, #tpu.memory_space<vmem>>
      %dma_wait3A_967 = tpu.memref_squeeze %dma_wait3A_966 : memref<1x1x32xf32, #tpu.memory_space<vmem>> -> memref<32xf32, #tpu.memory_space<vmem>>
      %dma_wait3A_968 = arith.constant 0 : i32
      %dma_wait3A_969 = tpu.memref_slice %arg5[%dma_wait3A_953, %dma_wait3A_954, %dma_wait3A_968] : memref<125000x8x32xf32, #tpu.memory_space<hbm>> -> memref<1x1x32xf32, #tpu.memory_space<hbm>>
      %dma_wait3A_970 = tpu.memref_squeeze %dma_wait3A_969 : memref<1x1x32xf32, #tpu.memory_space<hbm>> -> memref<32xf32, #tpu.memory_space<hbm>>
      tpu.wait_dma2 semaphore(%dma_wait3A_964 : memref<!tpu.dma_semaphore, #tpu.memory_space<semaphore_mem>>) src(%dma_wait3A_970 : memref<32xf32, #tpu.memory_space<hbm>>) dst(%dma_wait3A_967 : memref<32xf32, #tpu.memory_space<vmem>>)
      %dma_wait3A_971 = arith.constant 0 : i32
      %dma_wait3A_972 = arith.constant 0 : i32
      %dma_wait3A_973 = arith.constant 7 : i32
      %dma_wait3A_974 = arith.constant 3 : i32
      %dma_wait3A_975 = arith.constant 0 : i32
      %dma_wait3A_976 = tpu.memref_slice %arg12[%and3A_714, %dma_wait3A_973, %dma_wait3A_975] : memref<2x16x32xf32, #tpu.memory_space<vmem>> -> memref<1x1x32xf32, #tpu.memory_space<vmem>>
      %dma_wait3A_977 = tpu.memref_squeeze %dma_wait3A_976 : memref<1x1x32xf32, #tpu.memory_space<vmem>> -> memref<32xf32, #tpu.memory_space<vmem>>
      %dma_wait3A_978 = arith.constant 0 : i32
      %dma_wait3A_979 = tpu.memref_slice %arg4[%dma_wait3A_971, %dma_wait3A_972, %dma_wait3A_978] : memref<125000x8x32xf32, #tpu.memory_space<hbm>> -> memref<1x1x32xf32, #tpu.memory_space<hbm>>
      %dma_wait3A_980 = tpu.memref_squeeze %dma_wait3A_979 : memref<1x1x32xf32, #tpu.memory_space<hbm>> -> memref<32xf32, #tpu.memory_space<hbm>>
      %dma_wait3A_981 = tpu.memref_slice %arg18[%dma_wait3A_974] : memref<4x!tpu.dma_semaphore, #tpu.memory_space<semaphore_mem>> -> memref<1x!tpu.dma_semaphore, #tpu.memory_space<semaphore_mem>>
      %dma_wait3A_982 = tpu.memref_squeeze %dma_wait3A_981 : memref<1x!tpu.dma_semaphore, #tpu.memory_space<semaphore_mem>> -> memref<!tpu.dma_semaphore, #tpu.memory_space<semaphore_mem>>
      %dma_wait3A_983 = arith.constant 0 : i32
      %dma_wait3A_984 = tpu.memref_slice %arg12[%and3A_714, %dma_wait3A_973, %dma_wait3A_983] : memref<2x16x32xf32, #tpu.memory_space<vmem>> -> memref<1x1x32xf32, #tpu.memory_space<vmem>>
      %dma_wait3A_985 = tpu.memref_squeeze %dma_wait3A_984 : memref<1x1x32xf32, #tpu.memory_space<vmem>> -> memref<32xf32, #tpu.memory_space<vmem>>
      %dma_wait3A_986 = arith.constant 0 : i32
      %dma_wait3A_987 = tpu.memref_slice %arg4[%dma_wait3A_971, %dma_wait3A_972, %dma_wait3A_986] : memref<125000x8x32xf32, #tpu.memory_space<hbm>> -> memref<1x1x32xf32, #tpu.memory_space<hbm>>
      %dma_wait3A_988 = tpu.memref_squeeze %dma_wait3A_987 : memref<1x1x32xf32, #tpu.memory_space<hbm>> -> memref<32xf32, #tpu.memory_space<hbm>>
      tpu.wait_dma2 semaphore(%dma_wait3A_982 : memref<!tpu.dma_semaphore, #tpu.memory_space<semaphore_mem>>) src(%dma_wait3A_988 : memref<32xf32, #tpu.memory_space<hbm>>) dst(%dma_wait3A_985 : memref<32xf32, #tpu.memory_space<vmem>>)
      %dma_wait3A_989 = arith.constant 0 : i32
      %dma_wait3A_990 = arith.constant 0 : i32
      %dma_wait3A_991 = arith.constant 7 : i32
      %dma_wait3A_992 = arith.constant 3 : i32
      %dma_wait3A_993 = arith.constant 0 : i32
      %dma_wait3A_994 = tpu.memref_slice %arg13[%and3A_714, %dma_wait3A_991, %dma_wait3A_993] : memref<2x16x32xf32, #tpu.memory_space<vmem>> -> memref<1x1x32xf32, #tpu.memory_space<vmem>>
      %dma_wait3A_995 = tpu.memref_squeeze %dma_wait3A_994 : memref<1x1x32xf32, #tpu.memory_space<vmem>> -> memref<32xf32, #tpu.memory_space<vmem>>
      %dma_wait3A_996 = arith.constant 0 : i32
      %dma_wait3A_997 = tpu.memref_slice %arg5[%dma_wait3A_989, %dma_wait3A_990, %dma_wait3A_996] : memref<125000x8x32xf32, #tpu.memory_space<hbm>> -> memref<1x1x32xf32, #tpu.memory_space<hbm>>
      %dma_wait3A_998 = tpu.memref_squeeze %dma_wait3A_997 : memref<1x1x32xf32, #tpu.memory_space<hbm>> -> memref<32xf32, #tpu.memory_space<hbm>>
      %dma_wait3A_999 = tpu.memref_slice %arg19[%dma_wait3A_992] : memref<4x!tpu.dma_semaphore, #tpu.memory_space<semaphore_mem>> -> memref<1x!tpu.dma_semaphore, #tpu.memory_space<semaphore_mem>>
      %dma_wait3A_1000 = tpu.memref_squeeze %dma_wait3A_999 : memref<1x!tpu.dma_semaphore, #tpu.memory_space<semaphore_mem>> -> memref<!tpu.dma_semaphore, #tpu.memory_space<semaphore_mem>>
      %dma_wait3A_1001 = arith.constant 0 : i32
      %dma_wait3A_1002 = tpu.memref_slice %arg13[%and3A_714, %dma_wait3A_991, %dma_wait3A_1001] : memref<2x16x32xf32, #tpu.memory_space<vmem>> -> memref<1x1x32xf32, #tpu.memory_space<vmem>>
      %dma_wait3A_1003 = tpu.memref_squeeze %dma_wait3A_1002 : memref<1x1x32xf32, #tpu.memory_space<vmem>> -> memref<32xf32, #tpu.memory_space<vmem>>
      %dma_wait3A_1004 = arith.constant 0 : i32
      %dma_wait3A_1005 = tpu.memref_slice %arg5[%dma_wait3A_989, %dma_wait3A_990, %dma_wait3A_1004] : memref<125000x8x32xf32, #tpu.memory_space<hbm>> -> memref<1x1x32xf32, #tpu.memory_space<hbm>>
      %dma_wait3A_1006 = tpu.memref_squeeze %dma_wait3A_1005 : memref<1x1x32xf32, #tpu.memory_space<hbm>> -> memref<32xf32, #tpu.memory_space<hbm>>
      tpu.wait_dma2 semaphore(%dma_wait3A_1000 : memref<!tpu.dma_semaphore, #tpu.memory_space<semaphore_mem>>) src(%dma_wait3A_1006 : memref<32xf32, #tpu.memory_space<hbm>>) dst(%dma_wait3A_1003 : memref<32xf32, #tpu.memory_space<vmem>>)
      %dma_wait3A_1007 = arith.constant 0 : i32
      %dma_wait3A_1008 = arith.constant 0 : i32
      %dma_wait3A_1009 = arith.constant 8 : i32
      %dma_wait3A_1010 = arith.constant 0 : i32
      %dma_wait3A_1011 = arith.constant 0 : i32
      %dma_wait3A_1012 = tpu.memref_slice %arg12[%and3A_714, %dma_wait3A_1009, %dma_wait3A_1011] : memref<2x16x32xf32, #tpu.memory_space<vmem>> -> memref<1x1x32xf32, #tpu.memory_space<vmem>>
      %dma_wait3A_1013 = tpu.memref_squeeze %dma_wait3A_1012 : memref<1x1x32xf32, #tpu.memory_space<vmem>> -> memref<32xf32, #tpu.memory_space<vmem>>
      %dma_wait3A_1014 = arith.constant 0 : i32
      %dma_wait3A_1015 = tpu.memref_slice %arg4[%dma_wait3A_1007, %dma_wait3A_1008, %dma_wait3A_1014] : memref<125000x8x32xf32, #tpu.memory_space<hbm>> -> memref<1x1x32xf32, #tpu.memory_space<hbm>>
      %dma_wait3A_1016 = tpu.memref_squeeze %dma_wait3A_1015 : memref<1x1x32xf32, #tpu.memory_space<hbm>> -> memref<32xf32, #tpu.memory_space<hbm>>
      %dma_wait3A_1017 = tpu.memref_slice %arg18[%dma_wait3A_1010] : memref<4x!tpu.dma_semaphore, #tpu.memory_space<semaphore_mem>> -> memref<1x!tpu.dma_semaphore, #tpu.memory_space<semaphore_mem>>
      %dma_wait3A_1018 = tpu.memref_squeeze %dma_wait3A_1017 : memref<1x!tpu.dma_semaphore, #tpu.memory_space<semaphore_mem>> -> memref<!tpu.dma_semaphore, #tpu.memory_space<semaphore_mem>>
      %dma_wait3A_1019 = arith.constant 0 : i32
      %dma_wait3A_1020 = tpu.memref_slice %arg12[%and3A_714, %dma_wait3A_1009, %dma_wait3A_1019] : memref<2x16x32xf32, #tpu.memory_space<vmem>> -> memref<1x1x32xf32, #tpu.memory_space<vmem>>
      %dma_wait3A_1021 = tpu.memref_squeeze %dma_wait3A_1020 : memref<1x1x32xf32, #tpu.memory_space<vmem>> -> memref<32xf32, #tpu.memory_space<vmem>>
      %dma_wait3A_1022 = arith.constant 0 : i32
      %dma_wait3A_1023 = tpu.memref_slice %arg4[%dma_wait3A_1007, %dma_wait3A_1008, %dma_wait3A_1022] : memref<125000x8x32xf32, #tpu.memory_space<hbm>> -> memref<1x1x32xf32, #tpu.memory_space<hbm>>
      %dma_wait3A_1024 = tpu.memref_squeeze %dma_wait3A_1023 : memref<1x1x32xf32, #tpu.memory_space<hbm>> -> memref<32xf32, #tpu.memory_space<hbm>>
      tpu.wait_dma2 semaphore(%dma_wait3A_1018 : memref<!tpu.dma_semaphore, #tpu.memory_space<semaphore_mem>>) src(%dma_wait3A_1024 : memref<32xf32, #tpu.memory_space<hbm>>) dst(%dma_wait3A_1021 : memref<32xf32, #tpu.memory_space<vmem>>)
      %dma_wait3A_1025 = arith.constant 0 : i32
      %dma_wait3A_1026 = arith.constant 0 : i32
      %dma_wait3A_1027 = arith.constant 8 : i32
      %dma_wait3A_1028 = arith.constant 0 : i32
      %dma_wait3A_1029 = arith.constant 0 : i32
      %dma_wait3A_1030 = tpu.memref_slice %arg13[%and3A_714, %dma_wait3A_1027, %dma_wait3A_1029] : memref<2x16x32xf32, #tpu.memory_space<vmem>> -> memref<1x1x32xf32, #tpu.memory_space<vmem>>
      %dma_wait3A_1031 = tpu.memref_squeeze %dma_wait3A_1030 : memref<1x1x32xf32, #tpu.memory_space<vmem>> -> memref<32xf32, #tpu.memory_space<vmem>>
      %dma_wait3A_1032 = arith.constant 0 : i32
      %dma_wait3A_1033 = tpu.memref_slice %arg5[%dma_wait3A_1025, %dma_wait3A_1026, %dma_wait3A_1032] : memref<125000x8x32xf32, #tpu.memory_space<hbm>> -> memref<1x1x32xf32, #tpu.memory_space<hbm>>
      %dma_wait3A_1034 = tpu.memref_squeeze %dma_wait3A_1033 : memref<1x1x32xf32, #tpu.memory_space<hbm>> -> memref<32xf32, #tpu.memory_space<hbm>>
      %dma_wait3A_1035 = tpu.memref_slice %arg19[%dma_wait3A_1028] : memref<4x!tpu.dma_semaphore, #tpu.memory_space<semaphore_mem>> -> memref<1x!tpu.dma_semaphore, #tpu.memory_space<semaphore_mem>>
      %dma_wait3A_1036 = tpu.memref_squeeze %dma_wait3A_1035 : memref<1x!tpu.dma_semaphore, #tpu.memory_space<semaphore_mem>> -> memref<!tpu.dma_semaphore, #tpu.memory_space<semaphore_mem>>
      %dma_wait3A_1037 = arith.constant 0 : i32
      %dma_wait3A_1038 = tpu.memref_slice %arg13[%and3A_714, %dma_wait3A_1027, %dma_wait3A_1037] : memref<2x16x32xf32, #tpu.memory_space<vmem>> -> memref<1x1x32xf32, #tpu.memory_space<vmem>>
      %dma_wait3A_1039 = tpu.memref_squeeze %dma_wait3A_1038 : memref<1x1x32xf32, #tpu.memory_space<vmem>> -> memref<32xf32, #tpu.memory_space<vmem>>
      %dma_wait3A_1040 = arith.constant 0 : i32
      %dma_wait3A_1041 = tpu.memref_slice %arg5[%dma_wait3A_1025, %dma_wait3A_1026, %dma_wait3A_1040] : memref<125000x8x32xf32, #tpu.memory_space<hbm>> -> memref<1x1x32xf32, #tpu.memory_space<hbm>>
      %dma_wait3A_1042 = tpu.memref_squeeze %dma_wait3A_1041 : memref<1x1x32xf32, #tpu.memory_space<hbm>> -> memref<32xf32, #tpu.memory_space<hbm>>
      tpu.wait_dma2 semaphore(%dma_wait3A_1036 : memref<!tpu.dma_semaphore, #tpu.memory_space<semaphore_mem>>) src(%dma_wait3A_1042 : memref<32xf32, #tpu.memory_space<hbm>>) dst(%dma_wait3A_1039 : memref<32xf32, #tpu.memory_space<vmem>>)
      %dma_wait3A_1043 = arith.constant 0 : i32
      %dma_wait3A_1044 = arith.constant 0 : i32
      %dma_wait3A_1045 = arith.constant 9 : i32
      %dma_wait3A_1046 = arith.constant 1 : i32
      %dma_wait3A_1047 = arith.constant 0 : i32
      %dma_wait3A_1048 = tpu.memref_slice %arg12[%and3A_714, %dma_wait3A_1045, %dma_wait3A_1047] : memref<2x16x32xf32, #tpu.memory_space<vmem>> -> memref<1x1x32xf32, #tpu.memory_space<vmem>>
      %dma_wait3A_1049 = tpu.memref_squeeze %dma_wait3A_1048 : memref<1x1x32xf32, #tpu.memory_space<vmem>> -> memref<32xf32, #tpu.memory_space<vmem>>
      %dma_wait3A_1050 = arith.constant 0 : i32
      %dma_wait3A_1051 = tpu.memref_slice %arg4[%dma_wait3A_1043, %dma_wait3A_1044, %dma_wait3A_1050] : memref<125000x8x32xf32, #tpu.memory_space<hbm>> -> memref<1x1x32xf32, #tpu.memory_space<hbm>>
      %dma_wait3A_1052 = tpu.memref_squeeze %dma_wait3A_1051 : memref<1x1x32xf32, #tpu.memory_space<hbm>> -> memref<32xf32, #tpu.memory_space<hbm>>
      %dma_wait3A_1053 = tpu.memref_slice %arg18[%dma_wait3A_1046] : memref<4x!tpu.dma_semaphore, #tpu.memory_space<semaphore_mem>> -> memref<1x!tpu.dma_semaphore, #tpu.memory_space<semaphore_mem>>
      %dma_wait3A_1054 = tpu.memref_squeeze %dma_wait3A_1053 : memref<1x!tpu.dma_semaphore, #tpu.memory_space<semaphore_mem>> -> memref<!tpu.dma_semaphore, #tpu.memory_space<semaphore_mem>>
      %dma_wait3A_1055 = arith.constant 0 : i32
      %dma_wait3A_1056 = tpu.memref_slice %arg12[%and3A_714, %dma_wait3A_1045, %dma_wait3A_1055] : memref<2x16x32xf32, #tpu.memory_space<vmem>> -> memref<1x1x32xf32, #tpu.memory_space<vmem>>
      %dma_wait3A_1057 = tpu.memref_squeeze %dma_wait3A_1056 : memref<1x1x32xf32, #tpu.memory_space<vmem>> -> memref<32xf32, #tpu.memory_space<vmem>>
      %dma_wait3A_1058 = arith.constant 0 : i32
      %dma_wait3A_1059 = tpu.memref_slice %arg4[%dma_wait3A_1043, %dma_wait3A_1044, %dma_wait3A_1058] : memref<125000x8x32xf32, #tpu.memory_space<hbm>> -> memref<1x1x32xf32, #tpu.memory_space<hbm>>
      %dma_wait3A_1060 = tpu.memref_squeeze %dma_wait3A_1059 : memref<1x1x32xf32, #tpu.memory_space<hbm>> -> memref<32xf32, #tpu.memory_space<hbm>>
      tpu.wait_dma2 semaphore(%dma_wait3A_1054 : memref<!tpu.dma_semaphore, #tpu.memory_space<semaphore_mem>>) src(%dma_wait3A_1060 : memref<32xf32, #tpu.memory_space<hbm>>) dst(%dma_wait3A_1057 : memref<32xf32, #tpu.memory_space<vmem>>)
      %dma_wait3A_1061 = arith.constant 0 : i32
      %dma_wait3A_1062 = arith.constant 0 : i32
      %dma_wait3A_1063 = arith.constant 9 : i32
      %dma_wait3A_1064 = arith.constant 1 : i32
      %dma_wait3A_1065 = arith.constant 0 : i32
      %dma_wait3A_1066 = tpu.memref_slice %arg13[%and3A_714, %dma_wait3A_1063, %dma_wait3A_1065] : memref<2x16x32xf32, #tpu.memory_space<vmem>> -> memref<1x1x32xf32, #tpu.memory_space<vmem>>
      %dma_wait3A_1067 = tpu.memref_squeeze %dma_wait3A_1066 : memref<1x1x32xf32, #tpu.memory_space<vmem>> -> memref<32xf32, #tpu.memory_space<vmem>>
      %dma_wait3A_1068 = arith.constant 0 : i32
      %dma_wait3A_1069 = tpu.memref_slice %arg5[%dma_wait3A_1061, %dma_wait3A_1062, %dma_wait3A_1068] : memref<125000x8x32xf32, #tpu.memory_space<hbm>> -> memref<1x1x32xf32, #tpu.memory_space<hbm>>
      %dma_wait3A_1070 = tpu.memref_squeeze %dma_wait3A_1069 : memref<1x1x32xf32, #tpu.memory_space<hbm>> -> memref<32xf32, #tpu.memory_space<hbm>>
      %dma_wait3A_1071 = tpu.memref_slice %arg19[%dma_wait3A_1064] : memref<4x!tpu.dma_semaphore, #tpu.memory_space<semaphore_mem>> -> memref<1x!tpu.dma_semaphore, #tpu.memory_space<semaphore_mem>>
      %dma_wait3A_1072 = tpu.memref_squeeze %dma_wait3A_1071 : memref<1x!tpu.dma_semaphore, #tpu.memory_space<semaphore_mem>> -> memref<!tpu.dma_semaphore, #tpu.memory_space<semaphore_mem>>
      %dma_wait3A_1073 = arith.constant 0 : i32
      %dma_wait3A_1074 = tpu.memref_slice %arg13[%and3A_714, %dma_wait3A_1063, %dma_wait3A_1073] : memref<2x16x32xf32, #tpu.memory_space<vmem>> -> memref<1x1x32xf32, #tpu.memory_space<vmem>>
      %dma_wait3A_1075 = tpu.memref_squeeze %dma_wait3A_1074 : memref<1x1x32xf32, #tpu.memory_space<vmem>> -> memref<32xf32, #tpu.memory_space<vmem>>
      %dma_wait3A_1076 = arith.constant 0 : i32
      %dma_wait3A_1077 = tpu.memref_slice %arg5[%dma_wait3A_1061, %dma_wait3A_1062, %dma_wait3A_1076] : memref<125000x8x32xf32, #tpu.memory_space<hbm>> -> memref<1x1x32xf32, #tpu.memory_space<hbm>>
      %dma_wait3A_1078 = tpu.memref_squeeze %dma_wait3A_1077 : memref<1x1x32xf32, #tpu.memory_space<hbm>> -> memref<32xf32, #tpu.memory_space<hbm>>
      tpu.wait_dma2 semaphore(%dma_wait3A_1072 : memref<!tpu.dma_semaphore, #tpu.memory_space<semaphore_mem>>) src(%dma_wait3A_1078 : memref<32xf32, #tpu.memory_space<hbm>>) dst(%dma_wait3A_1075 : memref<32xf32, #tpu.memory_space<vmem>>)
      %dma_wait3A_1079 = arith.constant 0 : i32
      %dma_wait3A_1080 = arith.constant 0 : i32
      %dma_wait3A_1081 = arith.constant 10 : i32
      %dma_wait3A_1082 = arith.constant 2 : i32
      %dma_wait3A_1083 = arith.constant 0 : i32
      %dma_wait3A_1084 = tpu.memref_slice %arg12[%and3A_714, %dma_wait3A_1081, %dma_wait3A_1083] : memref<2x16x32xf32, #tpu.memory_space<vmem>> -> memref<1x1x32xf32, #tpu.memory_space<vmem>>
      %dma_wait3A_1085 = tpu.memref_squeeze %dma_wait3A_1084 : memref<1x1x32xf32, #tpu.memory_space<vmem>> -> memref<32xf32, #tpu.memory_space<vmem>>
      %dma_wait3A_1086 = arith.constant 0 : i32
      %dma_wait3A_1087 = tpu.memref_slice %arg4[%dma_wait3A_1079, %dma_wait3A_1080, %dma_wait3A_1086] : memref<125000x8x32xf32, #tpu.memory_space<hbm>> -> memref<1x1x32xf32, #tpu.memory_space<hbm>>
      %dma_wait3A_1088 = tpu.memref_squeeze %dma_wait3A_1087 : memref<1x1x32xf32, #tpu.memory_space<hbm>> -> memref<32xf32, #tpu.memory_space<hbm>>
      %dma_wait3A_1089 = tpu.memref_slice %arg18[%dma_wait3A_1082] : memref<4x!tpu.dma_semaphore, #tpu.memory_space<semaphore_mem>> -> memref<1x!tpu.dma_semaphore, #tpu.memory_space<semaphore_mem>>
      %dma_wait3A_1090 = tpu.memref_squeeze %dma_wait3A_1089 : memref<1x!tpu.dma_semaphore, #tpu.memory_space<semaphore_mem>> -> memref<!tpu.dma_semaphore, #tpu.memory_space<semaphore_mem>>
      %dma_wait3A_1091 = arith.constant 0 : i32
      %dma_wait3A_1092 = tpu.memref_slice %arg12[%and3A_714, %dma_wait3A_1081, %dma_wait3A_1091] : memref<2x16x32xf32, #tpu.memory_space<vmem>> -> memref<1x1x32xf32, #tpu.memory_space<vmem>>
      %dma_wait3A_1093 = tpu.memref_squeeze %dma_wait3A_1092 : memref<1x1x32xf32, #tpu.memory_space<vmem>> -> memref<32xf32, #tpu.memory_space<vmem>>
      %dma_wait3A_1094 = arith.constant 0 : i32
      %dma_wait3A_1095 = tpu.memref_slice %arg4[%dma_wait3A_1079, %dma_wait3A_1080, %dma_wait3A_1094] : memref<125000x8x32xf32, #tpu.memory_space<hbm>> -> memref<1x1x32xf32, #tpu.memory_space<hbm>>
      %dma_wait3A_1096 = tpu.memref_squeeze %dma_wait3A_1095 : memref<1x1x32xf32, #tpu.memory_space<hbm>> -> memref<32xf32, #tpu.memory_space<hbm>>
      tpu.wait_dma2 semaphore(%dma_wait3A_1090 : memref<!tpu.dma_semaphore, #tpu.memory_space<semaphore_mem>>) src(%dma_wait3A_1096 : memref<32xf32, #tpu.memory_space<hbm>>) dst(%dma_wait3A_1093 : memref<32xf32, #tpu.memory_space<vmem>>)
      %dma_wait3A_1097 = arith.constant 0 : i32
      %dma_wait3A_1098 = arith.constant 0 : i32
      %dma_wait3A_1099 = arith.constant 10 : i32
      %dma_wait3A_1100 = arith.constant 2 : i32
      %dma_wait3A_1101 = arith.constant 0 : i32
      %dma_wait3A_1102 = tpu.memref_slice %arg13[%and3A_714, %dma_wait3A_1099, %dma_wait3A_1101] : memref<2x16x32xf32, #tpu.memory_space<vmem>> -> memref<1x1x32xf32, #tpu.memory_space<vmem>>
      %dma_wait3A_1103 = tpu.memref_squeeze %dma_wait3A_1102 : memref<1x1x32xf32, #tpu.memory_space<vmem>> -> memref<32xf32, #tpu.memory_space<vmem>>
      %dma_wait3A_1104 = arith.constant 0 : i32
      %dma_wait3A_1105 = tpu.memref_slice %arg5[%dma_wait3A_1097, %dma_wait3A_1098, %dma_wait3A_1104] : memref<125000x8x32xf32, #tpu.memory_space<hbm>> -> memref<1x1x32xf32, #tpu.memory_space<hbm>>
      %dma_wait3A_1106 = tpu.memref_squeeze %dma_wait3A_1105 : memref<1x1x32xf32, #tpu.memory_space<hbm>> -> memref<32xf32, #tpu.memory_space<hbm>>
      %dma_wait3A_1107 = tpu.memref_slice %arg19[%dma_wait3A_1100] : memref<4x!tpu.dma_semaphore, #tpu.memory_space<semaphore_mem>> -> memref<1x!tpu.dma_semaphore, #tpu.memory_space<semaphore_mem>>
      %dma_wait3A_1108 = tpu.memref_squeeze %dma_wait3A_1107 : memref<1x!tpu.dma_semaphore, #tpu.memory_space<semaphore_mem>> -> memref<!tpu.dma_semaphore, #tpu.memory_space<semaphore_mem>>
      %dma_wait3A_1109 = arith.constant 0 : i32
      %dma_wait3A_1110 = tpu.memref_slice %arg13[%and3A_714, %dma_wait3A_1099, %dma_wait3A_1109] : memref<2x16x32xf32, #tpu.memory_space<vmem>> -> memref<1x1x32xf32, #tpu.memory_space<vmem>>
      %dma_wait3A_1111 = tpu.memref_squeeze %dma_wait3A_1110 : memref<1x1x32xf32, #tpu.memory_space<vmem>> -> memref<32xf32, #tpu.memory_space<vmem>>
      %dma_wait3A_1112 = arith.constant 0 : i32
      %dma_wait3A_1113 = tpu.memref_slice %arg5[%dma_wait3A_1097, %dma_wait3A_1098, %dma_wait3A_1112] : memref<125000x8x32xf32, #tpu.memory_space<hbm>> -> memref<1x1x32xf32, #tpu.memory_space<hbm>>
      %dma_wait3A_1114 = tpu.memref_squeeze %dma_wait3A_1113 : memref<1x1x32xf32, #tpu.memory_space<hbm>> -> memref<32xf32, #tpu.memory_space<hbm>>
      tpu.wait_dma2 semaphore(%dma_wait3A_1108 : memref<!tpu.dma_semaphore, #tpu.memory_space<semaphore_mem>>) src(%dma_wait3A_1114 : memref<32xf32, #tpu.memory_space<hbm>>) dst(%dma_wait3A_1111 : memref<32xf32, #tpu.memory_space<vmem>>)
      %dma_wait3A_1115 = arith.constant 0 : i32
      %dma_wait3A_1116 = arith.constant 0 : i32
      %dma_wait3A_1117 = arith.constant 11 : i32
      %dma_wait3A_1118 = arith.constant 3 : i32
      %dma_wait3A_1119 = arith.constant 0 : i32
      %dma_wait3A_1120 = tpu.memref_slice %arg12[%and3A_714, %dma_wait3A_1117, %dma_wait3A_1119] : memref<2x16x32xf32, #tpu.memory_space<vmem>> -> memref<1x1x32xf32, #tpu.memory_space<vmem>>
      %dma_wait3A_1121 = tpu.memref_squeeze %dma_wait3A_1120 : memref<1x1x32xf32, #tpu.memory_space<vmem>> -> memref<32xf32, #tpu.memory_space<vmem>>
      %dma_wait3A_1122 = arith.constant 0 : i32
      %dma_wait3A_1123 = tpu.memref_slice %arg4[%dma_wait3A_1115, %dma_wait3A_1116, %dma_wait3A_1122] : memref<125000x8x32xf32, #tpu.memory_space<hbm>> -> memref<1x1x32xf32, #tpu.memory_space<hbm>>
      %dma_wait3A_1124 = tpu.memref_squeeze %dma_wait3A_1123 : memref<1x1x32xf32, #tpu.memory_space<hbm>> -> memref<32xf32, #tpu.memory_space<hbm>>
      %dma_wait3A_1125 = tpu.memref_slice %arg18[%dma_wait3A_1118] : memref<4x!tpu.dma_semaphore, #tpu.memory_space<semaphore_mem>> -> memref<1x!tpu.dma_semaphore, #tpu.memory_space<semaphore_mem>>
      %dma_wait3A_1126 = tpu.memref_squeeze %dma_wait3A_1125 : memref<1x!tpu.dma_semaphore, #tpu.memory_space<semaphore_mem>> -> memref<!tpu.dma_semaphore, #tpu.memory_space<semaphore_mem>>
      %dma_wait3A_1127 = arith.constant 0 : i32
      %dma_wait3A_1128 = tpu.memref_slice %arg12[%and3A_714, %dma_wait3A_1117, %dma_wait3A_1127] : memref<2x16x32xf32, #tpu.memory_space<vmem>> -> memref<1x1x32xf32, #tpu.memory_space<vmem>>
      %dma_wait3A_1129 = tpu.memref_squeeze %dma_wait3A_1128 : memref<1x1x32xf32, #tpu.memory_space<vmem>> -> memref<32xf32, #tpu.memory_space<vmem>>
      %dma_wait3A_1130 = arith.constant 0 : i32
      %dma_wait3A_1131 = tpu.memref_slice %arg4[%dma_wait3A_1115, %dma_wait3A_1116, %dma_wait3A_1130] : memref<125000x8x32xf32, #tpu.memory_space<hbm>> -> memref<1x1x32xf32, #tpu.memory_space<hbm>>
      %dma_wait3A_1132 = tpu.memref_squeeze %dma_wait3A_1131 : memref<1x1x32xf32, #tpu.memory_space<hbm>> -> memref<32xf32, #tpu.memory_space<hbm>>
      tpu.wait_dma2 semaphore(%dma_wait3A_1126 : memref<!tpu.dma_semaphore, #tpu.memory_space<semaphore_mem>>) src(%dma_wait3A_1132 : memref<32xf32, #tpu.memory_space<hbm>>) dst(%dma_wait3A_1129 : memref<32xf32, #tpu.memory_space<vmem>>)
      %dma_wait3A_1133 = arith.constant 0 : i32
      %dma_wait3A_1134 = arith.constant 0 : i32
      %dma_wait3A_1135 = arith.constant 11 : i32
      %dma_wait3A_1136 = arith.constant 3 : i32
      %dma_wait3A_1137 = arith.constant 0 : i32
      %dma_wait3A_1138 = tpu.memref_slice %arg13[%and3A_714, %dma_wait3A_1135, %dma_wait3A_1137] : memref<2x16x32xf32, #tpu.memory_space<vmem>> -> memref<1x1x32xf32, #tpu.memory_space<vmem>>
      %dma_wait3A_1139 = tpu.memref_squeeze %dma_wait3A_1138 : memref<1x1x32xf32, #tpu.memory_space<vmem>> -> memref<32xf32, #tpu.memory_space<vmem>>
      %dma_wait3A_1140 = arith.constant 0 : i32
      %dma_wait3A_1141 = tpu.memref_slice %arg5[%dma_wait3A_1133, %dma_wait3A_1134, %dma_wait3A_1140] : memref<125000x8x32xf32, #tpu.memory_space<hbm>> -> memref<1x1x32xf32, #tpu.memory_space<hbm>>
      %dma_wait3A_1142 = tpu.memref_squeeze %dma_wait3A_1141 : memref<1x1x32xf32, #tpu.memory_space<hbm>> -> memref<32xf32, #tpu.memory_space<hbm>>
      %dma_wait3A_1143 = tpu.memref_slice %arg19[%dma_wait3A_1136] : memref<4x!tpu.dma_semaphore, #tpu.memory_space<semaphore_mem>> -> memref<1x!tpu.dma_semaphore, #tpu.memory_space<semaphore_mem>>
      %dma_wait3A_1144 = tpu.memref_squeeze %dma_wait3A_1143 : memref<1x!tpu.dma_semaphore, #tpu.memory_space<semaphore_mem>> -> memref<!tpu.dma_semaphore, #tpu.memory_space<semaphore_mem>>
      %dma_wait3A_1145 = arith.constant 0 : i32
      %dma_wait3A_1146 = tpu.memref_slice %arg13[%and3A_714, %dma_wait3A_1135, %dma_wait3A_1145] : memref<2x16x32xf32, #tpu.memory_space<vmem>> -> memref<1x1x32xf32, #tpu.memory_space<vmem>>
      %dma_wait3A_1147 = tpu.memref_squeeze %dma_wait3A_1146 : memref<1x1x32xf32, #tpu.memory_space<vmem>> -> memref<32xf32, #tpu.memory_space<vmem>>
      %dma_wait3A_1148 = arith.constant 0 : i32
      %dma_wait3A_1149 = tpu.memref_slice %arg5[%dma_wait3A_1133, %dma_wait3A_1134, %dma_wait3A_1148] : memref<125000x8x32xf32, #tpu.memory_space<hbm>> -> memref<1x1x32xf32, #tpu.memory_space<hbm>>
      %dma_wait3A_1150 = tpu.memref_squeeze %dma_wait3A_1149 : memref<1x1x32xf32, #tpu.memory_space<hbm>> -> memref<32xf32, #tpu.memory_space<hbm>>
      tpu.wait_dma2 semaphore(%dma_wait3A_1144 : memref<!tpu.dma_semaphore, #tpu.memory_space<semaphore_mem>>) src(%dma_wait3A_1150 : memref<32xf32, #tpu.memory_space<hbm>>) dst(%dma_wait3A_1147 : memref<32xf32, #tpu.memory_space<vmem>>)
      %dma_wait3A_1151 = arith.constant 0 : i32
      %dma_wait3A_1152 = arith.constant 0 : i32
      %dma_wait3A_1153 = arith.constant 12 : i32
      %dma_wait3A_1154 = arith.constant 0 : i32
      %dma_wait3A_1155 = arith.constant 0 : i32
      %dma_wait3A_1156 = tpu.memref_slice %arg12[%and3A_714, %dma_wait3A_1153, %dma_wait3A_1155] : memref<2x16x32xf32, #tpu.memory_space<vmem>> -> memref<1x1x32xf32, #tpu.memory_space<vmem>>
      %dma_wait3A_1157 = tpu.memref_squeeze %dma_wait3A_1156 : memref<1x1x32xf32, #tpu.memory_space<vmem>> -> memref<32xf32, #tpu.memory_space<vmem>>
      %dma_wait3A_1158 = arith.constant 0 : i32
      %dma_wait3A_1159 = tpu.memref_slice %arg4[%dma_wait3A_1151, %dma_wait3A_1152, %dma_wait3A_1158] : memref<125000x8x32xf32, #tpu.memory_space<hbm>> -> memref<1x1x32xf32, #tpu.memory_space<hbm>>
      %dma_wait3A_1160 = tpu.memref_squeeze %dma_wait3A_1159 : memref<1x1x32xf32, #tpu.memory_space<hbm>> -> memref<32xf32, #tpu.memory_space<hbm>>
      %dma_wait3A_1161 = tpu.memref_slice %arg18[%dma_wait3A_1154] : memref<4x!tpu.dma_semaphore, #tpu.memory_space<semaphore_mem>> -> memref<1x!tpu.dma_semaphore, #tpu.memory_space<semaphore_mem>>
      %dma_wait3A_1162 = tpu.memref_squeeze %dma_wait3A_1161 : memref<1x!tpu.dma_semaphore, #tpu.memory_space<semaphore_mem>> -> memref<!tpu.dma_semaphore, #tpu.memory_space<semaphore_mem>>
      %dma_wait3A_1163 = arith.constant 0 : i32
      %dma_wait3A_1164 = tpu.memref_slice %arg12[%and3A_714, %dma_wait3A_1153, %dma_wait3A_1163] : memref<2x16x32xf32, #tpu.memory_space<vmem>> -> memref<1x1x32xf32, #tpu.memory_space<vmem>>
      %dma_wait3A_1165 = tpu.memref_squeeze %dma_wait3A_1164 : memref<1x1x32xf32, #tpu.memory_space<vmem>> -> memref<32xf32, #tpu.memory_space<vmem>>
      %dma_wait3A_1166 = arith.constant 0 : i32
      %dma_wait3A_1167 = tpu.memref_slice %arg4[%dma_wait3A_1151, %dma_wait3A_1152, %dma_wait3A_1166] : memref<125000x8x32xf32, #tpu.memory_space<hbm>> -> memref<1x1x32xf32, #tpu.memory_space<hbm>>
      %dma_wait3A_1168 = tpu.memref_squeeze %dma_wait3A_1167 : memref<1x1x32xf32, #tpu.memory_space<hbm>> -> memref<32xf32, #tpu.memory_space<hbm>>
      tpu.wait_dma2 semaphore(%dma_wait3A_1162 : memref<!tpu.dma_semaphore, #tpu.memory_space<semaphore_mem>>) src(%dma_wait3A_1168 : memref<32xf32, #tpu.memory_space<hbm>>) dst(%dma_wait3A_1165 : memref<32xf32, #tpu.memory_space<vmem>>)
      %dma_wait3A_1169 = arith.constant 0 : i32
      %dma_wait3A_1170 = arith.constant 0 : i32
      %dma_wait3A_1171 = arith.constant 12 : i32
      %dma_wait3A_1172 = arith.constant 0 : i32
      %dma_wait3A_1173 = arith.constant 0 : i32
      %dma_wait3A_1174 = tpu.memref_slice %arg13[%and3A_714, %dma_wait3A_1171, %dma_wait3A_1173] : memref<2x16x32xf32, #tpu.memory_space<vmem>> -> memref<1x1x32xf32, #tpu.memory_space<vmem>>
      %dma_wait3A_1175 = tpu.memref_squeeze %dma_wait3A_1174 : memref<1x1x32xf32, #tpu.memory_space<vmem>> -> memref<32xf32, #tpu.memory_space<vmem>>
      %dma_wait3A_1176 = arith.constant 0 : i32
      %dma_wait3A_1177 = tpu.memref_slice %arg5[%dma_wait3A_1169, %dma_wait3A_1170, %dma_wait3A_1176] : memref<125000x8x32xf32, #tpu.memory_space<hbm>> -> memref<1x1x32xf32, #tpu.memory_space<hbm>>
      %dma_wait3A_1178 = tpu.memref_squeeze %dma_wait3A_1177 : memref<1x1x32xf32, #tpu.memory_space<hbm>> -> memref<32xf32, #tpu.memory_space<hbm>>
      %dma_wait3A_1179 = tpu.memref_slice %arg19[%dma_wait3A_1172] : memref<4x!tpu.dma_semaphore, #tpu.memory_space<semaphore_mem>> -> memref<1x!tpu.dma_semaphore, #tpu.memory_space<semaphore_mem>>
      %dma_wait3A_1180 = tpu.memref_squeeze %dma_wait3A_1179 : memref<1x!tpu.dma_semaphore, #tpu.memory_space<semaphore_mem>> -> memref<!tpu.dma_semaphore, #tpu.memory_space<semaphore_mem>>
      %dma_wait3A_1181 = arith.constant 0 : i32
      %dma_wait3A_1182 = tpu.memref_slice %arg13[%and3A_714, %dma_wait3A_1171, %dma_wait3A_1181] : memref<2x16x32xf32, #tpu.memory_space<vmem>> -> memref<1x1x32xf32, #tpu.memory_space<vmem>>
      %dma_wait3A_1183 = tpu.memref_squeeze %dma_wait3A_1182 : memref<1x1x32xf32, #tpu.memory_space<vmem>> -> memref<32xf32, #tpu.memory_space<vmem>>
      %dma_wait3A_1184 = arith.constant 0 : i32
      %dma_wait3A_1185 = tpu.memref_slice %arg5[%dma_wait3A_1169, %dma_wait3A_1170, %dma_wait3A_1184] : memref<125000x8x32xf32, #tpu.memory_space<hbm>> -> memref<1x1x32xf32, #tpu.memory_space<hbm>>
      %dma_wait3A_1186 = tpu.memref_squeeze %dma_wait3A_1185 : memref<1x1x32xf32, #tpu.memory_space<hbm>> -> memref<32xf32, #tpu.memory_space<hbm>>
      tpu.wait_dma2 semaphore(%dma_wait3A_1180 : memref<!tpu.dma_semaphore, #tpu.memory_space<semaphore_mem>>) src(%dma_wait3A_1186 : memref<32xf32, #tpu.memory_space<hbm>>) dst(%dma_wait3A_1183 : memref<32xf32, #tpu.memory_space<vmem>>)
      %dma_wait3A_1187 = arith.constant 0 : i32
      %dma_wait3A_1188 = arith.constant 0 : i32
      %dma_wait3A_1189 = arith.constant 13 : i32
      %dma_wait3A_1190 = arith.constant 1 : i32
      %dma_wait3A_1191 = arith.constant 0 : i32
      %dma_wait3A_1192 = tpu.memref_slice %arg12[%and3A_714, %dma_wait3A_1189, %dma_wait3A_1191] : memref<2x16x32xf32, #tpu.memory_space<vmem>> -> memref<1x1x32xf32, #tpu.memory_space<vmem>>
      %dma_wait3A_1193 = tpu.memref_squeeze %dma_wait3A_1192 : memref<1x1x32xf32, #tpu.memory_space<vmem>> -> memref<32xf32, #tpu.memory_space<vmem>>
      %dma_wait3A_1194 = arith.constant 0 : i32
      %dma_wait3A_1195 = tpu.memref_slice %arg4[%dma_wait3A_1187, %dma_wait3A_1188, %dma_wait3A_1194] : memref<125000x8x32xf32, #tpu.memory_space<hbm>> -> memref<1x1x32xf32, #tpu.memory_space<hbm>>
      %dma_wait3A_1196 = tpu.memref_squeeze %dma_wait3A_1195 : memref<1x1x32xf32, #tpu.memory_space<hbm>> -> memref<32xf32, #tpu.memory_space<hbm>>
      %dma_wait3A_1197 = tpu.memref_slice %arg18[%dma_wait3A_1190] : memref<4x!tpu.dma_semaphore, #tpu.memory_space<semaphore_mem>> -> memref<1x!tpu.dma_semaphore, #tpu.memory_space<semaphore_mem>>
      %dma_wait3A_1198 = tpu.memref_squeeze %dma_wait3A_1197 : memref<1x!tpu.dma_semaphore, #tpu.memory_space<semaphore_mem>> -> memref<!tpu.dma_semaphore, #tpu.memory_space<semaphore_mem>>
      %dma_wait3A_1199 = arith.constant 0 : i32
      %dma_wait3A_1200 = tpu.memref_slice %arg12[%and3A_714, %dma_wait3A_1189, %dma_wait3A_1199] : memref<2x16x32xf32, #tpu.memory_space<vmem>> -> memref<1x1x32xf32, #tpu.memory_space<vmem>>
      %dma_wait3A_1201 = tpu.memref_squeeze %dma_wait3A_1200 : memref<1x1x32xf32, #tpu.memory_space<vmem>> -> memref<32xf32, #tpu.memory_space<vmem>>
      %dma_wait3A_1202 = arith.constant 0 : i32
      %dma_wait3A_1203 = tpu.memref_slice %arg4[%dma_wait3A_1187, %dma_wait3A_1188, %dma_wait3A_1202] : memref<125000x8x32xf32, #tpu.memory_space<hbm>> -> memref<1x1x32xf32, #tpu.memory_space<hbm>>
      %dma_wait3A_1204 = tpu.memref_squeeze %dma_wait3A_1203 : memref<1x1x32xf32, #tpu.memory_space<hbm>> -> memref<32xf32, #tpu.memory_space<hbm>>
      tpu.wait_dma2 semaphore(%dma_wait3A_1198 : memref<!tpu.dma_semaphore, #tpu.memory_space<semaphore_mem>>) src(%dma_wait3A_1204 : memref<32xf32, #tpu.memory_space<hbm>>) dst(%dma_wait3A_1201 : memref<32xf32, #tpu.memory_space<vmem>>)
      %dma_wait3A_1205 = arith.constant 0 : i32
      %dma_wait3A_1206 = arith.constant 0 : i32
      %dma_wait3A_1207 = arith.constant 13 : i32
      %dma_wait3A_1208 = arith.constant 1 : i32
      %dma_wait3A_1209 = arith.constant 0 : i32
      %dma_wait3A_1210 = tpu.memref_slice %arg13[%and3A_714, %dma_wait3A_1207, %dma_wait3A_1209] : memref<2x16x32xf32, #tpu.memory_space<vmem>> -> memref<1x1x32xf32, #tpu.memory_space<vmem>>
      %dma_wait3A_1211 = tpu.memref_squeeze %dma_wait3A_1210 : memref<1x1x32xf32, #tpu.memory_space<vmem>> -> memref<32xf32, #tpu.memory_space<vmem>>
      %dma_wait3A_1212 = arith.constant 0 : i32
      %dma_wait3A_1213 = tpu.memref_slice %arg5[%dma_wait3A_1205, %dma_wait3A_1206, %dma_wait3A_1212] : memref<125000x8x32xf32, #tpu.memory_space<hbm>> -> memref<1x1x32xf32, #tpu.memory_space<hbm>>
      %dma_wait3A_1214 = tpu.memref_squeeze %dma_wait3A_1213 : memref<1x1x32xf32, #tpu.memory_space<hbm>> -> memref<32xf32, #tpu.memory_space<hbm>>
      %dma_wait3A_1215 = tpu.memref_slice %arg19[%dma_wait3A_1208] : memref<4x!tpu.dma_semaphore, #tpu.memory_space<semaphore_mem>> -> memref<1x!tpu.dma_semaphore, #tpu.memory_space<semaphore_mem>>
      %dma_wait3A_1216 = tpu.memref_squeeze %dma_wait3A_1215 : memref<1x!tpu.dma_semaphore, #tpu.memory_space<semaphore_mem>> -> memref<!tpu.dma_semaphore, #tpu.memory_space<semaphore_mem>>
      %dma_wait3A_1217 = arith.constant 0 : i32
      %dma_wait3A_1218 = tpu.memref_slice %arg13[%and3A_714, %dma_wait3A_1207, %dma_wait3A_1217] : memref<2x16x32xf32, #tpu.memory_space<vmem>> -> memref<1x1x32xf32, #tpu.memory_space<vmem>>
      %dma_wait3A_1219 = tpu.memref_squeeze %dma_wait3A_1218 : memref<1x1x32xf32, #tpu.memory_space<vmem>> -> memref<32xf32, #tpu.memory_space<vmem>>
      %dma_wait3A_1220 = arith.constant 0 : i32
      %dma_wait3A_1221 = tpu.memref_slice %arg5[%dma_wait3A_1205, %dma_wait3A_1206, %dma_wait3A_1220] : memref<125000x8x32xf32, #tpu.memory_space<hbm>> -> memref<1x1x32xf32, #tpu.memory_space<hbm>>
      %dma_wait3A_1222 = tpu.memref_squeeze %dma_wait3A_1221 : memref<1x1x32xf32, #tpu.memory_space<hbm>> -> memref<32xf32, #tpu.memory_space<hbm>>
      tpu.wait_dma2 semaphore(%dma_wait3A_1216 : memref<!tpu.dma_semaphore, #tpu.memory_space<semaphore_mem>>) src(%dma_wait3A_1222 : memref<32xf32, #tpu.memory_space<hbm>>) dst(%dma_wait3A_1219 : memref<32xf32, #tpu.memory_space<vmem>>)
      %dma_wait3A_1223 = arith.constant 0 : i32
      %dma_wait3A_1224 = arith.constant 0 : i32
      %dma_wait3A_1225 = arith.constant 14 : i32
      %dma_wait3A_1226 = arith.constant 2 : i32
      %dma_wait3A_1227 = arith.constant 0 : i32
      %dma_wait3A_1228 = tpu.memref_slice %arg12[%and3A_714, %dma_wait3A_1225, %dma_wait3A_1227] : memref<2x16x32xf32, #tpu.memory_space<vmem>> -> memref<1x1x32xf32, #tpu.memory_space<vmem>>
      %dma_wait3A_1229 = tpu.memref_squeeze %dma_wait3A_1228 : memref<1x1x32xf32, #tpu.memory_space<vmem>> -> memref<32xf32, #tpu.memory_space<vmem>>
      %dma_wait3A_1230 = arith.constant 0 : i32
      %dma_wait3A_1231 = tpu.memref_slice %arg4[%dma_wait3A_1223, %dma_wait3A_1224, %dma_wait3A_1230] : memref<125000x8x32xf32, #tpu.memory_space<hbm>> -> memref<1x1x32xf32, #tpu.memory_space<hbm>>
      %dma_wait3A_1232 = tpu.memref_squeeze %dma_wait3A_1231 : memref<1x1x32xf32, #tpu.memory_space<hbm>> -> memref<32xf32, #tpu.memory_space<hbm>>
      %dma_wait3A_1233 = tpu.memref_slice %arg18[%dma_wait3A_1226] : memref<4x!tpu.dma_semaphore, #tpu.memory_space<semaphore_mem>> -> memref<1x!tpu.dma_semaphore, #tpu.memory_space<semaphore_mem>>
      %dma_wait3A_1234 = tpu.memref_squeeze %dma_wait3A_1233 : memref<1x!tpu.dma_semaphore, #tpu.memory_space<semaphore_mem>> -> memref<!tpu.dma_semaphore, #tpu.memory_space<semaphore_mem>>
      %dma_wait3A_1235 = arith.constant 0 : i32
      %dma_wait3A_1236 = tpu.memref_slice %arg12[%and3A_714, %dma_wait3A_1225, %dma_wait3A_1235] : memref<2x16x32xf32, #tpu.memory_space<vmem>> -> memref<1x1x32xf32, #tpu.memory_space<vmem>>
      %dma_wait3A_1237 = tpu.memref_squeeze %dma_wait3A_1236 : memref<1x1x32xf32, #tpu.memory_space<vmem>> -> memref<32xf32, #tpu.memory_space<vmem>>
      %dma_wait3A_1238 = arith.constant 0 : i32
      %dma_wait3A_1239 = tpu.memref_slice %arg4[%dma_wait3A_1223, %dma_wait3A_1224, %dma_wait3A_1238] : memref<125000x8x32xf32, #tpu.memory_space<hbm>> -> memref<1x1x32xf32, #tpu.memory_space<hbm>>
      %dma_wait3A_1240 = tpu.memref_squeeze %dma_wait3A_1239 : memref<1x1x32xf32, #tpu.memory_space<hbm>> -> memref<32xf32, #tpu.memory_space<hbm>>
      tpu.wait_dma2 semaphore(%dma_wait3A_1234 : memref<!tpu.dma_semaphore, #tpu.memory_space<semaphore_mem>>) src(%dma_wait3A_1240 : memref<32xf32, #tpu.memory_space<hbm>>) dst(%dma_wait3A_1237 : memref<32xf32, #tpu.memory_space<vmem>>)
      %dma_wait3A_1241 = arith.constant 0 : i32
      %dma_wait3A_1242 = arith.constant 0 : i32
      %dma_wait3A_1243 = arith.constant 14 : i32
      %dma_wait3A_1244 = arith.constant 2 : i32
      %dma_wait3A_1245 = arith.constant 0 : i32
      %dma_wait3A_1246 = tpu.memref_slice %arg13[%and3A_714, %dma_wait3A_1243, %dma_wait3A_1245] : memref<2x16x32xf32, #tpu.memory_space<vmem>> -> memref<1x1x32xf32, #tpu.memory_space<vmem>>
      %dma_wait3A_1247 = tpu.memref_squeeze %dma_wait3A_1246 : memref<1x1x32xf32, #tpu.memory_space<vmem>> -> memref<32xf32, #tpu.memory_space<vmem>>
      %dma_wait3A_1248 = arith.constant 0 : i32
      %dma_wait3A_1249 = tpu.memref_slice %arg5[%dma_wait3A_1241, %dma_wait3A_1242, %dma_wait3A_1248] : memref<125000x8x32xf32, #tpu.memory_space<hbm>> -> memref<1x1x32xf32, #tpu.memory_space<hbm>>
      %dma_wait3A_1250 = tpu.memref_squeeze %dma_wait3A_1249 : memref<1x1x32xf32, #tpu.memory_space<hbm>> -> memref<32xf32, #tpu.memory_space<hbm>>
      %dma_wait3A_1251 = tpu.memref_slice %arg19[%dma_wait3A_1244] : memref<4x!tpu.dma_semaphore, #tpu.memory_space<semaphore_mem>> -> memref<1x!tpu.dma_semaphore, #tpu.memory_space<semaphore_mem>>
      %dma_wait3A_1252 = tpu.memref_squeeze %dma_wait3A_1251 : memref<1x!tpu.dma_semaphore, #tpu.memory_space<semaphore_mem>> -> memref<!tpu.dma_semaphore, #tpu.memory_space<semaphore_mem>>
      %dma_wait3A_1253 = arith.constant 0 : i32
      %dma_wait3A_1254 = tpu.memref_slice %arg13[%and3A_714, %dma_wait3A_1243, %dma_wait3A_1253] : memref<2x16x32xf32, #tpu.memory_space<vmem>> -> memref<1x1x32xf32, #tpu.memory_space<vmem>>
      %dma_wait3A_1255 = tpu.memref_squeeze %dma_wait3A_1254 : memref<1x1x32xf32, #tpu.memory_space<vmem>> -> memref<32xf32, #tpu.memory_space<vmem>>
      %dma_wait3A_1256 = arith.constant 0 : i32
      %dma_wait3A_1257 = tpu.memref_slice %arg5[%dma_wait3A_1241, %dma_wait3A_1242, %dma_wait3A_1256] : memref<125000x8x32xf32, #tpu.memory_space<hbm>> -> memref<1x1x32xf32, #tpu.memory_space<hbm>>
      %dma_wait3A_1258 = tpu.memref_squeeze %dma_wait3A_1257 : memref<1x1x32xf32, #tpu.memory_space<hbm>> -> memref<32xf32, #tpu.memory_space<hbm>>
      tpu.wait_dma2 semaphore(%dma_wait3A_1252 : memref<!tpu.dma_semaphore, #tpu.memory_space<semaphore_mem>>) src(%dma_wait3A_1258 : memref<32xf32, #tpu.memory_space<hbm>>) dst(%dma_wait3A_1255 : memref<32xf32, #tpu.memory_space<vmem>>)
      %dma_wait3A_1259 = arith.constant 0 : i32
      %dma_wait3A_1260 = arith.constant 0 : i32
      %dma_wait3A_1261 = arith.constant 15 : i32
      %dma_wait3A_1262 = arith.constant 3 : i32
      %dma_wait3A_1263 = arith.constant 0 : i32
      %dma_wait3A_1264 = tpu.memref_slice %arg12[%and3A_714, %dma_wait3A_1261, %dma_wait3A_1263] : memref<2x16x32xf32, #tpu.memory_space<vmem>> -> memref<1x1x32xf32, #tpu.memory_space<vmem>>
      %dma_wait3A_1265 = tpu.memref_squeeze %dma_wait3A_1264 : memref<1x1x32xf32, #tpu.memory_space<vmem>> -> memref<32xf32, #tpu.memory_space<vmem>>
      %dma_wait3A_1266 = arith.constant 0 : i32
      %dma_wait3A_1267 = tpu.memref_slice %arg4[%dma_wait3A_1259, %dma_wait3A_1260, %dma_wait3A_1266] : memref<125000x8x32xf32, #tpu.memory_space<hbm>> -> memref<1x1x32xf32, #tpu.memory_space<hbm>>
      %dma_wait3A_1268 = tpu.memref_squeeze %dma_wait3A_1267 : memref<1x1x32xf32, #tpu.memory_space<hbm>> -> memref<32xf32, #tpu.memory_space<hbm>>
      %dma_wait3A_1269 = tpu.memref_slice %arg18[%dma_wait3A_1262] : memref<4x!tpu.dma_semaphore, #tpu.memory_space<semaphore_mem>> -> memref<1x!tpu.dma_semaphore, #tpu.memory_space<semaphore_mem>>
      %dma_wait3A_1270 = tpu.memref_squeeze %dma_wait3A_1269 : memref<1x!tpu.dma_semaphore, #tpu.memory_space<semaphore_mem>> -> memref<!tpu.dma_semaphore, #tpu.memory_space<semaphore_mem>>
      %dma_wait3A_1271 = arith.constant 0 : i32
      %dma_wait3A_1272 = tpu.memref_slice %arg12[%and3A_714, %dma_wait3A_1261, %dma_wait3A_1271] : memref<2x16x32xf32, #tpu.memory_space<vmem>> -> memref<1x1x32xf32, #tpu.memory_space<vmem>>
      %dma_wait3A_1273 = tpu.memref_squeeze %dma_wait3A_1272 : memref<1x1x32xf32, #tpu.memory_space<vmem>> -> memref<32xf32, #tpu.memory_space<vmem>>
      %dma_wait3A_1274 = arith.constant 0 : i32
      %dma_wait3A_1275 = tpu.memref_slice %arg4[%dma_wait3A_1259, %dma_wait3A_1260, %dma_wait3A_1274] : memref<125000x8x32xf32, #tpu.memory_space<hbm>> -> memref<1x1x32xf32, #tpu.memory_space<hbm>>
      %dma_wait3A_1276 = tpu.memref_squeeze %dma_wait3A_1275 : memref<1x1x32xf32, #tpu.memory_space<hbm>> -> memref<32xf32, #tpu.memory_space<hbm>>
      tpu.wait_dma2 semaphore(%dma_wait3A_1270 : memref<!tpu.dma_semaphore, #tpu.memory_space<semaphore_mem>>) src(%dma_wait3A_1276 : memref<32xf32, #tpu.memory_space<hbm>>) dst(%dma_wait3A_1273 : memref<32xf32, #tpu.memory_space<vmem>>)
      %dma_wait3A_1277 = arith.constant 0 : i32
      %dma_wait3A_1278 = arith.constant 0 : i32
      %dma_wait3A_1279 = arith.constant 15 : i32
      %dma_wait3A_1280 = arith.constant 3 : i32
      %dma_wait3A_1281 = arith.constant 0 : i32
      %dma_wait3A_1282 = tpu.memref_slice %arg13[%and3A_714, %dma_wait3A_1279, %dma_wait3A_1281] : memref<2x16x32xf32, #tpu.memory_space<vmem>> -> memref<1x1x32xf32, #tpu.memory_space<vmem>>
      %dma_wait3A_1283 = tpu.memref_squeeze %dma_wait3A_1282 : memref<1x1x32xf32, #tpu.memory_space<vmem>> -> memref<32xf32, #tpu.memory_space<vmem>>
      %dma_wait3A_1284 = arith.constant 0 : i32
      %dma_wait3A_1285 = tpu.memref_slice %arg5[%dma_wait3A_1277, %dma_wait3A_1278, %dma_wait3A_1284] : memref<125000x8x32xf32, #tpu.memory_space<hbm>> -> memref<1x1x32xf32, #tpu.memory_space<hbm>>
      %dma_wait3A_1286 = tpu.memref_squeeze %dma_wait3A_1285 : memref<1x1x32xf32, #tpu.memory_space<hbm>> -> memref<32xf32, #tpu.memory_space<hbm>>
      %dma_wait3A_1287 = tpu.memref_slice %arg19[%dma_wait3A_1280] : memref<4x!tpu.dma_semaphore, #tpu.memory_space<semaphore_mem>> -> memref<1x!tpu.dma_semaphore, #tpu.memory_space<semaphore_mem>>
      %dma_wait3A_1288 = tpu.memref_squeeze %dma_wait3A_1287 : memref<1x!tpu.dma_semaphore, #tpu.memory_space<semaphore_mem>> -> memref<!tpu.dma_semaphore, #tpu.memory_space<semaphore_mem>>
      %dma_wait3A_1289 = arith.constant 0 : i32
      %dma_wait3A_1290 = tpu.memref_slice %arg13[%and3A_714, %dma_wait3A_1279, %dma_wait3A_1289] : memref<2x16x32xf32, #tpu.memory_space<vmem>> -> memref<1x1x32xf32, #tpu.memory_space<vmem>>
      %dma_wait3A_1291 = tpu.memref_squeeze %dma_wait3A_1290 : memref<1x1x32xf32, #tpu.memory_space<vmem>> -> memref<32xf32, #tpu.memory_space<vmem>>
      %dma_wait3A_1292 = arith.constant 0 : i32
      %dma_wait3A_1293 = tpu.memref_slice %arg5[%dma_wait3A_1277, %dma_wait3A_1278, %dma_wait3A_1292] : memref<125000x8x32xf32, #tpu.memory_space<hbm>> -> memref<1x1x32xf32, #tpu.memory_space<hbm>>
      %dma_wait3A_1294 = tpu.memref_squeeze %dma_wait3A_1293 : memref<1x1x32xf32, #tpu.memory_space<hbm>> -> memref<32xf32, #tpu.memory_space<hbm>>
      tpu.wait_dma2 semaphore(%dma_wait3A_1288 : memref<!tpu.dma_semaphore, #tpu.memory_space<semaphore_mem>>) src(%dma_wait3A_1294 : memref<32xf32, #tpu.memory_space<hbm>>) dst(%dma_wait3A_1291 : memref<32xf32, #tpu.memory_space<vmem>>)
      %broadcast_in_dim3A = arith.constant 0.000000e+00 : f32
      %broadcast_in_dim3A_1295 = vector.broadcast %broadcast_in_dim3A : f32 to vector<16xf32>
      %broadcast_in_dim3A_1296 = vector.broadcast %and3A_714 : i32 to vector<16xi32>
      %broadcast_in_dim3A_1297 = arith.constant 0 : i32
      %broadcast_in_dim3A_1298 = vector.broadcast %broadcast_in_dim3A_1297 : i32 to vector<16xi32>
      %gather3A = tpu.vector_load_idx %arg12[%broadcast_in_dim3A_1296, %iota3A, %broadcast_in_dim3A_1298] : memref<2x16x32xf32, #tpu.memory_space<vmem>>[vector<16xi32>, vector<16xi32>, vector<16xi32>], vector<16xf32>,
      %gather3A_1299 = tpu.vector_load_idx %arg13[%broadcast_in_dim3A_1296, %iota3A, %broadcast_in_dim3A_1298] : memref<2x16x32xf32, #tpu.memory_space<vmem>>[vector<16xi32>, vector<16xi32>, vector<16xi32>], vector<16xf32>,
      %mul3A_1300 = arith.mulf %gather3A, %gather3A_1299 : vector<16xf32>
      %mul3A_1301 = arith.constant 3.000000e-01 : f32
      %mul3A_1302 = vector.broadcast %mul3A_1301 : f32 to vector<16xf32>
      %mul3A_1303 = arith.mulf %mul3A_1300, %mul3A_1302 : vector<16xf32>
      %max3A = arith.maximumf %mul3A_1300, %mul3A_1303 : vector<16xf32>
      %slice3A_1304 = vector.extract_strided_slice %get3A_6 {offsets = [0], sizes = [1], strides = [1]} : vector<16xf32> to vector<1xf32>
      %squeeze3A_1305 = vector.extract %slice3A_1304[0] : f32 from vector<1xf32>
      %mul3A_1306 = vector.broadcast %squeeze3A_1305 : f32 to vector<16xf32>
      %mul3A_1307 = arith.mulf %max3A, %mul3A_1306 : vector<16xf32>
      %add3A_1308 = arith.addf %broadcast_in_dim3A_1295, %mul3A_1307 : vector<16xf32>
      %broadcast_in_dim3A_1309 = arith.constant 1 : i32
      %broadcast_in_dim3A_1310 = vector.broadcast %broadcast_in_dim3A_1309 : i32 to vector<16xi32>
      %gather3A_1311 = tpu.vector_load_idx %arg12[%broadcast_in_dim3A_1296, %iota3A, %broadcast_in_dim3A_1310] : memref<2x16x32xf32, #tpu.memory_space<vmem>>[vector<16xi32>, vector<16xi32>, vector<16xi32>], vector<16xf32>,
      %gather3A_1312 = tpu.vector_load_idx %arg13[%broadcast_in_dim3A_1296, %iota3A, %broadcast_in_dim3A_1310] : memref<2x16x32xf32, #tpu.memory_space<vmem>>[vector<16xi32>, vector<16xi32>, vector<16xi32>], vector<16xf32>,
      %mul3A_1313 = arith.mulf %gather3A_1311, %gather3A_1312 : vector<16xf32>
      %mul3A_1314 = arith.constant 3.000000e-01 : f32
      %mul3A_1315 = vector.broadcast %mul3A_1314 : f32 to vector<16xf32>
      %mul3A_1316 = arith.mulf %mul3A_1313, %mul3A_1315 : vector<16xf32>
      %max3A_1317 = arith.maximumf %mul3A_1313, %mul3A_1316 : vector<16xf32>
      %slice3A_1318 = vector.extract_strided_slice %get3A_6 {offsets = [1], sizes = [1], strides = [1]} : vector<16xf32> to vector<1xf32>
      %squeeze3A_1319 = vector.extract %slice3A_1318[0] : f32 from vector<1xf32>
      %mul3A_1320 = vector.broadcast %squeeze3A_1319 : f32 to vector<16xf32>
      %mul3A_1321 = arith.mulf %max3A_1317, %mul3A_1320 : vector<16xf32>
      %add3A_1322 = arith.addf %add3A_1308, %mul3A_1321 : vector<16xf32>
      %broadcast_in_dim3A_1323 = arith.constant 2 : i32
      %broadcast_in_dim3A_1324 = vector.broadcast %broadcast_in_dim3A_1323 : i32 to vector<16xi32>
      %gather3A_1325 = tpu.vector_load_idx %arg12[%broadcast_in_dim3A_1296, %iota3A, %broadcast_in_dim3A_1324] : memref<2x16x32xf32, #tpu.memory_space<vmem>>[vector<16xi32>, vector<16xi32>, vector<16xi32>], vector<16xf32>,
      %gather3A_1326 = tpu.vector_load_idx %arg13[%broadcast_in_dim3A_1296, %iota3A, %broadcast_in_dim3A_1324] : memref<2x16x32xf32, #tpu.memory_space<vmem>>[vector<16xi32>, vector<16xi32>, vector<16xi32>], vector<16xf32>,
      %mul3A_1327 = arith.mulf %gather3A_1325, %gather3A_1326 : vector<16xf32>
      %mul3A_1328 = arith.constant 3.000000e-01 : f32
      %mul3A_1329 = vector.broadcast %mul3A_1328 : f32 to vector<16xf32>
      %mul3A_1330 = arith.mulf %mul3A_1327, %mul3A_1329 : vector<16xf32>
      %max3A_1331 = arith.maximumf %mul3A_1327, %mul3A_1330 : vector<16xf32>
      %slice3A_1332 = vector.extract_strided_slice %get3A_6 {offsets = [2], sizes = [1], strides = [1]} : vector<16xf32> to vector<1xf32>
      %squeeze3A_1333 = vector.extract %slice3A_1332[0] : f32 from vector<1xf32>
      %mul3A_1334 = vector.broadcast %squeeze3A_1333 : f32 to vector<16xf32>
      %mul3A_1335 = arith.mulf %max3A_1331, %mul3A_1334 : vector<16xf32>
      %add3A_1336 = arith.addf %add3A_1322, %mul3A_1335 : vector<16xf32>
      %broadcast_in_dim3A_1337 = arith.constant 3 : i32
      %broadcast_in_dim3A_1338 = vector.broadcast %broadcast_in_dim3A_1337 : i32 to vector<16xi32>
      %gather3A_1339 = tpu.vector_load_idx %arg12[%broadcast_in_dim3A_1296, %iota3A, %broadcast_in_dim3A_1338] : memref<2x16x32xf32, #tpu.memory_space<vmem>>[vector<16xi32>, vector<16xi32>, vector<16xi32>], vector<16xf32>,
      %gather3A_1340 = tpu.vector_load_idx %arg13[%broadcast_in_dim3A_1296, %iota3A, %broadcast_in_dim3A_1338] : memref<2x16x32xf32, #tpu.memory_space<vmem>>[vector<16xi32>, vector<16xi32>, vector<16xi32>], vector<16xf32>,
      %mul3A_1341 = arith.mulf %gather3A_1339, %gather3A_1340 : vector<16xf32>
      %mul3A_1342 = arith.constant 3.000000e-01 : f32
      %mul3A_1343 = vector.broadcast %mul3A_1342 : f32 to vector<16xf32>
      %mul3A_1344 = arith.mulf %mul3A_1341, %mul3A_1343 : vector<16xf32>
      %max3A_1345 = arith.maximumf %mul3A_1341, %mul3A_1344 : vector<16xf32>
      %slice3A_1346 = vector.extract_strided_slice %get3A_6 {offsets = [3], sizes = [1], strides = [1]} : vector<16xf32> to vector<1xf32>
      %squeeze3A_1347 = vector.extract %slice3A_1346[0] : f32 from vector<1xf32>
      %mul3A_1348 = vector.broadcast %squeeze3A_1347 : f32 to vector<16xf32>
      %mul3A_1349 = arith.mulf %max3A_1345, %mul3A_1348 : vector<16xf32>
      %add3A_1350 = arith.addf %add3A_1336, %mul3A_1349 : vector<16xf32>
      %broadcast_in_dim3A_1351 = arith.constant 4 : i32
      %broadcast_in_dim3A_1352 = vector.broadcast %broadcast_in_dim3A_1351 : i32 to vector<16xi32>
      %gather3A_1353 = tpu.vector_load_idx %arg12[%broadcast_in_dim3A_1296, %iota3A, %broadcast_in_dim3A_1352] : memref<2x16x32xf32, #tpu.memory_space<vmem>>[vector<16xi32>, vector<16xi32>, vector<16xi32>], vector<16xf32>,
      %gather3A_1354 = tpu.vector_load_idx %arg13[%broadcast_in_dim3A_1296, %iota3A, %broadcast_in_dim3A_1352] : memref<2x16x32xf32, #tpu.memory_space<vmem>>[vector<16xi32>, vector<16xi32>, vector<16xi32>], vector<16xf32>,
      %mul3A_1355 = arith.mulf %gather3A_1353, %gather3A_1354 : vector<16xf32>
      %mul3A_1356 = arith.constant 3.000000e-01 : f32
      %mul3A_1357 = vector.broadcast %mul3A_1356 : f32 to vector<16xf32>
      %mul3A_1358 = arith.mulf %mul3A_1355, %mul3A_1357 : vector<16xf32>
      %max3A_1359 = arith.maximumf %mul3A_1355, %mul3A_1358 : vector<16xf32>
      %slice3A_1360 = vector.extract_strided_slice %get3A_6 {offsets = [4], sizes = [1], strides = [1]} : vector<16xf32> to vector<1xf32>
      %squeeze3A_1361 = vector.extract %slice3A_1360[0] : f32 from vector<1xf32>
      %mul3A_1362 = vector.broadcast %squeeze3A_1361 : f32 to vector<16xf32>
      %mul3A_1363 = arith.mulf %max3A_1359, %mul3A_1362 : vector<16xf32>
      %add3A_1364 = arith.addf %add3A_1350, %mul3A_1363 : vector<16xf32>
      %broadcast_in_dim3A_1365 = arith.constant 5 : i32
      %broadcast_in_dim3A_1366 = vector.broadcast %broadcast_in_dim3A_1365 : i32 to vector<16xi32>
      %gather3A_1367 = tpu.vector_load_idx %arg12[%broadcast_in_dim3A_1296, %iota3A, %broadcast_in_dim3A_1366] : memref<2x16x32xf32, #tpu.memory_space<vmem>>[vector<16xi32>, vector<16xi32>, vector<16xi32>], vector<16xf32>,
      %gather3A_1368 = tpu.vector_load_idx %arg13[%broadcast_in_dim3A_1296, %iota3A, %broadcast_in_dim3A_1366] : memref<2x16x32xf32, #tpu.memory_space<vmem>>[vector<16xi32>, vector<16xi32>, vector<16xi32>], vector<16xf32>,
      %mul3A_1369 = arith.mulf %gather3A_1367, %gather3A_1368 : vector<16xf32>
      %mul3A_1370 = arith.constant 3.000000e-01 : f32
      %mul3A_1371 = vector.broadcast %mul3A_1370 : f32 to vector<16xf32>
      %mul3A_1372 = arith.mulf %mul3A_1369, %mul3A_1371 : vector<16xf32>
      %max3A_1373 = arith.maximumf %mul3A_1369, %mul3A_1372 : vector<16xf32>
      %slice3A_1374 = vector.extract_strided_slice %get3A_6 {offsets = [5], sizes = [1], strides = [1]} : vector<16xf32> to vector<1xf32>
      %squeeze3A_1375 = vector.extract %slice3A_1374[0] : f32 from vector<1xf32>
      %mul3A_1376 = vector.broadcast %squeeze3A_1375 : f32 to vector<16xf32>
      %mul3A_1377 = arith.mulf %max3A_1373, %mul3A_1376 : vector<16xf32>
      %add3A_1378 = arith.addf %add3A_1364, %mul3A_1377 : vector<16xf32>
      %broadcast_in_dim3A_1379 = arith.constant 6 : i32
      %broadcast_in_dim3A_1380 = vector.broadcast %broadcast_in_dim3A_1379 : i32 to vector<16xi32>
      %gather3A_1381 = tpu.vector_load_idx %arg12[%broadcast_in_dim3A_1296, %iota3A, %broadcast_in_dim3A_1380] : memref<2x16x32xf32, #tpu.memory_space<vmem>>[vector<16xi32>, vector<16xi32>, vector<16xi32>], vector<16xf32>,
      %gather3A_1382 = tpu.vector_load_idx %arg13[%broadcast_in_dim3A_1296, %iota3A, %broadcast_in_dim3A_1380] : memref<2x16x32xf32, #tpu.memory_space<vmem>>[vector<16xi32>, vector<16xi32>, vector<16xi32>], vector<16xf32>,
      %mul3A_1383 = arith.mulf %gather3A_1381, %gather3A_1382 : vector<16xf32>
      %mul3A_1384 = arith.constant 3.000000e-01 : f32
      %mul3A_1385 = vector.broadcast %mul3A_1384 : f32 to vector<16xf32>
      %mul3A_1386 = arith.mulf %mul3A_1383, %mul3A_1385 : vector<16xf32>
      %max3A_1387 = arith.maximumf %mul3A_1383, %mul3A_1386 : vector<16xf32>
      %slice3A_1388 = vector.extract_strided_slice %get3A_6 {offsets = [6], sizes = [1], strides = [1]} : vector<16xf32> to vector<1xf32>
      %squeeze3A_1389 = vector.extract %slice3A_1388[0] : f32 from vector<1xf32>
      %mul3A_1390 = vector.broadcast %squeeze3A_1389 : f32 to vector<16xf32>
      %mul3A_1391 = arith.mulf %max3A_1387, %mul3A_1390 : vector<16xf32>
      %add3A_1392 = arith.addf %add3A_1378, %mul3A_1391 : vector<16xf32>
      %broadcast_in_dim3A_1393 = arith.constant 7 : i32
      %broadcast_in_dim3A_1394 = vector.broadcast %broadcast_in_dim3A_1393 : i32 to vector<16xi32>
      %gather3A_1395 = tpu.vector_load_idx %arg12[%broadcast_in_dim3A_1296, %iota3A, %broadcast_in_dim3A_1394] : memref<2x16x32xf32, #tpu.memory_space<vmem>>[vector<16xi32>, vector<16xi32>, vector<16xi32>], vector<16xf32>,
      %gather3A_1396 = tpu.vector_load_idx %arg13[%broadcast_in_dim3A_1296, %iota3A, %broadcast_in_dim3A_1394] : memref<2x16x32xf32, #tpu.memory_space<vmem>>[vector<16xi32>, vector<16xi32>, vector<16xi32>], vector<16xf32>,
      %mul3A_1397 = arith.mulf %gather3A_1395, %gather3A_1396 : vector<16xf32>
      %mul3A_1398 = arith.constant 3.000000e-01 : f32
      %mul3A_1399 = vector.broadcast %mul3A_1398 : f32 to vector<16xf32>
      %mul3A_1400 = arith.mulf %mul3A_1397, %mul3A_1399 : vector<16xf32>
      %max3A_1401 = arith.maximumf %mul3A_1397, %mul3A_1400 : vector<16xf32>
      %slice3A_1402 = vector.extract_strided_slice %get3A_6 {offsets = [7], sizes = [1], strides = [1]} : vector<16xf32> to vector<1xf32>
      %squeeze3A_1403 = vector.extract %slice3A_1402[0] : f32 from vector<1xf32>
      %mul3A_1404 = vector.broadcast %squeeze3A_1403 : f32 to vector<16xf32>
      %mul3A_1405 = arith.mulf %max3A_1401, %mul3A_1404 : vector<16xf32>
      %add3A_1406 = arith.addf %add3A_1392, %mul3A_1405 : vector<16xf32>
      %broadcast_in_dim3A_1407 = arith.constant 8 : i32
      %broadcast_in_dim3A_1408 = vector.broadcast %broadcast_in_dim3A_1407 : i32 to vector<16xi32>
      %gather3A_1409 = tpu.vector_load_idx %arg12[%broadcast_in_dim3A_1296, %iota3A, %broadcast_in_dim3A_1408] : memref<2x16x32xf32, #tpu.memory_space<vmem>>[vector<16xi32>, vector<16xi32>, vector<16xi32>], vector<16xf32>,
      %gather3A_1410 = tpu.vector_load_idx %arg13[%broadcast_in_dim3A_1296, %iota3A, %broadcast_in_dim3A_1408] : memref<2x16x32xf32, #tpu.memory_space<vmem>>[vector<16xi32>, vector<16xi32>, vector<16xi32>], vector<16xf32>,
      %mul3A_1411 = arith.mulf %gather3A_1409, %gather3A_1410 : vector<16xf32>
      %mul3A_1412 = arith.constant 3.000000e-01 : f32
      %mul3A_1413 = vector.broadcast %mul3A_1412 : f32 to vector<16xf32>
      %mul3A_1414 = arith.mulf %mul3A_1411, %mul3A_1413 : vector<16xf32>
      %max3A_1415 = arith.maximumf %mul3A_1411, %mul3A_1414 : vector<16xf32>
      %slice3A_1416 = vector.extract_strided_slice %get3A_6 {offsets = [8], sizes = [1], strides = [1]} : vector<16xf32> to vector<1xf32>
      %squeeze3A_1417 = vector.extract %slice3A_1416[0] : f32 from vector<1xf32>
      %mul3A_1418 = vector.broadcast %squeeze3A_1417 : f32 to vector<16xf32>
      %mul3A_1419 = arith.mulf %max3A_1415, %mul3A_1418 : vector<16xf32>
      %add3A_1420 = arith.addf %add3A_1406, %mul3A_1419 : vector<16xf32>
      %broadcast_in_dim3A_1421 = arith.constant 9 : i32
      %broadcast_in_dim3A_1422 = vector.broadcast %broadcast_in_dim3A_1421 : i32 to vector<16xi32>
      %gather3A_1423 = tpu.vector_load_idx %arg12[%broadcast_in_dim3A_1296, %iota3A, %broadcast_in_dim3A_1422] : memref<2x16x32xf32, #tpu.memory_space<vmem>>[vector<16xi32>, vector<16xi32>, vector<16xi32>], vector<16xf32>,
      %gather3A_1424 = tpu.vector_load_idx %arg13[%broadcast_in_dim3A_1296, %iota3A, %broadcast_in_dim3A_1422] : memref<2x16x32xf32, #tpu.memory_space<vmem>>[vector<16xi32>, vector<16xi32>, vector<16xi32>], vector<16xf32>,
      %mul3A_1425 = arith.mulf %gather3A_1423, %gather3A_1424 : vector<16xf32>
      %mul3A_1426 = arith.constant 3.000000e-01 : f32
      %mul3A_1427 = vector.broadcast %mul3A_1426 : f32 to vector<16xf32>
      %mul3A_1428 = arith.mulf %mul3A_1425, %mul3A_1427 : vector<16xf32>
      %max3A_1429 = arith.maximumf %mul3A_1425, %mul3A_1428 : vector<16xf32>
      %slice3A_1430 = vector.extract_strided_slice %get3A_6 {offsets = [9], sizes = [1], strides = [1]} : vector<16xf32> to vector<1xf32>
      %squeeze3A_1431 = vector.extract %slice3A_1430[0] : f32 from vector<1xf32>
      %mul3A_1432 = vector.broadcast %squeeze3A_1431 : f32 to vector<16xf32>
      %mul3A_1433 = arith.mulf %max3A_1429, %mul3A_1432 : vector<16xf32>
      %add3A_1434 = arith.addf %add3A_1420, %mul3A_1433 : vector<16xf32>
      %broadcast_in_dim3A_1435 = arith.constant 10 : i32
      %broadcast_in_dim3A_1436 = vector.broadcast %broadcast_in_dim3A_1435 : i32 to vector<16xi32>
      %gather3A_1437 = tpu.vector_load_idx %arg12[%broadcast_in_dim3A_1296, %iota3A, %broadcast_in_dim3A_1436] : memref<2x16x32xf32, #tpu.memory_space<vmem>>[vector<16xi32>, vector<16xi32>, vector<16xi32>], vector<16xf32>,
      %gather3A_1438 = tpu.vector_load_idx %arg13[%broadcast_in_dim3A_1296, %iota3A, %broadcast_in_dim3A_1436] : memref<2x16x32xf32, #tpu.memory_space<vmem>>[vector<16xi32>, vector<16xi32>, vector<16xi32>], vector<16xf32>,
      %mul3A_1439 = arith.mulf %gather3A_1437, %gather3A_1438 : vector<16xf32>
      %mul3A_1440 = arith.constant 3.000000e-01 : f32
      %mul3A_1441 = vector.broadcast %mul3A_1440 : f32 to vector<16xf32>
      %mul3A_1442 = arith.mulf %mul3A_1439, %mul3A_1441 : vector<16xf32>
      %max3A_1443 = arith.maximumf %mul3A_1439, %mul3A_1442 : vector<16xf32>
      %slice3A_1444 = vector.extract_strided_slice %get3A_6 {offsets = [10], sizes = [1], strides = [1]} : vector<16xf32> to vector<1xf32>
      %squeeze3A_1445 = vector.extract %slice3A_1444[0] : f32 from vector<1xf32>
      %mul3A_1446 = vector.broadcast %squeeze3A_1445 : f32 to vector<16xf32>
      %mul3A_1447 = arith.mulf %max3A_1443, %mul3A_1446 : vector<16xf32>
      %add3A_1448 = arith.addf %add3A_1434, %mul3A_1447 : vector<16xf32>
      %broadcast_in_dim3A_1449 = arith.constant 11 : i32
      %broadcast_in_dim3A_1450 = vector.broadcast %broadcast_in_dim3A_1449 : i32 to vector<16xi32>
      %gather3A_1451 = tpu.vector_load_idx %arg12[%broadcast_in_dim3A_1296, %iota3A, %broadcast_in_dim3A_1450] : memref<2x16x32xf32, #tpu.memory_space<vmem>>[vector<16xi32>, vector<16xi32>, vector<16xi32>], vector<16xf32>,
      %gather3A_1452 = tpu.vector_load_idx %arg13[%broadcast_in_dim3A_1296, %iota3A, %broadcast_in_dim3A_1450] : memref<2x16x32xf32, #tpu.memory_space<vmem>>[vector<16xi32>, vector<16xi32>, vector<16xi32>], vector<16xf32>,
      %mul3A_1453 = arith.mulf %gather3A_1451, %gather3A_1452 : vector<16xf32>
      %mul3A_1454 = arith.constant 3.000000e-01 : f32
      %mul3A_1455 = vector.broadcast %mul3A_1454 : f32 to vector<16xf32>
      %mul3A_1456 = arith.mulf %mul3A_1453, %mul3A_1455 : vector<16xf32>
      %max3A_1457 = arith.maximumf %mul3A_1453, %mul3A_1456 : vector<16xf32>
      %slice3A_1458 = vector.extract_strided_slice %get3A_6 {offsets = [11], sizes = [1], strides = [1]} : vector<16xf32> to vector<1xf32>
      %squeeze3A_1459 = vector.extract %slice3A_1458[0] : f32 from vector<1xf32>
      %mul3A_1460 = vector.broadcast %squeeze3A_1459 : f32 to vector<16xf32>
      %mul3A_1461 = arith.mulf %max3A_1457, %mul3A_1460 : vector<16xf32>
      %add3A_1462 = arith.addf %add3A_1448, %mul3A_1461 : vector<16xf32>
      %broadcast_in_dim3A_1463 = arith.constant 12 : i32
      %broadcast_in_dim3A_1464 = vector.broadcast %broadcast_in_dim3A_1463 : i32 to vector<16xi32>
      %gather3A_1465 = tpu.vector_load_idx %arg12[%broadcast_in_dim3A_1296, %iota3A, %broadcast_in_dim3A_1464] : memref<2x16x32xf32, #tpu.memory_space<vmem>>[vector<16xi32>, vector<16xi32>, vector<16xi32>], vector<16xf32>,
      %gather3A_1466 = tpu.vector_load_idx %arg13[%broadcast_in_dim3A_1296, %iota3A, %broadcast_in_dim3A_1464] : memref<2x16x32xf32, #tpu.memory_space<vmem>>[vector<16xi32>, vector<16xi32>, vector<16xi32>], vector<16xf32>,
      %mul3A_1467 = arith.mulf %gather3A_1465, %gather3A_1466 : vector<16xf32>
      %mul3A_1468 = arith.constant 3.000000e-01 : f32
      %mul3A_1469 = vector.broadcast %mul3A_1468 : f32 to vector<16xf32>
      %mul3A_1470 = arith.mulf %mul3A_1467, %mul3A_1469 : vector<16xf32>
      %max3A_1471 = arith.maximumf %mul3A_1467, %mul3A_1470 : vector<16xf32>
      %slice3A_1472 = vector.extract_strided_slice %get3A_6 {offsets = [12], sizes = [1], strides = [1]} : vector<16xf32> to vector<1xf32>
      %squeeze3A_1473 = vector.extract %slice3A_1472[0] : f32 from vector<1xf32>
      %mul3A_1474 = vector.broadcast %squeeze3A_1473 : f32 to vector<16xf32>
      %mul3A_1475 = arith.mulf %max3A_1471, %mul3A_1474 : vector<16xf32>
      %add3A_1476 = arith.addf %add3A_1462, %mul3A_1475 : vector<16xf32>
      %broadcast_in_dim3A_1477 = arith.constant 13 : i32
      %broadcast_in_dim3A_1478 = vector.broadcast %broadcast_in_dim3A_1477 : i32 to vector<16xi32>
      %gather3A_1479 = tpu.vector_load_idx %arg12[%broadcast_in_dim3A_1296, %iota3A, %broadcast_in_dim3A_1478] : memref<2x16x32xf32, #tpu.memory_space<vmem>>[vector<16xi32>, vector<16xi32>, vector<16xi32>], vector<16xf32>,
      %gather3A_1480 = tpu.vector_load_idx %arg13[%broadcast_in_dim3A_1296, %iota3A, %broadcast_in_dim3A_1478] : memref<2x16x32xf32, #tpu.memory_space<vmem>>[vector<16xi32>, vector<16xi32>, vector<16xi32>], vector<16xf32>,
      %mul3A_1481 = arith.mulf %gather3A_1479, %gather3A_1480 : vector<16xf32>
      %mul3A_1482 = arith.constant 3.000000e-01 : f32
      %mul3A_1483 = vector.broadcast %mul3A_1482 : f32 to vector<16xf32>
      %mul3A_1484 = arith.mulf %mul3A_1481, %mul3A_1483 : vector<16xf32>
      %max3A_1485 = arith.maximumf %mul3A_1481, %mul3A_1484 : vector<16xf32>
      %slice3A_1486 = vector.extract_strided_slice %get3A_6 {offsets = [13], sizes = [1], strides = [1]} : vector<16xf32> to vector<1xf32>
      %squeeze3A_1487 = vector.extract %slice3A_1486[0] : f32 from vector<1xf32>
      %mul3A_1488 = vector.broadcast %squeeze3A_1487 : f32 to vector<16xf32>
      %mul3A_1489 = arith.mulf %max3A_1485, %mul3A_1488 : vector<16xf32>
      %add3A_1490 = arith.addf %add3A_1476, %mul3A_1489 : vector<16xf32>
      %broadcast_in_dim3A_1491 = arith.constant 14 : i32
      %broadcast_in_dim3A_1492 = vector.broadcast %broadcast_in_dim3A_1491 : i32 to vector<16xi32>
      %gather3A_1493 = tpu.vector_load_idx %arg12[%broadcast_in_dim3A_1296, %iota3A, %broadcast_in_dim3A_1492] : memref<2x16x32xf32, #tpu.memory_space<vmem>>[vector<16xi32>, vector<16xi32>, vector<16xi32>], vector<16xf32>,
      %gather3A_1494 = tpu.vector_load_idx %arg13[%broadcast_in_dim3A_1296, %iota3A, %broadcast_in_dim3A_1492] : memref<2x16x32xf32, #tpu.memory_space<vmem>>[vector<16xi32>, vector<16xi32>, vector<16xi32>], vector<16xf32>,
      %mul3A_1495 = arith.mulf %gather3A_1493, %gather3A_1494 : vector<16xf32>
      %mul3A_1496 = arith.constant 3.000000e-01 : f32
      %mul3A_1497 = vector.broadcast %mul3A_1496 : f32 to vector<16xf32>
      %mul3A_1498 = arith.mulf %mul3A_1495, %mul3A_1497 : vector<16xf32>
      %max3A_1499 = arith.maximumf %mul3A_1495, %mul3A_1498 : vector<16xf32>
      %slice3A_1500 = vector.extract_strided_slice %get3A_6 {offsets = [14], sizes = [1], strides = [1]} : vector<16xf32> to vector<1xf32>
      %squeeze3A_1501 = vector.extract %slice3A_1500[0] : f32 from vector<1xf32>
      %mul3A_1502 = vector.broadcast %squeeze3A_1501 : f32 to vector<16xf32>
      %mul3A_1503 = arith.mulf %max3A_1499, %mul3A_1502 : vector<16xf32>
      %add3A_1504 = arith.addf %add3A_1490, %mul3A_1503 : vector<16xf32>
      %broadcast_in_dim3A_1505 = arith.constant 15 : i32
      %broadcast_in_dim3A_1506 = vector.broadcast %broadcast_in_dim3A_1505 : i32 to vector<16xi32>
      %gather3A_1507 = tpu.vector_load_idx %arg12[%broadcast_in_dim3A_1296, %iota3A, %broadcast_in_dim3A_1506] : memref<2x16x32xf32, #tpu.memory_space<vmem>>[vector<16xi32>, vector<16xi32>, vector<16xi32>], vector<16xf32>,
      %gather3A_1508 = tpu.vector_load_idx %arg13[%broadcast_in_dim3A_1296, %iota3A, %broadcast_in_dim3A_1506] : memref<2x16x32xf32, #tpu.memory_space<vmem>>[vector<16xi32>, vector<16xi32>, vector<16xi32>], vector<16xf32>,
      %mul3A_1509 = arith.mulf %gather3A_1507, %gather3A_1508 : vector<16xf32>
      %mul3A_1510 = arith.constant 3.000000e-01 : f32
      %mul3A_1511 = vector.broadcast %mul3A_1510 : f32 to vector<16xf32>
      %mul3A_1512 = arith.mulf %mul3A_1509, %mul3A_1511 : vector<16xf32>
      %max3A_1513 = arith.maximumf %mul3A_1509, %mul3A_1512 : vector<16xf32>
      %slice3A_1514 = vector.extract_strided_slice %get3A_6 {offsets = [15], sizes = [1], strides = [1]} : vector<16xf32> to vector<1xf32>
      %squeeze3A_1515 = vector.extract %slice3A_1514[0] : f32 from vector<1xf32>
      %mul3A_1516 = vector.broadcast %squeeze3A_1515 : f32 to vector<16xf32>
      %mul3A_1517 = arith.mulf %max3A_1513, %mul3A_1516 : vector<16xf32>
      %add3A_1518 = arith.addf %add3A_1504, %mul3A_1517 : vector<16xf32>
      %broadcast_in_dim3A_1519 = arith.constant 16 : i32
      %broadcast_in_dim3A_1520 = vector.broadcast %broadcast_in_dim3A_1519 : i32 to vector<16xi32>
      %gather3A_1521 = tpu.vector_load_idx %arg12[%broadcast_in_dim3A_1296, %iota3A, %broadcast_in_dim3A_1520] : memref<2x16x32xf32, #tpu.memory_space<vmem>>[vector<16xi32>, vector<16xi32>, vector<16xi32>], vector<16xf32>,
      %gather3A_1522 = tpu.vector_load_idx %arg13[%broadcast_in_dim3A_1296, %iota3A, %broadcast_in_dim3A_1520] : memref<2x16x32xf32, #tpu.memory_space<vmem>>[vector<16xi32>, vector<16xi32>, vector<16xi32>], vector<16xf32>,
      %mul3A_1523 = arith.mulf %gather3A_1521, %gather3A_1522 : vector<16xf32>
      %mul3A_1524 = arith.constant 3.000000e-01 : f32
      %mul3A_1525 = vector.broadcast %mul3A_1524 : f32 to vector<16xf32>
      %mul3A_1526 = arith.mulf %mul3A_1523, %mul3A_1525 : vector<16xf32>
      %max3A_1527 = arith.maximumf %mul3A_1523, %mul3A_1526 : vector<16xf32>
      %slice3A_1528 = vector.extract_strided_slice %get3A_8 {offsets = [0], sizes = [1], strides = [1]} : vector<16xf32> to vector<1xf32>
      %squeeze3A_1529 = vector.extract %slice3A_1528[0] : f32 from vector<1xf32>
      %mul3A_1530 = vector.broadcast %squeeze3A_1529 : f32 to vector<16xf32>
      %mul3A_1531 = arith.mulf %max3A_1527, %mul3A_1530 : vector<16xf32>
      %add3A_1532 = arith.addf %add3A_1518, %mul3A_1531 : vector<16xf32>
      %broadcast_in_dim3A_1533 = arith.constant 17 : i32
      %broadcast_in_dim3A_1534 = vector.broadcast %broadcast_in_dim3A_1533 : i32 to vector<16xi32>
      %gather3A_1535 = tpu.vector_load_idx %arg12[%broadcast_in_dim3A_1296, %iota3A, %broadcast_in_dim3A_1534] : memref<2x16x32xf32, #tpu.memory_space<vmem>>[vector<16xi32>, vector<16xi32>, vector<16xi32>], vector<16xf32>,
      %gather3A_1536 = tpu.vector_load_idx %arg13[%broadcast_in_dim3A_1296, %iota3A, %broadcast_in_dim3A_1534] : memref<2x16x32xf32, #tpu.memory_space<vmem>>[vector<16xi32>, vector<16xi32>, vector<16xi32>], vector<16xf32>,
      %mul3A_1537 = arith.mulf %gather3A_1535, %gather3A_1536 : vector<16xf32>
      %mul3A_1538 = arith.constant 3.000000e-01 : f32
      %mul3A_1539 = vector.broadcast %mul3A_1538 : f32 to vector<16xf32>
      %mul3A_1540 = arith.mulf %mul3A_1537, %mul3A_1539 : vector<16xf32>
      %max3A_1541 = arith.maximumf %mul3A_1537, %mul3A_1540 : vector<16xf32>
      %slice3A_1542 = vector.extract_strided_slice %get3A_8 {offsets = [1], sizes = [1], strides = [1]} : vector<16xf32> to vector<1xf32>
      %squeeze3A_1543 = vector.extract %slice3A_1542[0] : f32 from vector<1xf32>
      %mul3A_1544 = vector.broadcast %squeeze3A_1543 : f32 to vector<16xf32>
      %mul3A_1545 = arith.mulf %max3A_1541, %mul3A_1544 : vector<16xf32>
      %add3A_1546 = arith.addf %add3A_1532, %mul3A_1545 : vector<16xf32>
      %broadcast_in_dim3A_1547 = arith.constant 18 : i32
      %broadcast_in_dim3A_1548 = vector.broadcast %broadcast_in_dim3A_1547 : i32 to vector<16xi32>
      %gather3A_1549 = tpu.vector_load_idx %arg12[%broadcast_in_dim3A_1296, %iota3A, %broadcast_in_dim3A_1548] : memref<2x16x32xf32, #tpu.memory_space<vmem>>[vector<16xi32>, vector<16xi32>, vector<16xi32>], vector<16xf32>,
      %gather3A_1550 = tpu.vector_load_idx %arg13[%broadcast_in_dim3A_1296, %iota3A, %broadcast_in_dim3A_1548] : memref<2x16x32xf32, #tpu.memory_space<vmem>>[vector<16xi32>, vector<16xi32>, vector<16xi32>], vector<16xf32>,
      %mul3A_1551 = arith.mulf %gather3A_1549, %gather3A_1550 : vector<16xf32>
      %mul3A_1552 = arith.constant 3.000000e-01 : f32
      %mul3A_1553 = vector.broadcast %mul3A_1552 : f32 to vector<16xf32>
      %mul3A_1554 = arith.mulf %mul3A_1551, %mul3A_1553 : vector<16xf32>
      %max3A_1555 = arith.maximumf %mul3A_1551, %mul3A_1554 : vector<16xf32>
      %slice3A_1556 = vector.extract_strided_slice %get3A_8 {offsets = [2], sizes = [1], strides = [1]} : vector<16xf32> to vector<1xf32>
      %squeeze3A_1557 = vector.extract %slice3A_1556[0] : f32 from vector<1xf32>
      %mul3A_1558 = vector.broadcast %squeeze3A_1557 : f32 to vector<16xf32>
      %mul3A_1559 = arith.mulf %max3A_1555, %mul3A_1558 : vector<16xf32>
      %add3A_1560 = arith.addf %add3A_1546, %mul3A_1559 : vector<16xf32>
      %broadcast_in_dim3A_1561 = arith.constant 19 : i32
      %broadcast_in_dim3A_1562 = vector.broadcast %broadcast_in_dim3A_1561 : i32 to vector<16xi32>
      %gather3A_1563 = tpu.vector_load_idx %arg12[%broadcast_in_dim3A_1296, %iota3A, %broadcast_in_dim3A_1562] : memref<2x16x32xf32, #tpu.memory_space<vmem>>[vector<16xi32>, vector<16xi32>, vector<16xi32>], vector<16xf32>,
      %gather3A_1564 = tpu.vector_load_idx %arg13[%broadcast_in_dim3A_1296, %iota3A, %broadcast_in_dim3A_1562] : memref<2x16x32xf32, #tpu.memory_space<vmem>>[vector<16xi32>, vector<16xi32>, vector<16xi32>], vector<16xf32>,
      %mul3A_1565 = arith.mulf %gather3A_1563, %gather3A_1564 : vector<16xf32>
      %mul3A_1566 = arith.constant 3.000000e-01 : f32
      %mul3A_1567 = vector.broadcast %mul3A_1566 : f32 to vector<16xf32>
      %mul3A_1568 = arith.mulf %mul3A_1565, %mul3A_1567 : vector<16xf32>
      %max3A_1569 = arith.maximumf %mul3A_1565, %mul3A_1568 : vector<16xf32>
      %slice3A_1570 = vector.extract_strided_slice %get3A_8 {offsets = [3], sizes = [1], strides = [1]} : vector<16xf32> to vector<1xf32>
      %squeeze3A_1571 = vector.extract %slice3A_1570[0] : f32 from vector<1xf32>
      %mul3A_1572 = vector.broadcast %squeeze3A_1571 : f32 to vector<16xf32>
      %mul3A_1573 = arith.mulf %max3A_1569, %mul3A_1572 : vector<16xf32>
      %add3A_1574 = arith.addf %add3A_1560, %mul3A_1573 : vector<16xf32>
      %broadcast_in_dim3A_1575 = arith.constant 20 : i32
      %broadcast_in_dim3A_1576 = vector.broadcast %broadcast_in_dim3A_1575 : i32 to vector<16xi32>
      %gather3A_1577 = tpu.vector_load_idx %arg12[%broadcast_in_dim3A_1296, %iota3A, %broadcast_in_dim3A_1576] : memref<2x16x32xf32, #tpu.memory_space<vmem>>[vector<16xi32>, vector<16xi32>, vector<16xi32>], vector<16xf32>,
      %gather3A_1578 = tpu.vector_load_idx %arg13[%broadcast_in_dim3A_1296, %iota3A, %broadcast_in_dim3A_1576] : memref<2x16x32xf32, #tpu.memory_space<vmem>>[vector<16xi32>, vector<16xi32>, vector<16xi32>], vector<16xf32>,
      %mul3A_1579 = arith.mulf %gather3A_1577, %gather3A_1578 : vector<16xf32>
      %mul3A_1580 = arith.constant 3.000000e-01 : f32
      %mul3A_1581 = vector.broadcast %mul3A_1580 : f32 to vector<16xf32>
      %mul3A_1582 = arith.mulf %mul3A_1579, %mul3A_1581 : vector<16xf32>
      %max3A_1583 = arith.maximumf %mul3A_1579, %mul3A_1582 : vector<16xf32>
      %slice3A_1584 = vector.extract_strided_slice %get3A_8 {offsets = [4], sizes = [1], strides = [1]} : vector<16xf32> to vector<1xf32>
      %squeeze3A_1585 = vector.extract %slice3A_1584[0] : f32 from vector<1xf32>
      %mul3A_1586 = vector.broadcast %squeeze3A_1585 : f32 to vector<16xf32>
      %mul3A_1587 = arith.mulf %max3A_1583, %mul3A_1586 : vector<16xf32>
      %add3A_1588 = arith.addf %add3A_1574, %mul3A_1587 : vector<16xf32>
      %broadcast_in_dim3A_1589 = arith.constant 21 : i32
      %broadcast_in_dim3A_1590 = vector.broadcast %broadcast_in_dim3A_1589 : i32 to vector<16xi32>
      %gather3A_1591 = tpu.vector_load_idx %arg12[%broadcast_in_dim3A_1296, %iota3A, %broadcast_in_dim3A_1590] : memref<2x16x32xf32, #tpu.memory_space<vmem>>[vector<16xi32>, vector<16xi32>, vector<16xi32>], vector<16xf32>,
      %gather3A_1592 = tpu.vector_load_idx %arg13[%broadcast_in_dim3A_1296, %iota3A, %broadcast_in_dim3A_1590] : memref<2x16x32xf32, #tpu.memory_space<vmem>>[vector<16xi32>, vector<16xi32>, vector<16xi32>], vector<16xf32>,
      %mul3A_1593 = arith.mulf %gather3A_1591, %gather3A_1592 : vector<16xf32>
      %mul3A_1594 = arith.constant 3.000000e-01 : f32
      %mul3A_1595 = vector.broadcast %mul3A_1594 : f32 to vector<16xf32>
      %mul3A_1596 = arith.mulf %mul3A_1593, %mul3A_1595 : vector<16xf32>
      %max3A_1597 = arith.maximumf %mul3A_1593, %mul3A_1596 : vector<16xf32>
      %slice3A_1598 = vector.extract_strided_slice %get3A_8 {offsets = [5], sizes = [1], strides = [1]} : vector<16xf32> to vector<1xf32>
      %squeeze3A_1599 = vector.extract %slice3A_1598[0] : f32 from vector<1xf32>
      %mul3A_1600 = vector.broadcast %squeeze3A_1599 : f32 to vector<16xf32>
      %mul3A_1601 = arith.mulf %max3A_1597, %mul3A_1600 : vector<16xf32>
      %add3A_1602 = arith.addf %add3A_1588, %mul3A_1601 : vector<16xf32>
      %broadcast_in_dim3A_1603 = arith.constant 22 : i32
      %broadcast_in_dim3A_1604 = vector.broadcast %broadcast_in_dim3A_1603 : i32 to vector<16xi32>
      %gather3A_1605 = tpu.vector_load_idx %arg12[%broadcast_in_dim3A_1296, %iota3A, %broadcast_in_dim3A_1604] : memref<2x16x32xf32, #tpu.memory_space<vmem>>[vector<16xi32>, vector<16xi32>, vector<16xi32>], vector<16xf32>,
      %gather3A_1606 = tpu.vector_load_idx %arg13[%broadcast_in_dim3A_1296, %iota3A, %broadcast_in_dim3A_1604] : memref<2x16x32xf32, #tpu.memory_space<vmem>>[vector<16xi32>, vector<16xi32>, vector<16xi32>], vector<16xf32>,
      %mul3A_1607 = arith.mulf %gather3A_1605, %gather3A_1606 : vector<16xf32>
      %mul3A_1608 = arith.constant 3.000000e-01 : f32
      %mul3A_1609 = vector.broadcast %mul3A_1608 : f32 to vector<16xf32>
      %mul3A_1610 = arith.mulf %mul3A_1607, %mul3A_1609 : vector<16xf32>
      %max3A_1611 = arith.maximumf %mul3A_1607, %mul3A_1610 : vector<16xf32>
      %slice3A_1612 = vector.extract_strided_slice %get3A_8 {offsets = [6], sizes = [1], strides = [1]} : vector<16xf32> to vector<1xf32>
      %squeeze3A_1613 = vector.extract %slice3A_1612[0] : f32 from vector<1xf32>
      %mul3A_1614 = vector.broadcast %squeeze3A_1613 : f32 to vector<16xf32>
      %mul3A_1615 = arith.mulf %max3A_1611, %mul3A_1614 : vector<16xf32>
      %add3A_1616 = arith.addf %add3A_1602, %mul3A_1615 : vector<16xf32>
      %broadcast_in_dim3A_1617 = arith.constant 23 : i32
      %broadcast_in_dim3A_1618 = vector.broadcast %broadcast_in_dim3A_1617 : i32 to vector<16xi32>
      %gather3A_1619 = tpu.vector_load_idx %arg12[%broadcast_in_dim3A_1296, %iota3A, %broadcast_in_dim3A_1618] : memref<2x16x32xf32, #tpu.memory_space<vmem>>[vector<16xi32>, vector<16xi32>, vector<16xi32>], vector<16xf32>,
      %gather3A_1620 = tpu.vector_load_idx %arg13[%broadcast_in_dim3A_1296, %iota3A, %broadcast_in_dim3A_1618] : memref<2x16x32xf32, #tpu.memory_space<vmem>>[vector<16xi32>, vector<16xi32>, vector<16xi32>], vector<16xf32>,
      %mul3A_1621 = arith.mulf %gather3A_1619, %gather3A_1620 : vector<16xf32>
      %mul3A_1622 = arith.constant 3.000000e-01 : f32
      %mul3A_1623 = vector.broadcast %mul3A_1622 : f32 to vector<16xf32>
      %mul3A_1624 = arith.mulf %mul3A_1621, %mul3A_1623 : vector<16xf32>
      %max3A_1625 = arith.maximumf %mul3A_1621, %mul3A_1624 : vector<16xf32>
      %slice3A_1626 = vector.extract_strided_slice %get3A_8 {offsets = [7], sizes = [1], strides = [1]} : vector<16xf32> to vector<1xf32>
      %squeeze3A_1627 = vector.extract %slice3A_1626[0] : f32 from vector<1xf32>
      %mul3A_1628 = vector.broadcast %squeeze3A_1627 : f32 to vector<16xf32>
      %mul3A_1629 = arith.mulf %max3A_1625, %mul3A_1628 : vector<16xf32>
      %add3A_1630 = arith.addf %add3A_1616, %mul3A_1629 : vector<16xf32>
      %broadcast_in_dim3A_1631 = arith.constant 24 : i32
      %broadcast_in_dim3A_1632 = vector.broadcast %broadcast_in_dim3A_1631 : i32 to vector<16xi32>
      %gather3A_1633 = tpu.vector_load_idx %arg12[%broadcast_in_dim3A_1296, %iota3A, %broadcast_in_dim3A_1632] : memref<2x16x32xf32, #tpu.memory_space<vmem>>[vector<16xi32>, vector<16xi32>, vector<16xi32>], vector<16xf32>,
      %gather3A_1634 = tpu.vector_load_idx %arg13[%broadcast_in_dim3A_1296, %iota3A, %broadcast_in_dim3A_1632] : memref<2x16x32xf32, #tpu.memory_space<vmem>>[vector<16xi32>, vector<16xi32>, vector<16xi32>], vector<16xf32>,
      %mul3A_1635 = arith.mulf %gather3A_1633, %gather3A_1634 : vector<16xf32>
      %mul3A_1636 = arith.constant 3.000000e-01 : f32
      %mul3A_1637 = vector.broadcast %mul3A_1636 : f32 to vector<16xf32>
      %mul3A_1638 = arith.mulf %mul3A_1635, %mul3A_1637 : vector<16xf32>
      %max3A_1639 = arith.maximumf %mul3A_1635, %mul3A_1638 : vector<16xf32>
      %slice3A_1640 = vector.extract_strided_slice %get3A_8 {offsets = [8], sizes = [1], strides = [1]} : vector<16xf32> to vector<1xf32>
      %squeeze3A_1641 = vector.extract %slice3A_1640[0] : f32 from vector<1xf32>
      %mul3A_1642 = vector.broadcast %squeeze3A_1641 : f32 to vector<16xf32>
      %mul3A_1643 = arith.mulf %max3A_1639, %mul3A_1642 : vector<16xf32>
      %add3A_1644 = arith.addf %add3A_1630, %mul3A_1643 : vector<16xf32>
      %broadcast_in_dim3A_1645 = arith.constant 25 : i32
      %broadcast_in_dim3A_1646 = vector.broadcast %broadcast_in_dim3A_1645 : i32 to vector<16xi32>
      %gather3A_1647 = tpu.vector_load_idx %arg12[%broadcast_in_dim3A_1296, %iota3A, %broadcast_in_dim3A_1646] : memref<2x16x32xf32, #tpu.memory_space<vmem>>[vector<16xi32>, vector<16xi32>, vector<16xi32>], vector<16xf32>,
      %gather3A_1648 = tpu.vector_load_idx %arg13[%broadcast_in_dim3A_1296, %iota3A, %broadcast_in_dim3A_1646] : memref<2x16x32xf32, #tpu.memory_space<vmem>>[vector<16xi32>, vector<16xi32>, vector<16xi32>], vector<16xf32>,
      %mul3A_1649 = arith.mulf %gather3A_1647, %gather3A_1648 : vector<16xf32>
      %mul3A_1650 = arith.constant 3.000000e-01 : f32
      %mul3A_1651 = vector.broadcast %mul3A_1650 : f32 to vector<16xf32>
      %mul3A_1652 = arith.mulf %mul3A_1649, %mul3A_1651 : vector<16xf32>
      %max3A_1653 = arith.maximumf %mul3A_1649, %mul3A_1652 : vector<16xf32>
      %slice3A_1654 = vector.extract_strided_slice %get3A_8 {offsets = [9], sizes = [1], strides = [1]} : vector<16xf32> to vector<1xf32>
      %squeeze3A_1655 = vector.extract %slice3A_1654[0] : f32 from vector<1xf32>
      %mul3A_1656 = vector.broadcast %squeeze3A_1655 : f32 to vector<16xf32>
      %mul3A_1657 = arith.mulf %max3A_1653, %mul3A_1656 : vector<16xf32>
      %add3A_1658 = arith.addf %add3A_1644, %mul3A_1657 : vector<16xf32>
      %broadcast_in_dim3A_1659 = arith.constant 26 : i32
      %broadcast_in_dim3A_1660 = vector.broadcast %broadcast_in_dim3A_1659 : i32 to vector<16xi32>
      %gather3A_1661 = tpu.vector_load_idx %arg12[%broadcast_in_dim3A_1296, %iota3A, %broadcast_in_dim3A_1660] : memref<2x16x32xf32, #tpu.memory_space<vmem>>[vector<16xi32>, vector<16xi32>, vector<16xi32>], vector<16xf32>,
      %gather3A_1662 = tpu.vector_load_idx %arg13[%broadcast_in_dim3A_1296, %iota3A, %broadcast_in_dim3A_1660] : memref<2x16x32xf32, #tpu.memory_space<vmem>>[vector<16xi32>, vector<16xi32>, vector<16xi32>], vector<16xf32>,
      %mul3A_1663 = arith.mulf %gather3A_1661, %gather3A_1662 : vector<16xf32>
      %mul3A_1664 = arith.constant 3.000000e-01 : f32
      %mul3A_1665 = vector.broadcast %mul3A_1664 : f32 to vector<16xf32>
      %mul3A_1666 = arith.mulf %mul3A_1663, %mul3A_1665 : vector<16xf32>
      %max3A_1667 = arith.maximumf %mul3A_1663, %mul3A_1666 : vector<16xf32>
      %slice3A_1668 = vector.extract_strided_slice %get3A_8 {offsets = [10], sizes = [1], strides = [1]} : vector<16xf32> to vector<1xf32>
      %squeeze3A_1669 = vector.extract %slice3A_1668[0] : f32 from vector<1xf32>
      %mul3A_1670 = vector.broadcast %squeeze3A_1669 : f32 to vector<16xf32>
      %mul3A_1671 = arith.mulf %max3A_1667, %mul3A_1670 : vector<16xf32>
      %add3A_1672 = arith.addf %add3A_1658, %mul3A_1671 : vector<16xf32>
      %broadcast_in_dim3A_1673 = arith.constant 27 : i32
      %broadcast_in_dim3A_1674 = vector.broadcast %broadcast_in_dim3A_1673 : i32 to vector<16xi32>
      %gather3A_1675 = tpu.vector_load_idx %arg12[%broadcast_in_dim3A_1296, %iota3A, %broadcast_in_dim3A_1674] : memref<2x16x32xf32, #tpu.memory_space<vmem>>[vector<16xi32>, vector<16xi32>, vector<16xi32>], vector<16xf32>,
      %gather3A_1676 = tpu.vector_load_idx %arg13[%broadcast_in_dim3A_1296, %iota3A, %broadcast_in_dim3A_1674] : memref<2x16x32xf32, #tpu.memory_space<vmem>>[vector<16xi32>, vector<16xi32>, vector<16xi32>], vector<16xf32>,
      %mul3A_1677 = arith.mulf %gather3A_1675, %gather3A_1676 : vector<16xf32>
      %mul3A_1678 = arith.constant 3.000000e-01 : f32
      %mul3A_1679 = vector.broadcast %mul3A_1678 : f32 to vector<16xf32>
      %mul3A_1680 = arith.mulf %mul3A_1677, %mul3A_1679 : vector<16xf32>
      %max3A_1681 = arith.maximumf %mul3A_1677, %mul3A_1680 : vector<16xf32>
      %slice3A_1682 = vector.extract_strided_slice %get3A_8 {offsets = [11], sizes = [1], strides = [1]} : vector<16xf32> to vector<1xf32>
      %squeeze3A_1683 = vector.extract %slice3A_1682[0] : f32 from vector<1xf32>
      %mul3A_1684 = vector.broadcast %squeeze3A_1683 : f32 to vector<16xf32>
      %mul3A_1685 = arith.mulf %max3A_1681, %mul3A_1684 : vector<16xf32>
      %add3A_1686 = arith.addf %add3A_1672, %mul3A_1685 : vector<16xf32>
      %broadcast_in_dim3A_1687 = arith.constant 28 : i32
      %broadcast_in_dim3A_1688 = vector.broadcast %broadcast_in_dim3A_1687 : i32 to vector<16xi32>
      %gather3A_1689 = tpu.vector_load_idx %arg12[%broadcast_in_dim3A_1296, %iota3A, %broadcast_in_dim3A_1688] : memref<2x16x32xf32, #tpu.memory_space<vmem>>[vector<16xi32>, vector<16xi32>, vector<16xi32>], vector<16xf32>,
      %gather3A_1690 = tpu.vector_load_idx %arg13[%broadcast_in_dim3A_1296, %iota3A, %broadcast_in_dim3A_1688] : memref<2x16x32xf32, #tpu.memory_space<vmem>>[vector<16xi32>, vector<16xi32>, vector<16xi32>], vector<16xf32>,
      %mul3A_1691 = arith.mulf %gather3A_1689, %gather3A_1690 : vector<16xf32>
      %mul3A_1692 = arith.constant 3.000000e-01 : f32
      %mul3A_1693 = vector.broadcast %mul3A_1692 : f32 to vector<16xf32>
      %mul3A_1694 = arith.mulf %mul3A_1691, %mul3A_1693 : vector<16xf32>
      %max3A_1695 = arith.maximumf %mul3A_1691, %mul3A_1694 : vector<16xf32>
      %slice3A_1696 = vector.extract_strided_slice %get3A_8 {offsets = [12], sizes = [1], strides = [1]} : vector<16xf32> to vector<1xf32>
      %squeeze3A_1697 = vector.extract %slice3A_1696[0] : f32 from vector<1xf32>
      %mul3A_1698 = vector.broadcast %squeeze3A_1697 : f32 to vector<16xf32>
      %mul3A_1699 = arith.mulf %max3A_1695, %mul3A_1698 : vector<16xf32>
      %add3A_1700 = arith.addf %add3A_1686, %mul3A_1699 : vector<16xf32>
      %broadcast_in_dim3A_1701 = arith.constant 29 : i32
      %broadcast_in_dim3A_1702 = vector.broadcast %broadcast_in_dim3A_1701 : i32 to vector<16xi32>
      %gather3A_1703 = tpu.vector_load_idx %arg12[%broadcast_in_dim3A_1296, %iota3A, %broadcast_in_dim3A_1702] : memref<2x16x32xf32, #tpu.memory_space<vmem>>[vector<16xi32>, vector<16xi32>, vector<16xi32>], vector<16xf32>,
      %gather3A_1704 = tpu.vector_load_idx %arg13[%broadcast_in_dim3A_1296, %iota3A, %broadcast_in_dim3A_1702] : memref<2x16x32xf32, #tpu.memory_space<vmem>>[vector<16xi32>, vector<16xi32>, vector<16xi32>], vector<16xf32>,
      %mul3A_1705 = arith.mulf %gather3A_1703, %gather3A_1704 : vector<16xf32>
      %mul3A_1706 = arith.constant 3.000000e-01 : f32
      %mul3A_1707 = vector.broadcast %mul3A_1706 : f32 to vector<16xf32>
      %mul3A_1708 = arith.mulf %mul3A_1705, %mul3A_1707 : vector<16xf32>
      %max3A_1709 = arith.maximumf %mul3A_1705, %mul3A_1708 : vector<16xf32>
      %slice3A_1710 = vector.extract_strided_slice %get3A_8 {offsets = [13], sizes = [1], strides = [1]} : vector<16xf32> to vector<1xf32>
      %squeeze3A_1711 = vector.extract %slice3A_1710[0] : f32 from vector<1xf32>
      %mul3A_1712 = vector.broadcast %squeeze3A_1711 : f32 to vector<16xf32>
      %mul3A_1713 = arith.mulf %max3A_1709, %mul3A_1712 : vector<16xf32>
      %add3A_1714 = arith.addf %add3A_1700, %mul3A_1713 : vector<16xf32>
      %broadcast_in_dim3A_1715 = arith.constant 30 : i32
      %broadcast_in_dim3A_1716 = vector.broadcast %broadcast_in_dim3A_1715 : i32 to vector<16xi32>
      %gather3A_1717 = tpu.vector_load_idx %arg12[%broadcast_in_dim3A_1296, %iota3A, %broadcast_in_dim3A_1716] : memref<2x16x32xf32, #tpu.memory_space<vmem>>[vector<16xi32>, vector<16xi32>, vector<16xi32>], vector<16xf32>,
      %gather3A_1718 = tpu.vector_load_idx %arg13[%broadcast_in_dim3A_1296, %iota3A, %broadcast_in_dim3A_1716] : memref<2x16x32xf32, #tpu.memory_space<vmem>>[vector<16xi32>, vector<16xi32>, vector<16xi32>], vector<16xf32>,
      %mul3A_1719 = arith.mulf %gather3A_1717, %gather3A_1718 : vector<16xf32>
      %mul3A_1720 = arith.constant 3.000000e-01 : f32
      %mul3A_1721 = vector.broadcast %mul3A_1720 : f32 to vector<16xf32>
      %mul3A_1722 = arith.mulf %mul3A_1719, %mul3A_1721 : vector<16xf32>
      %max3A_1723 = arith.maximumf %mul3A_1719, %mul3A_1722 : vector<16xf32>
      %slice3A_1724 = vector.extract_strided_slice %get3A_8 {offsets = [14], sizes = [1], strides = [1]} : vector<16xf32> to vector<1xf32>
      %squeeze3A_1725 = vector.extract %slice3A_1724[0] : f32 from vector<1xf32>
      %mul3A_1726 = vector.broadcast %squeeze3A_1725 : f32 to vector<16xf32>
      %mul3A_1727 = arith.mulf %max3A_1723, %mul3A_1726 : vector<16xf32>
      %add3A_1728 = arith.addf %add3A_1714, %mul3A_1727 : vector<16xf32>
      %broadcast_in_dim3A_1729 = arith.constant 31 : i32
      %broadcast_in_dim3A_1730 = vector.broadcast %broadcast_in_dim3A_1729 : i32 to vector<16xi32>
      %gather3A_1731 = tpu.vector_load_idx %arg12[%broadcast_in_dim3A_1296, %iota3A, %broadcast_in_dim3A_1730] : memref<2x16x32xf32, #tpu.memory_space<vmem>>[vector<16xi32>, vector<16xi32>, vector<16xi32>], vector<16xf32>,
      %gather3A_1732 = tpu.vector_load_idx %arg13[%broadcast_in_dim3A_1296, %iota3A, %broadcast_in_dim3A_1730] : memref<2x16x32xf32, #tpu.memory_space<vmem>>[vector<16xi32>, vector<16xi32>, vector<16xi32>], vector<16xf32>,
      %mul3A_1733 = arith.mulf %gather3A_1731, %gather3A_1732 : vector<16xf32>
      %mul3A_1734 = arith.constant 3.000000e-01 : f32
      %mul3A_1735 = vector.broadcast %mul3A_1734 : f32 to vector<16xf32>
      %mul3A_1736 = arith.mulf %mul3A_1733, %mul3A_1735 : vector<16xf32>
      %max3A_1737 = arith.maximumf %mul3A_1733, %mul3A_1736 : vector<16xf32>
      %slice3A_1738 = vector.extract_strided_slice %get3A_8 {offsets = [15], sizes = [1], strides = [1]} : vector<16xf32> to vector<1xf32>
      %squeeze3A_1739 = vector.extract %slice3A_1738[0] : f32 from vector<1xf32>
      %mul3A_1740 = vector.broadcast %squeeze3A_1739 : f32 to vector<16xf32>
      %mul3A_1741 = arith.mulf %max3A_1737, %mul3A_1740 : vector<16xf32>
      %add3A_1742 = arith.addf %add3A_1728, %mul3A_1741 : vector<16xf32>
      %mul3A_1743 = arith.constant 16 : i32
      %mul3A_1744 = arith.muli %scan3A_712, %mul3A_1743 : i32
      %swap3A = arith.index_cast %mul3A_1744 : i32 to index
      %swap3A_1745 = tpu.vector_load %arg17[%swap3A] {strides = array<i32>} : memref<512xf32, #tpu.memory_space<vmem>>, vector<16xf32>,
      tpu.vector_store %arg17[%swap3A], %add3A_1742 {strides = array<i32>} : memref<512xf32, #tpu.memory_space<vmem>>, vector<16xf32>,
    }
    %scan3A_703 = arith.constant 32 : i32
    %dma_wait3A = arith.constant 0 : i32
    %dma_wait3A_704 = tpu.memref_slice %arg6[%dma_wait3A] : memref<1000000xf32, #tpu.memory_space<hbm>> -> memref<1000000xf32, #tpu.memory_space<hbm>>
    tpu.wait_indirect_dma semaphore(%arg20 : memref<!tpu.dma_semaphore, #tpu.memory_space<semaphore_mem>>) src(%dma_wait3A_704 : memref<1000000xf32, #tpu.memory_space<hbm>>) dst(%arg14 : memref<512xf32, #tpu.memory_space<vmem>>)
    %dma_wait3A_705 = arith.constant 0 : i32
    %dma_wait3A_706 = tpu.memref_slice %arg7[%dma_wait3A_705] : memref<1000000xf32, #tpu.memory_space<hbm>> -> memref<1000000xf32, #tpu.memory_space<hbm>>
    tpu.wait_indirect_dma semaphore(%arg21 : memref<!tpu.dma_semaphore, #tpu.memory_space<semaphore_mem>>) src(%dma_wait3A_706 : memref<1000000xf32, #tpu.memory_space<hbm>>) dst(%arg15 : memref<512xf32, #tpu.memory_space<vmem>>)
    %scan3A_707 = arith.constant 0 : i32
    %scan3A_708 = arith.constant 32 : i32
    %scan3A_709 = arith.addi %scan3A_707, %scan3A_708 : i32
    %scan3A_710 = arith.constant 1 : i32
    scf.for %scan3A_712 = %scan3A_707 to %scan3A_709 step %scan3A_710  : i32 {
      %mul3A_713 = arith.constant 16 : i32
      %mul3A_714 = arith.muli %scan3A_712, %mul3A_713 : i32
      %get3A_715 = arith.index_cast %mul3A_714 : i32 to index
      %get3A_716 = tpu.vector_load %arg17[%get3A_715] {strides = array<i32>} : memref<512xf32, #tpu.memory_space<vmem>>, vector<16xf32>,
      %get3A_717 = arith.index_cast %mul3A_714 : i32 to index
      %get3A_718 = tpu.vector_load %arg14[%get3A_717] {strides = array<i32>} : memref<512xf32, #tpu.memory_space<vmem>>, vector<16xf32>,
      %add3A_719 = arith.addf %get3A_716, %get3A_718 : vector<16xf32>
      %get3A_720 = arith.index_cast %mul3A_714 : i32 to index
      %get3A_721 = tpu.vector_load %arg15[%get3A_720] {strides = array<i32>} : memref<512xf32, #tpu.memory_space<vmem>>, vector<16xf32>,
      %add3A_722 = arith.addf %add3A_719, %get3A_721 : vector<16xf32>
      %add3A_723 = vector.broadcast %add3A_13 : f32 to vector<16xf32>
      %add3A_724 = arith.addf %add3A_722, %add3A_723 : vector<16xf32>
      %jit3A = arith.constant 1.000000e+00 : f32
      %jit3A_725 = arith.constant 5.000000e+00 : f32
      %max3A = vector.broadcast %jit3A : f32 to vector<16xf32>
      %max3A_726 = arith.maximumf %max3A, %add3A_724 : vector<16xf32>
      %min3A = vector.broadcast %jit3A_725 : f32 to vector<16xf32>
      %min3A_727 = arith.minimumf %min3A, %max3A_726 : vector<16xf32>
      %swap3A = arith.index_cast %mul3A_714 : i32 to index
      %swap3A_728 = tpu.vector_load %arg17[%swap3A] {strides = array<i32>} : memref<512xf32, #tpu.memory_space<vmem>>, vector<16xf32>,
      tpu.vector_store %arg17[%swap3A], %min3A_727 {strides = array<i32>} : memref<512xf32, #tpu.memory_space<vmem>>, vector<16xf32>,
    }
    %scan3A_711 = arith.constant 32 : i32
    "tpu.region"() ({
      %run_scoped3A = tpu.sem_alloc : memref<!tpu.dma_semaphore, #tpu.memory_space<semaphore_mem>>
      %dma_start3A_712 = tpu.memref_slice %arg9[%mul3A_2] : memref<16384xf32, #tpu.memory_space<hbm>> -> memref<512xf32, #tpu.memory_space<hbm>>
      %dma_start3A_713 = tpu.memref_slice %arg9[%mul3A_2] : memref<16384xf32, #tpu.memory_space<hbm>> -> memref<512xf32, #tpu.memory_space<hbm>>
      tpu.enqueue_dma source(%arg17 : memref<512xf32, #tpu.memory_space<vmem>>) target(%dma_start3A_713 : memref<512xf32, #tpu.memory_space<hbm>>) target_semaphore(%run_scoped3A : memref<!tpu.dma_semaphore, #tpu.memory_space<semaphore_mem>>)
      %dma_wait3A_714 = tpu.memref_slice %arg9[%mul3A_2] : memref<16384xf32, #tpu.memory_space<hbm>> -> memref<512xf32, #tpu.memory_space<hbm>>
      %dma_wait3A_715 = tpu.memref_slice %arg9[%mul3A_2] : memref<16384xf32, #tpu.memory_space<hbm>> -> memref<512xf32, #tpu.memory_space<hbm>>
      tpu.wait_dma2 semaphore(%run_scoped3A : memref<!tpu.dma_semaphore, #tpu.memory_space<semaphore_mem>>) src(%arg17 : memref<512xf32, #tpu.memory_space<vmem>>) dst(%dma_wait3A_715 : memref<512xf32, #tpu.memory_space<hbm>>)
      tpu.yield
    }) : () -> ()
    return
  }
}

</mosaic_0001>

<sc_bundles>
// kernel: _lfm.3.cloned.1.call-start
scs
__scs_entry_jumppad:
0x0: {  	(pc) =	sbr.rel $0x88, $3  }
0x1: {  	(tag) =	ssettag $0x0;
	lr =	simm.s32 $0x1  }
0x2: {  	[smem:$0x3F9A] =	sst lr;
	_ =	strace $0xD0000000  }
0x3: {  	_ = 	snop  }
0x4: {  	_ = 	snop  }
0x5: {  	_ = 	snop  }
0x6: {  	_ = 	snop  }
0x7: {  	_ = 	snop  }
__scs_overlays_trampoline_lowered:
0x8: {  	[smem:$0x3FA9] =	sst s0  }
0x9: {  	[smem:$0x3FAA] =	sst s1  }
0xa: {  	[smem:$0x3FAB] =	sst s2  }
0xb: {  	[smem:$0x3FAC] =	sst s3  }
0xc: {  	[smem:$0x3FAD] =	sst s4  }
0xd: {  	[smem:$0x3FAE] =	sst s5  }
0xe: {  	[smem:$0x3FAF] =	sst s6  }
0xf: {  	[smem:$0x3FB0] =	sst s7  }
0x10: {  	[smem:$0x3FB1] =	sst s8  }
0x11: {  	[smem:$0x3FB2] =	sst s9;
	s0 =	simm.s32 @!p0 $0x0  }
0x12: {  	s1 =	sld [smem:$0x3F98];
	s0 =	simm.s32 @p0 $0x1  }
0x13: {  	[smem:$0x3FB3] =	sst s0;
	s0 =	simm.s32 @!p1 $0x0  }
0x14: {  	s2 =	sld [smem:$0x3F97];
	s0 =	simm.s32 @p1 $0x1  }
0x15: {  	[smem:$0x3FB4] =	sst s0;
	s0 =	simm.s32 @!p2 $0x0  }
0x16: {  	s3 =	sld [smem:$0x3FDB];
	s0 =	simm.s32 @p2 $0x1  }
0x17: {  	s4 =	simm.s32 $0x1BF5;
	[smem:$0x3FB6] =	sst s0  }
0x18: {  	s0 =	sld [smem:$0x3F99];
	_ =	swait.ge [sflag:s4], $0x0  }
0x19: {  	s7 =	sld [smem:$0x3F9A]  }
0x1a: {  	s8 =	sadd.s32 $0xFFFFE003, lr  }
0x1b: {  	s9 =	sadd.s32 $0xFFFFFEF7, lr;
	s5 =	simm.s32 $0xFFFFFFFF;
	p2 =	slt.u32 s8, $0xFFFFF086  }
0x1c: {  	p1 =	slt.u32 s9, $0xF7A;
	s5 =	simm.s32 @!p2 $0x0  }
0x1d: {  	s5 =	simm.s32 @p1 $0x1;
	p0 =	seq.s32 s7, s2  }
0x1e: {  	s7 =	smul.u32 @!p0 $0xF7A, s2;
	p2 =	seq.s32 @!p0 s5, $0x0  }
0x1f: {  	s9 =	smul.u32 $0xF7A, s1;
	s8 =	simm.s32 @!p0 $0x1BF5;
	p2 =	por !p2, p0  }
0x20: {  	[sflag:s8] =	ssyncset.s32 @!p0 $0xFFFFF086;
	s6 =	sadd.s32 @!p0 s3, s7;
	s7 =	simm.s32 @!p0 $0x108  }
0x21: {  	s3 =	sadd.s32 s3, s9;
	s6 =	sadd.s32 @!p0 $0x88, s6;
	s7 =	simm.s32 @p2 $0x1082  }
0x22: {  	[simem:s7], [sflag:s8] =	dma.local @!p0 [hbm:s6], $0xF7A  }
0x23: {  	s9 =	sor.u32 $0xD0000000, s2;
	s6 =	simm.s32 $0x108;
	_ =	swait.ge @!p0 [sflag:s8], $0x0  }
0x24: {  	s3 =	sadd.s32 $0x88, s3;
	s6 =	simm.s32 @!p1 $0x1082;
	[sflag:s4] =	ssyncset.s32 $0xFFFFF086  }
0x25: {  	[simem:s6], [sflag:s4] =	dma.local [hbm:s3], $0xF7A  }
0x26: {  	[smem:$0x3F9A] =	sst s1;
	(tag) =	ssettag s2;
	_ =	strace s9  }
0x27: {  	s1 =	sld [smem:$0x3FAA]  }
0x28: {  	s2 =	sld [smem:$0x3FAB]  }
0x29: {  	s4 =	sld [smem:$0x3FAD]  }
0x2a: {  	p0 =	seq.s32 s5, $0x0;
	s5 =	sld [smem:$0x3FAE]  }
0x2b: {  	s6 =	sld [smem:$0x3FAF]  }
0x2c: {  	s7 =	sld [smem:$0x3FB0]  }
0x2d: {  	s3 =	simm.s32 $0x108;
	s8 =	sld [smem:$0x3FB1]  }
0x2e: {  	s3 =	simm.s32 @!p0 $0x1082;
	s9 =	sld [smem:$0x3FB2]  }
0x2f: {  	lr =	sadd.s32 s0, s3;
	s0 =	sld [smem:$0x3FA9]  }
0x30: {  	s3 =	sld [smem:$0x3FAC]  }
0x31: {  	[smem:$0x3FB5] =	sst s10  }
0x32: {  	s10 =	sld [smem:$0x3FB3];
	_ =	sdelay $0x3  }
0x33: {  	p0 =	seq.s32 s10, $0x1;
	s10 =	sld [smem:$0x3FB5];
	_ =	sdelay $0x3  }
0x34: {  	[smem:$0x3FB5] =	sst s10  }
0x35: {  	s10 =	sld [smem:$0x3FB4];
	_ =	sdelay $0x3  }
0x36: {  	p1 =	seq.s32 s10, $0x1;
	s10 =	sld [smem:$0x3FB5];
	_ =	sdelay $0x3  }
0x37: {  	[smem:$0x3FB5] =	sst s10  }
0x38: {  	s10 =	sld [smem:$0x3FB6]  }
0x39: {  	_ = 	snop;
	(pc) =	sbr.ind lr, $3  }
0x3a: {  	_ = 	snop  }
0x3b: {  	_ = 	snop  }
0x3c: {  	p2 =	seq.s32 s10, $0x1;
	s10 =	sld [smem:$0x3FB5]  }
0x3d: {  	_ =	shalt  }
0x3e: {  	_ =	shalt  }
0x3f: {  	_ =	shalt  }
0x40: {  	_ =	shalt  }
0x41: {  	_ =	shalt  }
0x42: {  	_ =	shalt  }
0x43: {  	_ =	shalt  }
0x44: {  	_ =	shalt  }
0x45: {  	_ =	shalt  }
0x46: {  	_ =	shalt  }
0x47: {  	_ =	shalt  }
0x48: {  	_ =	shalt  }
0x49: {  	_ =	shalt  }
0x4a: {  	_ =	shalt  }
0x4b: {  	_ =	shalt  }
0x4c: {  	_ =	shalt  }
0x4d: {  	_ =	shalt  }
0x4e: {  	_ =	shalt  }
0x4f: {  	_ =	shalt  }
0x50: {  	_ =	shalt  }
0x51: {  	_ =	shalt  }
0x52: {  	_ =	shalt  }
0x53: {  	_ =	shalt  }
0x54: {  	_ =	shalt  }
0x55: {  	_ =	shalt  }
0x56: {  	_ =	shalt  }
0x57: {  	_ =	shalt  }
0x58: {  	_ =	shalt  }
0x59: {  	_ =	shalt  }
0x5a: {  	_ =	shalt  }
0x5b: {  	_ =	shalt  }
0x5c: {  	_ =	shalt  }
0x5d: {  	_ =	shalt  }
0x5e: {  	_ =	shalt  }
0x5f: {  	_ =	shalt  }
0x60: {  	_ =	shalt  }
0x61: {  	_ =	shalt  }
0x62: {  	_ =	shalt  }
0x63: {  	_ =	shalt  }
0x64: {  	_ =	shalt  }
0x65: {  	_ =	shalt  }
0x66: {  	_ =	shalt  }
0x67: {  	_ =	shalt  }
0x68: {  	_ =	shalt  }
0x69: {  	_ =	shalt  }
0x6a: {  	_ =	shalt  }
0x6b: {  	_ =	shalt  }
0x6c: {  	_ =	shalt  }
0x6d: {  	_ =	shalt  }
0x6e: {  	_ =	shalt  }
0x6f: {  	_ =	shalt  }
0x70: {  	_ =	shalt  }
0x71: {  	_ =	shalt  }
0x72: {  	_ =	shalt  }
0x73: {  	_ =	shalt  }
0x74: {  	_ =	shalt  }
0x75: {  	_ =	shalt  }
0x76: {  	_ =	shalt  }
0x77: {  	_ =	shalt  }
0x78: {  	_ =	shalt  }
0x79: {  	_ =	shalt  }
0x7a: {  	_ =	shalt  }
0x7b: {  	_ =	shalt  }
0x7c: {  	_ =	shalt  }
0x7d: {  	_ =	shalt  }
0x7e: {  	_ =	shalt  }
0x7f: {  	_ =	shalt  }
0x80: {  	_ =	shalt  }
0x81: {  	_ =	shalt  }
0x82: {  	_ =	shalt  }
0x83: {  	_ =	shalt  }
0x84: {  	_ =	shalt  }
0x85: {  	_ =	shalt  }
0x86: {  	_ =	shalt  }
0x87: {  	_ =	shalt  }
.Lfunc_end0:
.L_simem_size_0:
called_computation_lowered:
.L_overlay_start_0:
0x88: {  	s2 =	sld [smem:$0x3FD9]  }
0x89: {  	s3 =	sld [smem:$0x3FFE];
	_ =	sdelay $0x1  }
0x8a: {  	s1 =	srdreg.scid  }
0x8b: {  	s0 =	sand.u32 $0x1, s1  }
0x8c: {  	s17 =	sshll.u32 s0, $0xA;
	s2 =	sadd.s32 s3, s2  }
0x8d: {  	s2 =	sadd.s32 s2, s17  }
0x8e: {  	[smem:$0x3FC1] =	sst s2  }
0x8f: {  	_ = 	snop  }
0x90: {  	s2 =	sld [smem:$0x3FC9]  }
0x91: {  	s18 =	sld [smem:$0x3FC8]  }
0x92: {  	s4 =	sld [smem:$0x3FC5]  }
0x93: {  	s5 =	sld [smem:$0x3FC4]  }
0x94: {  	s6 =	sld [smem:$0x3FC3]  }
0x95: {  	s7 =	sld [smem:$0x3FD0];
	(tm) =	ssettm $0x1  }
0x96: {  	s8 =	sld [smem:$0x3FFB];
	_ =	sdelay $0x3  }
0x97: {  	_ =	strace s8  }
0x98: {  	s8 =	sld [smem:$0x3FFC];
	_ =	sdelay $0x3  }
0x99: {  	_ =	strace s8  }
0x9a: {  	s8 =	sld [smem:$0x3FFD];
	_ =	sdelay $0x3  }
0x9b: {  	_ =	strace s8  }
0x9c: {  	_ =	strace $0x8FFFFFFF  }
0x9d: {  	s19 =	sld [smem:$0x3FDB];
	_ =	sdelay $0x1  }
0x9e: {  	s9 =	simm.s32 $_scs_section_size  }
0x9f: {  	s10 =	simm.s32 $_size__tile_overlayer_lowered;
	s11 =	simm.s32 $_tile_overlayer_lowered  }
0xa0: {  	s22 =	simm.s32 $0x1BFF;
	s21 =	sshll.u32 s11, $0x1;
	s8 =	sadd.s32 s9, s19  }
0xa1: {  	s12 =	simm.s32 $0x0;
	s20 =	sshll.u32 s10, $0x1;
	s10 =	sadd.s32 s21, s8  }
0xa2: {  	[timem:s12], [sflag:s22] =	dma.local [hbm:s10], s20  }
0xa3: {  	_ =	swait.ge [sflag:s22], s20  }
0xa4: {  	s9 =	ssub.s32 $0x0, s20;
	[sflag:s22] =	ssyncset.done $0x0  }
0xa5: {  	[sflag:s22] =	ssyncadd.s32 s9;
	_ =	sdelay $0x1  }
0xa6: {  	s23 =	simm.s32 $0x1B8B  }
0xa7: {  	_ =	swait.ge [sflag:s23], $0x1  }
0xa8: {  	[sflag:s23] =	ssyncset.done $0x0  }
0xa9: {  	s25 =	simm.s32 $0x1B8E;
	s24 =	sld [smem:$0x3FFE];
	[sflag:s23] =	ssyncadd.s32 $0xFFFFFFFF  }
0xaa: {  	s26 =	simm.s32 $execute0_lowered;
	[smem:$0x3FD2] =	sst s25  }
0xab: {  	s10 =	sshll.u32 s26, $0x1;
	_ =	strace $0x80000046;
	[dreg:$0x1] =	wrdreg $0xFFFFFFFF  }
0xac: {  	s28 =	simm.s32 $_size_execute0_lowered;
	s8 =	sadd.s32 s8, s10;
	[dreg:$0x0] =	wrdreg $0x0  }
0xad: {  	s10 =	sshll.u32 s28, $0x1;
	[dreg:$0x2] =	wrdreg s8  }
0xae: {  	[dreg:$0x3] =	wrdreg s10  }
0xaf: {  	[dreg:$0x4] =	wrdreg $0xC0  }
0xb0: {  	_ =	task [dreg:s12], $0x5FFFF  }
0xb1: {  	[dreg:$0x1] =	wrdreg $0xFFFFFFFF  }
0xb2: {  	[dreg:$0x0] =	wrdreg $0x60  }
0xb3: {  	[dreg:$0x2] =	wrdreg s2  }
0xb4: {  	[dreg:$0x3] =	wrdreg s18  }
0xb5: {  	[dreg:$0x4] =	wrdreg s24  }
0xb6: {  	[dreg:$0x5] =	wrdreg s4  }
0xb7: {  	[dreg:$0x6] =	wrdreg s5  }
0xb8: {  	[dreg:$0x7] =	wrdreg s6  }
0xb9: {  	[dreg:$0x8] =	wrdreg s7  }
0xba: {  	[dreg:$0x9] =	wrdreg $0x9  }
0xbb: {  	_ =	task.clear_ibuf [dreg:s12], $0xAFFFF;
	_ =	strace $0x90000046  }
0xbc: {  	s29 =	simm.s32 $0x9;
	_ =	strace $0x80000048  }
0xbd: {  	_ =	swait.ge [sflag:s29], $0x1  }
0xbe: {  	[sflag:s29] =	ssyncadd.s32 $0xFFFFFFFF  }
0xbf: {  	_ =	strace $0x90000048  }
0xc0: {  	_ =	sfence  }
0xc1: {  	s30 =	sld [smem:$0x0];
	_ =	sdelay $0x2  }
0xc2: {  	s31 =	sshll.u32 s1, $0xD;
	s1 =	sshrl.u32 s1, $0x2  }
0xc3: {  	s3 =	sand.u32 $0x4000, s31;
	s1 =	sadd.s32 s1, s30  }
0xc4: {  	s0 =	sor.u32 s3, s0;
	s1 =	sshll.u32 s1, $0x11  }
0xc5: {  	s0 =	sor.u32 s1, s0  }
0xc6: {  	s0 =	sadd.s32 $0x8F2B, s0  }
0xc7: {  	[sflag:s0] =	ssyncadd.remote.s32 $0x1  }
0xc8: {  	_ =	sfence.sel $0xFFFF  }
0xc9: {  	[dreg:$0x0] =	wrdreg $0xFFFFFFFF;
	(pc) =	sbr.abs _section_cstart, $3  }
0xca: {  	[dreg:$0x1] =	wrdreg $0xFFFFFFFF  }
0xcb: {  	_ =	task.clear_ibuf [dreg:s12], $0x2FFFF;
	_ =	strace $0x9FFFFFFF  }
0xcc: {  	(tm) =	ssettm $0x7FFFFFFF  }
0xcd: {  	_ =	shalt  }
tec
execute0_lowered:
.L_overlay_start_1:
0x0: {  	(tag) =	ssettag $0x1  }
0x1: {  	s0 =	rddreg [dreg:$0x0]  }
0x2: {  	s1 =	rddreg [dreg:$0x1]  }
0x3: {  	s2 =	rddreg [dreg:$0x2]  }
0x4: {  	s3 =	rddreg [dreg:$0x6]  }
0x5: {  	s4 =	simm.s32 $0x0;
	s5 =	srdreg.scid;
	s7 =	stileid.u32;
	v0 =	vlaneseq.u32  }
0x6: {  	s12 =	simm.s32 $0xB;
	s13 =	simm.s32 $0x200;
	s17 =	simm.s32 $0x400;
	v0 =	vmul.u32 $0x80, v0  }
0x7: {  	s18 =	simm.s32 $0x1400;
	s30 =	simm.s32 $0x1;
	s31 =	simm.s32 $0x5  }
0x8: {  	s14 =	simm.s32 $0x8;
	s15 =	simm.s32 $0x9;
	[smem:$0x7FF] =	sst s4;
	v1 =	vor.u32 $0x1, v0  }
0x9: {  	s16 =	simm.s32 $0xA;
	s5 =	sand.u32 $0x1, s5;
	_ =	strace $0x80000047;
	v8 =	vor.u32 $0x8, v0;
	v9 =	vor.u32 $0x9, v0;
	[tilespmem:$0x1FF90] =	vst v1;
	v1 =	vor.u32 $0x2, v0  }
0xa: {  	s20 =	simm.s32 $0x0;
	s6 =	sadd.s32 $0x400, s2;
	s8 =	ssub.s32 $0x2, s5;
	v10 =	vor.u32 $0xA, v0;
	v11 =	vor.u32 $0xB, v0;
	[tilespmem:$0x1FFA0] =	vst v1;
	v1 =	vor.u32 $0x3, v0  }
0xb: {  	s9 =	sshll.u32 s7, $0x7;
	s5 =	sshll.u32 s5, $0x6;
	s29 =	sshrl.u32 s8, $0x1;
	v12 =	vor.u32 $0xC, v0;
	v13 =	vor.u32 $0xD, v0;
	[tilespmem:$0x1FFB0] =	vst v1;
	v1 =	vor.u32 $0x4, v0  }
0xc: {  	s7 =	sadd.s32 $0xF42800, s2;
	s5 =	sor.u32 s5, s9;
	v14 =	vor.u32 $0xE, v0;
	v15 =	vor.u32 $0xF, v0;
	s2 =	ssub.s32 s8, s29;
	[tilespmem:$0x1FFC0] =	vst v1;
	v1 =	vor.u32 $0x5, v0  }
0xd: {  	v16 =	vor.u32 $0x10, v0;
	v17 =	vor.u32 $0x11, v0;
	s8 =	sadd.s32 s0, s5;
	s9 =	sadd.s32 s1, s5;
	s10 =	sadd.s32 s3, s5;
	[tilespmem:$0x1FFD0] =	vst v1;
	v1 =	vor.u32 $0x6, v0  }
0xe: {  	v18 =	vor.u32 $0x12, v0;
	v19 =	vor.u32 $0x13, v0;
	s0 =	simm.s32 $0x2;
	s5 =	simm.s32 $0x6;
	s1 =	simm.s32 $0x3;
	[tilespmem:$0x1FFE0] =	vst v1;
	v1 =	vor.u32 $0x7, v0  }
0xf: {  	v20 =	vor.u32 $0x14, v0;
	v21 =	vor.u32 $0x15, v0;
	v22 =	vor.u32 $0x16, v0;
	s3 =	simm.s32 $0x4;
	s11 =	smax.u32 s2, $0x1;
	s2 =	simm.s32 $0x7;
	[tilespmem:$0x1FFF0] =	vst v1  }
.LBB2_1:
0x10: {  	[tilespmem:s4], [sflag:$0xB] =	stream.linear.gather [hbm4b:s8+s4], $0x200, $0x38;
	[tilespmem:$0x2A80] =	vst v63  }
0x11: {  	_ =	swait.ge [sflag:s12], $0x200  }
0x12: {  	[sflag:s12] =	ssyncset.done $0x0  }
0x13: {  	[sflag:s12] =	ssyncadd.s32 $0xFFFFFE00  }
0x14: {  	[tilespmem:s13], [sflag:$0xB] =	stream.linear.gather [hbm4b:s9+s4], $0x200, $0x38;
	[tilespmem:$0x2A80] =	vst v63  }
0x15: {  	_ =	swait.ge [sflag:s12], $0x200  }
0x16: {  	[sflag:s12] =	ssyncset.done $0x0  }
0x17: {  	[sflag:s12] =	ssyncadd.s32 $0xFFFFFE00  }
0x18: {  	s21 =	simm.s32 $0x2800;
	s19 =	rddreg [dreg:$0x5]  }
0x19: {  	[tilespmem:s21], [sflag:$0xB] =	stream.linear.gather [hbm4b:s19+s4], $0x80, $0x38;
	[tilespmem:$0x2A80] =	vst v63  }
0x1a: {  	_ =	swait.ge [sflag:s12], $0x80  }
0x1b: {  	[sflag:s12] =	ssyncset.done $0x0  }
0x1c: {  	[sflag:s12] =	ssyncadd.s32 $0xFFFFFF80  }
0x1d: {  	s22 =	simm.s32 $0x2400;
	s21 =	rddreg [dreg:$0x3]  }
0x1e: {  	[tilespmem:s22], [sflag:$0x9] =	stream.indirect.gather [hbm4b:s21+s13], $0x1, s4, s13, $0xb8;
	[tilespmem:$0x2A80] =	vst v63  }
0x1f: {  	s24 =	simm.s32 $0x2600;
	s23 =	rddreg [dreg:$0x4]  }
0x20: {  	[tilespmem:s24], [sflag:$0xA] =	stream.indirect.gather [hbm4b:s23+s13], $0x1, s13, s13, $0xb8;
	[tilespmem:$0x2A80] =	vst v63  }
0x21: {  	v23 =	vld [tilespmem:$0x0];
	_ =	sdelay $0x3  }
0x22: {  	v25 =	vld [tilespmem:$0x200]  }
0x23: {  	v24 =	vshrl.u32 v23, $0x3  }
0x24: {  	v23 =	vand.u32 $0x7, v23;
	v26 =	vshll.u32 v24, $0xA  }
0x25: {  	v27 =	vshll.u32 v23, $0x7;
	(v2sf) =	vpush v26, $0x0  }
0x26: {  	(v2sf) =	vpush v27, $0x0  }
0x27: {  	v23 =	vshrl.u32 v25, $0x3  }
0x28: {  	v24 =	vand.u32 $0x7, v25;
	v25 =	vshll.u32 v23, $0xA  }
0x29: {  	v24 =	vshll.u32 v24, $0x7;
	(v2sf) =	vpush v25, $0x0  }
0x2a: {  	(v2sf) =	vpush v24, $0x0;
	_ =	sdelay $0x2  }
0x2b: {  	(v2sf) =	vpush v26, $0x1;
	_ =	sdelay $0x1  }
0x2c: {  	(v2sf) =	vpush v27, $0x1;
	_ =	sdelay $0x4  }
0x2d: {  	s25 =	spop (v2sf)  }
0x2e: {  	s22 =	spop (v2sf);
	(v2sf) =	vpush v25, $0x1;
	_ =	sdelay $0x1  }
0x2f: {  	(v2sf) =	vpush v24, $0x1  }
0x30: {  	s26 =	spop (v2sf)  }
0x31: {  	s28 =	spop (v2sf);
	(v2sf) =	vpush v26, $0x2;
	_ =	sdelay $0x1  }
0x32: {  	(v2sf) =	vpush v27, $0x2  }
0x33: {  	s29 =	spop (v2sf);
	(v2sf) =	vpush v25, $0x2;
	_ =	sdelay $0x1  }
0x34: {  	s21 =	sor.u32 s22, s25;
	s19 =	spop (v2sf);
	(v2sf) =	vpush v24, $0x2  }
0x35: {  	v39 =	vld [tilespmem:$0x2800];
	s21 =	sshrl.u32 s21, $0x3  }
0x36: {  	v55 =	vld [tilespmem:$0x2810];
	s21 =	sadd.s32 s6, s21  }
0x37: {  	v1 =	vld [tilespmem:$0x2820];
	[tilespmem:s17], [sflag:$0x1] =	stream.linear.gather [hbm4b:s21+s4], $0x80, $0x38  }
0x38: {  	s21 =	sor.u32 s28, s26  }
0x39: {  	s21 =	sshrl.u32 s21, $0x3  }
0x3a: {  	s21 =	sadd.s32 s7, s21;
	s23 =	spop (v2sf);
	(v2sf) =	vpush v26, $0x3  }
0x3b: {  	[tilespmem:s18], [sflag:$0x5] =	stream.linear.gather [hbm4b:s21+s4], $0x80, $0x38;
	[tilespmem:$0x2A80] =	vst v63  }
0x3c: {  	s21 =	sor.u32 s19, s29;
	s24 =	spop (v2sf);
	(v2sf) =	vpush v27, $0x3  }
0x3d: {  	s21 =	sshrl.u32 s21, $0x3  }
0x3e: {  	s22 =	simm.s32 $0x480;
	s21 =	sadd.s32 s6, s21;
	s26 =	spop (v2sf);
	(v2sf) =	vpush v25, $0x3  }
0x3f: {  	[tilespmem:s22], [sflag:$0x2] =	stream.linear.gather [hbm4b:s21+s4], $0x80, $0x38;
	[tilespmem:$0x2A80] =	vst v63  }
0x40: {  	s28 =	spop (v2sf);
	(v2sf) =	vpush v24, $0x3  }
0x41: {  	s22 =	spop (v2sf);
	(v2sf) =	vpush v26, $0x4;
	_ =	sdelay $0x1  }
0x42: {  	s21 =	sor.u32 s24, s23;
	s23 =	spop (v2sf);
	(v2sf) =	vpush v27, $0x4;
	_ =	sdelay $0x2  }
0x43: {  	s21 =	sshrl.u32 s21, $0x3  }
0x44: {  	s25 =	simm.s32 $0x1480;
	s21 =	sadd.s32 s7, s21  }
0x45: {  	[tilespmem:s25], [sflag:$0x6] =	stream.linear.gather [hbm4b:s21+s4], $0x80, $0x38;
	[tilespmem:$0x2A80] =	vst v63  }
0x46: {  	s21 =	sor.u32 s28, s26;
	s25 =	spop (v2sf);
	(v2sf) =	vpush v25, $0x4  }
0x47: {  	s21 =	sshrl.u32 s21, $0x3  }
0x48: {  	s29 =	simm.s32 $0x500;
	s21 =	sadd.s32 s6, s21;
	s26 =	spop (v2sf);
	(v2sf) =	vpush v24, $0x4  }
0x49: {  	[tilespmem:s29], [sflag:$0x3] =	stream.linear.gather [hbm4b:s21+s4], $0x80, $0x38;
	[tilespmem:$0x2A80] =	vst v63  }
0x4a: {  	s29 =	spop (v2sf);
	(v2sf) =	vpush v26, $0x5  }
0x4b: {  	s21 =	sor.u32 s23, s22  }
0x4c: {  	s21 =	sshrl.u32 s21, $0x3;
	s19 =	spop (v2sf);
	(v2sf) =	vpush v27, $0x5  }
0x4d: {  	s24 =	simm.s32 $0x1500;
	s21 =	sadd.s32 s7, s21;
	s23 =	spop (v2sf);
	(v2sf) =	vpush v25, $0x5  }
0x4e: {  	[tilespmem:s24], [sflag:$0x7] =	stream.linear.gather [hbm4b:s21+s4], $0x80, $0x38;
	[tilespmem:$0x2A80] =	vst v63  }
0x4f: {  	s21 =	sor.u32 s26, s25;
	s24 =	spop (v2sf);
	(v2sf) =	vpush v24, $0x5  }
0x50: {  	s21 =	sshrl.u32 s21, $0x3  }
0x51: {  	s28 =	simm.s32 $0x580;
	s21 =	sadd.s32 s6, s21  }
0x52: {  	[tilespmem:s28], [sflag:$0x4] =	stream.linear.gather [hbm4b:s21+s4], $0x80, $0x38;
	[tilespmem:$0x2A80] =	vst v63  }
0x53: {  	s21 =	sor.u32 s19, s29  }
0x54: {  	s21 =	sshrl.u32 s21, $0x3  }
0x55: {  	s22 =	simm.s32 $0x1580;
	s21 =	sadd.s32 s7, s21;
	s26 =	spop (v2sf);
	(v2sf) =	vpush v26, $0x6  }
0x56: {  	[tilespmem:s22], [sflag:$0x8] =	stream.linear.gather [hbm4b:s21+s4], $0x80, $0x38;
	[tilespmem:$0x2A80] =	vst v63  }
0x57: {  	s21 =	sor.u32 s24, s23;
	s28 =	spop (v2sf);
	(v2sf) =	vpush v27, $0x6  }
0x58: {  	s21 =	sshrl.u32 s21, $0x3  }
0x59: {  	s25 =	simm.s32 $0x600;
	s21 =	sadd.s32 s6, s21;
	s22 =	spop (v2sf);
	(v2sf) =	vpush v25, $0x6  }
0x5a: {  	[tilespmem:s25], [sflag:$0x1] =	stream.linear.gather [hbm4b:s21+s4], $0x80, $0x38;
	[tilespmem:$0x2A80] =	vst v63  }
0x5b: {  	s23 =	spop (v2sf);
	(v2sf) =	vpush v24, $0x6  }
0x5c: {  	s25 =	spop (v2sf);
	(v2sf) =	vpush v26, $0x7;
	_ =	sdelay $0x1  }
0x5d: {  	s21 =	sor.u32 s28, s26;
	s26 =	spop (v2sf);
	(v2sf) =	vpush v27, $0x7;
	_ =	sdelay $0x2  }
0x5e: {  	s21 =	sshrl.u32 s21, $0x3  }
0x5f: {  	s29 =	simm.s32 $0x1600;
	s21 =	sadd.s32 s7, s21  }
0x60: {  	[tilespmem:s29], [sflag:$0x5] =	stream.linear.gather [hbm4b:s21+s4], $0x80, $0x38;
	[tilespmem:$0x2A80] =	vst v63  }
0x61: {  	s21 =	sor.u32 s23, s22;
	s29 =	spop (v2sf);
	(v2sf) =	vpush v25, $0x7  }
0x62: {  	s21 =	sshrl.u32 s21, $0x3  }
0x63: {  	s24 =	simm.s32 $0x680;
	s21 =	sadd.s32 s6, s21;
	s19 =	spop (v2sf);
	(v2sf) =	vpush v24, $0x7  }
0x64: {  	[tilespmem:s24], [sflag:$0x2] =	stream.linear.gather [hbm4b:s21+s4], $0x80, $0x38;
	[tilespmem:$0x2A80] =	vst v63  }
0x65: {  	s23 =	spop (v2sf);
	(v2sf) =	vpush v26, $0x8  }
0x66: {  	s21 =	sor.u32 s26, s25  }
0x67: {  	s21 =	sshrl.u32 s21, $0x3;
	s24 =	spop (v2sf);
	(v2sf) =	vpush v27, $0x8  }
0x68: {  	s28 =	simm.s32 $0x1680;
	s21 =	sadd.s32 s7, s21;
	s26 =	spop (v2sf);
	(v2sf) =	vpush v25, $0x8  }
0x69: {  	[tilespmem:s28], [sflag:$0x6] =	stream.linear.gather [hbm4b:s21+s4], $0x80, $0x38;
	[tilespmem:$0x2A80] =	vst v63  }
0x6a: {  	s21 =	sor.u32 s19, s29;
	s28 =	spop (v2sf);
	(v2sf) =	vpush v24, $0x8  }
0x6b: {  	s21 =	sshrl.u32 s21, $0x3  }
0x6c: {  	s22 =	simm.s32 $0x700;
	s21 =	sadd.s32 s6, s21  }
0x6d: {  	[tilespmem:s22], [sflag:$0x3] =	stream.linear.gather [hbm4b:s21+s4], $0x80, $0x38;
	[tilespmem:$0x2A80] =	vst v63  }
0x6e: {  	s21 =	sor.u32 s24, s23  }
0x6f: {  	s21 =	sshrl.u32 s21, $0x3  }
0x70: {  	s25 =	simm.s32 $0x1700;
	s21 =	sadd.s32 s7, s21;
	s22 =	spop (v2sf);
	(v2sf) =	vpush v26, $0x9  }
0x71: {  	[tilespmem:s25], [sflag:$0x7] =	stream.linear.gather [hbm4b:s21+s4], $0x80, $0x38;
	[tilespmem:$0x2A80] =	vst v63  }
0x72: {  	s21 =	sor.u32 s28, s26;
	s23 =	spop (v2sf);
	(v2sf) =	vpush v27, $0x9  }
0x73: {  	s21 =	sshrl.u32 s21, $0x3  }
0x74: {  	s29 =	simm.s32 $0x780;
	s21 =	sadd.s32 s6, s21;
	s25 =	spop (v2sf);
	(v2sf) =	vpush v25, $0x9  }
0x75: {  	[tilespmem:s29], [sflag:$0x4] =	stream.linear.gather [hbm4b:s21+s4], $0x80, $0x38;
	[tilespmem:$0x2A80] =	vst v63  }
0x76: {  	s26 =	spop (v2sf);
	(v2sf) =	vpush v24, $0x9  }
0x77: {  	s29 =	spop (v2sf);
	(v2sf) =	vpush v26, $0xA;
	_ =	sdelay $0x1  }
0x78: {  	s21 =	sor.u32 s23, s22;
	s19 =	spop (v2sf);
	(v2sf) =	vpush v27, $0xA  }
0x79: {  	s21 =	sshrl.u32 s21, $0x3  }
0x7a: {  	s24 =	simm.s32 $0x1780;
	s21 =	sadd.s32 s7, s21  }
0x7b: {  	[tilespmem:s24], [sflag:$0x8] =	stream.linear.gather [hbm4b:s21+s4], $0x80, $0x38;
	[tilespmem:$0x2A80] =	vst v63  }
0x7c: {  	s21 =	sor.u32 s26, s25  }
0x7d: {  	s21 =	sshrl.u32 s21, $0x3  }
0x7e: {  	s28 =	simm.s32 $0x800;
	s21 =	sadd.s32 s6, s21;
	s23 =	spop (v2sf);
	(v2sf) =	vpush v25, $0xA  }
0x7f: {  	[tilespmem:s28], [sflag:$0x1] =	stream.linear.gather [hbm4b:s21+s4], $0x80, $0x38;
	[tilespmem:$0x2A80] =	vst v63  }
0x80: {  	s21 =	sor.u32 s19, s29;
	s24 =	spop (v2sf);
	(v2sf) =	vpush v24, $0xA  }
0x81: {  	s21 =	sshrl.u32 s21, $0x3  }
0x82: {  	s22 =	simm.s32 $0x1800;
	s21 =	sadd.s32 s7, s21;
	s26 =	spop (v2sf);
	(v2sf) =	vpush v26, $0xB  }
0x83: {  	[tilespmem:s22], [sflag:$0x5] =	stream.linear.gather [hbm4b:s21+s4], $0x80, $0x38;
	[tilespmem:$0x2A80] =	vst v63  }
0x84: {  	s28 =	spop (v2sf);
	(v2sf) =	vpush v27, $0xB  }
0x85: {  	s22 =	spop (v2sf);
	(v2sf) =	vpush v25, $0xB;
	_ =	sdelay $0x1  }
0x86: {  	s21 =	sor.u32 s24, s23;
	s23 =	spop (v2sf);
	(v2sf) =	vpush v24, $0xB  }
0x87: {  	s21 =	sshrl.u32 s21, $0x3  }
0x88: {  	s25 =	simm.s32 $0x880;
	s21 =	sadd.s32 s6, s21  }
0x89: {  	[tilespmem:s25], [sflag:$0x2] =	stream.linear.gather [hbm4b:s21+s4], $0x80, $0x38;
	[tilespmem:$0x2A80] =	vst v63  }
0x8a: {  	s21 =	sor.u32 s28, s26  }
0x8b: {  	s21 =	sshrl.u32 s21, $0x3  }
0x8c: {  	s29 =	simm.s32 $0x1880;
	s21 =	sadd.s32 s7, s21;
	s25 =	spop (v2sf);
	(v2sf) =	vpush v26, $0xC  }
0x8d: {  	[tilespmem:s29], [sflag:$0x6] =	stream.linear.gather [hbm4b:s21+s4], $0x80, $0x38;
	[tilespmem:$0x2A80] =	vst v63  }
0x8e: {  	s21 =	sor.u32 s23, s22;
	s26 =	spop (v2sf);
	(v2sf) =	vpush v27, $0xC  }
0x8f: {  	s21 =	sshrl.u32 s21, $0x3  }
0x90: {  	s24 =	simm.s32 $0x900;
	s21 =	sadd.s32 s6, s21;
	s29 =	spop (v2sf);
	(v2sf) =	vpush v25, $0xC  }
0x91: {  	[tilespmem:s24], [sflag:$0x3] =	stream.linear.gather [hbm4b:s21+s4], $0x80, $0x38;
	[tilespmem:$0x2A80] =	vst v63  }
0x92: {  	s19 =	spop (v2sf);
	(v2sf) =	vpush v24, $0xC  }
0x93: {  	s21 =	sor.u32 s26, s25;
	s23 =	spop (v2sf);
	(v2sf) =	vpush v26, $0xD  }
0x94: {  	s21 =	sshrl.u32 s21, $0x3  }
0x95: {  	s28 =	simm.s32 $0x1900;
	s21 =	sadd.s32 s7, s21;
	s24 =	spop (v2sf);
	(v2sf) =	vpush v27, $0xD  }
0x96: {  	[tilespmem:s28], [sflag:$0x7] =	stream.linear.gather [hbm4b:s21+s4], $0x80, $0x38;
	[tilespmem:$0x2A80] =	vst v63  }
0x97: {  	s21 =	sor.u32 s19, s29  }
0x98: {  	s21 =	sshrl.u32 s21, $0x3  }
0x99: {  	s22 =	simm.s32 $0x980;
	(v2sf) =	vpush v25, $0xD;
	s21 =	sadd.s32 s6, s21  }
0x9a: {  	[tilespmem:s22], [sflag:$0x4] =	stream.linear.gather [hbm4b:s21+s4], $0x80, $0x38;
	[tilespmem:$0x2A80] =	vst v63  }
0x9b: {  	s21 =	sor.u32 s24, s23;
	s26 =	spop (v2sf);
	(v2sf) =	vpush v24, $0xD  }
0x9c: {  	s21 =	sshrl.u32 s21, $0x3  }
0x9d: {  	s25 =	simm.s32 $0x1980;
	s21 =	sadd.s32 s7, s21;
	s28 =	spop (v2sf);
	(v2sf) =	vpush v26, $0xE  }
0x9e: {  	[tilespmem:s25], [sflag:$0x8] =	stream.linear.gather [hbm4b:s21+s4], $0x80, $0x38;
	(v2sf) =	vpush v27, $0xE;
	[tilespmem:$0x2A80] =	vst v63  }
0x9f: {  	s22 =	spop (v2sf);
	(v2sf) =	vpush v25, $0xE  }
0xa0: {  	s21 =	sor.u32 s28, s26  }
0xa1: {  	s21 =	sshrl.u32 s21, $0x3;
	s23 =	spop (v2sf);
	(v2sf) =	vpush v24, $0xE  }
0xa2: {  	s29 =	simm.s32 $0xA00;
	s21 =	sadd.s32 s6, s21;
	s25 =	spop (v2sf);
	(v2sf) =	vpush v26, $0xF  }
0xa3: {  	[tilespmem:s29], [sflag:$0x1] =	stream.linear.gather [hbm4b:s21+s4], $0x80, $0x38;
	[tilespmem:$0x2A80] =	vst v63  }
0xa4: {  	s21 =	sor.u32 s23, s22;
	s26 =	spop (v2sf);
	(v2sf) =	vpush v27, $0xF  }
0xa5: {  	s21 =	sshrl.u32 s21, $0x3  }
0xa6: {  	s24 =	simm.s32 $0x1A00;
	s21 =	sadd.s32 s7, s21  }
0xa7: {  	[tilespmem:s24], [sflag:$0x5] =	stream.linear.gather [hbm4b:s21+s4], $0x80, $0x38;
	[tilespmem:$0x2A80] =	vst v63  }
0xa8: {  	s28 =	spop (v2sf);
	(v2sf) =	vpush v25, $0xF;
	s21 =	sor.u32 s26, s25  }
0xa9: {  	s21 =	sshrl.u32 s21, $0x3  }
0xaa: {  	s29 =	simm.s32 $0xA80;
	s21 =	sadd.s32 s6, s21;
	s23 =	spop (v2sf);
	(v2sf) =	vpush v24, $0xF  }
0xab: {  	[tilespmem:s29], [sflag:$0x2] =	stream.linear.gather [hbm4b:s21+s4], $0x80, $0x38;
	[tilespmem:$0x2A80] =	vst v63  }
0xac: {  	s21 =	sor.u32 s23, s28;
	s24 =	spop (v2sf)  }
0xad: {  	s25 =	simm.s32 $0x1A80;
	s21 =	sshrl.u32 s21, $0x3;
	s23 =	spop (v2sf)  }
0xae: {  	s21 =	sadd.s32 s7, s21;
	s26 =	sor.u32 s23, s24;
	s28 =	spop (v2sf)  }
0xaf: {  	v28 =	vbroadcast v39, $0x4;
	v29 =	vbroadcast v39, $0x5;
	[tilespmem:s25], [sflag:$0x6] =	stream.linear.gather [hbm4b:s21+s4], $0x80, $0x38;
	[tilespmem:$0x2A80] =	vst v63  }
0xb0: {  	v30 =	vbroadcast v39, $0x6;
	v31 =	vbroadcast v39, $0x7;
	s24 =	simm.s32 $0xB00;
	s21 =	sshrl.u32 s26, $0x3;
	s29 =	spop (v2sf)  }
0xb1: {  	v32 =	vbroadcast v39, $0x8;
	v33 =	vbroadcast v39, $0x9;
	s21 =	sadd.s32 s6, s21;
	s25 =	sor.u32 s29, s28;
	s26 =	spop (v2sf)  }
0xb2: {  	v34 =	vbroadcast v39, $0xA;
	v35 =	vbroadcast v39, $0xB;
	[tilespmem:s24], [sflag:$0x3] =	stream.linear.gather [hbm4b:s21+s4], $0x80, $0x38;
	[tilespmem:$0x2A80] =	vst v63  }
0xb3: {  	v36 =	vbroadcast v39, $0xC;
	v37 =	vbroadcast v39, $0xD;
	s21 =	sshrl.u32 s25, $0x3;
	s28 =	spop (v2sf)  }
0xb4: {  	v38 =	vbroadcast v39, $0xE;
	v40 =	vbroadcast v55, $0x0;
	s29 =	simm.s32 $0x1B00;
	s21 =	sadd.s32 s7, s21;
	s24 =	sor.u32 s28, s26  }
0xb5: {  	v41 =	vbroadcast v55, $0x1;
	v42 =	vbroadcast v55, $0x2;
	[tilespmem:s29], [sflag:$0x7] =	stream.linear.gather [hbm4b:s21+s4], $0x80, $0x38;
	[tilespmem:$0x2A80] =	vst v63  }
0xb6: {  	v43 =	vbroadcast v55, $0x3;
	v44 =	vbroadcast v55, $0x4;
	s21 =	sshrl.u32 s24, $0x3  }
0xb7: {  	v45 =	vbroadcast v55, $0x5;
	v46 =	vbroadcast v55, $0x6;
	s25 =	spop (v2sf);
	s26 =	simm.s32 $0xB80;
	s21 =	sadd.s32 s6, s21  }
0xb8: {  	v47 =	vbroadcast v55, $0x7;
	v48 =	vbroadcast v55, $0x8;
	[tilespmem:s26], [sflag:$0x4] =	stream.linear.gather [hbm4b:s21+s4], $0x80, $0x38;
	[tilespmem:$0x2A80] =	vst v63  }
0xb9: {  	v49 =	vbroadcast v55, $0x9;
	v50 =	vbroadcast v55, $0xA;
	s28 =	spop (v2sf)  }
.Ltmp0:
0xba: {  	v51 =	vbroadcast v55, $0xB;
	v52 =	vbroadcast v55, $0xC;
	s21 =	sor.u32 s28, s25;
	(pc) =	sbr.rel .LBB2_2-.Ltmp0, $4  }
0xbb: {  	v53 =	vbroadcast v55, $0xD;
	v54 =	vbroadcast v55, $0xE;
	s21 =	sshrl.u32 s21, $0x3  }
0xbc: {  	v55 =	vbroadcast v55, $0xF;
	v26 =	vbroadcast v39, $0x2;
	s22 =	simm.s32 $0x210;
	s29 =	simm.s32 $0x1B80;
	s21 =	sadd.s32 s7, s21  }
0xbd: {  	v27 =	vbroadcast v39, $0x3;
	v25 =	vbroadcast v39, $0x1;
	[tilespmem:s29], [sflag:$0x8] =	stream.linear.gather [hbm4b:s21+s4], $0x80, $0x38;
	[tilespmem:$0x2A80] =	vst v63  }
0xbe: {  	[tilespmem:$0x1FF80] =	vst v1;
	v24 =	vbroadcast v39, $0x0;
	v39 =	vbroadcast v39, $0xF;
	s23 =	simm.s32 $0x2880;
	s24 =	simm.s32 $0x0;
	s21 =	simm.s32 $0x10  }
.LBB2_4:
0xbf: {  	_ =	swait.ge [sflag:s30], $0x80  }
0xc0: {  	[sflag:s30] =	ssyncset.done $0x0  }
0xc1: {  	[sflag:s30] =	ssyncadd.s32 $0xFFFFFF80  }
0xc2: {  	_ =	swait.ge [sflag:s31], $0x80  }
0xc3: {  	[sflag:s31] =	ssyncset.done $0x0  }
0xc4: {  	[sflag:s31] =	ssyncadd.s32 $0xFFFFFF80  }
0xc5: {  	_ =	swait.ge [sflag:s0], $0x80  }
0xc6: {  	[sflag:s0] =	ssyncset.done $0x0  }
0xc7: {  	[sflag:s0] =	ssyncadd.s32 $0xFFFFFF80  }
0xc8: {  	_ =	swait.ge [sflag:s5], $0x80  }
0xc9: {  	[sflag:s5] =	ssyncset.done $0x0  }
0xca: {  	[sflag:s5] =	ssyncadd.s32 $0xFFFFFF80  }
0xcb: {  	_ =	swait.ge [sflag:s1], $0x80  }
0xcc: {  	[sflag:s1] =	ssyncset.done $0x0  }
0xcd: {  	[sflag:s1] =	ssyncadd.s32 $0xFFFFFF80  }
0xce: {  	_ =	swait.ge [sflag:s2], $0x80  }
0xcf: {  	[sflag:s2] =	ssyncset.done $0x0  }
0xd0: {  	[sflag:s2] =	ssyncadd.s32 $0xFFFFFF80  }
0xd1: {  	_ =	swait.ge [sflag:s3], $0x80  }
0xd2: {  	[sflag:s3] =	ssyncset.done $0x0  }
0xd3: {  	[sflag:s3] =	ssyncadd.s32 $0xFFFFFF80  }
0xd4: {  	_ =	swait.ge [sflag:s14], $0x80  }
0xd5: {  	[sflag:s14] =	ssyncset.done $0x0  }
0xd6: {  	[sflag:s14] =	ssyncadd.s32 $0xFFFFFF80  }
0xd7: {  	_ =	swait.ge [sflag:s30], $0x80  }
0xd8: {  	[sflag:s30] =	ssyncset.done $0x0  }
0xd9: {  	[sflag:s30] =	ssyncadd.s32 $0xFFFFFF80  }
0xda: {  	_ =	swait.ge [sflag:s31], $0x80  }
0xdb: {  	[sflag:s31] =	ssyncset.done $0x0  }
0xdc: {  	[sflag:s31] =	ssyncadd.s32 $0xFFFFFF80  }
0xdd: {  	_ =	swait.ge [sflag:s0], $0x80  }
0xde: {  	[sflag:s0] =	ssyncset.done $0x0  }
0xdf: {  	[sflag:s0] =	ssyncadd.s32 $0xFFFFFF80  }
0xe0: {  	_ =	swait.ge [sflag:s5], $0x80  }
0xe1: {  	[sflag:s5] =	ssyncset.done $0x0  }
0xe2: {  	[sflag:s5] =	ssyncadd.s32 $0xFFFFFF80  }
0xe3: {  	_ =	swait.ge [sflag:s1], $0x80  }
0xe4: {  	[sflag:s1] =	ssyncset.done $0x0  }
0xe5: {  	[sflag:s1] =	ssyncadd.s32 $0xFFFFFF80  }
0xe6: {  	_ =	swait.ge [sflag:s2], $0x80  }
0xe7: {  	[sflag:s2] =	ssyncset.done $0x0  }
0xe8: {  	[sflag:s2] =	ssyncadd.s32 $0xFFFFFF80  }
0xe9: {  	_ =	swait.ge [sflag:s3], $0x80  }
0xea: {  	[sflag:s3] =	ssyncset.done $0x0  }
0xeb: {  	[sflag:s3] =	ssyncadd.s32 $0xFFFFFF80  }
0xec: {  	_ =	swait.ge [sflag:s14], $0x80  }
0xed: {  	[sflag:s14] =	ssyncset.done $0x0  }
0xee: {  	[sflag:s14] =	ssyncadd.s32 $0xFFFFFF80  }
0xef: {  	_ =	swait.ge [sflag:s30], $0x80  }
0xf0: {  	[sflag:s30] =	ssyncset.done $0x0  }
0xf1: {  	[sflag:s30] =	ssyncadd.s32 $0xFFFFFF80  }
0xf2: {  	_ =	swait.ge [sflag:s31], $0x80  }
0xf3: {  	[sflag:s31] =	ssyncset.done $0x0  }
0xf4: {  	[sflag:s31] =	ssyncadd.s32 $0xFFFFFF80  }
0xf5: {  	_ =	swait.ge [sflag:s0], $0x80  }
0xf6: {  	[sflag:s0] =	ssyncset.done $0x0  }
0xf7: {  	[sflag:s0] =	ssyncadd.s32 $0xFFFFFF80  }
0xf8: {  	_ =	swait.ge [sflag:s5], $0x80  }
0xf9: {  	[sflag:s5] =	ssyncset.done $0x0  }
0xfa: {  	[sflag:s5] =	ssyncadd.s32 $0xFFFFFF80  }
0xfb: {  	_ =	swait.ge [sflag:s1], $0x80  }
0xfc: {  	[sflag:s1] =	ssyncset.done $0x0  }
0xfd: {  	[sflag:s1] =	ssyncadd.s32 $0xFFFFFF80  }
0xfe: {  	_ =	swait.ge [sflag:s2], $0x80  }
0xff: {  	[sflag:s2] =	ssyncset.done $0x0  }
0x100: {  	[sflag:s2] =	ssyncadd.s32 $0xFFFFFF80  }
0x101: {  	_ =	swait.ge [sflag:s3], $0x80  }
0x102: {  	[sflag:s3] =	ssyncset.done $0x0  }
0x103: {  	[sflag:s3] =	ssyncadd.s32 $0xFFFFFF80  }
0x104: {  	_ =	swait.ge [sflag:s14], $0x80  }
0x105: {  	[sflag:s14] =	ssyncset.done $0x0  }
0x106: {  	[sflag:s14] =	ssyncadd.s32 $0xFFFFFF80  }
0x107: {  	_ =	swait.ge [sflag:s30], $0x80  }
0x108: {  	[sflag:s30] =	ssyncset.done $0x0  }
0x109: {  	[sflag:s30] =	ssyncadd.s32 $0xFFFFFF80  }
0x10a: {  	_ =	swait.ge [sflag:s31], $0x80  }
0x10b: {  	[sflag:s31] =	ssyncset.done $0x0  }
0x10c: {  	[sflag:s31] =	ssyncadd.s32 $0xFFFFFF80  }
0x10d: {  	_ =	swait.ge [sflag:s0], $0x80  }
0x10e: {  	[sflag:s0] =	ssyncset.done $0x0  }
0x10f: {  	[sflag:s0] =	ssyncadd.s32 $0xFFFFFF80  }
0x110: {  	_ =	swait.ge [sflag:s5], $0x80  }
0x111: {  	[sflag:s5] =	ssyncset.done $0x0  }
0x112: {  	[sflag:s5] =	ssyncadd.s32 $0xFFFFFF80  }
0x113: {  	_ =	swait.ge [sflag:s1], $0x80  }
0x114: {  	[sflag:s1] =	ssyncset.done $0x0  }
0x115: {  	[sflag:s1] =	ssyncadd.s32 $0xFFFFFF80  }
0x116: {  	_ =	swait.ge [sflag:s2], $0x80  }
0x117: {  	[sflag:s2] =	ssyncset.done $0x0  }
0x118: {  	[sflag:s2] =	ssyncadd.s32 $0xFFFFFF80  }
0x119: {  	_ =	swait.ge [sflag:s3], $0x80  }
0x11a: {  	[sflag:s3] =	ssyncset.done $0x0  }
0x11b: {  	[sflag:s3] =	ssyncadd.s32 $0xFFFFFF80  }
0x11c: {  	_ =	swait.ge [sflag:s14], $0x80  }
0x11d: {  	v1 =	vld [tilespmem:$0x1FF90];
	_ =	sdelay $0x3  }
0x11e: {  	s25 =	sshll.u32 s25, $0xB  }
0x11f: {  	v57 =	vor.u32 s25, v1;
	v1 =	vld [tilespmem:$0x1FFA0];
	_ =	sdelay $0x4  }
0x120: {  	v58 =	vor.u32 s25, v1;
	v1 =	vld [tilespmem:$0x1FFB0];
	_ =	sdelay $0x2  }
0x121: {  	v56 =	vor.u32 s25, v0;
	_ =	sdelay $0x1  }
0x122: {  	v60 =	vor.u32 s25, v1;
	v1 =	vld [tilespmem:$0x1FFC0]  }
0x123: {  	[sflag:s14] =	ssyncset.done $0x0  }
0x124: {  	v4 =	vld [tilespmem:$0x1FFF0];
	[sflag:s14] =	ssyncadd.s32 $0xFFFFFF80  }
0x125: {  	v59 =	vld.idx.msk [tilespmem:v56+s17+$0x0], $0xffff  }
0x126: {  	v56 =	vld.idx.msk [tilespmem:v56+s18+$0x0], $0xffff  }
0x127: {  	v62 =	vor.u32 s25, v1;
	v1 =	vld [tilespmem:$0x1FFD0]  }
0x128: {  	v61 =	vld.idx.msk [tilespmem:v57+s17+$0x0], $0xffff  }
0x129: {  	v57 =	vld.idx.msk [tilespmem:v57+s18+$0x0], $0xffff  }
0x12a: {  	v63 =	vld.idx.msk [tilespmem:v58+s17+$0x0], $0xffff  }
0x12b: {  	v58 =	vld.idx.msk [tilespmem:v58+s18+$0x0], $0xffff  }
0x12c: {  	v23 =	vor.u32 s25, v1;
	v1 =	vld [tilespmem:$0x1FFE0]  }
0x12d: {  	v56 =	vmul.f32 v56, v59;
	v59 =	vld.idx.msk [tilespmem:v60+s17+$0x0], $0xffff  }
0x12e: {  	v60 =	vld.idx.msk [tilespmem:v60+s18+$0x0], $0xffff  }
0x12f: {  	v3 =	vld.idx.msk [tilespmem:v62+s17+$0x0], $0xffff  }
0x130: {  	v57 =	vmul.f32 v57, v61;
	v61 =	vld.idx.msk [tilespmem:v62+s18+$0x0], $0xffff;
	v62 =	vor.u32 s25, v4  }
0x131: {  	v2 =	vmul.f32 $3.000000120e-01, v56;
	v1 =	vor.u32 s25, v1;
	_ =	sdelay $0x1  }
0x132: {  	v2 =	vmax.f32 v56, v2;
	v56 =	vld.idx.msk [tilespmem:v23+s17+$0x0], $0xffff  }
0x133: {  	v58 =	vmul.f32 v58, v63;
	v63 =	vor.u32 s25, v8;
	v4 =	vmul.f32 $3.000000120e-01, v57;
	v23 =	vld.idx.msk [tilespmem:v23+s18+$0x0], $0xffff  }
0x134: {  	v2 =	vmul.f32 v2, v24;
	v59 =	vmul.f32 v60, v59;
	v7 =	vld.idx.msk [tilespmem:v62+s17+$0x0], $0xffff  }
0x135: {  	v5 =	vor.u32 s25, v9;
	v4 =	vmax.f32 v57, v4;
	v57 =	vmul.f32 $3.000000120e-01, v58;
	v60 =	vld.idx.msk [tilespmem:v1+s17+$0x0], $0xffff  }
0x136: {  	v2 =	vadd.f32 $0.0e+00, v2;
	v6 =	vmul.f32 $3.000000120e-01, v59;
	v4 =	vmul.f32 v4, v25;
	v1 =	vld.idx.msk [tilespmem:v1+s18+$0x0], $0xffff  }
0x137: {  	v57 =	vmax.f32 v58, v57;
	v3 =	vmul.f32 v61, v3;
	v58 =	vld.idx.msk [tilespmem:v62+s18+$0x0], $0xffff;
	v61 =	vor.u32 s25, v10  }
0x138: {  	v6 =	vmax.f32 v59, v6;
	v2 =	vadd.f32 v4, v2;
	v4 =	vmul.f32 v57, v26;
	v57 =	vld.idx.msk [tilespmem:v63+s17+$0x0], $0xffff  }
0x139: {  	v62 =	vor.u32 s25, v11;
	v59 =	vmul.f32 $3.000000120e-01, v3;
	v23 =	vmul.f32 v23, v56;
	v56 =	vld.idx.msk [tilespmem:v63+s18+$0x0], $0xffff  }
0x13a: {  	v2 =	vadd.f32 v4, v2;
	v63 =	vmul.f32 v6, v27;
	v6 =	vld.idx.msk [tilespmem:v5+s17+$0x0], $0xffff  }
0x13b: {  	v3 =	vmax.f32 v3, v59;
	v5 =	vld.idx.msk [tilespmem:v5+s18+$0x0], $0xffff;
	v59 =	vmul.f32 $3.000000120e-01, v23;
	v1 =	vmul.f32 v1, v60  }
0x13c: {  	v3 =	vmul.f32 v3, v28;
	v4 =	vld.idx.msk [tilespmem:v61+s17+$0x0], $0xffff;
	v2 =	vadd.f32 v63, v2;
	v60 =	vor.u32 s25, v12  }
0x13d: {  	v7 =	vmul.f32 v58, v7;
	v58 =	vld.idx.msk [tilespmem:v61+s18+$0x0], $0xffff;
	v23 =	vmax.f32 v23, v59;
	v59 =	vmul.f32 $3.000000120e-01, v1  }
0x13e: {  	v61 =	vor.u32 s25, v13;
	v2 =	vadd.f32 v3, v2;
	v3 =	vmul.f32 v23, v29;
	v23 =	vld.idx.msk [tilespmem:v62+s17+$0x0], $0xffff  }
0x13f: {  	v63 =	vmul.f32 $3.000000120e-01, v7;
	v56 =	vmul.f32 v56, v57;
	v57 =	vld.idx.msk [tilespmem:v62+s18+$0x0], $0xffff;
	v1 =	vmax.f32 v1, v59  }
0x140: {  	v2 =	vadd.f32 v3, v2;
	v3 =	vor.u32 s25, v14;
	v1 =	vmul.f32 v1, v30  }
0x141: {  	v7 =	vmax.f32 v7, v63;
	v5 =	vmul.f32 v5, v6;
	v59 =	vmul.f32 $3.000000120e-01, v56;
	v6 =	vld.idx.msk [tilespmem:v60+s17+$0x0], $0xffff  }
0x142: {  	v1 =	vadd.f32 v1, v2;
	v2 =	vmul.f32 v7, v31;
	v7 =	vld.idx.msk [tilespmem:v60+s18+$0x0], $0xffff;
	v60 =	vor.u32 s25, v15  }
0x143: {  	v4 =	vmul.f32 v58, v4;
	v58 =	vld.idx.msk [tilespmem:v61+s17+$0x0], $0xffff;
	v63 =	vmul.f32 $3.000000120e-01, v5;
	v56 =	vmax.f32 v56, v59  }
0x144: {  	v23 =	vmul.f32 v57, v23;
	v1 =	vadd.f32 v2, v1;
	v2 =	vmul.f32 v56, v32;
	v56 =	vld.idx.msk [tilespmem:v61+s18+$0x0], $0xffff  }
0x145: {  	v5 =	vmax.f32 v5, v63;
	v57 =	vmul.f32 $3.000000120e-01, v4;
	v59 =	vld.idx.msk [tilespmem:v3+s17+$0x0], $0xffff;
	v61 =	vor.u32 s25, v16  }
0x146: {  	v62 =	vmul.f32 $3.000000120e-01, v23;
	v3 =	vld.idx.msk [tilespmem:v3+s18+$0x0], $0xffff;
	v1 =	vadd.f32 v2, v1;
	v2 =	vmul.f32 v5, v33  }
0x147: {  	v4 =	vmax.f32 v4, v57;
	v57 =	vor.u32 s25, v17;
	v6 =	vmul.f32 v7, v6;
	v7 =	vld.idx.msk [tilespmem:v60+s17+$0x0], $0xffff  }
0x148: {  	v63 =	vmax.f32 v23, v62;
	v5 =	vld.idx.msk [tilespmem:v60+s18+$0x0], $0xffff;
	v1 =	vadd.f32 v2, v1;
	v2 =	vmul.f32 v4, v34  }
0x149: {  	v23 =	vmul.f32 $3.000000120e-01, v6;
	v56 =	vmul.f32 v56, v58;
	v58 =	vor.u32 s25, v18  }
0x14a: {  	v4 =	vld.idx.msk [tilespmem:v61+s17+$0x0], $0xffff;
	v1 =	vadd.f32 v2, v1;
	v2 =	vmul.f32 v63, v35  }
0x14b: {  	v3 =	vmul.f32 v3, v59;
	v59 =	vld.idx.msk [tilespmem:v61+s18+$0x0], $0xffff;
	v6 =	vmax.f32 v6, v23;
	v23 =	vmul.f32 $3.000000120e-01, v56  }
0x14c: {  	v60 =	vor.u32 s25, v19;
	v1 =	vadd.f32 v2, v1;
	v2 =	vmul.f32 v6, v36;
	v6 =	vld.idx.msk [tilespmem:v57+s17+$0x0], $0xffff  }
0x14d: {  	v61 =	vmul.f32 $3.000000120e-01, v3;
	v5 =	vmul.f32 v5, v7;
	v7 =	vld.idx.msk [tilespmem:v57+s18+$0x0], $0xffff;
	v23 =	vmax.f32 v56, v23  }
0x14e: {  	v62 =	vor.u32 s25, v20;
	v1 =	vadd.f32 v2, v1;
	v2 =	vmul.f32 v23, v37;
	v23 =	vld.idx.msk [tilespmem:v58+s17+$0x0], $0xffff  }
0x14f: {  	v3 =	vmax.f32 v3, v61;
	v63 =	vmul.f32 $3.000000120e-01, v5;
	v58 =	vld.idx.msk [tilespmem:v58+s18+$0x0], $0xffff  }
0x150: {  	v1 =	vadd.f32 v2, v1;
	v2 =	vmul.f32 v3, v38  }
0x151: {  	v56 =	vor.u32 s25, v21;
	v4 =	vmul.f32 v59, v4;
	v3 =	vmax.f32 v5, v63;
	v5 =	vld.idx.msk [tilespmem:v60+s17+$0x0], $0xffff  }
0x152: {  	v6 =	vmul.f32 v7, v6;
	v1 =	vadd.f32 v2, v1;
	v2 =	vmul.f32 v3, v39;
	v3 =	vld.idx.msk [tilespmem:v60+s18+$0x0], $0xffff  }
0x153: {  	v59 =	vmul.f32 $3.000000120e-01, v4;
	v7 =	vld.idx.msk [tilespmem:v62+s17+$0x0], $0xffff  }
0x154: {  	v57 =	vmul.f32 $3.000000120e-01, v6;
	v1 =	vadd.f32 v2, v1;
	v2 =	vmul.f32 v58, v23;
	v23 =	vld.idx.msk [tilespmem:v62+s18+$0x0], $0xffff  }
0x155: {  	v4 =	vmax.f32 v4, v59;
	v60 =	vor.u32 $0x17, v0;
	v58 =	vor.u32 s25, v22  }
0x156: {  	v4 =	vmul.f32 v4, v40;
	v6 =	vmax.f32 v6, v57;
	v59 =	vmul.f32 $3.000000120e-01, v2  }
0x157: {  	v57 =	vor.u32 s25, v60;
	v61 =	vmul.f32 v6, v41;
	v6 =	vld.idx.msk [tilespmem:v56+s18+$0x0], $0xffff;
	v3 =	vmul.f32 v3, v5  }
0x158: {  	v1 =	vadd.f32 v4, v1;
	v5 =	vld.idx.msk [tilespmem:v56+s17+$0x0], $0xffff;
	v2 =	vmax.f32 v2, v59  }
0x159: {  	v62 =	vmul.f32 $3.000000120e-01, v3;
	v7 =	vmul.f32 v23, v7;
	v23 =	vor.u32 $0x18, v0  }
0x15a: {  	v1 =	vadd.f32 v61, v1;
	v2 =	vmul.f32 v2, v42;
	v4 =	vld.idx.msk [tilespmem:v58+s17+$0x0], $0xffff;
	v23 =	vor.u32 s25, v23  }
0x15b: {  	v60 =	vor.u32 $0x19, v0;
	v58 =	vld.idx.msk [tilespmem:v58+s18+$0x0], $0xffff;
	v3 =	vmax.f32 v3, v62;
	v63 =	vmul.f32 $3.000000120e-01, v7  }
0x15c: {  	v59 =	vor.u32 s25, v60;
	v1 =	vadd.f32 v2, v1;
	v2 =	vmul.f32 v3, v43;
	v3 =	vld.idx.msk [tilespmem:v57+s17+$0x0], $0xffff  }
0x15d: {  	v61 =	vor.u32 $0x1A, v0;
	v5 =	vmul.f32 v6, v5;
	v6 =	vld.idx.msk [tilespmem:v57+s18+$0x0], $0xffff;
	v7 =	vmax.f32 v7, v63  }
0x15e: {  	v1 =	vadd.f32 v2, v1;
	v2 =	vmul.f32 v7, v44;
	v7 =	vor.u32 s25, v61  }
0x15f: {  	v60 =	vor.u32 $0x1B, v0;
	v56 =	vmul.f32 $3.000000120e-01, v5;
	v57 =	vld.idx.msk [tilespmem:v23+s17+$0x0], $0xffff  }
0x160: {  	v1 =	vadd.f32 v2, v1;
	v2 =	vld.idx.msk [tilespmem:v23+s18+$0x0], $0xffff;
	v23 =	vor.u32 s25, v60  }
0x161: {  	v62 =	vor.u32 $0x1C, v0;
	v4 =	vmul.f32 v58, v4;
	v5 =	vmax.f32 v5, v56;
	v56 =	vld.idx.msk [tilespmem:v59+s17+$0x0], $0xffff  }
0x162: {  	v58 =	vor.u32 s25, v62;
	v5 =	vmul.f32 v5, v45;
	v3 =	vmul.f32 v6, v3;
	v6 =	vld.idx.msk [tilespmem:v59+s18+$0x0], $0xffff  }
0x163: {  	v61 =	vor.u32 $0x1D, v0;
	v59 =	vmul.f32 $3.000000120e-01, v4;
	v60 =	vld.idx.msk [tilespmem:v7+s17+$0x0], $0xffff  }
0x164: {  	v61 =	vor.u32 s25, v61;
	v1 =	vadd.f32 v5, v1;
	v5 =	vmul.f32 $3.000000120e-01, v3;
	v7 =	vld.idx.msk [tilespmem:v7+s18+$0x0], $0xffff  }
0x165: {  	v63 =	vor.u32 $0x1E, v0;
	v4 =	vmax.f32 v4, v59;
	v2 =	vmul.f32 v2, v57;
	v57 =	vld.idx.msk [tilespmem:v23+s17+$0x0], $0xffff  }
0x166: {  	v4 =	vmul.f32 v4, v46;
	v3 =	vmax.f32 v3, v5;
	v5 =	vld.idx.msk [tilespmem:v23+s18+$0x0], $0xffff;
	v23 =	vor.u32 s25, v63  }
0x167: {  	v62 =	vor.u32 $0x1F, v0;
	v6 =	vmul.f32 v6, v56;
	v56 =	vld.idx.msk [tilespmem:v58+s17+$0x0], $0xffff;
	v59 =	vmul.f32 $3.000000120e-01, v2  }
0x168: {  	v1 =	vadd.f32 v4, v1;
	v3 =	vmul.f32 v3, v47;
	v4 =	vld.idx.msk [tilespmem:v58+s18+$0x0], $0xffff;
	v58 =	vor.u32 s25, v62  }
0x169: {  	v7 =	vmul.f32 v7, v60;
	v60 =	vld.idx.msk [tilespmem:v61+s17+$0x0], $0xffff;
	v2 =	vmax.f32 v2, v59;
	v59 =	vmul.f32 $3.000000120e-01, v6  }
0x16a: {  	v1 =	vadd.f32 v3, v1;
	v3 =	vld.idx.msk [tilespmem:v61+s18+$0x0], $0xffff;
	v2 =	vmul.f32 v2, v48  }
0x16b: {  	v61 =	vmul.f32 $3.000000120e-01, v7;
	v5 =	vmul.f32 v5, v57;
	v62 =	vld.idx.msk [tilespmem:v23+s17+$0x0], $0xffff;
	v6 =	vmax.f32 v6, v59  }
0x16c: {  	v1 =	vadd.f32 v2, v1;
	v2 =	vmul.f32 v6, v49;
	v6 =	vld.idx.msk [tilespmem:v23+s18+$0x0], $0xffff  }
0x16d: {  	v4 =	vmul.f32 v4, v56;
	v63 =	vld.idx.msk [tilespmem:v58+s17+$0x0], $0xffff;
	v7 =	vmax.f32 v7, v61;
	v23 =	vmul.f32 $3.000000120e-01, v5  }
0x16e: {  	v1 =	vadd.f32 v2, v1;
	v2 =	vmul.f32 v7, v50;
	v7 =	vld.idx.msk [tilespmem:v58+s18+$0x0], $0xffff  }
0x16f: {  	v3 =	vmul.f32 v3, v60;
	v5 =	vmax.f32 v5, v23;
	v23 =	vmul.f32 $3.000000120e-01, v4  }
0x170: {  	v1 =	vadd.f32 v2, v1;
	v2 =	vmul.f32 v5, v51  }
0x171: {  	v4 =	vmax.f32 v4, v23;
	v61 =	vmul.f32 v6, v62;
	v6 =	vmul.f32 $3.000000120e-01, v3  }
0x172: {  	v1 =	vadd.f32 v2, v1;
	v2 =	vmul.f32 v4, v52  }
0x173: {  	v3 =	vmax.f32 v3, v6;
	v62 =	vmul.f32 v7, v63;
	v6 =	vmul.f32 $3.000000120e-01, v61  }
0x174: {  	v1 =	vadd.f32 v2, v1;
	v2 =	vmul.f32 v3, v53  }
0x175: {  	v3 =	vmax.f32 v61, v6;
	v63 =	vmul.f32 $3.000000120e-01, v62  }
0x176: {  	s24 =	sadd.s32 $0x1, s24;
	v1 =	vadd.f32 v2, v1;
	v2 =	vmul.f32 v3, v54  }
0x177: {  	p0 =	sne.s32 s24, $0x20;
	v3 =	vmax.f32 v62, v63  }
.Ltmp1:
0x178: {  	v1 =	vadd.f32 v2, v1;
	v2 =	vmul.f32 v3, v55;
	(pc) =	sbr.rel @!p0 .LBB2_5-.Ltmp1, $3  }
0x179: {  	_ = 	snop  }
0x17a: {  	v1 =	vadd.f32 v2, v1;
	_ =	sdelay $0x1  }
0x17b: {  	s21 =	sadd.s32 $0x10, s21;
	s22 =	sadd.s32 $0x10, s22;
	[tilespmem:s23+$0x0] =	vst v1;
	s23 =	sadd.s32 $0x10, s23  }
.LBB2_2:
0x17c: {  	p0 =	seq.s32 s24, $0x1F  }
.Ltmp2:
0x17d: {  	_ = 	snop;
	(pc) =	sbr.rel @p0 .LBB2_4-.Ltmp2, $2  }
0x17e: {  	_ =	sdelay $0x2  }
0x17f: {  	s25 =	sand.u32 $0x1, s24  }
0x180: {  	v56 =	vld [tilespmem:s21+$0x0];
	_ =	sdelay $0x4  }
0x181: {  	v57 =	vshrl.u32 v56, $0x3  }
0x182: {  	v60 =	vld [tilespmem:s22+$0x0];
	v56 =	vand.u32 $0x7, v56;
	v59 =	vshll.u32 v57, $0xA  }
0x183: {  	v58 =	vshll.u32 v56, $0x7;
	(v2sf) =	vpush v59, $0x0  }
0x184: {  	(v2sf) =	vpush v58, $0x0;
	_ =	sdelay $0x2  }
0x185: {  	v5 =	vshrl.u32 v60, $0x3  }
0x186: {  	v60 =	vand.u32 $0x7, v60;
	v62 =	vshll.u32 v5, $0xA  }
0x187: {  	v63 =	vshll.u32 v60, $0x7;
	(v2sf) =	vpush v62, $0x0  }
0x188: {  	(v2sf) =	vpush v63, $0x0;
	_ =	sdelay $0x2  }
0x189: {  	(v2sf) =	vpush v59, $0x1;
	_ =	sdelay $0x1  }
0x18a: {  	(v2sf) =	vpush v58, $0x1;
	_ =	sdelay $0x2  }
0x18b: {  	s28 =	spop (v2sf)  }
0x18c: {  	s29 =	spop (v2sf)  }
0x18d: {  	s26 =	sshll.u32 s25, $0xB;
	(v2sf) =	vpush v62, $0x1;
	s28 =	sor.u32 s29, s28  }
0x18e: {  	(v2sf) =	vpush v63, $0x1;
	s29 =	sxor.u32 $0x800, s26;
	s28 =	sshrl.u32 s28, $0x3  }
0x18f: {  	s19 =	sor.u32 $0x400, s29;
	s28 =	sadd.s32 s6, s28  }
0x190: {  	[tilespmem:s19], [sflag:$0x1] =	stream.linear.gather [hbm4b:s28+s4], $0x80, $0x38;
	[tilespmem:$0x2A80] =	vst v63  }
0x191: {  	(v2sf) =	vpush v59, $0x2;
	s19 =	spop (v2sf)  }
0x192: {  	s28 =	spop (v2sf)  }
0x193: {  	(v2sf) =	vpush v58, $0x2;
	s19 =	sor.u32 s28, s19  }
0x194: {  	s19 =	sshrl.u32 s19, $0x3  }
0x195: {  	s28 =	sor.u32 $0x1400, s29;
	s29 =	spop (v2sf);
	s19 =	sadd.s32 s7, s19  }
0x196: {  	(v2sf) =	vpush v62, $0x2;
	[tilespmem:s28], [sflag:$0x5] =	stream.linear.gather [hbm4b:s19+s4], $0x80, $0x38;
	[tilespmem:$0x2A80] =	vst v63  }
0x197: {  	s28 =	spop (v2sf)  }
0x198: {  	(v2sf) =	vpush v63, $0x2;
	s19 =	sor.u32 s28, s29  }
0x199: {  	s19 =	sshrl.u32 s19, $0x3  }
0x19a: {  	s28 =	sxor.u32 $0xC80, s26;
	s19 =	sadd.s32 s6, s19  }
0x19b: {  	[tilespmem:s28], [sflag:$0x2] =	stream.linear.gather [hbm4b:s19+s4], $0x80, $0x38;
	[tilespmem:$0x2A80] =	vst v63  }
0x19c: {  	s29 =	spop (v2sf)  }
0x19d: {  	(v2sf) =	vpush v59, $0x3;
	s28 =	spop (v2sf)  }
0x19e: {  	(v2sf) =	vpush v58, $0x3;
	s19 =	sor.u32 s28, s29  }
0x19f: {  	s19 =	sshrl.u32 s19, $0x3  }
0x1a0: {  	s28 =	sxor.u32 $0x1C80, s26;
	s29 =	spop (v2sf);
	s19 =	sadd.s32 s7, s19  }
0x1a1: {  	(v2sf) =	vpush v62, $0x3;
	[tilespmem:s28], [sflag:$0x6] =	stream.linear.gather [hbm4b:s19+s4], $0x80, $0x38;
	[tilespmem:$0x2A80] =	vst v63  }
0x1a2: {  	s28 =	spop (v2sf)  }
0x1a3: {  	(v2sf) =	vpush v63, $0x3;
	s19 =	sor.u32 s28, s29  }
0x1a4: {  	s19 =	sshrl.u32 s19, $0x3  }
0x1a5: {  	s28 =	sxor.u32 $0xD00, s26;
	s29 =	spop (v2sf);
	s19 =	sadd.s32 s6, s19  }
0x1a6: {  	(v2sf) =	vpush v59, $0x4;
	[tilespmem:s28], [sflag:$0x3] =	stream.linear.gather [hbm4b:s19+s4], $0x80, $0x38;
	[tilespmem:$0x2A80] =	vst v63  }
0x1a7: {  	s28 =	spop (v2sf)  }
0x1a8: {  	(v2sf) =	vpush v58, $0x4;
	s19 =	sor.u32 s28, s29  }
0x1a9: {  	s19 =	sshrl.u32 s19, $0x3  }
0x1aa: {  	s28 =	sxor.u32 $0x1D00, s26;
	s19 =	sadd.s32 s7, s19  }
0x1ab: {  	[tilespmem:s28], [sflag:$0x7] =	stream.linear.gather [hbm4b:s19+s4], $0x80, $0x38;
	[tilespmem:$0x2A80] =	vst v63  }
0x1ac: {  	s29 =	spop (v2sf)  }
0x1ad: {  	(v2sf) =	vpush v62, $0x4;
	s28 =	spop (v2sf)  }
0x1ae: {  	(v2sf) =	vpush v63, $0x4;
	s19 =	sor.u32 s28, s29  }
0x1af: {  	s19 =	sshrl.u32 s19, $0x3  }
0x1b0: {  	s28 =	sxor.u32 $0xD80, s26;
	s29 =	spop (v2sf);
	s19 =	sadd.s32 s6, s19  }
0x1b1: {  	(v2sf) =	vpush v59, $0x5;
	[tilespmem:s28], [sflag:$0x4] =	stream.linear.gather [hbm4b:s19+s4], $0x80, $0x38;
	[tilespmem:$0x2A80] =	vst v63  }
0x1b2: {  	s28 =	spop (v2sf)  }
0x1b3: {  	(v2sf) =	vpush v58, $0x5;
	s19 =	sor.u32 s28, s29  }
0x1b4: {  	s19 =	sshrl.u32 s19, $0x3  }
0x1b5: {  	s28 =	sxor.u32 $0x1D80, s26;
	s29 =	spop (v2sf);
	s19 =	sadd.s32 s7, s19  }
0x1b6: {  	(v2sf) =	vpush v62, $0x5;
	[tilespmem:s28], [sflag:$0x8] =	stream.linear.gather [hbm4b:s19+s4], $0x80, $0x38;
	[tilespmem:$0x2A80] =	vst v63  }
0x1b7: {  	s28 =	spop (v2sf)  }
0x1b8: {  	(v2sf) =	vpush v63, $0x5;
	s19 =	sor.u32 s28, s29  }
0x1b9: {  	s19 =	sshrl.u32 s19, $0x3  }
0x1ba: {  	s28 =	sxor.u32 $0xE00, s26;
	s19 =	sadd.s32 s6, s19  }
0x1bb: {  	[tilespmem:s28], [sflag:$0x1] =	stream.linear.gather [hbm4b:s19+s4], $0x80, $0x38;
	[tilespmem:$0x2A80] =	vst v63  }
0x1bc: {  	s29 =	spop (v2sf)  }
0x1bd: {  	(v2sf) =	vpush v59, $0x6;
	s28 =	spop (v2sf)  }
0x1be: {  	(v2sf) =	vpush v58, $0x6;
	s19 =	sor.u32 s28, s29  }
0x1bf: {  	s19 =	sshrl.u32 s19, $0x3  }
0x1c0: {  	s28 =	sxor.u32 $0x1E00, s26;
	s29 =	spop (v2sf);
	s19 =	sadd.s32 s7, s19  }
0x1c1: {  	(v2sf) =	vpush v62, $0x6;
	[tilespmem:s28], [sflag:$0x5] =	stream.linear.gather [hbm4b:s19+s4], $0x80, $0x38;
	[tilespmem:$0x2A80] =	vst v63  }
0x1c2: {  	s28 =	spop (v2sf)  }
0x1c3: {  	(v2sf) =	vpush v63, $0x6;
	s19 =	sor.u32 s28, s29  }
0x1c4: {  	s19 =	sshrl.u32 s19, $0x3  }
0x1c5: {  	s28 =	sxor.u32 $0xE80, s26;
	s29 =	spop (v2sf);
	s19 =	sadd.s32 s6, s19  }
0x1c6: {  	(v2sf) =	vpush v59, $0x7;
	[tilespmem:s28], [sflag:$0x2] =	stream.linear.gather [hbm4b:s19+s4], $0x80, $0x38;
	[tilespmem:$0x2A80] =	vst v63  }
0x1c7: {  	s28 =	spop (v2sf)  }
0x1c8: {  	(v2sf) =	vpush v58, $0x7;
	s19 =	sor.u32 s28, s29  }
0x1c9: {  	s19 =	sshrl.u32 s19, $0x3  }
0x1ca: {  	s28 =	sxor.u32 $0x1E80, s26;
	s19 =	sadd.s32 s7, s19  }
0x1cb: {  	[tilespmem:s28], [sflag:$0x6] =	stream.linear.gather [hbm4b:s19+s4], $0x80, $0x38;
	[tilespmem:$0x2A80] =	vst v63  }
0x1cc: {  	s29 =	spop (v2sf)  }
0x1cd: {  	(v2sf) =	vpush v62, $0x7;
	s28 =	spop (v2sf)  }
0x1ce: {  	(v2sf) =	vpush v63, $0x7;
	s19 =	sor.u32 s28, s29  }
0x1cf: {  	s19 =	sshrl.u32 s19, $0x3  }
0x1d0: {  	s28 =	sxor.u32 $0xF00, s26;
	s29 =	spop (v2sf);
	s19 =	sadd.s32 s6, s19  }
0x1d1: {  	(v2sf) =	vpush v59, $0x8;
	[tilespmem:s28], [sflag:$0x3] =	stream.linear.gather [hbm4b:s19+s4], $0x80, $0x38;
	[tilespmem:$0x2A80] =	vst v63  }
0x1d2: {  	s28 =	spop (v2sf)  }
0x1d3: {  	(v2sf) =	vpush v58, $0x8;
	s19 =	sor.u32 s28, s29  }
0x1d4: {  	s19 =	sshrl.u32 s19, $0x3  }
0x1d5: {  	s28 =	sxor.u32 $0x1F00, s26;
	s29 =	spop (v2sf);
	s19 =	sadd.s32 s7, s19  }
0x1d6: {  	(v2sf) =	vpush v62, $0x8;
	[tilespmem:s28], [sflag:$0x7] =	stream.linear.gather [hbm4b:s19+s4], $0x80, $0x38;
	[tilespmem:$0x2A80] =	vst v63  }
0x1d7: {  	s28 =	spop (v2sf)  }
0x1d8: {  	(v2sf) =	vpush v63, $0x8;
	s19 =	sor.u32 s28, s29  }
0x1d9: {  	s19 =	sshrl.u32 s19, $0x3  }
0x1da: {  	s28 =	sxor.u32 $0xF80, s26;
	s19 =	sadd.s32 s6, s19  }
0x1db: {  	[tilespmem:s28], [sflag:$0x4] =	stream.linear.gather [hbm4b:s19+s4], $0x80, $0x38;
	[tilespmem:$0x2A80] =	vst v63  }
0x1dc: {  	s29 =	spop (v2sf)  }
0x1dd: {  	(v2sf) =	vpush v59, $0x9;
	s28 =	spop (v2sf)  }
0x1de: {  	(v2sf) =	vpush v58, $0x9;
	s19 =	sor.u32 s28, s29  }
0x1df: {  	s19 =	sshrl.u32 s19, $0x3  }
0x1e0: {  	s28 =	sxor.u32 $0x1F80, s26;
	s29 =	spop (v2sf);
	s19 =	sadd.s32 s7, s19  }
0x1e1: {  	(v2sf) =	vpush v62, $0x9;
	[tilespmem:s28], [sflag:$0x8] =	stream.linear.gather [hbm4b:s19+s4], $0x80, $0x38;
	[tilespmem:$0x2A80] =	vst v63  }
0x1e2: {  	s28 =	spop (v2sf)  }
0x1e3: {  	(v2sf) =	vpush v63, $0x9;
	s19 =	sor.u32 s28, s29  }
0x1e4: {  	s19 =	sshrl.u32 s19, $0x3  }
0x1e5: {  	s28 =	ssub.s32 $0x1000, s26;
	s29 =	spop (v2sf);
	s19 =	sadd.s32 s6, s19  }
0x1e6: {  	(v2sf) =	vpush v59, $0xA;
	[tilespmem:s28], [sflag:$0x1] =	stream.linear.gather [hbm4b:s19+s4], $0x80, $0x38;
	[tilespmem:$0x2A80] =	vst v63  }
0x1e7: {  	s28 =	spop (v2sf)  }
0x1e8: {  	(v2sf) =	vpush v58, $0xA;
	s19 =	sor.u32 s28, s29  }
0x1e9: {  	s19 =	sshrl.u32 s19, $0x3  }
0x1ea: {  	s28 =	ssub.s32 $0x2000, s26;
	s19 =	sadd.s32 s7, s19  }
0x1eb: {  	[tilespmem:s28], [sflag:$0x5] =	stream.linear.gather [hbm4b:s19+s4], $0x80, $0x38;
	[tilespmem:$0x2A80] =	vst v63  }
0x1ec: {  	s29 =	spop (v2sf)  }
0x1ed: {  	(v2sf) =	vpush v62, $0xA;
	s28 =	spop (v2sf)  }
0x1ee: {  	(v2sf) =	vpush v63, $0xA;
	s19 =	sor.u32 s28, s29  }
0x1ef: {  	s19 =	sshrl.u32 s19, $0x3  }
0x1f0: {  	s28 =	ssub.s32 $0x1080, s26;
	s29 =	spop (v2sf);
	s19 =	sadd.s32 s6, s19  }
0x1f1: {  	(v2sf) =	vpush v59, $0xB;
	[tilespmem:s28], [sflag:$0x2] =	stream.linear.gather [hbm4b:s19+s4], $0x80, $0x38;
	[tilespmem:$0x2A80] =	vst v63  }
0x1f2: {  	s28 =	spop (v2sf)  }
0x1f3: {  	(v2sf) =	vpush v58, $0xB;
	s19 =	sor.u32 s28, s29  }
0x1f4: {  	s19 =	sshrl.u32 s19, $0x3  }
0x1f5: {  	s28 =	ssub.s32 $0x2080, s26;
	s29 =	spop (v2sf);
	s19 =	sadd.s32 s7, s19  }
0x1f6: {  	(v2sf) =	vpush v62, $0xB;
	[tilespmem:s28], [sflag:$0x6] =	stream.linear.gather [hbm4b:s19+s4], $0x80, $0x38;
	[tilespmem:$0x2A80] =	vst v63  }
0x1f7: {  	s28 =	spop (v2sf)  }
0x1f8: {  	(v2sf) =	vpush v63, $0xB;
	s19 =	sor.u32 s28, s29  }
0x1f9: {  	s19 =	sshrl.u32 s19, $0x3  }
0x1fa: {  	s28 =	ssub.s32 $0x1100, s26;
	s19 =	sadd.s32 s6, s19  }
0x1fb: {  	[tilespmem:s28], [sflag:$0x3] =	stream.linear.gather [hbm4b:s19+s4], $0x80, $0x38;
	[tilespmem:$0x2A80] =	vst v63  }
0x1fc: {  	s29 =	spop (v2sf)  }
0x1fd: {  	(v2sf) =	vpush v59, $0xC;
	s28 =	spop (v2sf)  }
0x1fe: {  	(v2sf) =	vpush v58, $0xC;
	s19 =	sor.u32 s28, s29  }
0x1ff: {  	s19 =	sshrl.u32 s19, $0x3  }
0x200: {  	s28 =	ssub.s32 $0x2100, s26;
	s29 =	spop (v2sf);
	s19 =	sadd.s32 s7, s19  }
0x201: {  	(v2sf) =	vpush v62, $0xC;
	[tilespmem:s28], [sflag:$0x7] =	stream.linear.gather [hbm4b:s19+s4], $0x80, $0x38;
	[tilespmem:$0x2A80] =	vst v63  }
0x202: {  	s28 =	spop (v2sf)  }
0x203: {  	(v2sf) =	vpush v63, $0xC;
	s19 =	sor.u32 s28, s29  }
0x204: {  	s19 =	sshrl.u32 s19, $0x3  }
0x205: {  	s28 =	ssub.s32 $0x1180, s26;
	s29 =	spop (v2sf);
	s19 =	sadd.s32 s6, s19  }
0x206: {  	(v2sf) =	vpush v59, $0xD;
	[tilespmem:s28], [sflag:$0x4] =	stream.linear.gather [hbm4b:s19+s4], $0x80, $0x38;
	[tilespmem:$0x2A80] =	vst v63  }
0x207: {  	s28 =	spop (v2sf)  }
0x208: {  	(v2sf) =	vpush v58, $0xD;
	s19 =	sor.u32 s28, s29  }
0x209: {  	s19 =	sshrl.u32 s19, $0x3  }
0x20a: {  	s28 =	ssub.s32 $0x2180, s26;
	s19 =	sadd.s32 s7, s19  }
0x20b: {  	[tilespmem:s28], [sflag:$0x8] =	stream.linear.gather [hbm4b:s19+s4], $0x80, $0x38;
	[tilespmem:$0x2A80] =	vst v63  }
0x20c: {  	s29 =	spop (v2sf)  }
0x20d: {  	(v2sf) =	vpush v62, $0xD;
	s28 =	spop (v2sf)  }
0x20e: {  	(v2sf) =	vpush v63, $0xD;
	s19 =	sor.u32 s28, s29  }
0x20f: {  	s19 =	sshrl.u32 s19, $0x3  }
0x210: {  	s28 =	ssub.s32 $0x1200, s26;
	s29 =	spop (v2sf);
	s19 =	sadd.s32 s6, s19  }
0x211: {  	(v2sf) =	vpush v59, $0xE;
	[tilespmem:s28], [sflag:$0x1] =	stream.linear.gather [hbm4b:s19+s4], $0x80, $0x38;
	[tilespmem:$0x2A80] =	vst v63  }
0x212: {  	s28 =	spop (v2sf)  }
0x213: {  	(v2sf) =	vpush v58, $0xE;
	s19 =	sor.u32 s28, s29  }
0x214: {  	s19 =	sshrl.u32 s19, $0x3  }
0x215: {  	s28 =	ssub.s32 $0x2200, s26;
	s29 =	spop (v2sf);
	s19 =	sadd.s32 s7, s19  }
0x216: {  	(v2sf) =	vpush v62, $0xE;
	[tilespmem:s28], [sflag:$0x5] =	stream.linear.gather [hbm4b:s19+s4], $0x80, $0x38;
	[tilespmem:$0x2A80] =	vst v63  }
0x217: {  	s28 =	spop (v2sf)  }
0x218: {  	(v2sf) =	vpush v63, $0xE;
	s19 =	sor.u32 s28, s29  }
0x219: {  	s19 =	sshrl.u32 s19, $0x3  }
0x21a: {  	s28 =	ssub.s32 $0x1280, s26;
	s19 =	sadd.s32 s6, s19  }
0x21b: {  	[tilespmem:s28], [sflag:$0x2] =	stream.linear.gather [hbm4b:s19+s4], $0x80, $0x38;
	[tilespmem:$0x2A80] =	vst v63  }
0x21c: {  	s29 =	spop (v2sf)  }
0x21d: {  	(v2sf) =	vpush v59, $0xF;
	s28 =	spop (v2sf)  }
0x21e: {  	(v2sf) =	vpush v58, $0xF;
	s19 =	sor.u32 s28, s29  }
0x21f: {  	s19 =	sshrl.u32 s19, $0x3  }
0x220: {  	s28 =	ssub.s32 $0x2280, s26;
	s29 =	spop (v2sf);
	s19 =	sadd.s32 s7, s19  }
0x221: {  	(v2sf) =	vpush v62, $0xF;
	[tilespmem:s28], [sflag:$0x6] =	stream.linear.gather [hbm4b:s19+s4], $0x80, $0x38;
	[tilespmem:$0x2A80] =	vst v63  }
0x222: {  	s28 =	spop (v2sf)  }
0x223: {  	(v2sf) =	vpush v63, $0xF;
	s19 =	sor.u32 s28, s29  }
0x224: {  	s19 =	sshrl.u32 s19, $0x3  }
0x225: {  	s28 =	spop (v2sf);
	s29 =	ssub.s32 $0x1300, s26;
	s19 =	sadd.s32 s6, s19  }
0x226: {  	[tilespmem:s29], [sflag:$0x3] =	stream.linear.gather [hbm4b:s19+s4], $0x80, $0x38;
	[tilespmem:$0x2A80] =	vst v63  }
0x227: {  	s29 =	spop (v2sf)  }
0x228: {  	s19 =	sor.u32 s29, s28  }
0x229: {  	s19 =	sshrl.u32 s19, $0x3  }
0x22a: {  	s29 =	ssub.s32 $0x2300, s26;
	s19 =	sadd.s32 s7, s19  }
0x22b: {  	[tilespmem:s29], [sflag:$0x7] =	stream.linear.gather [hbm4b:s19+s4], $0x80, $0x38;
	[tilespmem:$0x2A80] =	vst v63  }
0x22c: {  	s28 =	spop (v2sf)  }
0x22d: {  	s29 =	spop (v2sf)  }
0x22e: {  	s19 =	sor.u32 s29, s28  }
0x22f: {  	s19 =	sshrl.u32 s19, $0x3  }
0x230: {  	s28 =	spop (v2sf);
	s29 =	ssub.s32 $0x1380, s26;
	s19 =	sadd.s32 s6, s19  }
0x231: {  	[tilespmem:s29], [sflag:$0x4] =	stream.linear.gather [hbm4b:s19+s4], $0x80, $0x38;
	[tilespmem:$0x2A80] =	vst v63  }
.Ltmp3:
0x232: {  	s29 =	spop (v2sf);
	(pc) =	sbr.rel .LBB2_4-.Ltmp3, $4  }
0x233: {  	s19 =	sor.u32 s29, s28  }
0x234: {  	s19 =	sshrl.u32 s19, $0x3  }
0x235: {  	s26 =	ssub.s32 $0x2380, s26;
	s19 =	sadd.s32 s7, s19  }
0x236: {  	[tilespmem:s26], [sflag:$0x8] =	stream.linear.gather [hbm4b:s19+s4], $0x80, $0x38;
	[tilespmem:$0x2A80] =	vst v63  }
.LBB2_5:
0x237: {  	v1 =	vld [tilespmem:$0x1FF80];
	_ =	sdelay $0x4  }
0x238: {  	(v2sf) =	vpush v1, $0x0  }
0x239: {  	(v2sf) =	vpush v1, $0x1;
	_ =	sdelay $0xd  }
0x23a: {  	s19 =	spop (v2sf)  }
0x23b: {  	s21 =	spop (v2sf)  }
0x23c: {  	_ =	swait.ge [sflag:s15], $0x200  }
0x23d: {  	[sflag:s15] =	ssyncset.done $0x0  }
0x23e: {  	[sflag:s15] =	ssyncadd.s32 $0xFFFFFE00  }
0x23f: {  	_ =	swait.ge [sflag:s16], $0x200  }
0x240: {  	s19 =	sadd.f32 s21, s19;
	[sflag:s16] =	ssyncset.done $0x0  }
0x241: {  	s21 =	simm.s32 $0x0;
	[sflag:s16] =	ssyncadd.s32 $0xFFFFFE00  }
0x242: {  	s22 =	simm.s32 $0x40;
	v23 =	vmov s19;
	v24 =	vld [tilespmem:s21+$0x2400]  }
.LBB2_6:
0x243: {  	p0 =	sne.s32 s22, $0x7C0;
	v1 =	vld [tilespmem:s21+$0x2880];
	_ =	sdelay $0x1  }
0x244: {  	v2 =	vld [tilespmem:s21+$0x2600];
	_ =	sdelay $0x2  }
0x245: {  	v1 =	vadd.f32 v24, v1;
	_ =	sdelay $0x1  }
0x246: {  	v1 =	vadd.f32 v2, v1;
	_ =	sdelay $0x1  }
.Ltmp4:
0x247: {  	v1 =	vadd.f32 v1, v23;
	(pc) =	sbr.rel @p0 .LBB2_6-.Ltmp4, $4  }
0x248: {  	_ = 	snop  }
0x249: {  	v1 =	vmax.f32 v1, $1.000000000e+00  }
0x24a: {  	s19 =	sshra.s32 s22, $0x2;
	v1 =	vmin.f32 v1, $5.000000000e+00  }
0x24b: {  	s22 =	sadd.s32 $0x40, s22;
	v24 =	vld [tilespmem:s19+$0x2400];
	[tilespmem:s21+$0x2880] =	vst v1;
	s21 =	smov.u32 s19  }
0x24c: {  	v1 =	vld [tilespmem:s21+$0x2880];
	_ =	sdelay $0x1  }
0x24d: {  	v2 =	vld [tilespmem:s21+$0x2600];
	_ =	sdelay $0x2  }
0x24e: {  	v1 =	vadd.f32 v24, v1;
	_ =	sdelay $0x1  }
0x24f: {  	v1 =	vadd.f32 v2, v1;
	_ =	sdelay $0x1  }
0x250: {  	v1 =	vadd.f32 v1, v23;
	_ =	sdelay $0x1  }
0x251: {  	s20 =	sadd.s32 $0x1, s20;
	v1 =	vmax.f32 v1, $1.000000000e+00  }
0x252: {  	p0 =	sne.s32 s20, s11;
	v1 =	vmin.f32 v1, $5.000000000e+00  }
.Ltmp5:
0x253: {  	s19 =	simm.s32 $0x2880;
	[tilespmem:s21+$0x2880] =	vst v1;
	(pc) =	sbr.rel @p0 .LBB2_1-.Ltmp5, $4  }
0x254: {  	[hbm4b:s10+s4] =	stream.linear.scatter [tilespmem:s19], [sflag:$0xB], $0x200, $0x38;
	[tilespmem:$0x2A80] =	vst v63  }
0x255: {  	_ =	swait.ge [sflag:s12], $0x200  }
0x256: {  	[sflag:s12] =	ssyncset.done $0x0  }
0x257: {  	[sflag:s12] =	ssyncadd.s32 $0xFFFFFE00  }
0x258: {  	_ =	sfence.sel $0x180000  }
0x259: {  	[bflag:$0x0] =	sbarrier.arrive $0xFFFF  }
0x25a: {  	_ =	strace $0x90000047  }
0x25b: {  	s0 =	stileid.u32;
	[bflag:$0x2] =	sbarrier.arrive $0xFFFF  }
0x25c: {  	p0 =	sne.s32 s0, $0x0;
	s0 =	rddreg [dreg:$0x7]  }
0x25d: {  	s0 =	sadd.s32 @!p0 $0x100000, s0  }
0x25e: {  	[sflag:s0] =	ssyncadd.tile.s32 @!p0 $0x1;
	_ =	shalt  }
.Lfunc_end2:
_tile_overlayer_lowered:
.L_overlay_start_2:
0x25f: {  	(tag) =	ssettag $0x2  }
0x260: {  	s0 =	rddreg [dreg:$0x0];
	s2 =	stileid.u32  }
0x261: {  	s1 =	rddreg [dreg:$0x1];
	p0 =	sne.s32 s2, $0x0  }
0x262: {  	s3 =	rddreg [dreg:$0x2];
	[bflag:$0x3] =	sbarrier.arrive $0xFFFF;
	s2 =	simm.s32 @!p0 $0x1C0B  }
0x263: {  	[timem:s3], [sflag:s2] =	dma.local @!p0 [hbm:s0], s1  }
0x264: {  	s0 =	simm.s32 @!p0 $0xB  }
0x265: {  	_ =	swait.ge @!p0 [sflag:s0], s1  }
0x266: {  	s1 =	ssub.s32 @!p0 $0x0, s1;
	[sflag:s0] =	ssyncset.done @!p0 $0x0  }
0x267: {  	[sflag:s0] =	ssyncadd.s32 @!p0 s1  }
0x268: {  	[bflag:$0x3] =	sbarrier.arrive $0xFFFF  }
0x269: {  	_ =	shalt  }

</sc_bundles>
